<compile_context>
chip_gen: v7x
topology: tpu7x:2x2x1
jax: 0.10.2.dev20260603
libtpu: 0.0.44.dev20260713+nightly
codegen_flags: <defaults>
</compile_context>

<pallas_src>
import functools

import jax
import jax.numpy as jnp
from jax import lax
from jax.experimental import pallas as pl
from jax.experimental.pallas import tpu as pltpu
from jax.experimental.pallas import tpu_sc as plsc

N = 10000
E = 160000
D = 256
HD = 128
NC = 2
NS = 16
NP = 10112
DUMMY = N

CH1 = 40
E1 = NC * NS * CH1 * 128
CH3 = 80
E3 = NS * CH3 * 128
QC = 16

ROWS_PER_TILE = NP // NS


def _hist_body(dst_hbm, e0_hbm, zbuf_hbm, hist_out, dst_v, e0_v, buf_v, hist_sp):
    c = lax.axis_index("c")
    s = lax.axis_index("s")
    pltpu.sync_copy(dst_hbm.at[c, s], dst_v)
    pltpu.sync_copy(e0_hbm, e0_v)
    pltpu.sync_copy(zbuf_hbm, buf_v)
    base = s * ROWS_PER_TILE
    for k in range(4):
        pltpu.sync_copy(buf_v, hist_sp.at[pl.ds(base + k * 128, 128)])
    rem = ROWS_PER_TILE - 4 * 128
    pltpu.sync_copy(buf_v.at[pl.ds(0, rem)],
                    hist_sp.at[pl.ds(base + 4 * 128, rem)])
    plsc.subcore_barrier()

    def chunk(j, carry):
        pltpu.sync_copy(e0_v, hist_sp.at[dst_v.at[j]], add=True)
        return carry

    lax.fori_loop(0, CH1, chunk, 0)
    plsc.subcore_barrier()
    for k in range(4):
        pltpu.sync_copy(hist_sp.at[pl.ds(base + k * 128, 128)], buf_v)
        pltpu.sync_copy(buf_v, hist_out.at[c, pl.ds(base + k * 128, 128)])
    pltpu.sync_copy(hist_sp.at[pl.ds(base + 4 * 128, rem)],
                    buf_v.at[pl.ds(0, rem)])
    pltpu.sync_copy(buf_v.at[pl.ds(0, rem)],
                    hist_out.at[c, pl.ds(base + 4 * 128, rem)])


_hist_kernel = pl.kernel(
    _hist_body,
    out_type=jax.ShapeDtypeStruct((NC, NP, 128), jnp.float32),
    mesh=plsc.VectorSubcoreMesh(
        core_axis_name="c", subcore_axis_name="s", num_cores=NC, num_subcores=NS
    ),
    scratch_types=[
        pltpu.VMEM((CH1, 128), jnp.int32),
        pltpu.VMEM((128, 128), jnp.float32),
        pltpu.VMEM((128, 128), jnp.float32),
        pltpu.VMEM_SHARED((NP, 128), jnp.float32),
    ],
)


def _scatter_body(g_hbm, src_hbm, dst_hbm, zbuf_hbm, acc_out,
                  src_v, dst_v, buf0, buf1, acc_sp, sem0, sem1):
    c = lax.axis_index("c")
    s = lax.axis_index("s")
    pltpu.sync_copy(src_hbm.at[c, s], src_v)
    pltpu.sync_copy(zbuf_hbm, buf0)
    base = s * ROWS_PER_TILE
    for k in range(4):
        pltpu.sync_copy(buf0, acc_sp.at[pl.ds(base + k * 128, 128)])
    rem = ROWS_PER_TILE - 4 * 128
    pltpu.sync_copy(buf0.at[pl.ds(0, rem)],
                    acc_sp.at[pl.ds(base + 4 * 128, rem)])
    plsc.subcore_barrier()

    pltpu.async_copy(g_hbm.at[src_v.at[0]], buf0, sem0)

    for q in range(CH3 // QC):
        pltpu.sync_copy(dst_hbm.at[s, pl.ds(q * QC, QC)], dst_v)

        def pair(i, carry, q=q):
            j0 = q * QC + 2 * i
            l0 = 2 * i
            pltpu.async_copy(g_hbm.at[src_v.at[j0 + 1]], buf1, sem1)
            pltpu.make_async_copy(g_hbm.at[src_v.at[j0]], buf0, sem0).wait()
            pltpu.sync_copy(buf0, acc_sp.at[dst_v.at[l0]], add=True)
            pltpu.async_copy(g_hbm.at[src_v.at[j0 + 2]], buf0, sem0)
            pltpu.make_async_copy(g_hbm.at[src_v.at[j0 + 1]], buf1, sem1).wait()
            pltpu.sync_copy(buf1, acc_sp.at[dst_v.at[l0 + 1]], add=True)
            return carry

        lax.fori_loop(0, QC // 2, pair, 0)
    pltpu.make_async_copy(g_hbm.at[src_v.at[CH3]], buf0, sem0).wait()
    plsc.subcore_barrier()
    for k in range(4):
        pltpu.sync_copy(acc_sp.at[pl.ds(base + k * 128, 128)], buf0)
        pltpu.sync_copy(buf0, acc_out.at[c, pl.ds(base + k * 128, 128)])
    pltpu.sync_copy(acc_sp.at[pl.ds(base + 4 * 128, rem)],
                    buf0.at[pl.ds(0, rem)])
    pltpu.sync_copy(buf0.at[pl.ds(0, rem)],
                    acc_out.at[c, pl.ds(base + 4 * 128, rem)])


_scatter_kernel = pl.kernel(
    _scatter_body,
    out_type=jax.ShapeDtypeStruct((NC, NP, HD), jnp.float32),
    mesh=plsc.VectorSubcoreMesh(
        core_axis_name="c", subcore_axis_name="s", num_cores=NC, num_subcores=NS
    ),
    scratch_types=[
        pltpu.VMEM((CH3 + 1, 128), jnp.int32),
        pltpu.VMEM((QC, 128), jnp.int32),
        pltpu.VMEM((128, HD), jnp.float32),
        pltpu.VMEM((128, HD), jnp.float32),
        pltpu.VMEM_SHARED((NP, HD), jnp.float32),
        pltpu.SemaphoreType.DMA,
        pltpu.SemaphoreType.DMA,
    ],
)


BM = 1000


def _matmul_body(x_ref, w_ref, hist_ref, g_ref):
    deg = hist_ref[0, :, 0] + hist_ref[1, :, 0] + 1.0
    dis = lax.rsqrt(deg)
    h = jnp.dot(x_ref[...], w_ref[...], preferred_element_type=jnp.float32)
    h = h * dis[:, None]
    g_ref[0] = h[:, :HD]
    g_ref[1] = h[:, HD:]


def _matmul(x, w, hist):
    return pl.pallas_call(
        _matmul_body,
        grid=(N // BM,),
        in_specs=[
            pl.BlockSpec((BM, D), lambda i: (i, 0)),
            pl.BlockSpec((D, D), lambda i: (0, 0)),
            pl.BlockSpec((NC, BM, 128), lambda i: (0, i, 0)),
        ],
        out_specs=pl.BlockSpec((NC, BM, HD), lambda i: (0, i, 0)),
        out_shape=jax.ShapeDtypeStruct((NC, N, HD), jnp.float32),
    )(x, w, hist)


def _finish_body(acc_ref, g_ref, hist_ref, b_ref, out_ref):
    deg = hist_ref[0, :, 0] + hist_ref[1, :, 0] + 1.0
    dis = lax.rsqrt(deg)
    lo = acc_ref[0] + g_ref[0]
    hi = acc_ref[1] + g_ref[1]
    out_ref[...] = jnp.concatenate([lo, hi], axis=1) * dis[:, None] + b_ref[...]


def _finish(acc, g, hist, b):
    return pl.pallas_call(
        _finish_body,
        grid=(N // BM,),
        in_specs=[
            pl.BlockSpec((NC, BM, HD), lambda i: (0, i, 0)),
            pl.BlockSpec((NC, BM, HD), lambda i: (0, i, 0)),
            pl.BlockSpec((NC, BM, 128), lambda i: (0, i, 0)),
            pl.BlockSpec((1, D), lambda i: (0, 0)),
        ],
        out_specs=pl.BlockSpec((BM, D), lambda i: (i, 0)),
        out_shape=jax.ShapeDtypeStruct((N, D), jnp.float32),
    )(acc, g, hist, b)


@jax.jit
def kernel(x, edge_index, W, b):
    src = edge_index[0].astype(jnp.int32)
    dst = edge_index[1].astype(jnp.int32)

    dst1 = jnp.concatenate(
        [dst, jnp.full((E1 - E,), DUMMY, jnp.int32)]).reshape(NC, NS, CH1, 128)
    e0 = jnp.zeros((128, 128), jnp.float32).at[:, 0].set(1.0)
    zbuf1 = jnp.zeros((128, 128), jnp.float32)
    hist = _hist_kernel(dst1, e0, zbuf1)

    g3 = _matmul(x, W, hist)

    pad3 = jnp.zeros((E3 - E,), jnp.int32)
    src3 = jnp.concatenate([src, pad3]).reshape(NS, CH3, 128)
    src3 = jnp.concatenate([src3, jnp.zeros((NS, 1, 128), jnp.int32)], axis=1)
    srcT = src3[None] + (jnp.arange(NC, dtype=jnp.int32) * N)[:, None, None, None]
    dst3 = jnp.concatenate(
        [dst, jnp.full((E3 - E,), DUMMY, jnp.int32)]).reshape(NS, CH3, 128)
    zbuf = jnp.zeros((128, HD), jnp.float32)
    acc = _scatter_kernel(g3.reshape(NC * N, HD), srcT, dst3, zbuf)

    return _finish(acc, g3, hist, b.reshape(1, D))

# --- scband reference (transcript-rebuilt; emitter-appended) ---
"""Pipeline reference for scband-gnn-py-g-18030272708959 (READ-ONLY COPY).

The authoritative reference and input builder live on the scoring server;
editing this copy changes nothing except your own understanding.
"""

import jax, jax.numpy as jnp
import numpy as np

N_NODES = 10000
N_EDGES = 160000
D_FEAT = 256


def setup_inputs(seed: int = 0) -> dict:
    key = jax.random.key(seed)
    k1, k2, k3, k4 = jax.random.split(key, 4)
    x = jax.random.normal(k1, (N_NODES, D_FEAT), dtype=jnp.float32)
    edge_index = jax.random.randint(k2, (2, N_EDGES), 0, N_NODES, dtype=jnp.int32)
    # GCNConv learned parameters (in_channels=256, out_channels=256)
    W = jax.random.normal(k3, (D_FEAT, D_FEAT), dtype=jnp.float32) * (1.0 / np.sqrt(D_FEAT))
    b = jnp.zeros((D_FEAT,), dtype=jnp.float32)
    return {"x": x, "edge_index": edge_index, "W": W, "b": b}


def reference(x, edge_index, W, b):
    # Faithful GCNConv (PyG semantics): add self-loops, symmetric normalization,
    # linear transform, normalized scatter-add aggregation over dst nodes, bias.
    N = x.shape[0]
    loop = jnp.arange(N, dtype=edge_index.dtype)
    src = jnp.concatenate([edge_index[0], loop])
    dst = jnp.concatenate([edge_index[1], loop])
    # degree of destination nodes (with self-loops)
    deg = jnp.zeros((N,), dtype=x.dtype).at[dst].add(1.0)
    deg_inv_sqrt = jnp.where(deg > 0, jax.lax.rsqrt(deg), 0.0)
    norm = deg_inv_sqrt[src] * deg_inv_sqrt[dst]
    # linear transform then gather messages from src nodes
    h = x @ W
    msgs = jnp.take(h, src, axis=0) * norm[:, None]
    # scatter-add aggregation onto dst nodes
    out = jax.ops.segment_sum(msgs, dst, num_segments=N) + b
    return out

if __name__ == "__main__":
    import jax
    _d = setup_inputs()
    print(jax.jit(kernel)(*tuple(_d.values())))

</pallas_src>

<mosaic_0001>
#map = affine_map<(d0, d1) -> (0, 0)>
#map1 = affine_map<(d0, d1) -> (0, 0, 0, 0)>
#map2 = affine_map<(d0, d1) -> (0, 0, 0)>
module attributes {stable_mosaic.version = 14 : i64} {
  func.func @_scatter_body(%arg0: i32, %arg1: i32, %arg2: memref<20000x128xf32, #tpu.memory_space<hbm>>, %arg3: memref<2x16x81x128xi32, #tpu.memory_space<hbm>>, %arg4: memref<16x80x128xi32, #tpu.memory_space<hbm>>, %arg5: memref<128x128xf32, #tpu.memory_space<hbm>>, %arg6: memref<2x10112x128xf32, #tpu.memory_space<hbm>>, %arg7: memref<81x128xi32, #tpu.memory_space<vmem>>, %arg8: memref<16x128xi32, #tpu.memory_space<vmem>>, %arg9: memref<128x128xf32, #tpu.memory_space<vmem>>, %arg10: memref<128x128xf32, #tpu.memory_space<vmem>>, %arg11: memref<10112x128xf32, #tpu.memory_space<vmem_shared>>, %arg12: memref<!tpu.dma_semaphore, #tpu.memory_space<semaphore_mem>>, %arg13: memref<!tpu.dma_semaphore, #tpu.memory_space<semaphore_mem>>) attributes {dimension_semantics = [#tpu.dimension_semantics<core_parallel>, #tpu.dimension_semantics<subcore_parallel>], iteration_bounds = array<i64: 2, 16>, scalar_prefetch = 0 : i64, scratch_operands = 7 : i64, tpu.core_type = #tpu.core_type<sc_vector_subcore>, window_params = [{transform_indices = #map}, {transform_indices = #map1}, {transform_indices = #map2}, {transform_indices = #map}, {transform_indices = #map2}]} {
    "tpu.region"() ({
      %run_scoped3A = tpu.sem_alloc : memref<!tpu.dma_semaphore, #tpu.memory_space<semaphore_mem>>
      %dma_start3A_72 = arith.constant 0 : i32
      %dma_start3A_73 = arith.constant 0 : i32
      %dma_start3A_74 = tpu.memref_slice %arg3[%arg0, %arg1, %dma_start3A_72, %dma_start3A_73] : memref<2x16x81x128xi32, #tpu.memory_space<hbm>> -> memref<1x1x81x128xi32, #tpu.memory_space<hbm>>
      %dma_start3A_75 = tpu.memref_squeeze %dma_start3A_74 : memref<1x1x81x128xi32, #tpu.memory_space<hbm>> -> memref<81x128xi32, #tpu.memory_space<hbm>>
      %dma_start3A_76 = arith.constant 0 : i32
      %dma_start3A_77 = arith.constant 0 : i32
      %dma_start3A_78 = tpu.memref_slice %arg3[%arg0, %arg1, %dma_start3A_76, %dma_start3A_77] : memref<2x16x81x128xi32, #tpu.memory_space<hbm>> -> memref<1x1x81x128xi32, #tpu.memory_space<hbm>>
      %dma_start3A_79 = tpu.memref_squeeze %dma_start3A_78 : memref<1x1x81x128xi32, #tpu.memory_space<hbm>> -> memref<81x128xi32, #tpu.memory_space<hbm>>
      tpu.enqueue_dma source(%dma_start3A_79 : memref<81x128xi32, #tpu.memory_space<hbm>>) target(%arg7 : memref<81x128xi32, #tpu.memory_space<vmem>>) target_semaphore(%run_scoped3A : memref<!tpu.dma_semaphore, #tpu.memory_space<semaphore_mem>>)
      %dma_wait3A_80 = arith.constant 0 : i32
      %dma_wait3A_81 = arith.constant 0 : i32
      %dma_wait3A_82 = tpu.memref_slice %arg3[%arg0, %arg1, %dma_wait3A_80, %dma_wait3A_81] : memref<2x16x81x128xi32, #tpu.memory_space<hbm>> -> memref<1x1x81x128xi32, #tpu.memory_space<hbm>>
      %dma_wait3A_83 = tpu.memref_squeeze %dma_wait3A_82 : memref<1x1x81x128xi32, #tpu.memory_space<hbm>> -> memref<81x128xi32, #tpu.memory_space<hbm>>
      %dma_wait3A_84 = arith.constant 0 : i32
      %dma_wait3A_85 = arith.constant 0 : i32
      %dma_wait3A_86 = tpu.memref_slice %arg3[%arg0, %arg1, %dma_wait3A_84, %dma_wait3A_85] : memref<2x16x81x128xi32, #tpu.memory_space<hbm>> -> memref<1x1x81x128xi32, #tpu.memory_space<hbm>>
      %dma_wait3A_87 = tpu.memref_squeeze %dma_wait3A_86 : memref<1x1x81x128xi32, #tpu.memory_space<hbm>> -> memref<81x128xi32, #tpu.memory_space<hbm>>
      tpu.wait_dma2 semaphore(%run_scoped3A : memref<!tpu.dma_semaphore, #tpu.memory_space<semaphore_mem>>) src(%dma_wait3A_87 : memref<81x128xi32, #tpu.memory_space<hbm>>) dst(%arg7 : memref<81x128xi32, #tpu.memory_space<vmem>>)
      tpu.yield
    }) : () -> ()
    "tpu.region"() ({
      %run_scoped3A = tpu.sem_alloc : memref<!tpu.dma_semaphore, #tpu.memory_space<semaphore_mem>>
      tpu.enqueue_dma source(%arg5 : memref<128x128xf32, #tpu.memory_space<hbm>>) target(%arg9 : memref<128x128xf32, #tpu.memory_space<vmem>>) target_semaphore(%run_scoped3A : memref<!tpu.dma_semaphore, #tpu.memory_space<semaphore_mem>>)
      tpu.wait_dma2 semaphore(%run_scoped3A : memref<!tpu.dma_semaphore, #tpu.memory_space<semaphore_mem>>) src(%arg5 : memref<128x128xf32, #tpu.memory_space<hbm>>) dst(%arg9 : memref<128x128xf32, #tpu.memory_space<vmem>>)
      tpu.yield
    }) : () -> ()
    %mul3A = arith.constant 632 : i32
    %mul3A_0 = arith.muli %arg1, %mul3A : i32
    %add3A = arith.constant 0 : i32
    %add3A_1 = arith.addi %mul3A_0, %add3A : i32
    "tpu.region"() ({
      %run_scoped3A = tpu.sem_alloc : memref<!tpu.dma_semaphore, #tpu.memory_space<semaphore_mem>>
      %dma_start3A_72 = arith.constant 0 : i32
      %dma_start3A_73 = tpu.memref_slice %arg11[%add3A_1, %dma_start3A_72] : memref<10112x128xf32, #tpu.memory_space<vmem_shared>> -> memref<128x128xf32, #tpu.memory_space<vmem_shared>>
      %dma_start3A_74 = arith.constant 0 : i32
      %dma_start3A_75 = tpu.memref_slice %arg11[%add3A_1, %dma_start3A_74] : memref<10112x128xf32, #tpu.memory_space<vmem_shared>> -> memref<128x128xf32, #tpu.memory_space<vmem_shared>>
      tpu.enqueue_dma source(%arg9 : memref<128x128xf32, #tpu.memory_space<vmem>>) target(%dma_start3A_75 : memref<128x128xf32, #tpu.memory_space<vmem_shared>>) target_semaphore(%run_scoped3A : memref<!tpu.dma_semaphore, #tpu.memory_space<semaphore_mem>>)
      %dma_wait3A_76 = arith.constant 0 : i32
      %dma_wait3A_77 = tpu.memref_slice %arg11[%add3A_1, %dma_wait3A_76] : memref<10112x128xf32, #tpu.memory_space<vmem_shared>> -> memref<128x128xf32, #tpu.memory_space<vmem_shared>>
      %dma_wait3A_78 = arith.constant 0 : i32
      %dma_wait3A_79 = tpu.memref_slice %arg11[%add3A_1, %dma_wait3A_78] : memref<10112x128xf32, #tpu.memory_space<vmem_shared>> -> memref<128x128xf32, #tpu.memory_space<vmem_shared>>
      tpu.wait_dma2 semaphore(%run_scoped3A : memref<!tpu.dma_semaphore, #tpu.memory_space<semaphore_mem>>) src(%arg9 : memref<128x128xf32, #tpu.memory_space<vmem>>) dst(%dma_wait3A_79 : memref<128x128xf32, #tpu.memory_space<vmem_shared>>)
      tpu.yield
    }) : () -> ()
    %add3A_2 = arith.constant 128 : i32
    %add3A_3 = arith.addi %mul3A_0, %add3A_2 : i32
    "tpu.region"() ({
      %run_scoped3A = tpu.sem_alloc : memref<!tpu.dma_semaphore, #tpu.memory_space<semaphore_mem>>
      %dma_start3A_72 = arith.constant 0 : i32
      %dma_start3A_73 = tpu.memref_slice %arg11[%add3A_3, %dma_start3A_72] : memref<10112x128xf32, #tpu.memory_space<vmem_shared>> -> memref<128x128xf32, #tpu.memory_space<vmem_shared>>
      %dma_start3A_74 = arith.constant 0 : i32
      %dma_start3A_75 = tpu.memref_slice %arg11[%add3A_3, %dma_start3A_74] : memref<10112x128xf32, #tpu.memory_space<vmem_shared>> -> memref<128x128xf32, #tpu.memory_space<vmem_shared>>
      tpu.enqueue_dma source(%arg9 : memref<128x128xf32, #tpu.memory_space<vmem>>) target(%dma_start3A_75 : memref<128x128xf32, #tpu.memory_space<vmem_shared>>) target_semaphore(%run_scoped3A : memref<!tpu.dma_semaphore, #tpu.memory_space<semaphore_mem>>)
      %dma_wait3A_76 = arith.constant 0 : i32
      %dma_wait3A_77 = tpu.memref_slice %arg11[%add3A_3, %dma_wait3A_76] : memref<10112x128xf32, #tpu.memory_space<vmem_shared>> -> memref<128x128xf32, #tpu.memory_space<vmem_shared>>
      %dma_wait3A_78 = arith.constant 0 : i32
      %dma_wait3A_79 = tpu.memref_slice %arg11[%add3A_3, %dma_wait3A_78] : memref<10112x128xf32, #tpu.memory_space<vmem_shared>> -> memref<128x128xf32, #tpu.memory_space<vmem_shared>>
      tpu.wait_dma2 semaphore(%run_scoped3A : memref<!tpu.dma_semaphore, #tpu.memory_space<semaphore_mem>>) src(%arg9 : memref<128x128xf32, #tpu.memory_space<vmem>>) dst(%dma_wait3A_79 : memref<128x128xf32, #tpu.memory_space<vmem_shared>>)
      tpu.yield
    }) : () -> ()
    %add3A_4 = arith.constant 256 : i32
    %add3A_5 = arith.addi %mul3A_0, %add3A_4 : i32
    "tpu.region"() ({
      %run_scoped3A = tpu.sem_alloc : memref<!tpu.dma_semaphore, #tpu.memory_space<semaphore_mem>>
      %dma_start3A_72 = arith.constant 0 : i32
      %dma_start3A_73 = tpu.memref_slice %arg11[%add3A_5, %dma_start3A_72] : memref<10112x128xf32, #tpu.memory_space<vmem_shared>> -> memref<128x128xf32, #tpu.memory_space<vmem_shared>>
      %dma_start3A_74 = arith.constant 0 : i32
      %dma_start3A_75 = tpu.memref_slice %arg11[%add3A_5, %dma_start3A_74] : memref<10112x128xf32, #tpu.memory_space<vmem_shared>> -> memref<128x128xf32, #tpu.memory_space<vmem_shared>>
      tpu.enqueue_dma source(%arg9 : memref<128x128xf32, #tpu.memory_space<vmem>>) target(%dma_start3A_75 : memref<128x128xf32, #tpu.memory_space<vmem_shared>>) target_semaphore(%run_scoped3A : memref<!tpu.dma_semaphore, #tpu.memory_space<semaphore_mem>>)
      %dma_wait3A_76 = arith.constant 0 : i32
      %dma_wait3A_77 = tpu.memref_slice %arg11[%add3A_5, %dma_wait3A_76] : memref<10112x128xf32, #tpu.memory_space<vmem_shared>> -> memref<128x128xf32, #tpu.memory_space<vmem_shared>>
      %dma_wait3A_78 = arith.constant 0 : i32
      %dma_wait3A_79 = tpu.memref_slice %arg11[%add3A_5, %dma_wait3A_78] : memref<10112x128xf32, #tpu.memory_space<vmem_shared>> -> memref<128x128xf32, #tpu.memory_space<vmem_shared>>
      tpu.wait_dma2 semaphore(%run_scoped3A : memref<!tpu.dma_semaphore, #tpu.memory_space<semaphore_mem>>) src(%arg9 : memref<128x128xf32, #tpu.memory_space<vmem>>) dst(%dma_wait3A_79 : memref<128x128xf32, #tpu.memory_space<vmem_shared>>)
      tpu.yield
    }) : () -> ()
    %add3A_6 = arith.constant 384 : i32
    %add3A_7 = arith.addi %mul3A_0, %add3A_6 : i32
    "tpu.region"() ({
      %run_scoped3A = tpu.sem_alloc : memref<!tpu.dma_semaphore, #tpu.memory_space<semaphore_mem>>
      %dma_start3A_72 = arith.constant 0 : i32
      %dma_start3A_73 = tpu.memref_slice %arg11[%add3A_7, %dma_start3A_72] : memref<10112x128xf32, #tpu.memory_space<vmem_shared>> -> memref<128x128xf32, #tpu.memory_space<vmem_shared>>
      %dma_start3A_74 = arith.constant 0 : i32
      %dma_start3A_75 = tpu.memref_slice %arg11[%add3A_7, %dma_start3A_74] : memref<10112x128xf32, #tpu.memory_space<vmem_shared>> -> memref<128x128xf32, #tpu.memory_space<vmem_shared>>
      tpu.enqueue_dma source(%arg9 : memref<128x128xf32, #tpu.memory_space<vmem>>) target(%dma_start3A_75 : memref<128x128xf32, #tpu.memory_space<vmem_shared>>) target_semaphore(%run_scoped3A : memref<!tpu.dma_semaphore, #tpu.memory_space<semaphore_mem>>)
      %dma_wait3A_76 = arith.constant 0 : i32
      %dma_wait3A_77 = tpu.memref_slice %arg11[%add3A_7, %dma_wait3A_76] : memref<10112x128xf32, #tpu.memory_space<vmem_shared>> -> memref<128x128xf32, #tpu.memory_space<vmem_shared>>
      %dma_wait3A_78 = arith.constant 0 : i32
      %dma_wait3A_79 = tpu.memref_slice %arg11[%add3A_7, %dma_wait3A_78] : memref<10112x128xf32, #tpu.memory_space<vmem_shared>> -> memref<128x128xf32, #tpu.memory_space<vmem_shared>>
      tpu.wait_dma2 semaphore(%run_scoped3A : memref<!tpu.dma_semaphore, #tpu.memory_space<semaphore_mem>>) src(%arg9 : memref<128x128xf32, #tpu.memory_space<vmem>>) dst(%dma_wait3A_79 : memref<128x128xf32, #tpu.memory_space<vmem_shared>>)
      tpu.yield
    }) : () -> ()
    %add3A_8 = arith.constant 512 : i32
    %add3A_9 = arith.addi %mul3A_0, %add3A_8 : i32
    "tpu.region"() ({
      %run_scoped3A = tpu.sem_alloc : memref<!tpu.dma_semaphore, #tpu.memory_space<semaphore_mem>>
      %dma_start3A_72 = arith.constant 0 : i32
      %dma_start3A_73 = arith.constant 0 : i32
      %dma_start3A_74 = tpu.memref_slice %arg9[%dma_start3A_72, %dma_start3A_73] : memref<128x128xf32, #tpu.memory_space<vmem>> -> memref<120x128xf32, #tpu.memory_space<vmem>>
      %dma_start3A_75 = arith.constant 0 : i32
      %dma_start3A_76 = tpu.memref_slice %arg11[%add3A_9, %dma_start3A_75] : memref<10112x128xf32, #tpu.memory_space<vmem_shared>> -> memref<120x128xf32, #tpu.memory_space<vmem_shared>>
      %dma_start3A_77 = arith.constant 0 : i32
      %dma_start3A_78 = tpu.memref_slice %arg11[%add3A_9, %dma_start3A_77] : memref<10112x128xf32, #tpu.memory_space<vmem_shared>> -> memref<120x128xf32, #tpu.memory_space<vmem_shared>>
      %dma_start3A_79 = arith.constant 0 : i32
      %dma_start3A_80 = arith.constant 0 : i32
      %dma_start3A_81 = tpu.memref_slice %arg9[%dma_start3A_79, %dma_start3A_80] : memref<128x128xf32, #tpu.memory_space<vmem>> -> memref<120x128xf32, #tpu.memory_space<vmem>>
      tpu.enqueue_dma source(%dma_start3A_81 : memref<120x128xf32, #tpu.memory_space<vmem>>) target(%dma_start3A_78 : memref<120x128xf32, #tpu.memory_space<vmem_shared>>) target_semaphore(%run_scoped3A : memref<!tpu.dma_semaphore, #tpu.memory_space<semaphore_mem>>)
      %dma_wait3A_82 = arith.constant 0 : i32
      %dma_wait3A_83 = arith.constant 0 : i32
      %dma_wait3A_84 = tpu.memref_slice %arg9[%dma_wait3A_82, %dma_wait3A_83] : memref<128x128xf32, #tpu.memory_space<vmem>> -> memref<120x128xf32, #tpu.memory_space<vmem>>
      %dma_wait3A_85 = arith.constant 0 : i32
      %dma_wait3A_86 = tpu.memref_slice %arg11[%add3A_9, %dma_wait3A_85] : memref<10112x128xf32, #tpu.memory_space<vmem_shared>> -> memref<120x128xf32, #tpu.memory_space<vmem_shared>>
      %dma_wait3A_87 = arith.constant 0 : i32
      %dma_wait3A_88 = tpu.memref_slice %arg11[%add3A_9, %dma_wait3A_87] : memref<10112x128xf32, #tpu.memory_space<vmem_shared>> -> memref<120x128xf32, #tpu.memory_space<vmem_shared>>
      %dma_wait3A_89 = arith.constant 0 : i32
      %dma_wait3A_90 = arith.constant 0 : i32
      %dma_wait3A_91 = tpu.memref_slice %arg9[%dma_wait3A_89, %dma_wait3A_90] : memref<128x128xf32, #tpu.memory_space<vmem>> -> memref<120x128xf32, #tpu.memory_space<vmem>>
      tpu.wait_dma2 semaphore(%run_scoped3A : memref<!tpu.dma_semaphore, #tpu.memory_space<semaphore_mem>>) src(%dma_wait3A_91 : memref<120x128xf32, #tpu.memory_space<vmem>>) dst(%dma_wait3A_88 : memref<120x128xf32, #tpu.memory_space<vmem_shared>>)
      tpu.yield
    }) : () -> ()
    %barrier3A = arith.constant 0 : index
    tpu.barrier barrier_id(%barrier3A)
    %dma_start3A = arith.constant 0 : i32
    %dma_start3A_10 = arith.constant 0 : i32
    %dma_start3A_11 = tpu.memref_slice %arg7[%dma_start3A, %dma_start3A_10] : memref<81x128xi32, #tpu.memory_space<vmem>> -> memref<1x128xi32, #tpu.memory_space<vmem>>
    %dma_start3A_12 = tpu.memref_squeeze %dma_start3A_11 : memref<1x128xi32, #tpu.memory_space<vmem>> -> memref<128xi32, #tpu.memory_space<vmem>>
    %dma_start3A_13 = arith.constant 0 : i32
    %dma_start3A_14 = arith.constant 0 : i32
    %dma_start3A_15 = tpu.memref_slice %arg2[%dma_start3A_13, %dma_start3A_14] : memref<20000x128xf32, #tpu.memory_space<hbm>> -> memref<20000x128xf32, #tpu.memory_space<hbm>>
    tpu.enqueue_indirect_dma source(%dma_start3A_15 : memref<20000x128xf32, #tpu.memory_space<hbm>>) target(%arg9 : memref<128x128xf32, #tpu.memory_space<vmem>>) offsets(%dma_start3A_12 : memref<128xi32, #tpu.memory_space<vmem>>) semaphore(%arg12 : memref<!tpu.dma_semaphore, #tpu.memory_space<semaphore_mem>>)
    "tpu.region"() ({
      %run_scoped3A = tpu.sem_alloc : memref<!tpu.dma_semaphore, #tpu.memory_space<semaphore_mem>>
      %dma_start3A_72 = arith.constant 0 : i32
      %dma_start3A_73 = arith.constant 0 : i32
      %dma_start3A_74 = tpu.memref_slice %arg4[%arg1, %dma_start3A_72, %dma_start3A_73] : memref<16x80x128xi32, #tpu.memory_space<hbm>> -> memref<1x16x128xi32, #tpu.memory_space<hbm>>
      %dma_start3A_75 = tpu.memref_squeeze %dma_start3A_74 : memref<1x16x128xi32, #tpu.memory_space<hbm>> -> memref<16x128xi32, #tpu.memory_space<hbm>>
      %dma_start3A_76 = arith.constant 0 : i32
      %dma_start3A_77 = arith.constant 0 : i32
      %dma_start3A_78 = tpu.memref_slice %arg4[%arg1, %dma_start3A_76, %dma_start3A_77] : memref<16x80x128xi32, #tpu.memory_space<hbm>> -> memref<1x16x128xi32, #tpu.memory_space<hbm>>
      %dma_start3A_79 = tpu.memref_squeeze %dma_start3A_78 : memref<1x16x128xi32, #tpu.memory_space<hbm>> -> memref<16x128xi32, #tpu.memory_space<hbm>>
      tpu.enqueue_dma source(%dma_start3A_79 : memref<16x128xi32, #tpu.memory_space<hbm>>) target(%arg8 : memref<16x128xi32, #tpu.memory_space<vmem>>) target_semaphore(%run_scoped3A : memref<!tpu.dma_semaphore, #tpu.memory_space<semaphore_mem>>)
      %dma_wait3A_80 = arith.constant 0 : i32
      %dma_wait3A_81 = arith.constant 0 : i32
      %dma_wait3A_82 = tpu.memref_slice %arg4[%arg1, %dma_wait3A_80, %dma_wait3A_81] : memref<16x80x128xi32, #tpu.memory_space<hbm>> -> memref<1x16x128xi32, #tpu.memory_space<hbm>>
      %dma_wait3A_83 = tpu.memref_squeeze %dma_wait3A_82 : memref<1x16x128xi32, #tpu.memory_space<hbm>> -> memref<16x128xi32, #tpu.memory_space<hbm>>
      %dma_wait3A_84 = arith.constant 0 : i32
      %dma_wait3A_85 = arith.constant 0 : i32
      %dma_wait3A_86 = tpu.memref_slice %arg4[%arg1, %dma_wait3A_84, %dma_wait3A_85] : memref<16x80x128xi32, #tpu.memory_space<hbm>> -> memref<1x16x128xi32, #tpu.memory_space<hbm>>
      %dma_wait3A_87 = tpu.memref_squeeze %dma_wait3A_86 : memref<1x16x128xi32, #tpu.memory_space<hbm>> -> memref<16x128xi32, #tpu.memory_space<hbm>>
      tpu.wait_dma2 semaphore(%run_scoped3A : memref<!tpu.dma_semaphore, #tpu.memory_space<semaphore_mem>>) src(%dma_wait3A_87 : memref<16x128xi32, #tpu.memory_space<hbm>>) dst(%arg8 : memref<16x128xi32, #tpu.memory_space<vmem>>)
      tpu.yield
    }) : () -> ()
    %scan3A = arith.constant 0 : i32
    %scan3A_16 = arith.constant 0 : i32
    %scan3A_17 = arith.constant 8 : i32
    %scan3A_18 = arith.addi %scan3A_16, %scan3A_17 : i32
    %scan3A_19 = arith.constant 1 : i32
    scf.for %scan3A_72 = %scan3A_16 to %scan3A_18 step %scan3A_19  : i32 {
      %mul3A_73 = arith.constant 2 : i32
      %mul3A_74 = arith.muli %mul3A_73, %scan3A_72 : i32
      %add3A_75 = arith.constant 0 : i32
      %add3A_76 = arith.addi %add3A_75, %mul3A_74 : i32
      %mul3A_77 = arith.constant 2 : i32
      %mul3A_78 = arith.muli %mul3A_77, %scan3A_72 : i32
      %add3A_79 = arith.constant 1 : i32
      %add3A_80 = arith.addi %add3A_76, %add3A_79 : i32
      %dma_start3A_81 = arith.constant 0 : i32
      %dma_start3A_82 = tpu.memref_slice %arg7[%add3A_80, %dma_start3A_81] : memref<81x128xi32, #tpu.memory_space<vmem>> -> memref<1x128xi32, #tpu.memory_space<vmem>>
      %dma_start3A_83 = tpu.memref_squeeze %dma_start3A_82 : memref<1x128xi32, #tpu.memory_space<vmem>> -> memref<128xi32, #tpu.memory_space<vmem>>
      %dma_start3A_84 = arith.constant 0 : i32
      %dma_start3A_85 = arith.constant 0 : i32
      %dma_start3A_86 = tpu.memref_slice %arg2[%dma_start3A_84, %dma_start3A_85] : memref<20000x128xf32, #tpu.memory_space<hbm>> -> memref<20000x128xf32, #tpu.memory_space<hbm>>
      tpu.enqueue_indirect_dma source(%dma_start3A_86 : memref<20000x128xf32, #tpu.memory_space<hbm>>) target(%arg10 : memref<128x128xf32, #tpu.memory_space<vmem>>) offsets(%dma_start3A_83 : memref<128xi32, #tpu.memory_space<vmem>>) semaphore(%arg13 : memref<!tpu.dma_semaphore, #tpu.memory_space<semaphore_mem>>)
      %dma_wait3A_87 = arith.constant 0 : i32
      %dma_wait3A_88 = tpu.memref_slice %arg7[%add3A_76, %dma_wait3A_87] : memref<81x128xi32, #tpu.memory_space<vmem>> -> memref<1x128xi32, #tpu.memory_space<vmem>>
      %dma_wait3A_89 = tpu.memref_squeeze %dma_wait3A_88 : memref<1x128xi32, #tpu.memory_space<vmem>> -> memref<128xi32, #tpu.memory_space<vmem>>
      %dma_wait3A_90 = arith.constant 0 : i32
      %dma_wait3A_91 = arith.constant 0 : i32
      %dma_wait3A_92 = tpu.memref_slice %arg2[%dma_wait3A_90, %dma_wait3A_91] : memref<20000x128xf32, #tpu.memory_space<hbm>> -> memref<20000x128xf32, #tpu.memory_space<hbm>>
      tpu.wait_indirect_dma semaphore(%arg12 : memref<!tpu.dma_semaphore, #tpu.memory_space<semaphore_mem>>) src(%dma_wait3A_92 : memref<20000x128xf32, #tpu.memory_space<hbm>>) dst(%arg9 : memref<128x128xf32, #tpu.memory_space<vmem>>)
      "tpu.region"() ({
        %run_scoped3A = tpu.sem_alloc : memref<!tpu.dma_semaphore, #tpu.memory_space<semaphore_mem>>
        %dma_start3A_111 = arith.constant 0 : i32
        %dma_start3A_112 = tpu.memref_slice %arg8[%mul3A_78, %dma_start3A_111] : memref<16x128xi32, #tpu.memory_space<vmem>> -> memref<1x128xi32, #tpu.memory_space<vmem>>
        %dma_start3A_113 = tpu.memref_squeeze %dma_start3A_112 : memref<1x128xi32, #tpu.memory_space<vmem>> -> memref<128xi32, #tpu.memory_space<vmem>>
        %dma_start3A_114 = arith.constant 0 : i32
        %dma_start3A_115 = arith.constant 0 : i32
        %dma_start3A_116 = tpu.memref_slice %arg11[%dma_start3A_114, %dma_start3A_115] : memref<10112x128xf32, #tpu.memory_space<vmem_shared>> -> memref<10112x128xf32, #tpu.memory_space<vmem_shared>>
        tpu.enqueue_indirect_dma source(%arg9 : memref<128x128xf32, #tpu.memory_space<vmem>>) target(%dma_start3A_116 : memref<10112x128xf32, #tpu.memory_space<vmem_shared>>) offsets(%dma_start3A_113 : memref<128xi32, #tpu.memory_space<vmem>>) semaphore(%run_scoped3A : memref<!tpu.dma_semaphore, #tpu.memory_space<semaphore_mem>>) {add = true}
        %dma_wait3A_117 = arith.constant 0 : i32
        %dma_wait3A_118 = tpu.memref_slice %arg8[%mul3A_78, %dma_wait3A_117] : memref<16x128xi32, #tpu.memory_space<vmem>> -> memref<1x128xi32, #tpu.memory_space<vmem>>
        %dma_wait3A_119 = tpu.memref_squeeze %dma_wait3A_118 : memref<1x128xi32, #tpu.memory_space<vmem>> -> memref<128xi32, #tpu.memory_space<vmem>>
        %dma_wait3A_120 = arith.constant 0 : i32
        %dma_wait3A_121 = arith.constant 0 : i32
        %dma_wait3A_122 = tpu.memref_slice %arg11[%dma_wait3A_120, %dma_wait3A_121] : memref<10112x128xf32, #tpu.memory_space<vmem_shared>> -> memref<10112x128xf32, #tpu.memory_space<vmem_shared>>
        tpu.wait_indirect_dma semaphore(%run_scoped3A : memref<!tpu.dma_semaphore, #tpu.memory_space<semaphore_mem>>) src(%arg9 : memref<128x128xf32, #tpu.memory_space<vmem>>) dst(%dma_wait3A_122 : memref<10112x128xf32, #tpu.memory_space<vmem_shared>>)
        tpu.yield
      }) : () -> ()
      %add3A_93 = arith.constant 2 : i32
      %add3A_94 = arith.addi %add3A_76, %add3A_93 : i32
      %dma_start3A_95 = arith.constant 0 : i32
      %dma_start3A_96 = tpu.memref_slice %arg7[%add3A_94, %dma_start3A_95] : memref<81x128xi32, #tpu.memory_space<vmem>> -> memref<1x128xi32, #tpu.memory_space<vmem>>
      %dma_start3A_97 = tpu.memref_squeeze %dma_start3A_96 : memref<1x128xi32, #tpu.memory_space<vmem>> -> memref<128xi32, #tpu.memory_space<vmem>>
      %dma_start3A_98 = arith.constant 0 : i32
      %dma_start3A_99 = arith.constant 0 : i32
      %dma_start3A_100 = tpu.memref_slice %arg2[%dma_start3A_98, %dma_start3A_99] : memref<20000x128xf32, #tpu.memory_space<hbm>> -> memref<20000x128xf32, #tpu.memory_space<hbm>>
      tpu.enqueue_indirect_dma source(%dma_start3A_100 : memref<20000x128xf32, #tpu.memory_space<hbm>>) target(%arg9 : memref<128x128xf32, #tpu.memory_space<vmem>>) offsets(%dma_start3A_97 : memref<128xi32, #tpu.memory_space<vmem>>) semaphore(%arg12 : memref<!tpu.dma_semaphore, #tpu.memory_space<semaphore_mem>>)
      %add3A_101 = arith.constant 1 : i32
      %add3A_102 = arith.addi %add3A_76, %add3A_101 : i32
      %dma_wait3A_103 = arith.constant 0 : i32
      %dma_wait3A_104 = tpu.memref_slice %arg7[%add3A_102, %dma_wait3A_103] : memref<81x128xi32, #tpu.memory_space<vmem>> -> memref<1x128xi32, #tpu.memory_space<vmem>>
      %dma_wait3A_105 = tpu.memref_squeeze %dma_wait3A_104 : memref<1x128xi32, #tpu.memory_space<vmem>> -> memref<128xi32, #tpu.memory_space<vmem>>
      %dma_wait3A_106 = arith.constant 0 : i32
      %dma_wait3A_107 = arith.constant 0 : i32
      %dma_wait3A_108 = tpu.memref_slice %arg2[%dma_wait3A_106, %dma_wait3A_107] : memref<20000x128xf32, #tpu.memory_space<hbm>> -> memref<20000x128xf32, #tpu.memory_space<hbm>>
      tpu.wait_indirect_dma semaphore(%arg13 : memref<!tpu.dma_semaphore, #tpu.memory_space<semaphore_mem>>) src(%dma_wait3A_108 : memref<20000x128xf32, #tpu.memory_space<hbm>>) dst(%arg10 : memref<128x128xf32, #tpu.memory_space<vmem>>)
      %add3A_109 = arith.constant 1 : i32
      %add3A_110 = arith.addi %mul3A_78, %add3A_109 : i32
      "tpu.region"() ({
        %run_scoped3A = tpu.sem_alloc : memref<!tpu.dma_semaphore, #tpu.memory_space<semaphore_mem>>
        %dma_start3A_111 = arith.constant 0 : i32
        %dma_start3A_112 = tpu.memref_slice %arg8[%add3A_110, %dma_start3A_111] : memref<16x128xi32, #tpu.memory_space<vmem>> -> memref<1x128xi32, #tpu.memory_space<vmem>>
        %dma_start3A_113 = tpu.memref_squeeze %dma_start3A_112 : memref<1x128xi32, #tpu.memory_space<vmem>> -> memref<128xi32, #tpu.memory_space<vmem>>
        %dma_start3A_114 = arith.constant 0 : i32
        %dma_start3A_115 = arith.constant 0 : i32
        %dma_start3A_116 = tpu.memref_slice %arg11[%dma_start3A_114, %dma_start3A_115] : memref<10112x128xf32, #tpu.memory_space<vmem_shared>> -> memref<10112x128xf32, #tpu.memory_space<vmem_shared>>
        tpu.enqueue_indirect_dma source(%arg10 : memref<128x128xf32, #tpu.memory_space<vmem>>) target(%dma_start3A_116 : memref<10112x128xf32, #tpu.memory_space<vmem_shared>>) offsets(%dma_start3A_113 : memref<128xi32, #tpu.memory_space<vmem>>) semaphore(%run_scoped3A : memref<!tpu.dma_semaphore, #tpu.memory_space<semaphore_mem>>) {add = true}
        %dma_wait3A_117 = arith.constant 0 : i32
        %dma_wait3A_118 = tpu.memref_slice %arg8[%add3A_110, %dma_wait3A_117] : memref<16x128xi32, #tpu.memory_space<vmem>> -> memref<1x128xi32, #tpu.memory_space<vmem>>
        %dma_wait3A_119 = tpu.memref_squeeze %dma_wait3A_118 : memref<1x128xi32, #tpu.memory_space<vmem>> -> memref<128xi32, #tpu.memory_space<vmem>>
        %dma_wait3A_120 = arith.constant 0 : i32
        %dma_wait3A_121 = arith.constant 0 : i32
        %dma_wait3A_122 = tpu.memref_slice %arg11[%dma_wait3A_120, %dma_wait3A_121] : memref<10112x128xf32, #tpu.memory_space<vmem_shared>> -> memref<10112x128xf32, #tpu.memory_space<vmem_shared>>
        tpu.wait_indirect_dma semaphore(%run_scoped3A : memref<!tpu.dma_semaphore, #tpu.memory_space<semaphore_mem>>) src(%arg10 : memref<128x128xf32, #tpu.memory_space<vmem>>) dst(%dma_wait3A_122 : memref<10112x128xf32, #tpu.memory_space<vmem_shared>>)
        tpu.yield
      }) : () -> ()
    }
    %scan3A_20 = arith.constant 8 : i32
    "tpu.region"() ({
      %run_scoped3A = tpu.sem_alloc : memref<!tpu.dma_semaphore, #tpu.memory_space<semaphore_mem>>
      %dma_start3A_72 = arith.constant 16 : i32
      %dma_start3A_73 = arith.constant 0 : i32
      %dma_start3A_74 = tpu.memref_slice %arg4[%arg1, %dma_start3A_72, %dma_start3A_73] : memref<16x80x128xi32, #tpu.memory_space<hbm>> -> memref<1x16x128xi32, #tpu.memory_space<hbm>>
      %dma_start3A_75 = tpu.memref_squeeze %dma_start3A_74 : memref<1x16x128xi32, #tpu.memory_space<hbm>> -> memref<16x128xi32, #tpu.memory_space<hbm>>
      %dma_start3A_76 = arith.constant 16 : i32
      %dma_start3A_77 = arith.constant 0 : i32
      %dma_start3A_78 = tpu.memref_slice %arg4[%arg1, %dma_start3A_76, %dma_start3A_77] : memref<16x80x128xi32, #tpu.memory_space<hbm>> -> memref<1x16x128xi32, #tpu.memory_space<hbm>>
      %dma_start3A_79 = tpu.memref_squeeze %dma_start3A_78 : memref<1x16x128xi32, #tpu.memory_space<hbm>> -> memref<16x128xi32, #tpu.memory_space<hbm>>
      tpu.enqueue_dma source(%dma_start3A_79 : memref<16x128xi32, #tpu.memory_space<hbm>>) target(%arg8 : memref<16x128xi32, #tpu.memory_space<vmem>>) target_semaphore(%run_scoped3A : memref<!tpu.dma_semaphore, #tpu.memory_space<semaphore_mem>>)
      %dma_wait3A_80 = arith.constant 16 : i32
      %dma_wait3A_81 = arith.constant 0 : i32
      %dma_wait3A_82 = tpu.memref_slice %arg4[%arg1, %dma_wait3A_80, %dma_wait3A_81] : memref<16x80x128xi32, #tpu.memory_space<hbm>> -> memref<1x16x128xi32, #tpu.memory_space<hbm>>
      %dma_wait3A_83 = tpu.memref_squeeze %dma_wait3A_82 : memref<1x16x128xi32, #tpu.memory_space<hbm>> -> memref<16x128xi32, #tpu.memory_space<hbm>>
      %dma_wait3A_84 = arith.constant 16 : i32
      %dma_wait3A_85 = arith.constant 0 : i32
      %dma_wait3A_86 = tpu.memref_slice %arg4[%arg1, %dma_wait3A_84, %dma_wait3A_85] : memref<16x80x128xi32, #tpu.memory_space<hbm>> -> memref<1x16x128xi32, #tpu.memory_space<hbm>>
      %dma_wait3A_87 = tpu.memref_squeeze %dma_wait3A_86 : memref<1x16x128xi32, #tpu.memory_space<hbm>> -> memref<16x128xi32, #tpu.memory_space<hbm>>
      tpu.wait_dma2 semaphore(%run_scoped3A : memref<!tpu.dma_semaphore, #tpu.memory_space<semaphore_mem>>) src(%dma_wait3A_87 : memref<16x128xi32, #tpu.memory_space<hbm>>) dst(%arg8 : memref<16x128xi32, #tpu.memory_space<vmem>>)
      tpu.yield
    }) : () -> ()
    %scan3A_21 = arith.constant 0 : i32
    %scan3A_22 = arith.constant 0 : i32
    %scan3A_23 = arith.constant 8 : i32
    %scan3A_24 = arith.addi %scan3A_22, %scan3A_23 : i32
    %scan3A_25 = arith.constant 1 : i32
    scf.for %scan3A_72 = %scan3A_22 to %scan3A_24 step %scan3A_25  : i32 {
      %mul3A_73 = arith.constant 2 : i32
      %mul3A_74 = arith.muli %mul3A_73, %scan3A_72 : i32
      %add3A_75 = arith.constant 16 : i32
      %add3A_76 = arith.addi %add3A_75, %mul3A_74 : i32
      %mul3A_77 = arith.constant 2 : i32
      %mul3A_78 = arith.muli %mul3A_77, %scan3A_72 : i32
      %add3A_79 = arith.constant 1 : i32
      %add3A_80 = arith.addi %add3A_76, %add3A_79 : i32
      %dma_start3A_81 = arith.constant 0 : i32
      %dma_start3A_82 = tpu.memref_slice %arg7[%add3A_80, %dma_start3A_81] : memref<81x128xi32, #tpu.memory_space<vmem>> -> memref<1x128xi32, #tpu.memory_space<vmem>>
      %dma_start3A_83 = tpu.memref_squeeze %dma_start3A_82 : memref<1x128xi32, #tpu.memory_space<vmem>> -> memref<128xi32, #tpu.memory_space<vmem>>
      %dma_start3A_84 = arith.constant 0 : i32
      %dma_start3A_85 = arith.constant 0 : i32
      %dma_start3A_86 = tpu.memref_slice %arg2[%dma_start3A_84, %dma_start3A_85] : memref<20000x128xf32, #tpu.memory_space<hbm>> -> memref<20000x128xf32, #tpu.memory_space<hbm>>
      tpu.enqueue_indirect_dma source(%dma_start3A_86 : memref<20000x128xf32, #tpu.memory_space<hbm>>) target(%arg10 : memref<128x128xf32, #tpu.memory_space<vmem>>) offsets(%dma_start3A_83 : memref<128xi32, #tpu.memory_space<vmem>>) semaphore(%arg13 : memref<!tpu.dma_semaphore, #tpu.memory_space<semaphore_mem>>)
      %dma_wait3A_87 = arith.constant 0 : i32
      %dma_wait3A_88 = tpu.memref_slice %arg7[%add3A_76, %dma_wait3A_87] : memref<81x128xi32, #tpu.memory_space<vmem>> -> memref<1x128xi32, #tpu.memory_space<vmem>>
      %dma_wait3A_89 = tpu.memref_squeeze %dma_wait3A_88 : memref<1x128xi32, #tpu.memory_space<vmem>> -> memref<128xi32, #tpu.memory_space<vmem>>
      %dma_wait3A_90 = arith.constant 0 : i32
      %dma_wait3A_91 = arith.constant 0 : i32
      %dma_wait3A_92 = tpu.memref_slice %arg2[%dma_wait3A_90, %dma_wait3A_91] : memref<20000x128xf32, #tpu.memory_space<hbm>> -> memref<20000x128xf32, #tpu.memory_space<hbm>>
      tpu.wait_indirect_dma semaphore(%arg12 : memref<!tpu.dma_semaphore, #tpu.memory_space<semaphore_mem>>) src(%dma_wait3A_92 : memref<20000x128xf32, #tpu.memory_space<hbm>>) dst(%arg9 : memref<128x128xf32, #tpu.memory_space<vmem>>)
      "tpu.region"() ({
        %run_scoped3A = tpu.sem_alloc : memref<!tpu.dma_semaphore, #tpu.memory_space<semaphore_mem>>
        %dma_start3A_111 = arith.constant 0 : i32
        %dma_start3A_112 = tpu.memref_slice %arg8[%mul3A_78, %dma_start3A_111] : memref<16x128xi32, #tpu.memory_space<vmem>> -> memref<1x128xi32, #tpu.memory_space<vmem>>
        %dma_start3A_113 = tpu.memref_squeeze %dma_start3A_112 : memref<1x128xi32, #tpu.memory_space<vmem>> -> memref<128xi32, #tpu.memory_space<vmem>>
        %dma_start3A_114 = arith.constant 0 : i32
        %dma_start3A_115 = arith.constant 0 : i32
        %dma_start3A_116 = tpu.memref_slice %arg11[%dma_start3A_114, %dma_start3A_115] : memref<10112x128xf32, #tpu.memory_space<vmem_shared>> -> memref<10112x128xf32, #tpu.memory_space<vmem_shared>>
        tpu.enqueue_indirect_dma source(%arg9 : memref<128x128xf32, #tpu.memory_space<vmem>>) target(%dma_start3A_116 : memref<10112x128xf32, #tpu.memory_space<vmem_shared>>) offsets(%dma_start3A_113 : memref<128xi32, #tpu.memory_space<vmem>>) semaphore(%run_scoped3A : memref<!tpu.dma_semaphore, #tpu.memory_space<semaphore_mem>>) {add = true}
        %dma_wait3A_117 = arith.constant 0 : i32
        %dma_wait3A_118 = tpu.memref_slice %arg8[%mul3A_78, %dma_wait3A_117] : memref<16x128xi32, #tpu.memory_space<vmem>> -> memref<1x128xi32, #tpu.memory_space<vmem>>
        %dma_wait3A_119 = tpu.memref_squeeze %dma_wait3A_118 : memref<1x128xi32, #tpu.memory_space<vmem>> -> memref<128xi32, #tpu.memory_space<vmem>>
        %dma_wait3A_120 = arith.constant 0 : i32
        %dma_wait3A_121 = arith.constant 0 : i32
        %dma_wait3A_122 = tpu.memref_slice %arg11[%dma_wait3A_120, %dma_wait3A_121] : memref<10112x128xf32, #tpu.memory_space<vmem_shared>> -> memref<10112x128xf32, #tpu.memory_space<vmem_shared>>
        tpu.wait_indirect_dma semaphore(%run_scoped3A : memref<!tpu.dma_semaphore, #tpu.memory_space<semaphore_mem>>) src(%arg9 : memref<128x128xf32, #tpu.memory_space<vmem>>) dst(%dma_wait3A_122 : memref<10112x128xf32, #tpu.memory_space<vmem_shared>>)
        tpu.yield
      }) : () -> ()
      %add3A_93 = arith.constant 2 : i32
      %add3A_94 = arith.addi %add3A_76, %add3A_93 : i32
      %dma_start3A_95 = arith.constant 0 : i32
      %dma_start3A_96 = tpu.memref_slice %arg7[%add3A_94, %dma_start3A_95] : memref<81x128xi32, #tpu.memory_space<vmem>> -> memref<1x128xi32, #tpu.memory_space<vmem>>
      %dma_start3A_97 = tpu.memref_squeeze %dma_start3A_96 : memref<1x128xi32, #tpu.memory_space<vmem>> -> memref<128xi32, #tpu.memory_space<vmem>>
      %dma_start3A_98 = arith.constant 0 : i32
      %dma_start3A_99 = arith.constant 0 : i32
      %dma_start3A_100 = tpu.memref_slice %arg2[%dma_start3A_98, %dma_start3A_99] : memref<20000x128xf32, #tpu.memory_space<hbm>> -> memref<20000x128xf32, #tpu.memory_space<hbm>>
      tpu.enqueue_indirect_dma source(%dma_start3A_100 : memref<20000x128xf32, #tpu.memory_space<hbm>>) target(%arg9 : memref<128x128xf32, #tpu.memory_space<vmem>>) offsets(%dma_start3A_97 : memref<128xi32, #tpu.memory_space<vmem>>) semaphore(%arg12 : memref<!tpu.dma_semaphore, #tpu.memory_space<semaphore_mem>>)
      %add3A_101 = arith.constant 1 : i32
      %add3A_102 = arith.addi %add3A_76, %add3A_101 : i32
      %dma_wait3A_103 = arith.constant 0 : i32
      %dma_wait3A_104 = tpu.memref_slice %arg7[%add3A_102, %dma_wait3A_103] : memref<81x128xi32, #tpu.memory_space<vmem>> -> memref<1x128xi32, #tpu.memory_space<vmem>>
      %dma_wait3A_105 = tpu.memref_squeeze %dma_wait3A_104 : memref<1x128xi32, #tpu.memory_space<vmem>> -> memref<128xi32, #tpu.memory_space<vmem>>
      %dma_wait3A_106 = arith.constant 0 : i32
      %dma_wait3A_107 = arith.constant 0 : i32
      %dma_wait3A_108 = tpu.memref_slice %arg2[%dma_wait3A_106, %dma_wait3A_107] : memref<20000x128xf32, #tpu.memory_space<hbm>> -> memref<20000x128xf32, #tpu.memory_space<hbm>>
      tpu.wait_indirect_dma semaphore(%arg13 : memref<!tpu.dma_semaphore, #tpu.memory_space<semaphore_mem>>) src(%dma_wait3A_108 : memref<20000x128xf32, #tpu.memory_space<hbm>>) dst(%arg10 : memref<128x128xf32, #tpu.memory_space<vmem>>)
      %add3A_109 = arith.constant 1 : i32
      %add3A_110 = arith.addi %mul3A_78, %add3A_109 : i32
      "tpu.region"() ({
        %run_scoped3A = tpu.sem_alloc : memref<!tpu.dma_semaphore, #tpu.memory_space<semaphore_mem>>
        %dma_start3A_111 = arith.constant 0 : i32
        %dma_start3A_112 = tpu.memref_slice %arg8[%add3A_110, %dma_start3A_111] : memref<16x128xi32, #tpu.memory_space<vmem>> -> memref<1x128xi32, #tpu.memory_space<vmem>>
        %dma_start3A_113 = tpu.memref_squeeze %dma_start3A_112 : memref<1x128xi32, #tpu.memory_space<vmem>> -> memref<128xi32, #tpu.memory_space<vmem>>
        %dma_start3A_114 = arith.constant 0 : i32
        %dma_start3A_115 = arith.constant 0 : i32
        %dma_start3A_116 = tpu.memref_slice %arg11[%dma_start3A_114, %dma_start3A_115] : memref<10112x128xf32, #tpu.memory_space<vmem_shared>> -> memref<10112x128xf32, #tpu.memory_space<vmem_shared>>
        tpu.enqueue_indirect_dma source(%arg10 : memref<128x128xf32, #tpu.memory_space<vmem>>) target(%dma_start3A_116 : memref<10112x128xf32, #tpu.memory_space<vmem_shared>>) offsets(%dma_start3A_113 : memref<128xi32, #tpu.memory_space<vmem>>) semaphore(%run_scoped3A : memref<!tpu.dma_semaphore, #tpu.memory_space<semaphore_mem>>) {add = true}
        %dma_wait3A_117 = arith.constant 0 : i32
        %dma_wait3A_118 = tpu.memref_slice %arg8[%add3A_110, %dma_wait3A_117] : memref<16x128xi32, #tpu.memory_space<vmem>> -> memref<1x128xi32, #tpu.memory_space<vmem>>
        %dma_wait3A_119 = tpu.memref_squeeze %dma_wait3A_118 : memref<1x128xi32, #tpu.memory_space<vmem>> -> memref<128xi32, #tpu.memory_space<vmem>>
        %dma_wait3A_120 = arith.constant 0 : i32
        %dma_wait3A_121 = arith.constant 0 : i32
        %dma_wait3A_122 = tpu.memref_slice %arg11[%dma_wait3A_120, %dma_wait3A_121] : memref<10112x128xf32, #tpu.memory_space<vmem_shared>> -> memref<10112x128xf32, #tpu.memory_space<vmem_shared>>
        tpu.wait_indirect_dma semaphore(%run_scoped3A : memref<!tpu.dma_semaphore, #tpu.memory_space<semaphore_mem>>) src(%arg10 : memref<128x128xf32, #tpu.memory_space<vmem>>) dst(%dma_wait3A_122 : memref<10112x128xf32, #tpu.memory_space<vmem_shared>>)
        tpu.yield
      }) : () -> ()
    }
    %scan3A_26 = arith.constant 8 : i32
    "tpu.region"() ({
      %run_scoped3A = tpu.sem_alloc : memref<!tpu.dma_semaphore, #tpu.memory_space<semaphore_mem>>
      %dma_start3A_72 = arith.constant 32 : i32
      %dma_start3A_73 = arith.constant 0 : i32
      %dma_start3A_74 = tpu.memref_slice %arg4[%arg1, %dma_start3A_72, %dma_start3A_73] : memref<16x80x128xi32, #tpu.memory_space<hbm>> -> memref<1x16x128xi32, #tpu.memory_space<hbm>>
      %dma_start3A_75 = tpu.memref_squeeze %dma_start3A_74 : memref<1x16x128xi32, #tpu.memory_space<hbm>> -> memref<16x128xi32, #tpu.memory_space<hbm>>
      %dma_start3A_76 = arith.constant 32 : i32
      %dma_start3A_77 = arith.constant 0 : i32
      %dma_start3A_78 = tpu.memref_slice %arg4[%arg1, %dma_start3A_76, %dma_start3A_77] : memref<16x80x128xi32, #tpu.memory_space<hbm>> -> memref<1x16x128xi32, #tpu.memory_space<hbm>>
      %dma_start3A_79 = tpu.memref_squeeze %dma_start3A_78 : memref<1x16x128xi32, #tpu.memory_space<hbm>> -> memref<16x128xi32, #tpu.memory_space<hbm>>
      tpu.enqueue_dma source(%dma_start3A_79 : memref<16x128xi32, #tpu.memory_space<hbm>>) target(%arg8 : memref<16x128xi32, #tpu.memory_space<vmem>>) target_semaphore(%run_scoped3A : memref<!tpu.dma_semaphore, #tpu.memory_space<semaphore_mem>>)
      %dma_wait3A_80 = arith.constant 32 : i32
      %dma_wait3A_81 = arith.constant 0 : i32
      %dma_wait3A_82 = tpu.memref_slice %arg4[%arg1, %dma_wait3A_80, %dma_wait3A_81] : memref<16x80x128xi32, #tpu.memory_space<hbm>> -> memref<1x16x128xi32, #tpu.memory_space<hbm>>
      %dma_wait3A_83 = tpu.memref_squeeze %dma_wait3A_82 : memref<1x16x128xi32, #tpu.memory_space<hbm>> -> memref<16x128xi32, #tpu.memory_space<hbm>>
      %dma_wait3A_84 = arith.constant 32 : i32
      %dma_wait3A_85 = arith.constant 0 : i32
      %dma_wait3A_86 = tpu.memref_slice %arg4[%arg1, %dma_wait3A_84, %dma_wait3A_85] : memref<16x80x128xi32, #tpu.memory_space<hbm>> -> memref<1x16x128xi32, #tpu.memory_space<hbm>>
      %dma_wait3A_87 = tpu.memref_squeeze %dma_wait3A_86 : memref<1x16x128xi32, #tpu.memory_space<hbm>> -> memref<16x128xi32, #tpu.memory_space<hbm>>
      tpu.wait_dma2 semaphore(%run_scoped3A : memref<!tpu.dma_semaphore, #tpu.memory_space<semaphore_mem>>) src(%dma_wait3A_87 : memref<16x128xi32, #tpu.memory_space<hbm>>) dst(%arg8 : memref<16x128xi32, #tpu.memory_space<vmem>>)
      tpu.yield
    }) : () -> ()
    %scan3A_27 = arith.constant 0 : i32
    %scan3A_28 = arith.constant 0 : i32
    %scan3A_29 = arith.constant 8 : i32
    %scan3A_30 = arith.addi %scan3A_28, %scan3A_29 : i32
    %scan3A_31 = arith.constant 1 : i32
    scf.for %scan3A_72 = %scan3A_28 to %scan3A_30 step %scan3A_31  : i32 {
      %mul3A_73 = arith.constant 2 : i32
      %mul3A_74 = arith.muli %mul3A_73, %scan3A_72 : i32
      %add3A_75 = arith.constant 32 : i32
      %add3A_76 = arith.addi %add3A_75, %mul3A_74 : i32
      %mul3A_77 = arith.constant 2 : i32
      %mul3A_78 = arith.muli %mul3A_77, %scan3A_72 : i32
      %add3A_79 = arith.constant 1 : i32
      %add3A_80 = arith.addi %add3A_76, %add3A_79 : i32
      %dma_start3A_81 = arith.constant 0 : i32
      %dma_start3A_82 = tpu.memref_slice %arg7[%add3A_80, %dma_start3A_81] : memref<81x128xi32, #tpu.memory_space<vmem>> -> memref<1x128xi32, #tpu.memory_space<vmem>>
      %dma_start3A_83 = tpu.memref_squeeze %dma_start3A_82 : memref<1x128xi32, #tpu.memory_space<vmem>> -> memref<128xi32, #tpu.memory_space<vmem>>
      %dma_start3A_84 = arith.constant 0 : i32
      %dma_start3A_85 = arith.constant 0 : i32
      %dma_start3A_86 = tpu.memref_slice %arg2[%dma_start3A_84, %dma_start3A_85] : memref<20000x128xf32, #tpu.memory_space<hbm>> -> memref<20000x128xf32, #tpu.memory_space<hbm>>
      tpu.enqueue_indirect_dma source(%dma_start3A_86 : memref<20000x128xf32, #tpu.memory_space<hbm>>) target(%arg10 : memref<128x128xf32, #tpu.memory_space<vmem>>) offsets(%dma_start3A_83 : memref<128xi32, #tpu.memory_space<vmem>>) semaphore(%arg13 : memref<!tpu.dma_semaphore, #tpu.memory_space<semaphore_mem>>)
      %dma_wait3A_87 = arith.constant 0 : i32
      %dma_wait3A_88 = tpu.memref_slice %arg7[%add3A_76, %dma_wait3A_87] : memref<81x128xi32, #tpu.memory_space<vmem>> -> memref<1x128xi32, #tpu.memory_space<vmem>>
      %dma_wait3A_89 = tpu.memref_squeeze %dma_wait3A_88 : memref<1x128xi32, #tpu.memory_space<vmem>> -> memref<128xi32, #tpu.memory_space<vmem>>
      %dma_wait3A_90 = arith.constant 0 : i32
      %dma_wait3A_91 = arith.constant 0 : i32
      %dma_wait3A_92 = tpu.memref_slice %arg2[%dma_wait3A_90, %dma_wait3A_91] : memref<20000x128xf32, #tpu.memory_space<hbm>> -> memref<20000x128xf32, #tpu.memory_space<hbm>>
      tpu.wait_indirect_dma semaphore(%arg12 : memref<!tpu.dma_semaphore, #tpu.memory_space<semaphore_mem>>) src(%dma_wait3A_92 : memref<20000x128xf32, #tpu.memory_space<hbm>>) dst(%arg9 : memref<128x128xf32, #tpu.memory_space<vmem>>)
      "tpu.region"() ({
        %run_scoped3A = tpu.sem_alloc : memref<!tpu.dma_semaphore, #tpu.memory_space<semaphore_mem>>
        %dma_start3A_111 = arith.constant 0 : i32
        %dma_start3A_112 = tpu.memref_slice %arg8[%mul3A_78, %dma_start3A_111] : memref<16x128xi32, #tpu.memory_space<vmem>> -> memref<1x128xi32, #tpu.memory_space<vmem>>
        %dma_start3A_113 = tpu.memref_squeeze %dma_start3A_112 : memref<1x128xi32, #tpu.memory_space<vmem>> -> memref<128xi32, #tpu.memory_space<vmem>>
        %dma_start3A_114 = arith.constant 0 : i32
        %dma_start3A_115 = arith.constant 0 : i32
        %dma_start3A_116 = tpu.memref_slice %arg11[%dma_start3A_114, %dma_start3A_115] : memref<10112x128xf32, #tpu.memory_space<vmem_shared>> -> memref<10112x128xf32, #tpu.memory_space<vmem_shared>>
        tpu.enqueue_indirect_dma source(%arg9 : memref<128x128xf32, #tpu.memory_space<vmem>>) target(%dma_start3A_116 : memref<10112x128xf32, #tpu.memory_space<vmem_shared>>) offsets(%dma_start3A_113 : memref<128xi32, #tpu.memory_space<vmem>>) semaphore(%run_scoped3A : memref<!tpu.dma_semaphore, #tpu.memory_space<semaphore_mem>>) {add = true}
        %dma_wait3A_117 = arith.constant 0 : i32
        %dma_wait3A_118 = tpu.memref_slice %arg8[%mul3A_78, %dma_wait3A_117] : memref<16x128xi32, #tpu.memory_space<vmem>> -> memref<1x128xi32, #tpu.memory_space<vmem>>
        %dma_wait3A_119 = tpu.memref_squeeze %dma_wait3A_118 : memref<1x128xi32, #tpu.memory_space<vmem>> -> memref<128xi32, #tpu.memory_space<vmem>>
        %dma_wait3A_120 = arith.constant 0 : i32
        %dma_wait3A_121 = arith.constant 0 : i32
        %dma_wait3A_122 = tpu.memref_slice %arg11[%dma_wait3A_120, %dma_wait3A_121] : memref<10112x128xf32, #tpu.memory_space<vmem_shared>> -> memref<10112x128xf32, #tpu.memory_space<vmem_shared>>
        tpu.wait_indirect_dma semaphore(%run_scoped3A : memref<!tpu.dma_semaphore, #tpu.memory_space<semaphore_mem>>) src(%arg9 : memref<128x128xf32, #tpu.memory_space<vmem>>) dst(%dma_wait3A_122 : memref<10112x128xf32, #tpu.memory_space<vmem_shared>>)
        tpu.yield
      }) : () -> ()
      %add3A_93 = arith.constant 2 : i32
      %add3A_94 = arith.addi %add3A_76, %add3A_93 : i32
      %dma_start3A_95 = arith.constant 0 : i32
      %dma_start3A_96 = tpu.memref_slice %arg7[%add3A_94, %dma_start3A_95] : memref<81x128xi32, #tpu.memory_space<vmem>> -> memref<1x128xi32, #tpu.memory_space<vmem>>
      %dma_start3A_97 = tpu.memref_squeeze %dma_start3A_96 : memref<1x128xi32, #tpu.memory_space<vmem>> -> memref<128xi32, #tpu.memory_space<vmem>>
      %dma_start3A_98 = arith.constant 0 : i32
      %dma_start3A_99 = arith.constant 0 : i32
      %dma_start3A_100 = tpu.memref_slice %arg2[%dma_start3A_98, %dma_start3A_99] : memref<20000x128xf32, #tpu.memory_space<hbm>> -> memref<20000x128xf32, #tpu.memory_space<hbm>>
      tpu.enqueue_indirect_dma source(%dma_start3A_100 : memref<20000x128xf32, #tpu.memory_space<hbm>>) target(%arg9 : memref<128x128xf32, #tpu.memory_space<vmem>>) offsets(%dma_start3A_97 : memref<128xi32, #tpu.memory_space<vmem>>) semaphore(%arg12 : memref<!tpu.dma_semaphore, #tpu.memory_space<semaphore_mem>>)
      %add3A_101 = arith.constant 1 : i32
      %add3A_102 = arith.addi %add3A_76, %add3A_101 : i32
      %dma_wait3A_103 = arith.constant 0 : i32
      %dma_wait3A_104 = tpu.memref_slice %arg7[%add3A_102, %dma_wait3A_103] : memref<81x128xi32, #tpu.memory_space<vmem>> -> memref<1x128xi32, #tpu.memory_space<vmem>>
      %dma_wait3A_105 = tpu.memref_squeeze %dma_wait3A_104 : memref<1x128xi32, #tpu.memory_space<vmem>> -> memref<128xi32, #tpu.memory_space<vmem>>
      %dma_wait3A_106 = arith.constant 0 : i32
      %dma_wait3A_107 = arith.constant 0 : i32
      %dma_wait3A_108 = tpu.memref_slice %arg2[%dma_wait3A_106, %dma_wait3A_107] : memref<20000x128xf32, #tpu.memory_space<hbm>> -> memref<20000x128xf32, #tpu.memory_space<hbm>>
      tpu.wait_indirect_dma semaphore(%arg13 : memref<!tpu.dma_semaphore, #tpu.memory_space<semaphore_mem>>) src(%dma_wait3A_108 : memref<20000x128xf32, #tpu.memory_space<hbm>>) dst(%arg10 : memref<128x128xf32, #tpu.memory_space<vmem>>)
      %add3A_109 = arith.constant 1 : i32
      %add3A_110 = arith.addi %mul3A_78, %add3A_109 : i32
      "tpu.region"() ({
        %run_scoped3A = tpu.sem_alloc : memref<!tpu.dma_semaphore, #tpu.memory_space<semaphore_mem>>
        %dma_start3A_111 = arith.constant 0 : i32
        %dma_start3A_112 = tpu.memref_slice %arg8[%add3A_110, %dma_start3A_111] : memref<16x128xi32, #tpu.memory_space<vmem>> -> memref<1x128xi32, #tpu.memory_space<vmem>>
        %dma_start3A_113 = tpu.memref_squeeze %dma_start3A_112 : memref<1x128xi32, #tpu.memory_space<vmem>> -> memref<128xi32, #tpu.memory_space<vmem>>
        %dma_start3A_114 = arith.constant 0 : i32
        %dma_start3A_115 = arith.constant 0 : i32
        %dma_start3A_116 = tpu.memref_slice %arg11[%dma_start3A_114, %dma_start3A_115] : memref<10112x128xf32, #tpu.memory_space<vmem_shared>> -> memref<10112x128xf32, #tpu.memory_space<vmem_shared>>
        tpu.enqueue_indirect_dma source(%arg10 : memref<128x128xf32, #tpu.memory_space<vmem>>) target(%dma_start3A_116 : memref<10112x128xf32, #tpu.memory_space<vmem_shared>>) offsets(%dma_start3A_113 : memref<128xi32, #tpu.memory_space<vmem>>) semaphore(%run_scoped3A : memref<!tpu.dma_semaphore, #tpu.memory_space<semaphore_mem>>) {add = true}
        %dma_wait3A_117 = arith.constant 0 : i32
        %dma_wait3A_118 = tpu.memref_slice %arg8[%add3A_110, %dma_wait3A_117] : memref<16x128xi32, #tpu.memory_space<vmem>> -> memref<1x128xi32, #tpu.memory_space<vmem>>
        %dma_wait3A_119 = tpu.memref_squeeze %dma_wait3A_118 : memref<1x128xi32, #tpu.memory_space<vmem>> -> memref<128xi32, #tpu.memory_space<vmem>>
        %dma_wait3A_120 = arith.constant 0 : i32
        %dma_wait3A_121 = arith.constant 0 : i32
        %dma_wait3A_122 = tpu.memref_slice %arg11[%dma_wait3A_120, %dma_wait3A_121] : memref<10112x128xf32, #tpu.memory_space<vmem_shared>> -> memref<10112x128xf32, #tpu.memory_space<vmem_shared>>
        tpu.wait_indirect_dma semaphore(%run_scoped3A : memref<!tpu.dma_semaphore, #tpu.memory_space<semaphore_mem>>) src(%arg10 : memref<128x128xf32, #tpu.memory_space<vmem>>) dst(%dma_wait3A_122 : memref<10112x128xf32, #tpu.memory_space<vmem_shared>>)
        tpu.yield
      }) : () -> ()
    }
    %scan3A_32 = arith.constant 8 : i32
    "tpu.region"() ({
      %run_scoped3A = tpu.sem_alloc : memref<!tpu.dma_semaphore, #tpu.memory_space<semaphore_mem>>
      %dma_start3A_72 = arith.constant 48 : i32
      %dma_start3A_73 = arith.constant 0 : i32
      %dma_start3A_74 = tpu.memref_slice %arg4[%arg1, %dma_start3A_72, %dma_start3A_73] : memref<16x80x128xi32, #tpu.memory_space<hbm>> -> memref<1x16x128xi32, #tpu.memory_space<hbm>>
      %dma_start3A_75 = tpu.memref_squeeze %dma_start3A_74 : memref<1x16x128xi32, #tpu.memory_space<hbm>> -> memref<16x128xi32, #tpu.memory_space<hbm>>
      %dma_start3A_76 = arith.constant 48 : i32
      %dma_start3A_77 = arith.constant 0 : i32
      %dma_start3A_78 = tpu.memref_slice %arg4[%arg1, %dma_start3A_76, %dma_start3A_77] : memref<16x80x128xi32, #tpu.memory_space<hbm>> -> memref<1x16x128xi32, #tpu.memory_space<hbm>>
      %dma_start3A_79 = tpu.memref_squeeze %dma_start3A_78 : memref<1x16x128xi32, #tpu.memory_space<hbm>> -> memref<16x128xi32, #tpu.memory_space<hbm>>
      tpu.enqueue_dma source(%dma_start3A_79 : memref<16x128xi32, #tpu.memory_space<hbm>>) target(%arg8 : memref<16x128xi32, #tpu.memory_space<vmem>>) target_semaphore(%run_scoped3A : memref<!tpu.dma_semaphore, #tpu.memory_space<semaphore_mem>>)
      %dma_wait3A_80 = arith.constant 48 : i32
      %dma_wait3A_81 = arith.constant 0 : i32
      %dma_wait3A_82 = tpu.memref_slice %arg4[%arg1, %dma_wait3A_80, %dma_wait3A_81] : memref<16x80x128xi32, #tpu.memory_space<hbm>> -> memref<1x16x128xi32, #tpu.memory_space<hbm>>
      %dma_wait3A_83 = tpu.memref_squeeze %dma_wait3A_82 : memref<1x16x128xi32, #tpu.memory_space<hbm>> -> memref<16x128xi32, #tpu.memory_space<hbm>>
      %dma_wait3A_84 = arith.constant 48 : i32
      %dma_wait3A_85 = arith.constant 0 : i32
      %dma_wait3A_86 = tpu.memref_slice %arg4[%arg1, %dma_wait3A_84, %dma_wait3A_85] : memref<16x80x128xi32, #tpu.memory_space<hbm>> -> memref<1x16x128xi32, #tpu.memory_space<hbm>>
      %dma_wait3A_87 = tpu.memref_squeeze %dma_wait3A_86 : memref<1x16x128xi32, #tpu.memory_space<hbm>> -> memref<16x128xi32, #tpu.memory_space<hbm>>
      tpu.wait_dma2 semaphore(%run_scoped3A : memref<!tpu.dma_semaphore, #tpu.memory_space<semaphore_mem>>) src(%dma_wait3A_87 : memref<16x128xi32, #tpu.memory_space<hbm>>) dst(%arg8 : memref<16x128xi32, #tpu.memory_space<vmem>>)
      tpu.yield
    }) : () -> ()
    %scan3A_33 = arith.constant 0 : i32
    %scan3A_34 = arith.constant 0 : i32
    %scan3A_35 = arith.constant 8 : i32
    %scan3A_36 = arith.addi %scan3A_34, %scan3A_35 : i32
    %scan3A_37 = arith.constant 1 : i32
    scf.for %scan3A_72 = %scan3A_34 to %scan3A_36 step %scan3A_37  : i32 {
      %mul3A_73 = arith.constant 2 : i32
      %mul3A_74 = arith.muli %mul3A_73, %scan3A_72 : i32
      %add3A_75 = arith.constant 48 : i32
      %add3A_76 = arith.addi %add3A_75, %mul3A_74 : i32
      %mul3A_77 = arith.constant 2 : i32
      %mul3A_78 = arith.muli %mul3A_77, %scan3A_72 : i32
      %add3A_79 = arith.constant 1 : i32
      %add3A_80 = arith.addi %add3A_76, %add3A_79 : i32
      %dma_start3A_81 = arith.constant 0 : i32
      %dma_start3A_82 = tpu.memref_slice %arg7[%add3A_80, %dma_start3A_81] : memref<81x128xi32, #tpu.memory_space<vmem>> -> memref<1x128xi32, #tpu.memory_space<vmem>>
      %dma_start3A_83 = tpu.memref_squeeze %dma_start3A_82 : memref<1x128xi32, #tpu.memory_space<vmem>> -> memref<128xi32, #tpu.memory_space<vmem>>
      %dma_start3A_84 = arith.constant 0 : i32
      %dma_start3A_85 = arith.constant 0 : i32
      %dma_start3A_86 = tpu.memref_slice %arg2[%dma_start3A_84, %dma_start3A_85] : memref<20000x128xf32, #tpu.memory_space<hbm>> -> memref<20000x128xf32, #tpu.memory_space<hbm>>
      tpu.enqueue_indirect_dma source(%dma_start3A_86 : memref<20000x128xf32, #tpu.memory_space<hbm>>) target(%arg10 : memref<128x128xf32, #tpu.memory_space<vmem>>) offsets(%dma_start3A_83 : memref<128xi32, #tpu.memory_space<vmem>>) semaphore(%arg13 : memref<!tpu.dma_semaphore, #tpu.memory_space<semaphore_mem>>)
      %dma_wait3A_87 = arith.constant 0 : i32
      %dma_wait3A_88 = tpu.memref_slice %arg7[%add3A_76, %dma_wait3A_87] : memref<81x128xi32, #tpu.memory_space<vmem>> -> memref<1x128xi32, #tpu.memory_space<vmem>>
      %dma_wait3A_89 = tpu.memref_squeeze %dma_wait3A_88 : memref<1x128xi32, #tpu.memory_space<vmem>> -> memref<128xi32, #tpu.memory_space<vmem>>
      %dma_wait3A_90 = arith.constant 0 : i32
      %dma_wait3A_91 = arith.constant 0 : i32
      %dma_wait3A_92 = tpu.memref_slice %arg2[%dma_wait3A_90, %dma_wait3A_91] : memref<20000x128xf32, #tpu.memory_space<hbm>> -> memref<20000x128xf32, #tpu.memory_space<hbm>>
      tpu.wait_indirect_dma semaphore(%arg12 : memref<!tpu.dma_semaphore, #tpu.memory_space<semaphore_mem>>) src(%dma_wait3A_92 : memref<20000x128xf32, #tpu.memory_space<hbm>>) dst(%arg9 : memref<128x128xf32, #tpu.memory_space<vmem>>)
      "tpu.region"() ({
        %run_scoped3A = tpu.sem_alloc : memref<!tpu.dma_semaphore, #tpu.memory_space<semaphore_mem>>
        %dma_start3A_111 = arith.constant 0 : i32
        %dma_start3A_112 = tpu.memref_slice %arg8[%mul3A_78, %dma_start3A_111] : memref<16x128xi32, #tpu.memory_space<vmem>> -> memref<1x128xi32, #tpu.memory_space<vmem>>
        %dma_start3A_113 = tpu.memref_squeeze %dma_start3A_112 : memref<1x128xi32, #tpu.memory_space<vmem>> -> memref<128xi32, #tpu.memory_space<vmem>>
        %dma_start3A_114 = arith.constant 0 : i32
        %dma_start3A_115 = arith.constant 0 : i32
        %dma_start3A_116 = tpu.memref_slice %arg11[%dma_start3A_114, %dma_start3A_115] : memref<10112x128xf32, #tpu.memory_space<vmem_shared>> -> memref<10112x128xf32, #tpu.memory_space<vmem_shared>>
        tpu.enqueue_indirect_dma source(%arg9 : memref<128x128xf32, #tpu.memory_space<vmem>>) target(%dma_start3A_116 : memref<10112x128xf32, #tpu.memory_space<vmem_shared>>) offsets(%dma_start3A_113 : memref<128xi32, #tpu.memory_space<vmem>>) semaphore(%run_scoped3A : memref<!tpu.dma_semaphore, #tpu.memory_space<semaphore_mem>>) {add = true}
        %dma_wait3A_117 = arith.constant 0 : i32
        %dma_wait3A_118 = tpu.memref_slice %arg8[%mul3A_78, %dma_wait3A_117] : memref<16x128xi32, #tpu.memory_space<vmem>> -> memref<1x128xi32, #tpu.memory_space<vmem>>
        %dma_wait3A_119 = tpu.memref_squeeze %dma_wait3A_118 : memref<1x128xi32, #tpu.memory_space<vmem>> -> memref<128xi32, #tpu.memory_space<vmem>>
        %dma_wait3A_120 = arith.constant 0 : i32
        %dma_wait3A_121 = arith.constant 0 : i32
        %dma_wait3A_122 = tpu.memref_slice %arg11[%dma_wait3A_120, %dma_wait3A_121] : memref<10112x128xf32, #tpu.memory_space<vmem_shared>> -> memref<10112x128xf32, #tpu.memory_space<vmem_shared>>
        tpu.wait_indirect_dma semaphore(%run_scoped3A : memref<!tpu.dma_semaphore, #tpu.memory_space<semaphore_mem>>) src(%arg9 : memref<128x128xf32, #tpu.memory_space<vmem>>) dst(%dma_wait3A_122 : memref<10112x128xf32, #tpu.memory_space<vmem_shared>>)
        tpu.yield
      }) : () -> ()
      %add3A_93 = arith.constant 2 : i32
      %add3A_94 = arith.addi %add3A_76, %add3A_93 : i32
      %dma_start3A_95 = arith.constant 0 : i32
      %dma_start3A_96 = tpu.memref_slice %arg7[%add3A_94, %dma_start3A_95] : memref<81x128xi32, #tpu.memory_space<vmem>> -> memref<1x128xi32, #tpu.memory_space<vmem>>
      %dma_start3A_97 = tpu.memref_squeeze %dma_start3A_96 : memref<1x128xi32, #tpu.memory_space<vmem>> -> memref<128xi32, #tpu.memory_space<vmem>>
      %dma_start3A_98 = arith.constant 0 : i32
      %dma_start3A_99 = arith.constant 0 : i32
      %dma_start3A_100 = tpu.memref_slice %arg2[%dma_start3A_98, %dma_start3A_99] : memref<20000x128xf32, #tpu.memory_space<hbm>> -> memref<20000x128xf32, #tpu.memory_space<hbm>>
      tpu.enqueue_indirect_dma source(%dma_start3A_100 : memref<20000x128xf32, #tpu.memory_space<hbm>>) target(%arg9 : memref<128x128xf32, #tpu.memory_space<vmem>>) offsets(%dma_start3A_97 : memref<128xi32, #tpu.memory_space<vmem>>) semaphore(%arg12 : memref<!tpu.dma_semaphore, #tpu.memory_space<semaphore_mem>>)
      %add3A_101 = arith.constant 1 : i32
      %add3A_102 = arith.addi %add3A_76, %add3A_101 : i32
      %dma_wait3A_103 = arith.constant 0 : i32
      %dma_wait3A_104 = tpu.memref_slice %arg7[%add3A_102, %dma_wait3A_103] : memref<81x128xi32, #tpu.memory_space<vmem>> -> memref<1x128xi32, #tpu.memory_space<vmem>>
      %dma_wait3A_105 = tpu.memref_squeeze %dma_wait3A_104 : memref<1x128xi32, #tpu.memory_space<vmem>> -> memref<128xi32, #tpu.memory_space<vmem>>
      %dma_wait3A_106 = arith.constant 0 : i32
      %dma_wait3A_107 = arith.constant 0 : i32
      %dma_wait3A_108 = tpu.memref_slice %arg2[%dma_wait3A_106, %dma_wait3A_107] : memref<20000x128xf32, #tpu.memory_space<hbm>> -> memref<20000x128xf32, #tpu.memory_space<hbm>>
      tpu.wait_indirect_dma semaphore(%arg13 : memref<!tpu.dma_semaphore, #tpu.memory_space<semaphore_mem>>) src(%dma_wait3A_108 : memref<20000x128xf32, #tpu.memory_space<hbm>>) dst(%arg10 : memref<128x128xf32, #tpu.memory_space<vmem>>)
      %add3A_109 = arith.constant 1 : i32
      %add3A_110 = arith.addi %mul3A_78, %add3A_109 : i32
      "tpu.region"() ({
        %run_scoped3A = tpu.sem_alloc : memref<!tpu.dma_semaphore, #tpu.memory_space<semaphore_mem>>
        %dma_start3A_111 = arith.constant 0 : i32
        %dma_start3A_112 = tpu.memref_slice %arg8[%add3A_110, %dma_start3A_111] : memref<16x128xi32, #tpu.memory_space<vmem>> -> memref<1x128xi32, #tpu.memory_space<vmem>>
        %dma_start3A_113 = tpu.memref_squeeze %dma_start3A_112 : memref<1x128xi32, #tpu.memory_space<vmem>> -> memref<128xi32, #tpu.memory_space<vmem>>
        %dma_start3A_114 = arith.constant 0 : i32
        %dma_start3A_115 = arith.constant 0 : i32
        %dma_start3A_116 = tpu.memref_slice %arg11[%dma_start3A_114, %dma_start3A_115] : memref<10112x128xf32, #tpu.memory_space<vmem_shared>> -> memref<10112x128xf32, #tpu.memory_space<vmem_shared>>
        tpu.enqueue_indirect_dma source(%arg10 : memref<128x128xf32, #tpu.memory_space<vmem>>) target(%dma_start3A_116 : memref<10112x128xf32, #tpu.memory_space<vmem_shared>>) offsets(%dma_start3A_113 : memref<128xi32, #tpu.memory_space<vmem>>) semaphore(%run_scoped3A : memref<!tpu.dma_semaphore, #tpu.memory_space<semaphore_mem>>) {add = true}
        %dma_wait3A_117 = arith.constant 0 : i32
        %dma_wait3A_118 = tpu.memref_slice %arg8[%add3A_110, %dma_wait3A_117] : memref<16x128xi32, #tpu.memory_space<vmem>> -> memref<1x128xi32, #tpu.memory_space<vmem>>
        %dma_wait3A_119 = tpu.memref_squeeze %dma_wait3A_118 : memref<1x128xi32, #tpu.memory_space<vmem>> -> memref<128xi32, #tpu.memory_space<vmem>>
        %dma_wait3A_120 = arith.constant 0 : i32
        %dma_wait3A_121 = arith.constant 0 : i32
        %dma_wait3A_122 = tpu.memref_slice %arg11[%dma_wait3A_120, %dma_wait3A_121] : memref<10112x128xf32, #tpu.memory_space<vmem_shared>> -> memref<10112x128xf32, #tpu.memory_space<vmem_shared>>
        tpu.wait_indirect_dma semaphore(%run_scoped3A : memref<!tpu.dma_semaphore, #tpu.memory_space<semaphore_mem>>) src(%arg10 : memref<128x128xf32, #tpu.memory_space<vmem>>) dst(%dma_wait3A_122 : memref<10112x128xf32, #tpu.memory_space<vmem_shared>>)
        tpu.yield
      }) : () -> ()
    }
    %scan3A_38 = arith.constant 8 : i32
    "tpu.region"() ({
      %run_scoped3A = tpu.sem_alloc : memref<!tpu.dma_semaphore, #tpu.memory_space<semaphore_mem>>
      %dma_start3A_72 = arith.constant 64 : i32
      %dma_start3A_73 = arith.constant 0 : i32
      %dma_start3A_74 = tpu.memref_slice %arg4[%arg1, %dma_start3A_72, %dma_start3A_73] : memref<16x80x128xi32, #tpu.memory_space<hbm>> -> memref<1x16x128xi32, #tpu.memory_space<hbm>>
      %dma_start3A_75 = tpu.memref_squeeze %dma_start3A_74 : memref<1x16x128xi32, #tpu.memory_space<hbm>> -> memref<16x128xi32, #tpu.memory_space<hbm>>
      %dma_start3A_76 = arith.constant 64 : i32
      %dma_start3A_77 = arith.constant 0 : i32
      %dma_start3A_78 = tpu.memref_slice %arg4[%arg1, %dma_start3A_76, %dma_start3A_77] : memref<16x80x128xi32, #tpu.memory_space<hbm>> -> memref<1x16x128xi32, #tpu.memory_space<hbm>>
      %dma_start3A_79 = tpu.memref_squeeze %dma_start3A_78 : memref<1x16x128xi32, #tpu.memory_space<hbm>> -> memref<16x128xi32, #tpu.memory_space<hbm>>
      tpu.enqueue_dma source(%dma_start3A_79 : memref<16x128xi32, #tpu.memory_space<hbm>>) target(%arg8 : memref<16x128xi32, #tpu.memory_space<vmem>>) target_semaphore(%run_scoped3A : memref<!tpu.dma_semaphore, #tpu.memory_space<semaphore_mem>>)
      %dma_wait3A_80 = arith.constant 64 : i32
      %dma_wait3A_81 = arith.constant 0 : i32
      %dma_wait3A_82 = tpu.memref_slice %arg4[%arg1, %dma_wait3A_80, %dma_wait3A_81] : memref<16x80x128xi32, #tpu.memory_space<hbm>> -> memref<1x16x128xi32, #tpu.memory_space<hbm>>
      %dma_wait3A_83 = tpu.memref_squeeze %dma_wait3A_82 : memref<1x16x128xi32, #tpu.memory_space<hbm>> -> memref<16x128xi32, #tpu.memory_space<hbm>>
      %dma_wait3A_84 = arith.constant 64 : i32
      %dma_wait3A_85 = arith.constant 0 : i32
      %dma_wait3A_86 = tpu.memref_slice %arg4[%arg1, %dma_wait3A_84, %dma_wait3A_85] : memref<16x80x128xi32, #tpu.memory_space<hbm>> -> memref<1x16x128xi32, #tpu.memory_space<hbm>>
      %dma_wait3A_87 = tpu.memref_squeeze %dma_wait3A_86 : memref<1x16x128xi32, #tpu.memory_space<hbm>> -> memref<16x128xi32, #tpu.memory_space<hbm>>
      tpu.wait_dma2 semaphore(%run_scoped3A : memref<!tpu.dma_semaphore, #tpu.memory_space<semaphore_mem>>) src(%dma_wait3A_87 : memref<16x128xi32, #tpu.memory_space<hbm>>) dst(%arg8 : memref<16x128xi32, #tpu.memory_space<vmem>>)
      tpu.yield
    }) : () -> ()
    %scan3A_39 = arith.constant 0 : i32
    %scan3A_40 = arith.constant 0 : i32
    %scan3A_41 = arith.constant 8 : i32
    %scan3A_42 = arith.addi %scan3A_40, %scan3A_41 : i32
    %scan3A_43 = arith.constant 1 : i32
    scf.for %scan3A_72 = %scan3A_40 to %scan3A_42 step %scan3A_43  : i32 {
      %mul3A_73 = arith.constant 2 : i32
      %mul3A_74 = arith.muli %mul3A_73, %scan3A_72 : i32
      %add3A_75 = arith.constant 64 : i32
      %add3A_76 = arith.addi %add3A_75, %mul3A_74 : i32
      %mul3A_77 = arith.constant 2 : i32
      %mul3A_78 = arith.muli %mul3A_77, %scan3A_72 : i32
      %add3A_79 = arith.constant 1 : i32
      %add3A_80 = arith.addi %add3A_76, %add3A_79 : i32
      %dma_start3A_81 = arith.constant 0 : i32
      %dma_start3A_82 = tpu.memref_slice %arg7[%add3A_80, %dma_start3A_81] : memref<81x128xi32, #tpu.memory_space<vmem>> -> memref<1x128xi32, #tpu.memory_space<vmem>>
      %dma_start3A_83 = tpu.memref_squeeze %dma_start3A_82 : memref<1x128xi32, #tpu.memory_space<vmem>> -> memref<128xi32, #tpu.memory_space<vmem>>
      %dma_start3A_84 = arith.constant 0 : i32
      %dma_start3A_85 = arith.constant 0 : i32
      %dma_start3A_86 = tpu.memref_slice %arg2[%dma_start3A_84, %dma_start3A_85] : memref<20000x128xf32, #tpu.memory_space<hbm>> -> memref<20000x128xf32, #tpu.memory_space<hbm>>
      tpu.enqueue_indirect_dma source(%dma_start3A_86 : memref<20000x128xf32, #tpu.memory_space<hbm>>) target(%arg10 : memref<128x128xf32, #tpu.memory_space<vmem>>) offsets(%dma_start3A_83 : memref<128xi32, #tpu.memory_space<vmem>>) semaphore(%arg13 : memref<!tpu.dma_semaphore, #tpu.memory_space<semaphore_mem>>)
      %dma_wait3A_87 = arith.constant 0 : i32
      %dma_wait3A_88 = tpu.memref_slice %arg7[%add3A_76, %dma_wait3A_87] : memref<81x128xi32, #tpu.memory_space<vmem>> -> memref<1x128xi32, #tpu.memory_space<vmem>>
      %dma_wait3A_89 = tpu.memref_squeeze %dma_wait3A_88 : memref<1x128xi32, #tpu.memory_space<vmem>> -> memref<128xi32, #tpu.memory_space<vmem>>
      %dma_wait3A_90 = arith.constant 0 : i32
      %dma_wait3A_91 = arith.constant 0 : i32
      %dma_wait3A_92 = tpu.memref_slice %arg2[%dma_wait3A_90, %dma_wait3A_91] : memref<20000x128xf32, #tpu.memory_space<hbm>> -> memref<20000x128xf32, #tpu.memory_space<hbm>>
      tpu.wait_indirect_dma semaphore(%arg12 : memref<!tpu.dma_semaphore, #tpu.memory_space<semaphore_mem>>) src(%dma_wait3A_92 : memref<20000x128xf32, #tpu.memory_space<hbm>>) dst(%arg9 : memref<128x128xf32, #tpu.memory_space<vmem>>)
      "tpu.region"() ({
        %run_scoped3A = tpu.sem_alloc : memref<!tpu.dma_semaphore, #tpu.memory_space<semaphore_mem>>
        %dma_start3A_111 = arith.constant 0 : i32
        %dma_start3A_112 = tpu.memref_slice %arg8[%mul3A_78, %dma_start3A_111] : memref<16x128xi32, #tpu.memory_space<vmem>> -> memref<1x128xi32, #tpu.memory_space<vmem>>
        %dma_start3A_113 = tpu.memref_squeeze %dma_start3A_112 : memref<1x128xi32, #tpu.memory_space<vmem>> -> memref<128xi32, #tpu.memory_space<vmem>>
        %dma_start3A_114 = arith.constant 0 : i32
        %dma_start3A_115 = arith.constant 0 : i32
        %dma_start3A_116 = tpu.memref_slice %arg11[%dma_start3A_114, %dma_start3A_115] : memref<10112x128xf32, #tpu.memory_space<vmem_shared>> -> memref<10112x128xf32, #tpu.memory_space<vmem_shared>>
        tpu.enqueue_indirect_dma source(%arg9 : memref<128x128xf32, #tpu.memory_space<vmem>>) target(%dma_start3A_116 : memref<10112x128xf32, #tpu.memory_space<vmem_shared>>) offsets(%dma_start3A_113 : memref<128xi32, #tpu.memory_space<vmem>>) semaphore(%run_scoped3A : memref<!tpu.dma_semaphore, #tpu.memory_space<semaphore_mem>>) {add = true}
        %dma_wait3A_117 = arith.constant 0 : i32
        %dma_wait3A_118 = tpu.memref_slice %arg8[%mul3A_78, %dma_wait3A_117] : memref<16x128xi32, #tpu.memory_space<vmem>> -> memref<1x128xi32, #tpu.memory_space<vmem>>
        %dma_wait3A_119 = tpu.memref_squeeze %dma_wait3A_118 : memref<1x128xi32, #tpu.memory_space<vmem>> -> memref<128xi32, #tpu.memory_space<vmem>>
        %dma_wait3A_120 = arith.constant 0 : i32
        %dma_wait3A_121 = arith.constant 0 : i32
        %dma_wait3A_122 = tpu.memref_slice %arg11[%dma_wait3A_120, %dma_wait3A_121] : memref<10112x128xf32, #tpu.memory_space<vmem_shared>> -> memref<10112x128xf32, #tpu.memory_space<vmem_shared>>
        tpu.wait_indirect_dma semaphore(%run_scoped3A : memref<!tpu.dma_semaphore, #tpu.memory_space<semaphore_mem>>) src(%arg9 : memref<128x128xf32, #tpu.memory_space<vmem>>) dst(%dma_wait3A_122 : memref<10112x128xf32, #tpu.memory_space<vmem_shared>>)
        tpu.yield
      }) : () -> ()
      %add3A_93 = arith.constant 2 : i32
      %add3A_94 = arith.addi %add3A_76, %add3A_93 : i32
      %dma_start3A_95 = arith.constant 0 : i32
      %dma_start3A_96 = tpu.memref_slice %arg7[%add3A_94, %dma_start3A_95] : memref<81x128xi32, #tpu.memory_space<vmem>> -> memref<1x128xi32, #tpu.memory_space<vmem>>
      %dma_start3A_97 = tpu.memref_squeeze %dma_start3A_96 : memref<1x128xi32, #tpu.memory_space<vmem>> -> memref<128xi32, #tpu.memory_space<vmem>>
      %dma_start3A_98 = arith.constant 0 : i32
      %dma_start3A_99 = arith.constant 0 : i32
      %dma_start3A_100 = tpu.memref_slice %arg2[%dma_start3A_98, %dma_start3A_99] : memref<20000x128xf32, #tpu.memory_space<hbm>> -> memref<20000x128xf32, #tpu.memory_space<hbm>>
      tpu.enqueue_indirect_dma source(%dma_start3A_100 : memref<20000x128xf32, #tpu.memory_space<hbm>>) target(%arg9 : memref<128x128xf32, #tpu.memory_space<vmem>>) offsets(%dma_start3A_97 : memref<128xi32, #tpu.memory_space<vmem>>) semaphore(%arg12 : memref<!tpu.dma_semaphore, #tpu.memory_space<semaphore_mem>>)
      %add3A_101 = arith.constant 1 : i32
      %add3A_102 = arith.addi %add3A_76, %add3A_101 : i32
      %dma_wait3A_103 = arith.constant 0 : i32
      %dma_wait3A_104 = tpu.memref_slice %arg7[%add3A_102, %dma_wait3A_103] : memref<81x128xi32, #tpu.memory_space<vmem>> -> memref<1x128xi32, #tpu.memory_space<vmem>>
      %dma_wait3A_105 = tpu.memref_squeeze %dma_wait3A_104 : memref<1x128xi32, #tpu.memory_space<vmem>> -> memref<128xi32, #tpu.memory_space<vmem>>
      %dma_wait3A_106 = arith.constant 0 : i32
      %dma_wait3A_107 = arith.constant 0 : i32
      %dma_wait3A_108 = tpu.memref_slice %arg2[%dma_wait3A_106, %dma_wait3A_107] : memref<20000x128xf32, #tpu.memory_space<hbm>> -> memref<20000x128xf32, #tpu.memory_space<hbm>>
      tpu.wait_indirect_dma semaphore(%arg13 : memref<!tpu.dma_semaphore, #tpu.memory_space<semaphore_mem>>) src(%dma_wait3A_108 : memref<20000x128xf32, #tpu.memory_space<hbm>>) dst(%arg10 : memref<128x128xf32, #tpu.memory_space<vmem>>)
      %add3A_109 = arith.constant 1 : i32
      %add3A_110 = arith.addi %mul3A_78, %add3A_109 : i32
      "tpu.region"() ({
        %run_scoped3A = tpu.sem_alloc : memref<!tpu.dma_semaphore, #tpu.memory_space<semaphore_mem>>
        %dma_start3A_111 = arith.constant 0 : i32
        %dma_start3A_112 = tpu.memref_slice %arg8[%add3A_110, %dma_start3A_111] : memref<16x128xi32, #tpu.memory_space<vmem>> -> memref<1x128xi32, #tpu.memory_space<vmem>>
        %dma_start3A_113 = tpu.memref_squeeze %dma_start3A_112 : memref<1x128xi32, #tpu.memory_space<vmem>> -> memref<128xi32, #tpu.memory_space<vmem>>
        %dma_start3A_114 = arith.constant 0 : i32
        %dma_start3A_115 = arith.constant 0 : i32
        %dma_start3A_116 = tpu.memref_slice %arg11[%dma_start3A_114, %dma_start3A_115] : memref<10112x128xf32, #tpu.memory_space<vmem_shared>> -> memref<10112x128xf32, #tpu.memory_space<vmem_shared>>
        tpu.enqueue_indirect_dma source(%arg10 : memref<128x128xf32, #tpu.memory_space<vmem>>) target(%dma_start3A_116 : memref<10112x128xf32, #tpu.memory_space<vmem_shared>>) offsets(%dma_start3A_113 : memref<128xi32, #tpu.memory_space<vmem>>) semaphore(%run_scoped3A : memref<!tpu.dma_semaphore, #tpu.memory_space<semaphore_mem>>) {add = true}
        %dma_wait3A_117 = arith.constant 0 : i32
        %dma_wait3A_118 = tpu.memref_slice %arg8[%add3A_110, %dma_wait3A_117] : memref<16x128xi32, #tpu.memory_space<vmem>> -> memref<1x128xi32, #tpu.memory_space<vmem>>
        %dma_wait3A_119 = tpu.memref_squeeze %dma_wait3A_118 : memref<1x128xi32, #tpu.memory_space<vmem>> -> memref<128xi32, #tpu.memory_space<vmem>>
        %dma_wait3A_120 = arith.constant 0 : i32
        %dma_wait3A_121 = arith.constant 0 : i32
        %dma_wait3A_122 = tpu.memref_slice %arg11[%dma_wait3A_120, %dma_wait3A_121] : memref<10112x128xf32, #tpu.memory_space<vmem_shared>> -> memref<10112x128xf32, #tpu.memory_space<vmem_shared>>
        tpu.wait_indirect_dma semaphore(%run_scoped3A : memref<!tpu.dma_semaphore, #tpu.memory_space<semaphore_mem>>) src(%arg10 : memref<128x128xf32, #tpu.memory_space<vmem>>) dst(%dma_wait3A_122 : memref<10112x128xf32, #tpu.memory_space<vmem_shared>>)
        tpu.yield
      }) : () -> ()
    }
    %scan3A_44 = arith.constant 8 : i32
    %dma_wait3A = arith.constant 80 : i32
    %dma_wait3A_45 = arith.constant 0 : i32
    %dma_wait3A_46 = tpu.memref_slice %arg7[%dma_wait3A, %dma_wait3A_45] : memref<81x128xi32, #tpu.memory_space<vmem>> -> memref<1x128xi32, #tpu.memory_space<vmem>>
    %dma_wait3A_47 = tpu.memref_squeeze %dma_wait3A_46 : memref<1x128xi32, #tpu.memory_space<vmem>> -> memref<128xi32, #tpu.memory_space<vmem>>
    %dma_wait3A_48 = arith.constant 0 : i32
    %dma_wait3A_49 = arith.constant 0 : i32
    %dma_wait3A_50 = tpu.memref_slice %arg2[%dma_wait3A_48, %dma_wait3A_49] : memref<20000x128xf32, #tpu.memory_space<hbm>> -> memref<20000x128xf32, #tpu.memory_space<hbm>>
    tpu.wait_indirect_dma semaphore(%arg12 : memref<!tpu.dma_semaphore, #tpu.memory_space<semaphore_mem>>) src(%dma_wait3A_50 : memref<20000x128xf32, #tpu.memory_space<hbm>>) dst(%arg9 : memref<128x128xf32, #tpu.memory_space<vmem>>)
    %barrier3A_51 = arith.constant 0 : index
    tpu.barrier barrier_id(%barrier3A_51)
    %add3A_52 = arith.constant 0 : i32
    %add3A_53 = arith.addi %mul3A_0, %add3A_52 : i32
    "tpu.region"() ({
      %run_scoped3A = tpu.sem_alloc : memref<!tpu.dma_semaphore, #tpu.memory_space<semaphore_mem>>
      %dma_start3A_72 = arith.constant 0 : i32
      %dma_start3A_73 = tpu.memref_slice %arg11[%add3A_53, %dma_start3A_72] : memref<10112x128xf32, #tpu.memory_space<vmem_shared>> -> memref<128x128xf32, #tpu.memory_space<vmem_shared>>
      %dma_start3A_74 = arith.constant 0 : i32
      %dma_start3A_75 = tpu.memref_slice %arg11[%add3A_53, %dma_start3A_74] : memref<10112x128xf32, #tpu.memory_space<vmem_shared>> -> memref<128x128xf32, #tpu.memory_space<vmem_shared>>
      tpu.enqueue_dma source(%dma_start3A_75 : memref<128x128xf32, #tpu.memory_space<vmem_shared>>) target(%arg9 : memref<128x128xf32, #tpu.memory_space<vmem>>) target_semaphore(%run_scoped3A : memref<!tpu.dma_semaphore, #tpu.memory_space<semaphore_mem>>)
      %dma_wait3A_76 = arith.constant 0 : i32
      %dma_wait3A_77 = tpu.memref_slice %arg11[%add3A_53, %dma_wait3A_76] : memref<10112x128xf32, #tpu.memory_space<vmem_shared>> -> memref<128x128xf32, #tpu.memory_space<vmem_shared>>
      %dma_wait3A_78 = arith.constant 0 : i32
      %dma_wait3A_79 = tpu.memref_slice %arg11[%add3A_53, %dma_wait3A_78] : memref<10112x128xf32, #tpu.memory_space<vmem_shared>> -> memref<128x128xf32, #tpu.memory_space<vmem_shared>>
      tpu.wait_dma2 semaphore(%run_scoped3A : memref<!tpu.dma_semaphore, #tpu.memory_space<semaphore_mem>>) src(%dma_wait3A_79 : memref<128x128xf32, #tpu.memory_space<vmem_shared>>) dst(%arg9 : memref<128x128xf32, #tpu.memory_space<vmem>>)
      tpu.yield
    }) : () -> ()
    %add3A_54 = arith.constant 0 : i32
    %add3A_55 = arith.addi %mul3A_0, %add3A_54 : i32
    "tpu.region"() ({
      %run_scoped3A = tpu.sem_alloc : memref<!tpu.dma_semaphore, #tpu.memory_space<semaphore_mem>>
      %dma_start3A_72 = arith.constant 0 : i32
      %dma_start3A_73 = tpu.memref_slice %arg6[%arg0, %add3A_55, %dma_start3A_72] : memref<2x10112x128xf32, #tpu.memory_space<hbm>> -> memref<1x128x128xf32, #tpu.memory_space<hbm>>
      %dma_start3A_74 = tpu.memref_squeeze %dma_start3A_73 : memref<1x128x128xf32, #tpu.memory_space<hbm>> -> memref<128x128xf32, #tpu.memory_space<hbm>>
      %dma_start3A_75 = arith.constant 0 : i32
      %dma_start3A_76 = tpu.memref_slice %arg6[%arg0, %add3A_55, %dma_start3A_75] : memref<2x10112x128xf32, #tpu.memory_space<hbm>> -> memref<1x128x128xf32, #tpu.memory_space<hbm>>
      %dma_start3A_77 = tpu.memref_squeeze %dma_start3A_76 : memref<1x128x128xf32, #tpu.memory_space<hbm>> -> memref<128x128xf32, #tpu.memory_space<hbm>>
      tpu.enqueue_dma source(%arg9 : memref<128x128xf32, #tpu.memory_space<vmem>>) target(%dma_start3A_77 : memref<128x128xf32, #tpu.memory_space<hbm>>) target_semaphore(%run_scoped3A : memref<!tpu.dma_semaphore, #tpu.memory_space<semaphore_mem>>)
      %dma_wait3A_78 = arith.constant 0 : i32
      %dma_wait3A_79 = tpu.memref_slice %arg6[%arg0, %add3A_55, %dma_wait3A_78] : memref<2x10112x128xf32, #tpu.memory_space<hbm>> -> memref<1x128x128xf32, #tpu.memory_space<hbm>>
      %dma_wait3A_80 = tpu.memref_squeeze %dma_wait3A_79 : memref<1x128x128xf32, #tpu.memory_space<hbm>> -> memref<128x128xf32, #tpu.memory_space<hbm>>
      %dma_wait3A_81 = arith.constant 0 : i32
      %dma_wait3A_82 = tpu.memref_slice %arg6[%arg0, %add3A_55, %dma_wait3A_81] : memref<2x10112x128xf32, #tpu.memory_space<hbm>> -> memref<1x128x128xf32, #tpu.memory_space<hbm>>
      %dma_wait3A_83 = tpu.memref_squeeze %dma_wait3A_82 : memref<1x128x128xf32, #tpu.memory_space<hbm>> -> memref<128x128xf32, #tpu.memory_space<hbm>>
      tpu.wait_dma2 semaphore(%run_scoped3A : memref<!tpu.dma_semaphore, #tpu.memory_space<semaphore_mem>>) src(%arg9 : memref<128x128xf32, #tpu.memory_space<vmem>>) dst(%dma_wait3A_83 : memref<128x128xf32, #tpu.memory_space<hbm>>)
      tpu.yield
    }) : () -> ()
    %add3A_56 = arith.constant 128 : i32
    %add3A_57 = arith.addi %mul3A_0, %add3A_56 : i32
    "tpu.region"() ({
      %run_scoped3A = tpu.sem_alloc : memref<!tpu.dma_semaphore, #tpu.memory_space<semaphore_mem>>
      %dma_start3A_72 = arith.constant 0 : i32
      %dma_start3A_73 = tpu.memref_slice %arg11[%add3A_57, %dma_start3A_72] : memref<10112x128xf32, #tpu.memory_space<vmem_shared>> -> memref<128x128xf32, #tpu.memory_space<vmem_shared>>
      %dma_start3A_74 = arith.constant 0 : i32
      %dma_start3A_75 = tpu.memref_slice %arg11[%add3A_57, %dma_start3A_74] : memref<10112x128xf32, #tpu.memory_space<vmem_shared>> -> memref<128x128xf32, #tpu.memory_space<vmem_shared>>
      tpu.enqueue_dma source(%dma_start3A_75 : memref<128x128xf32, #tpu.memory_space<vmem_shared>>) target(%arg9 : memref<128x128xf32, #tpu.memory_space<vmem>>) target_semaphore(%run_scoped3A : memref<!tpu.dma_semaphore, #tpu.memory_space<semaphore_mem>>)
      %dma_wait3A_76 = arith.constant 0 : i32
      %dma_wait3A_77 = tpu.memref_slice %arg11[%add3A_57, %dma_wait3A_76] : memref<10112x128xf32, #tpu.memory_space<vmem_shared>> -> memref<128x128xf32, #tpu.memory_space<vmem_shared>>
      %dma_wait3A_78 = arith.constant 0 : i32
      %dma_wait3A_79 = tpu.memref_slice %arg11[%add3A_57, %dma_wait3A_78] : memref<10112x128xf32, #tpu.memory_space<vmem_shared>> -> memref<128x128xf32, #tpu.memory_space<vmem_shared>>
      tpu.wait_dma2 semaphore(%run_scoped3A : memref<!tpu.dma_semaphore, #tpu.memory_space<semaphore_mem>>) src(%dma_wait3A_79 : memref<128x128xf32, #tpu.memory_space<vmem_shared>>) dst(%arg9 : memref<128x128xf32, #tpu.memory_space<vmem>>)
      tpu.yield
    }) : () -> ()
    %add3A_58 = arith.constant 128 : i32
    %add3A_59 = arith.addi %mul3A_0, %add3A_58 : i32
    "tpu.region"() ({
      %run_scoped3A = tpu.sem_alloc : memref<!tpu.dma_semaphore, #tpu.memory_space<semaphore_mem>>
      %dma_start3A_72 = arith.constant 0 : i32
      %dma_start3A_73 = tpu.memref_slice %arg6[%arg0, %add3A_59, %dma_start3A_72] : memref<2x10112x128xf32, #tpu.memory_space<hbm>> -> memref<1x128x128xf32, #tpu.memory_space<hbm>>
      %dma_start3A_74 = tpu.memref_squeeze %dma_start3A_73 : memref<1x128x128xf32, #tpu.memory_space<hbm>> -> memref<128x128xf32, #tpu.memory_space<hbm>>
      %dma_start3A_75 = arith.constant 0 : i32
      %dma_start3A_76 = tpu.memref_slice %arg6[%arg0, %add3A_59, %dma_start3A_75] : memref<2x10112x128xf32, #tpu.memory_space<hbm>> -> memref<1x128x128xf32, #tpu.memory_space<hbm>>
      %dma_start3A_77 = tpu.memref_squeeze %dma_start3A_76 : memref<1x128x128xf32, #tpu.memory_space<hbm>> -> memref<128x128xf32, #tpu.memory_space<hbm>>
      tpu.enqueue_dma source(%arg9 : memref<128x128xf32, #tpu.memory_space<vmem>>) target(%dma_start3A_77 : memref<128x128xf32, #tpu.memory_space<hbm>>) target_semaphore(%run_scoped3A : memref<!tpu.dma_semaphore, #tpu.memory_space<semaphore_mem>>)
      %dma_wait3A_78 = arith.constant 0 : i32
      %dma_wait3A_79 = tpu.memref_slice %arg6[%arg0, %add3A_59, %dma_wait3A_78] : memref<2x10112x128xf32, #tpu.memory_space<hbm>> -> memref<1x128x128xf32, #tpu.memory_space<hbm>>
      %dma_wait3A_80 = tpu.memref_squeeze %dma_wait3A_79 : memref<1x128x128xf32, #tpu.memory_space<hbm>> -> memref<128x128xf32, #tpu.memory_space<hbm>>
      %dma_wait3A_81 = arith.constant 0 : i32
      %dma_wait3A_82 = tpu.memref_slice %arg6[%arg0, %add3A_59, %dma_wait3A_81] : memref<2x10112x128xf32, #tpu.memory_space<hbm>> -> memref<1x128x128xf32, #tpu.memory_space<hbm>>
      %dma_wait3A_83 = tpu.memref_squeeze %dma_wait3A_82 : memref<1x128x128xf32, #tpu.memory_space<hbm>> -> memref<128x128xf32, #tpu.memory_space<hbm>>
      tpu.wait_dma2 semaphore(%run_scoped3A : memref<!tpu.dma_semaphore, #tpu.memory_space<semaphore_mem>>) src(%arg9 : memref<128x128xf32, #tpu.memory_space<vmem>>) dst(%dma_wait3A_83 : memref<128x128xf32, #tpu.memory_space<hbm>>)
      tpu.yield
    }) : () -> ()
    %add3A_60 = arith.constant 256 : i32
    %add3A_61 = arith.addi %mul3A_0, %add3A_60 : i32
    "tpu.region"() ({
      %run_scoped3A = tpu.sem_alloc : memref<!tpu.dma_semaphore, #tpu.memory_space<semaphore_mem>>
      %dma_start3A_72 = arith.constant 0 : i32
      %dma_start3A_73 = tpu.memref_slice %arg11[%add3A_61, %dma_start3A_72] : memref<10112x128xf32, #tpu.memory_space<vmem_shared>> -> memref<128x128xf32, #tpu.memory_space<vmem_shared>>
      %dma_start3A_74 = arith.constant 0 : i32
      %dma_start3A_75 = tpu.memref_slice %arg11[%add3A_61, %dma_start3A_74] : memref<10112x128xf32, #tpu.memory_space<vmem_shared>> -> memref<128x128xf32, #tpu.memory_space<vmem_shared>>
      tpu.enqueue_dma source(%dma_start3A_75 : memref<128x128xf32, #tpu.memory_space<vmem_shared>>) target(%arg9 : memref<128x128xf32, #tpu.memory_space<vmem>>) target_semaphore(%run_scoped3A : memref<!tpu.dma_semaphore, #tpu.memory_space<semaphore_mem>>)
      %dma_wait3A_76 = arith.constant 0 : i32
      %dma_wait3A_77 = tpu.memref_slice %arg11[%add3A_61, %dma_wait3A_76] : memref<10112x128xf32, #tpu.memory_space<vmem_shared>> -> memref<128x128xf32, #tpu.memory_space<vmem_shared>>
      %dma_wait3A_78 = arith.constant 0 : i32
      %dma_wait3A_79 = tpu.memref_slice %arg11[%add3A_61, %dma_wait3A_78] : memref<10112x128xf32, #tpu.memory_space<vmem_shared>> -> memref<128x128xf32, #tpu.memory_space<vmem_shared>>
      tpu.wait_dma2 semaphore(%run_scoped3A : memref<!tpu.dma_semaphore, #tpu.memory_space<semaphore_mem>>) src(%dma_wait3A_79 : memref<128x128xf32, #tpu.memory_space<vmem_shared>>) dst(%arg9 : memref<128x128xf32, #tpu.memory_space<vmem>>)
      tpu.yield
    }) : () -> ()
    %add3A_62 = arith.constant 256 : i32
    %add3A_63 = arith.addi %mul3A_0, %add3A_62 : i32
    "tpu.region"() ({
      %run_scoped3A = tpu.sem_alloc : memref<!tpu.dma_semaphore, #tpu.memory_space<semaphore_mem>>
      %dma_start3A_72 = arith.constant 0 : i32
      %dma_start3A_73 = tpu.memref_slice %arg6[%arg0, %add3A_63, %dma_start3A_72] : memref<2x10112x128xf32, #tpu.memory_space<hbm>> -> memref<1x128x128xf32, #tpu.memory_space<hbm>>
      %dma_start3A_74 = tpu.memref_squeeze %dma_start3A_73 : memref<1x128x128xf32, #tpu.memory_space<hbm>> -> memref<128x128xf32, #tpu.memory_space<hbm>>
      %dma_start3A_75 = arith.constant 0 : i32
      %dma_start3A_76 = tpu.memref_slice %arg6[%arg0, %add3A_63, %dma_start3A_75] : memref<2x10112x128xf32, #tpu.memory_space<hbm>> -> memref<1x128x128xf32, #tpu.memory_space<hbm>>
      %dma_start3A_77 = tpu.memref_squeeze %dma_start3A_76 : memref<1x128x128xf32, #tpu.memory_space<hbm>> -> memref<128x128xf32, #tpu.memory_space<hbm>>
      tpu.enqueue_dma source(%arg9 : memref<128x128xf32, #tpu.memory_space<vmem>>) target(%dma_start3A_77 : memref<128x128xf32, #tpu.memory_space<hbm>>) target_semaphore(%run_scoped3A : memref<!tpu.dma_semaphore, #tpu.memory_space<semaphore_mem>>)
      %dma_wait3A_78 = arith.constant 0 : i32
      %dma_wait3A_79 = tpu.memref_slice %arg6[%arg0, %add3A_63, %dma_wait3A_78] : memref<2x10112x128xf32, #tpu.memory_space<hbm>> -> memref<1x128x128xf32, #tpu.memory_space<hbm>>
      %dma_wait3A_80 = tpu.memref_squeeze %dma_wait3A_79 : memref<1x128x128xf32, #tpu.memory_space<hbm>> -> memref<128x128xf32, #tpu.memory_space<hbm>>
      %dma_wait3A_81 = arith.constant 0 : i32
      %dma_wait3A_82 = tpu.memref_slice %arg6[%arg0, %add3A_63, %dma_wait3A_81] : memref<2x10112x128xf32, #tpu.memory_space<hbm>> -> memref<1x128x128xf32, #tpu.memory_space<hbm>>
      %dma_wait3A_83 = tpu.memref_squeeze %dma_wait3A_82 : memref<1x128x128xf32, #tpu.memory_space<hbm>> -> memref<128x128xf32, #tpu.memory_space<hbm>>
      tpu.wait_dma2 semaphore(%run_scoped3A : memref<!tpu.dma_semaphore, #tpu.memory_space<semaphore_mem>>) src(%arg9 : memref<128x128xf32, #tpu.memory_space<vmem>>) dst(%dma_wait3A_83 : memref<128x128xf32, #tpu.memory_space<hbm>>)
      tpu.yield
    }) : () -> ()
    %add3A_64 = arith.constant 384 : i32
    %add3A_65 = arith.addi %mul3A_0, %add3A_64 : i32
    "tpu.region"() ({
      %run_scoped3A = tpu.sem_alloc : memref<!tpu.dma_semaphore, #tpu.memory_space<semaphore_mem>>
      %dma_start3A_72 = arith.constant 0 : i32
      %dma_start3A_73 = tpu.memref_slice %arg11[%add3A_65, %dma_start3A_72] : memref<10112x128xf32, #tpu.memory_space<vmem_shared>> -> memref<128x128xf32, #tpu.memory_space<vmem_shared>>
      %dma_start3A_74 = arith.constant 0 : i32
      %dma_start3A_75 = tpu.memref_slice %arg11[%add3A_65, %dma_start3A_74] : memref<10112x128xf32, #tpu.memory_space<vmem_shared>> -> memref<128x128xf32, #tpu.memory_space<vmem_shared>>
      tpu.enqueue_dma source(%dma_start3A_75 : memref<128x128xf32, #tpu.memory_space<vmem_shared>>) target(%arg9 : memref<128x128xf32, #tpu.memory_space<vmem>>) target_semaphore(%run_scoped3A : memref<!tpu.dma_semaphore, #tpu.memory_space<semaphore_mem>>)
      %dma_wait3A_76 = arith.constant 0 : i32
      %dma_wait3A_77 = tpu.memref_slice %arg11[%add3A_65, %dma_wait3A_76] : memref<10112x128xf32, #tpu.memory_space<vmem_shared>> -> memref<128x128xf32, #tpu.memory_space<vmem_shared>>
      %dma_wait3A_78 = arith.constant 0 : i32
      %dma_wait3A_79 = tpu.memref_slice %arg11[%add3A_65, %dma_wait3A_78] : memref<10112x128xf32, #tpu.memory_space<vmem_shared>> -> memref<128x128xf32, #tpu.memory_space<vmem_shared>>
      tpu.wait_dma2 semaphore(%run_scoped3A : memref<!tpu.dma_semaphore, #tpu.memory_space<semaphore_mem>>) src(%dma_wait3A_79 : memref<128x128xf32, #tpu.memory_space<vmem_shared>>) dst(%arg9 : memref<128x128xf32, #tpu.memory_space<vmem>>)
      tpu.yield
    }) : () -> ()
    %add3A_66 = arith.constant 384 : i32
    %add3A_67 = arith.addi %mul3A_0, %add3A_66 : i32
    "tpu.region"() ({
      %run_scoped3A = tpu.sem_alloc : memref<!tpu.dma_semaphore, #tpu.memory_space<semaphore_mem>>
      %dma_start3A_72 = arith.constant 0 : i32
      %dma_start3A_73 = tpu.memref_slice %arg6[%arg0, %add3A_67, %dma_start3A_72] : memref<2x10112x128xf32, #tpu.memory_space<hbm>> -> memref<1x128x128xf32, #tpu.memory_space<hbm>>
      %dma_start3A_74 = tpu.memref_squeeze %dma_start3A_73 : memref<1x128x128xf32, #tpu.memory_space<hbm>> -> memref<128x128xf32, #tpu.memory_space<hbm>>
      %dma_start3A_75 = arith.constant 0 : i32
      %dma_start3A_76 = tpu.memref_slice %arg6[%arg0, %add3A_67, %dma_start3A_75] : memref<2x10112x128xf32, #tpu.memory_space<hbm>> -> memref<1x128x128xf32, #tpu.memory_space<hbm>>
      %dma_start3A_77 = tpu.memref_squeeze %dma_start3A_76 : memref<1x128x128xf32, #tpu.memory_space<hbm>> -> memref<128x128xf32, #tpu.memory_space<hbm>>
      tpu.enqueue_dma source(%arg9 : memref<128x128xf32, #tpu.memory_space<vmem>>) target(%dma_start3A_77 : memref<128x128xf32, #tpu.memory_space<hbm>>) target_semaphore(%run_scoped3A : memref<!tpu.dma_semaphore, #tpu.memory_space<semaphore_mem>>)
      %dma_wait3A_78 = arith.constant 0 : i32
      %dma_wait3A_79 = tpu.memref_slice %arg6[%arg0, %add3A_67, %dma_wait3A_78] : memref<2x10112x128xf32, #tpu.memory_space<hbm>> -> memref<1x128x128xf32, #tpu.memory_space<hbm>>
      %dma_wait3A_80 = tpu.memref_squeeze %dma_wait3A_79 : memref<1x128x128xf32, #tpu.memory_space<hbm>> -> memref<128x128xf32, #tpu.memory_space<hbm>>
      %dma_wait3A_81 = arith.constant 0 : i32
      %dma_wait3A_82 = tpu.memref_slice %arg6[%arg0, %add3A_67, %dma_wait3A_81] : memref<2x10112x128xf32, #tpu.memory_space<hbm>> -> memref<1x128x128xf32, #tpu.memory_space<hbm>>
      %dma_wait3A_83 = tpu.memref_squeeze %dma_wait3A_82 : memref<1x128x128xf32, #tpu.memory_space<hbm>> -> memref<128x128xf32, #tpu.memory_space<hbm>>
      tpu.wait_dma2 semaphore(%run_scoped3A : memref<!tpu.dma_semaphore, #tpu.memory_space<semaphore_mem>>) src(%arg9 : memref<128x128xf32, #tpu.memory_space<vmem>>) dst(%dma_wait3A_83 : memref<128x128xf32, #tpu.memory_space<hbm>>)
      tpu.yield
    }) : () -> ()
    %add3A_68 = arith.constant 512 : i32
    %add3A_69 = arith.addi %mul3A_0, %add3A_68 : i32
    "tpu.region"() ({
      %run_scoped3A = tpu.sem_alloc : memref<!tpu.dma_semaphore, #tpu.memory_space<semaphore_mem>>
      %dma_start3A_72 = arith.constant 0 : i32
      %dma_start3A_73 = arith.constant 0 : i32
      %dma_start3A_74 = tpu.memref_slice %arg9[%dma_start3A_72, %dma_start3A_73] : memref<128x128xf32, #tpu.memory_space<vmem>> -> memref<120x128xf32, #tpu.memory_space<vmem>>
      %dma_start3A_75 = arith.constant 0 : i32
      %dma_start3A_76 = tpu.memref_slice %arg11[%add3A_69, %dma_start3A_75] : memref<10112x128xf32, #tpu.memory_space<vmem_shared>> -> memref<120x128xf32, #tpu.memory_space<vmem_shared>>
      %dma_start3A_77 = arith.constant 0 : i32
      %dma_start3A_78 = arith.constant 0 : i32
      %dma_start3A_79 = tpu.memref_slice %arg9[%dma_start3A_77, %dma_start3A_78] : memref<128x128xf32, #tpu.memory_space<vmem>> -> memref<120x128xf32, #tpu.memory_space<vmem>>
      %dma_start3A_80 = arith.constant 0 : i32
      %dma_start3A_81 = tpu.memref_slice %arg11[%add3A_69, %dma_start3A_80] : memref<10112x128xf32, #tpu.memory_space<vmem_shared>> -> memref<120x128xf32, #tpu.memory_space<vmem_shared>>
      tpu.enqueue_dma source(%dma_start3A_81 : memref<120x128xf32, #tpu.memory_space<vmem_shared>>) target(%dma_start3A_79 : memref<120x128xf32, #tpu.memory_space<vmem>>) target_semaphore(%run_scoped3A : memref<!tpu.dma_semaphore, #tpu.memory_space<semaphore_mem>>)
      %dma_wait3A_82 = arith.constant 0 : i32
      %dma_wait3A_83 = arith.constant 0 : i32
      %dma_wait3A_84 = tpu.memref_slice %arg9[%dma_wait3A_82, %dma_wait3A_83] : memref<128x128xf32, #tpu.memory_space<vmem>> -> memref<120x128xf32, #tpu.memory_space<vmem>>
      %dma_wait3A_85 = arith.constant 0 : i32
      %dma_wait3A_86 = tpu.memref_slice %arg11[%add3A_69, %dma_wait3A_85] : memref<10112x128xf32, #tpu.memory_space<vmem_shared>> -> memref<120x128xf32, #tpu.memory_space<vmem_shared>>
      %dma_wait3A_87 = arith.constant 0 : i32
      %dma_wait3A_88 = arith.constant 0 : i32
      %dma_wait3A_89 = tpu.memref_slice %arg9[%dma_wait3A_87, %dma_wait3A_88] : memref<128x128xf32, #tpu.memory_space<vmem>> -> memref<120x128xf32, #tpu.memory_space<vmem>>
      %dma_wait3A_90 = arith.constant 0 : i32
      %dma_wait3A_91 = tpu.memref_slice %arg11[%add3A_69, %dma_wait3A_90] : memref<10112x128xf32, #tpu.memory_space<vmem_shared>> -> memref<120x128xf32, #tpu.memory_space<vmem_shared>>
      tpu.wait_dma2 semaphore(%run_scoped3A : memref<!tpu.dma_semaphore, #tpu.memory_space<semaphore_mem>>) src(%dma_wait3A_91 : memref<120x128xf32, #tpu.memory_space<vmem_shared>>) dst(%dma_wait3A_89 : memref<120x128xf32, #tpu.memory_space<vmem>>)
      tpu.yield
    }) : () -> ()
    %add3A_70 = arith.constant 512 : i32
    %add3A_71 = arith.addi %mul3A_0, %add3A_70 : i32
    "tpu.region"() ({
      %run_scoped3A = tpu.sem_alloc : memref<!tpu.dma_semaphore, #tpu.memory_space<semaphore_mem>>
      %dma_start3A_72 = arith.constant 0 : i32
      %dma_start3A_73 = arith.constant 0 : i32
      %dma_start3A_74 = tpu.memref_slice %arg9[%dma_start3A_72, %dma_start3A_73] : memref<128x128xf32, #tpu.memory_space<vmem>> -> memref<120x128xf32, #tpu.memory_space<vmem>>
      %dma_start3A_75 = arith.constant 0 : i32
      %dma_start3A_76 = tpu.memref_slice %arg6[%arg0, %add3A_71, %dma_start3A_75] : memref<2x10112x128xf32, #tpu.memory_space<hbm>> -> memref<1x120x128xf32, #tpu.memory_space<hbm>>
      %dma_start3A_77 = tpu.memref_squeeze %dma_start3A_76 : memref<1x120x128xf32, #tpu.memory_space<hbm>> -> memref<120x128xf32, #tpu.memory_space<hbm>>
      %dma_start3A_78 = arith.constant 0 : i32
      %dma_start3A_79 = tpu.memref_slice %arg6[%arg0, %add3A_71, %dma_start3A_78] : memref<2x10112x128xf32, #tpu.memory_space<hbm>> -> memref<1x120x128xf32, #tpu.memory_space<hbm>>
      %dma_start3A_80 = tpu.memref_squeeze %dma_start3A_79 : memref<1x120x128xf32, #tpu.memory_space<hbm>> -> memref<120x128xf32, #tpu.memory_space<hbm>>
      %dma_start3A_81 = arith.constant 0 : i32
      %dma_start3A_82 = arith.constant 0 : i32
      %dma_start3A_83 = tpu.memref_slice %arg9[%dma_start3A_81, %dma_start3A_82] : memref<128x128xf32, #tpu.memory_space<vmem>> -> memref<120x128xf32, #tpu.memory_space<vmem>>
      tpu.enqueue_dma source(%dma_start3A_83 : memref<120x128xf32, #tpu.memory_space<vmem>>) target(%dma_start3A_80 : memref<120x128xf32, #tpu.memory_space<hbm>>) target_semaphore(%run_scoped3A : memref<!tpu.dma_semaphore, #tpu.memory_space<semaphore_mem>>)
      %dma_wait3A_84 = arith.constant 0 : i32
      %dma_wait3A_85 = arith.constant 0 : i32
      %dma_wait3A_86 = tpu.memref_slice %arg9[%dma_wait3A_84, %dma_wait3A_85] : memref<128x128xf32, #tpu.memory_space<vmem>> -> memref<120x128xf32, #tpu.memory_space<vmem>>
      %dma_wait3A_87 = arith.constant 0 : i32
      %dma_wait3A_88 = tpu.memref_slice %arg6[%arg0, %add3A_71, %dma_wait3A_87] : memref<2x10112x128xf32, #tpu.memory_space<hbm>> -> memref<1x120x128xf32, #tpu.memory_space<hbm>>
      %dma_wait3A_89 = tpu.memref_squeeze %dma_wait3A_88 : memref<1x120x128xf32, #tpu.memory_space<hbm>> -> memref<120x128xf32, #tpu.memory_space<hbm>>
      %dma_wait3A_90 = arith.constant 0 : i32
      %dma_wait3A_91 = tpu.memref_slice %arg6[%arg0, %add3A_71, %dma_wait3A_90] : memref<2x10112x128xf32, #tpu.memory_space<hbm>> -> memref<1x120x128xf32, #tpu.memory_space<hbm>>
      %dma_wait3A_92 = tpu.memref_squeeze %dma_wait3A_91 : memref<1x120x128xf32, #tpu.memory_space<hbm>> -> memref<120x128xf32, #tpu.memory_space<hbm>>
      %dma_wait3A_93 = arith.constant 0 : i32
      %dma_wait3A_94 = arith.constant 0 : i32
      %dma_wait3A_95 = tpu.memref_slice %arg9[%dma_wait3A_93, %dma_wait3A_94] : memref<128x128xf32, #tpu.memory_space<vmem>> -> memref<120x128xf32, #tpu.memory_space<vmem>>
      tpu.wait_dma2 semaphore(%run_scoped3A : memref<!tpu.dma_semaphore, #tpu.memory_space<semaphore_mem>>) src(%dma_wait3A_95 : memref<120x128xf32, #tpu.memory_space<vmem>>) dst(%dma_wait3A_92 : memref<120x128xf32, #tpu.memory_space<hbm>>)
      tpu.yield
    }) : () -> ()
    return
  }
}

#map = affine_map<(d0, d1) -> (0, 0, 0, 0)>
#map1 = affine_map<(d0, d1) -> (0, 0)>
#map2 = affine_map<(d0, d1) -> (0, 0, 0)>
module attributes {stable_mosaic.version = 14 : i64} {
  func.func @_hist_body(%arg0: i32, %arg1: i32, %arg2: memref<2x16x40x128xi32, #tpu.memory_space<hbm>>, %arg3: memref<128x128xf32, #tpu.memory_space<hbm>>, %arg4: memref<128x128xf32, #tpu.memory_space<hbm>>, %arg5: memref<2x10112x128xf32, #tpu.memory_space<hbm>>, %arg6: memref<40x128xi32, #tpu.memory_space<vmem>>, %arg7: memref<128x128xf32, #tpu.memory_space<vmem>>, %arg8: memref<128x128xf32, #tpu.memory_space<vmem>>, %arg9: memref<10112x128xf32, #tpu.memory_space<vmem_shared>>) attributes {dimension_semantics = [#tpu.dimension_semantics<core_parallel>, #tpu.dimension_semantics<subcore_parallel>], iteration_bounds = array<i64: 2, 16>, scalar_prefetch = 0 : i64, scratch_operands = 4 : i64, tpu.core_type = #tpu.core_type<sc_vector_subcore>, window_params = [{transform_indices = #map}, {transform_indices = #map1}, {transform_indices = #map1}, {transform_indices = #map2}]} {
    "tpu.region"() ({
      %run_scoped3A = tpu.sem_alloc : memref<!tpu.dma_semaphore, #tpu.memory_space<semaphore_mem>>
      %dma_start3A = arith.constant 0 : i32
      %dma_start3A_36 = arith.constant 0 : i32
      %dma_start3A_37 = tpu.memref_slice %arg2[%arg0, %arg1, %dma_start3A, %dma_start3A_36] : memref<2x16x40x128xi32, #tpu.memory_space<hbm>> -> memref<1x1x40x128xi32, #tpu.memory_space<hbm>>
      %dma_start3A_38 = tpu.memref_squeeze %dma_start3A_37 : memref<1x1x40x128xi32, #tpu.memory_space<hbm>> -> memref<40x128xi32, #tpu.memory_space<hbm>>
      %dma_start3A_39 = arith.constant 0 : i32
      %dma_start3A_40 = arith.constant 0 : i32
      %dma_start3A_41 = tpu.memref_slice %arg2[%arg0, %arg1, %dma_start3A_39, %dma_start3A_40] : memref<2x16x40x128xi32, #tpu.memory_space<hbm>> -> memref<1x1x40x128xi32, #tpu.memory_space<hbm>>
      %dma_start3A_42 = tpu.memref_squeeze %dma_start3A_41 : memref<1x1x40x128xi32, #tpu.memory_space<hbm>> -> memref<40x128xi32, #tpu.memory_space<hbm>>
      tpu.enqueue_dma source(%dma_start3A_42 : memref<40x128xi32, #tpu.memory_space<hbm>>) target(%arg6 : memref<40x128xi32, #tpu.memory_space<vmem>>) target_semaphore(%run_scoped3A : memref<!tpu.dma_semaphore, #tpu.memory_space<semaphore_mem>>)
      %dma_wait3A = arith.constant 0 : i32
      %dma_wait3A_43 = arith.constant 0 : i32
      %dma_wait3A_44 = tpu.memref_slice %arg2[%arg0, %arg1, %dma_wait3A, %dma_wait3A_43] : memref<2x16x40x128xi32, #tpu.memory_space<hbm>> -> memref<1x1x40x128xi32, #tpu.memory_space<hbm>>
      %dma_wait3A_45 = tpu.memref_squeeze %dma_wait3A_44 : memref<1x1x40x128xi32, #tpu.memory_space<hbm>> -> memref<40x128xi32, #tpu.memory_space<hbm>>
      %dma_wait3A_46 = arith.constant 0 : i32
      %dma_wait3A_47 = arith.constant 0 : i32
      %dma_wait3A_48 = tpu.memref_slice %arg2[%arg0, %arg1, %dma_wait3A_46, %dma_wait3A_47] : memref<2x16x40x128xi32, #tpu.memory_space<hbm>> -> memref<1x1x40x128xi32, #tpu.memory_space<hbm>>
      %dma_wait3A_49 = tpu.memref_squeeze %dma_wait3A_48 : memref<1x1x40x128xi32, #tpu.memory_space<hbm>> -> memref<40x128xi32, #tpu.memory_space<hbm>>
      tpu.wait_dma2 semaphore(%run_scoped3A : memref<!tpu.dma_semaphore, #tpu.memory_space<semaphore_mem>>) src(%dma_wait3A_49 : memref<40x128xi32, #tpu.memory_space<hbm>>) dst(%arg6 : memref<40x128xi32, #tpu.memory_space<vmem>>)
      tpu.yield
    }) : () -> ()
    "tpu.region"() ({
      %run_scoped3A = tpu.sem_alloc : memref<!tpu.dma_semaphore, #tpu.memory_space<semaphore_mem>>
      tpu.enqueue_dma source(%arg3 : memref<128x128xf32, #tpu.memory_space<hbm>>) target(%arg7 : memref<128x128xf32, #tpu.memory_space<vmem>>) target_semaphore(%run_scoped3A : memref<!tpu.dma_semaphore, #tpu.memory_space<semaphore_mem>>)
      tpu.wait_dma2 semaphore(%run_scoped3A : memref<!tpu.dma_semaphore, #tpu.memory_space<semaphore_mem>>) src(%arg3 : memref<128x128xf32, #tpu.memory_space<hbm>>) dst(%arg7 : memref<128x128xf32, #tpu.memory_space<vmem>>)
      tpu.yield
    }) : () -> ()
    "tpu.region"() ({
      %run_scoped3A = tpu.sem_alloc : memref<!tpu.dma_semaphore, #tpu.memory_space<semaphore_mem>>
      tpu.enqueue_dma source(%arg4 : memref<128x128xf32, #tpu.memory_space<hbm>>) target(%arg8 : memref<128x128xf32, #tpu.memory_space<vmem>>) target_semaphore(%run_scoped3A : memref<!tpu.dma_semaphore, #tpu.memory_space<semaphore_mem>>)
      tpu.wait_dma2 semaphore(%run_scoped3A : memref<!tpu.dma_semaphore, #tpu.memory_space<semaphore_mem>>) src(%arg4 : memref<128x128xf32, #tpu.memory_space<hbm>>) dst(%arg8 : memref<128x128xf32, #tpu.memory_space<vmem>>)
      tpu.yield
    }) : () -> ()
    %mul3A = arith.constant 632 : i32
    %mul3A_0 = arith.muli %arg1, %mul3A : i32
    %add3A = arith.constant 0 : i32
    %add3A_1 = arith.addi %mul3A_0, %add3A : i32
    "tpu.region"() ({
      %run_scoped3A = tpu.sem_alloc : memref<!tpu.dma_semaphore, #tpu.memory_space<semaphore_mem>>
      %dma_start3A = arith.constant 0 : i32
      %dma_start3A_36 = tpu.memref_slice %arg9[%add3A_1, %dma_start3A] : memref<10112x128xf32, #tpu.memory_space<vmem_shared>> -> memref<128x128xf32, #tpu.memory_space<vmem_shared>>
      %dma_start3A_37 = arith.constant 0 : i32
      %dma_start3A_38 = tpu.memref_slice %arg9[%add3A_1, %dma_start3A_37] : memref<10112x128xf32, #tpu.memory_space<vmem_shared>> -> memref<128x128xf32, #tpu.memory_space<vmem_shared>>
      tpu.enqueue_dma source(%arg8 : memref<128x128xf32, #tpu.memory_space<vmem>>) target(%dma_start3A_38 : memref<128x128xf32, #tpu.memory_space<vmem_shared>>) target_semaphore(%run_scoped3A : memref<!tpu.dma_semaphore, #tpu.memory_space<semaphore_mem>>)
      %dma_wait3A = arith.constant 0 : i32
      %dma_wait3A_39 = tpu.memref_slice %arg9[%add3A_1, %dma_wait3A] : memref<10112x128xf32, #tpu.memory_space<vmem_shared>> -> memref<128x128xf32, #tpu.memory_space<vmem_shared>>
      %dma_wait3A_40 = arith.constant 0 : i32
      %dma_wait3A_41 = tpu.memref_slice %arg9[%add3A_1, %dma_wait3A_40] : memref<10112x128xf32, #tpu.memory_space<vmem_shared>> -> memref<128x128xf32, #tpu.memory_space<vmem_shared>>
      tpu.wait_dma2 semaphore(%run_scoped3A : memref<!tpu.dma_semaphore, #tpu.memory_space<semaphore_mem>>) src(%arg8 : memref<128x128xf32, #tpu.memory_space<vmem>>) dst(%dma_wait3A_41 : memref<128x128xf32, #tpu.memory_space<vmem_shared>>)
      tpu.yield
    }) : () -> ()
    %add3A_2 = arith.constant 128 : i32
    %add3A_3 = arith.addi %mul3A_0, %add3A_2 : i32
    "tpu.region"() ({
      %run_scoped3A = tpu.sem_alloc : memref<!tpu.dma_semaphore, #tpu.memory_space<semaphore_mem>>
      %dma_start3A = arith.constant 0 : i32
      %dma_start3A_36 = tpu.memref_slice %arg9[%add3A_3, %dma_start3A] : memref<10112x128xf32, #tpu.memory_space<vmem_shared>> -> memref<128x128xf32, #tpu.memory_space<vmem_shared>>
      %dma_start3A_37 = arith.constant 0 : i32
      %dma_start3A_38 = tpu.memref_slice %arg9[%add3A_3, %dma_start3A_37] : memref<10112x128xf32, #tpu.memory_space<vmem_shared>> -> memref<128x128xf32, #tpu.memory_space<vmem_shared>>
      tpu.enqueue_dma source(%arg8 : memref<128x128xf32, #tpu.memory_space<vmem>>) target(%dma_start3A_38 : memref<128x128xf32, #tpu.memory_space<vmem_shared>>) target_semaphore(%run_scoped3A : memref<!tpu.dma_semaphore, #tpu.memory_space<semaphore_mem>>)
      %dma_wait3A = arith.constant 0 : i32
      %dma_wait3A_39 = tpu.memref_slice %arg9[%add3A_3, %dma_wait3A] : memref<10112x128xf32, #tpu.memory_space<vmem_shared>> -> memref<128x128xf32, #tpu.memory_space<vmem_shared>>
      %dma_wait3A_40 = arith.constant 0 : i32
      %dma_wait3A_41 = tpu.memref_slice %arg9[%add3A_3, %dma_wait3A_40] : memref<10112x128xf32, #tpu.memory_space<vmem_shared>> -> memref<128x128xf32, #tpu.memory_space<vmem_shared>>
      tpu.wait_dma2 semaphore(%run_scoped3A : memref<!tpu.dma_semaphore, #tpu.memory_space<semaphore_mem>>) src(%arg8 : memref<128x128xf32, #tpu.memory_space<vmem>>) dst(%dma_wait3A_41 : memref<128x128xf32, #tpu.memory_space<vmem_shared>>)
      tpu.yield
    }) : () -> ()
    %add3A_4 = arith.constant 256 : i32
    %add3A_5 = arith.addi %mul3A_0, %add3A_4 : i32
    "tpu.region"() ({
      %run_scoped3A = tpu.sem_alloc : memref<!tpu.dma_semaphore, #tpu.memory_space<semaphore_mem>>
      %dma_start3A = arith.constant 0 : i32
      %dma_start3A_36 = tpu.memref_slice %arg9[%add3A_5, %dma_start3A] : memref<10112x128xf32, #tpu.memory_space<vmem_shared>> -> memref<128x128xf32, #tpu.memory_space<vmem_shared>>
      %dma_start3A_37 = arith.constant 0 : i32
      %dma_start3A_38 = tpu.memref_slice %arg9[%add3A_5, %dma_start3A_37] : memref<10112x128xf32, #tpu.memory_space<vmem_shared>> -> memref<128x128xf32, #tpu.memory_space<vmem_shared>>
      tpu.enqueue_dma source(%arg8 : memref<128x128xf32, #tpu.memory_space<vmem>>) target(%dma_start3A_38 : memref<128x128xf32, #tpu.memory_space<vmem_shared>>) target_semaphore(%run_scoped3A : memref<!tpu.dma_semaphore, #tpu.memory_space<semaphore_mem>>)
      %dma_wait3A = arith.constant 0 : i32
      %dma_wait3A_39 = tpu.memref_slice %arg9[%add3A_5, %dma_wait3A] : memref<10112x128xf32, #tpu.memory_space<vmem_shared>> -> memref<128x128xf32, #tpu.memory_space<vmem_shared>>
      %dma_wait3A_40 = arith.constant 0 : i32
      %dma_wait3A_41 = tpu.memref_slice %arg9[%add3A_5, %dma_wait3A_40] : memref<10112x128xf32, #tpu.memory_space<vmem_shared>> -> memref<128x128xf32, #tpu.memory_space<vmem_shared>>
      tpu.wait_dma2 semaphore(%run_scoped3A : memref<!tpu.dma_semaphore, #tpu.memory_space<semaphore_mem>>) src(%arg8 : memref<128x128xf32, #tpu.memory_space<vmem>>) dst(%dma_wait3A_41 : memref<128x128xf32, #tpu.memory_space<vmem_shared>>)
      tpu.yield
    }) : () -> ()
    %add3A_6 = arith.constant 384 : i32
    %add3A_7 = arith.addi %mul3A_0, %add3A_6 : i32
    "tpu.region"() ({
      %run_scoped3A = tpu.sem_alloc : memref<!tpu.dma_semaphore, #tpu.memory_space<semaphore_mem>>
      %dma_start3A = arith.constant 0 : i32
      %dma_start3A_36 = tpu.memref_slice %arg9[%add3A_7, %dma_start3A] : memref<10112x128xf32, #tpu.memory_space<vmem_shared>> -> memref<128x128xf32, #tpu.memory_space<vmem_shared>>
      %dma_start3A_37 = arith.constant 0 : i32
      %dma_start3A_38 = tpu.memref_slice %arg9[%add3A_7, %dma_start3A_37] : memref<10112x128xf32, #tpu.memory_space<vmem_shared>> -> memref<128x128xf32, #tpu.memory_space<vmem_shared>>
      tpu.enqueue_dma source(%arg8 : memref<128x128xf32, #tpu.memory_space<vmem>>) target(%dma_start3A_38 : memref<128x128xf32, #tpu.memory_space<vmem_shared>>) target_semaphore(%run_scoped3A : memref<!tpu.dma_semaphore, #tpu.memory_space<semaphore_mem>>)
      %dma_wait3A = arith.constant 0 : i32
      %dma_wait3A_39 = tpu.memref_slice %arg9[%add3A_7, %dma_wait3A] : memref<10112x128xf32, #tpu.memory_space<vmem_shared>> -> memref<128x128xf32, #tpu.memory_space<vmem_shared>>
      %dma_wait3A_40 = arith.constant 0 : i32
      %dma_wait3A_41 = tpu.memref_slice %arg9[%add3A_7, %dma_wait3A_40] : memref<10112x128xf32, #tpu.memory_space<vmem_shared>> -> memref<128x128xf32, #tpu.memory_space<vmem_shared>>
      tpu.wait_dma2 semaphore(%run_scoped3A : memref<!tpu.dma_semaphore, #tpu.memory_space<semaphore_mem>>) src(%arg8 : memref<128x128xf32, #tpu.memory_space<vmem>>) dst(%dma_wait3A_41 : memref<128x128xf32, #tpu.memory_space<vmem_shared>>)
      tpu.yield
    }) : () -> ()
    %add3A_8 = arith.constant 512 : i32
    %add3A_9 = arith.addi %mul3A_0, %add3A_8 : i32
    "tpu.region"() ({
      %run_scoped3A = tpu.sem_alloc : memref<!tpu.dma_semaphore, #tpu.memory_space<semaphore_mem>>
      %dma_start3A = arith.constant 0 : i32
      %dma_start3A_36 = arith.constant 0 : i32
      %dma_start3A_37 = tpu.memref_slice %arg8[%dma_start3A, %dma_start3A_36] : memref<128x128xf32, #tpu.memory_space<vmem>> -> memref<120x128xf32, #tpu.memory_space<vmem>>
      %dma_start3A_38 = arith.constant 0 : i32
      %dma_start3A_39 = tpu.memref_slice %arg9[%add3A_9, %dma_start3A_38] : memref<10112x128xf32, #tpu.memory_space<vmem_shared>> -> memref<120x128xf32, #tpu.memory_space<vmem_shared>>
      %dma_start3A_40 = arith.constant 0 : i32
      %dma_start3A_41 = tpu.memref_slice %arg9[%add3A_9, %dma_start3A_40] : memref<10112x128xf32, #tpu.memory_space<vmem_shared>> -> memref<120x128xf32, #tpu.memory_space<vmem_shared>>
      %dma_start3A_42 = arith.constant 0 : i32
      %dma_start3A_43 = arith.constant 0 : i32
      %dma_start3A_44 = tpu.memref_slice %arg8[%dma_start3A_42, %dma_start3A_43] : memref<128x128xf32, #tpu.memory_space<vmem>> -> memref<120x128xf32, #tpu.memory_space<vmem>>
      tpu.enqueue_dma source(%dma_start3A_44 : memref<120x128xf32, #tpu.memory_space<vmem>>) target(%dma_start3A_41 : memref<120x128xf32, #tpu.memory_space<vmem_shared>>) target_semaphore(%run_scoped3A : memref<!tpu.dma_semaphore, #tpu.memory_space<semaphore_mem>>)
      %dma_wait3A = arith.constant 0 : i32
      %dma_wait3A_45 = arith.constant 0 : i32
      %dma_wait3A_46 = tpu.memref_slice %arg8[%dma_wait3A, %dma_wait3A_45] : memref<128x128xf32, #tpu.memory_space<vmem>> -> memref<120x128xf32, #tpu.memory_space<vmem>>
      %dma_wait3A_47 = arith.constant 0 : i32
      %dma_wait3A_48 = tpu.memref_slice %arg9[%add3A_9, %dma_wait3A_47] : memref<10112x128xf32, #tpu.memory_space<vmem_shared>> -> memref<120x128xf32, #tpu.memory_space<vmem_shared>>
      %dma_wait3A_49 = arith.constant 0 : i32
      %dma_wait3A_50 = tpu.memref_slice %arg9[%add3A_9, %dma_wait3A_49] : memref<10112x128xf32, #tpu.memory_space<vmem_shared>> -> memref<120x128xf32, #tpu.memory_space<vmem_shared>>
      %dma_wait3A_51 = arith.constant 0 : i32
      %dma_wait3A_52 = arith.constant 0 : i32
      %dma_wait3A_53 = tpu.memref_slice %arg8[%dma_wait3A_51, %dma_wait3A_52] : memref<128x128xf32, #tpu.memory_space<vmem>> -> memref<120x128xf32, #tpu.memory_space<vmem>>
      tpu.wait_dma2 semaphore(%run_scoped3A : memref<!tpu.dma_semaphore, #tpu.memory_space<semaphore_mem>>) src(%dma_wait3A_53 : memref<120x128xf32, #tpu.memory_space<vmem>>) dst(%dma_wait3A_50 : memref<120x128xf32, #tpu.memory_space<vmem_shared>>)
      tpu.yield
    }) : () -> ()
    %barrier3A = arith.constant 0 : index
    tpu.barrier barrier_id(%barrier3A)
    %scan3A = arith.constant 0 : i32
    %scan3A_10 = arith.constant 0 : i32
    %scan3A_11 = arith.constant 40 : i32
    %scan3A_12 = arith.addi %scan3A_10, %scan3A_11 : i32
    %scan3A_13 = arith.constant 1 : i32
    scf.for %scan3A_36 = %scan3A_10 to %scan3A_12 step %scan3A_13  : i32 {
      "tpu.region"() ({
        %run_scoped3A = tpu.sem_alloc : memref<!tpu.dma_semaphore, #tpu.memory_space<semaphore_mem>>
        %dma_start3A = arith.constant 0 : i32
        %dma_start3A_37 = tpu.memref_slice %arg6[%scan3A_36, %dma_start3A] : memref<40x128xi32, #tpu.memory_space<vmem>> -> memref<1x128xi32, #tpu.memory_space<vmem>>
        %dma_start3A_38 = tpu.memref_squeeze %dma_start3A_37 : memref<1x128xi32, #tpu.memory_space<vmem>> -> memref<128xi32, #tpu.memory_space<vmem>>
        %dma_start3A_39 = arith.constant 0 : i32
        %dma_start3A_40 = arith.constant 0 : i32
        %dma_start3A_41 = tpu.memref_slice %arg9[%dma_start3A_39, %dma_start3A_40] : memref<10112x128xf32, #tpu.memory_space<vmem_shared>> -> memref<10112x128xf32, #tpu.memory_space<vmem_shared>>
        tpu.enqueue_indirect_dma source(%arg7 : memref<128x128xf32, #tpu.memory_space<vmem>>) target(%dma_start3A_41 : memref<10112x128xf32, #tpu.memory_space<vmem_shared>>) offsets(%dma_start3A_38 : memref<128xi32, #tpu.memory_space<vmem>>) semaphore(%run_scoped3A : memref<!tpu.dma_semaphore, #tpu.memory_space<semaphore_mem>>) {add = true}
        %dma_wait3A = arith.constant 0 : i32
        %dma_wait3A_42 = tpu.memref_slice %arg6[%scan3A_36, %dma_wait3A] : memref<40x128xi32, #tpu.memory_space<vmem>> -> memref<1x128xi32, #tpu.memory_space<vmem>>
        %dma_wait3A_43 = tpu.memref_squeeze %dma_wait3A_42 : memref<1x128xi32, #tpu.memory_space<vmem>> -> memref<128xi32, #tpu.memory_space<vmem>>
        %dma_wait3A_44 = arith.constant 0 : i32
        %dma_wait3A_45 = arith.constant 0 : i32
        %dma_wait3A_46 = tpu.memref_slice %arg9[%dma_wait3A_44, %dma_wait3A_45] : memref<10112x128xf32, #tpu.memory_space<vmem_shared>> -> memref<10112x128xf32, #tpu.memory_space<vmem_shared>>
        tpu.wait_indirect_dma semaphore(%run_scoped3A : memref<!tpu.dma_semaphore, #tpu.memory_space<semaphore_mem>>) src(%arg7 : memref<128x128xf32, #tpu.memory_space<vmem>>) dst(%dma_wait3A_46 : memref<10112x128xf32, #tpu.memory_space<vmem_shared>>)
        tpu.yield
      }) : () -> ()
    }
    %scan3A_14 = arith.constant 40 : i32
    %barrier3A_15 = arith.constant 0 : index
    tpu.barrier barrier_id(%barrier3A_15)
    %add3A_16 = arith.constant 0 : i32
    %add3A_17 = arith.addi %mul3A_0, %add3A_16 : i32
    "tpu.region"() ({
      %run_scoped3A = tpu.sem_alloc : memref<!tpu.dma_semaphore, #tpu.memory_space<semaphore_mem>>
      %dma_start3A = arith.constant 0 : i32
      %dma_start3A_36 = tpu.memref_slice %arg9[%add3A_17, %dma_start3A] : memref<10112x128xf32, #tpu.memory_space<vmem_shared>> -> memref<128x128xf32, #tpu.memory_space<vmem_shared>>
      %dma_start3A_37 = arith.constant 0 : i32
      %dma_start3A_38 = tpu.memref_slice %arg9[%add3A_17, %dma_start3A_37] : memref<10112x128xf32, #tpu.memory_space<vmem_shared>> -> memref<128x128xf32, #tpu.memory_space<vmem_shared>>
      tpu.enqueue_dma source(%dma_start3A_38 : memref<128x128xf32, #tpu.memory_space<vmem_shared>>) target(%arg8 : memref<128x128xf32, #tpu.memory_space<vmem>>) target_semaphore(%run_scoped3A : memref<!tpu.dma_semaphore, #tpu.memory_space<semaphore_mem>>)
      %dma_wait3A = arith.constant 0 : i32
      %dma_wait3A_39 = tpu.memref_slice %arg9[%add3A_17, %dma_wait3A] : memref<10112x128xf32, #tpu.memory_space<vmem_shared>> -> memref<128x128xf32, #tpu.memory_space<vmem_shared>>
      %dma_wait3A_40 = arith.constant 0 : i32
      %dma_wait3A_41 = tpu.memref_slice %arg9[%add3A_17, %dma_wait3A_40] : memref<10112x128xf32, #tpu.memory_space<vmem_shared>> -> memref<128x128xf32, #tpu.memory_space<vmem_shared>>
      tpu.wait_dma2 semaphore(%run_scoped3A : memref<!tpu.dma_semaphore, #tpu.memory_space<semaphore_mem>>) src(%dma_wait3A_41 : memref<128x128xf32, #tpu.memory_space<vmem_shared>>) dst(%arg8 : memref<128x128xf32, #tpu.memory_space<vmem>>)
      tpu.yield
    }) : () -> ()
    %add3A_18 = arith.constant 0 : i32
    %add3A_19 = arith.addi %mul3A_0, %add3A_18 : i32
    "tpu.region"() ({
      %run_scoped3A = tpu.sem_alloc : memref<!tpu.dma_semaphore, #tpu.memory_space<semaphore_mem>>
      %dma_start3A = arith.constant 0 : i32
      %dma_start3A_36 = tpu.memref_slice %arg5[%arg0, %add3A_19, %dma_start3A] : memref<2x10112x128xf32, #tpu.memory_space<hbm>> -> memref<1x128x128xf32, #tpu.memory_space<hbm>>
      %dma_start3A_37 = tpu.memref_squeeze %dma_start3A_36 : memref<1x128x128xf32, #tpu.memory_space<hbm>> -> memref<128x128xf32, #tpu.memory_space<hbm>>
      %dma_start3A_38 = arith.constant 0 : i32
      %dma_start3A_39 = tpu.memref_slice %arg5[%arg0, %add3A_19, %dma_start3A_38] : memref<2x10112x128xf32, #tpu.memory_space<hbm>> -> memref<1x128x128xf32, #tpu.memory_space<hbm>>
      %dma_start3A_40 = tpu.memref_squeeze %dma_start3A_39 : memref<1x128x128xf32, #tpu.memory_space<hbm>> -> memref<128x128xf32, #tpu.memory_space<hbm>>
      tpu.enqueue_dma source(%arg8 : memref<128x128xf32, #tpu.memory_space<vmem>>) target(%dma_start3A_40 : memref<128x128xf32, #tpu.memory_space<hbm>>) target_semaphore(%run_scoped3A : memref<!tpu.dma_semaphore, #tpu.memory_space<semaphore_mem>>)
      %dma_wait3A = arith.constant 0 : i32
      %dma_wait3A_41 = tpu.memref_slice %arg5[%arg0, %add3A_19, %dma_wait3A] : memref<2x10112x128xf32, #tpu.memory_space<hbm>> -> memref<1x128x128xf32, #tpu.memory_space<hbm>>
      %dma_wait3A_42 = tpu.memref_squeeze %dma_wait3A_41 : memref<1x128x128xf32, #tpu.memory_space<hbm>> -> memref<128x128xf32, #tpu.memory_space<hbm>>
      %dma_wait3A_43 = arith.constant 0 : i32
      %dma_wait3A_44 = tpu.memref_slice %arg5[%arg0, %add3A_19, %dma_wait3A_43] : memref<2x10112x128xf32, #tpu.memory_space<hbm>> -> memref<1x128x128xf32, #tpu.memory_space<hbm>>
      %dma_wait3A_45 = tpu.memref_squeeze %dma_wait3A_44 : memref<1x128x128xf32, #tpu.memory_space<hbm>> -> memref<128x128xf32, #tpu.memory_space<hbm>>
      tpu.wait_dma2 semaphore(%run_scoped3A : memref<!tpu.dma_semaphore, #tpu.memory_space<semaphore_mem>>) src(%arg8 : memref<128x128xf32, #tpu.memory_space<vmem>>) dst(%dma_wait3A_45 : memref<128x128xf32, #tpu.memory_space<hbm>>)
      tpu.yield
    }) : () -> ()
    %add3A_20 = arith.constant 128 : i32
    %add3A_21 = arith.addi %mul3A_0, %add3A_20 : i32
    "tpu.region"() ({
      %run_scoped3A = tpu.sem_alloc : memref<!tpu.dma_semaphore, #tpu.memory_space<semaphore_mem>>
      %dma_start3A = arith.constant 0 : i32
      %dma_start3A_36 = tpu.memref_slice %arg9[%add3A_21, %dma_start3A] : memref<10112x128xf32, #tpu.memory_space<vmem_shared>> -> memref<128x128xf32, #tpu.memory_space<vmem_shared>>
      %dma_start3A_37 = arith.constant 0 : i32
      %dma_start3A_38 = tpu.memref_slice %arg9[%add3A_21, %dma_start3A_37] : memref<10112x128xf32, #tpu.memory_space<vmem_shared>> -> memref<128x128xf32, #tpu.memory_space<vmem_shared>>
      tpu.enqueue_dma source(%dma_start3A_38 : memref<128x128xf32, #tpu.memory_space<vmem_shared>>) target(%arg8 : memref<128x128xf32, #tpu.memory_space<vmem>>) target_semaphore(%run_scoped3A : memref<!tpu.dma_semaphore, #tpu.memory_space<semaphore_mem>>)
      %dma_wait3A = arith.constant 0 : i32
      %dma_wait3A_39 = tpu.memref_slice %arg9[%add3A_21, %dma_wait3A] : memref<10112x128xf32, #tpu.memory_space<vmem_shared>> -> memref<128x128xf32, #tpu.memory_space<vmem_shared>>
      %dma_wait3A_40 = arith.constant 0 : i32
      %dma_wait3A_41 = tpu.memref_slice %arg9[%add3A_21, %dma_wait3A_40] : memref<10112x128xf32, #tpu.memory_space<vmem_shared>> -> memref<128x128xf32, #tpu.memory_space<vmem_shared>>
      tpu.wait_dma2 semaphore(%run_scoped3A : memref<!tpu.dma_semaphore, #tpu.memory_space<semaphore_mem>>) src(%dma_wait3A_41 : memref<128x128xf32, #tpu.memory_space<vmem_shared>>) dst(%arg8 : memref<128x128xf32, #tpu.memory_space<vmem>>)
      tpu.yield
    }) : () -> ()
    %add3A_22 = arith.constant 128 : i32
    %add3A_23 = arith.addi %mul3A_0, %add3A_22 : i32
    "tpu.region"() ({
      %run_scoped3A = tpu.sem_alloc : memref<!tpu.dma_semaphore, #tpu.memory_space<semaphore_mem>>
      %dma_start3A = arith.constant 0 : i32
      %dma_start3A_36 = tpu.memref_slice %arg5[%arg0, %add3A_23, %dma_start3A] : memref<2x10112x128xf32, #tpu.memory_space<hbm>> -> memref<1x128x128xf32, #tpu.memory_space<hbm>>
      %dma_start3A_37 = tpu.memref_squeeze %dma_start3A_36 : memref<1x128x128xf32, #tpu.memory_space<hbm>> -> memref<128x128xf32, #tpu.memory_space<hbm>>
      %dma_start3A_38 = arith.constant 0 : i32
      %dma_start3A_39 = tpu.memref_slice %arg5[%arg0, %add3A_23, %dma_start3A_38] : memref<2x10112x128xf32, #tpu.memory_space<hbm>> -> memref<1x128x128xf32, #tpu.memory_space<hbm>>
      %dma_start3A_40 = tpu.memref_squeeze %dma_start3A_39 : memref<1x128x128xf32, #tpu.memory_space<hbm>> -> memref<128x128xf32, #tpu.memory_space<hbm>>
      tpu.enqueue_dma source(%arg8 : memref<128x128xf32, #tpu.memory_space<vmem>>) target(%dma_start3A_40 : memref<128x128xf32, #tpu.memory_space<hbm>>) target_semaphore(%run_scoped3A : memref<!tpu.dma_semaphore, #tpu.memory_space<semaphore_mem>>)
      %dma_wait3A = arith.constant 0 : i32
      %dma_wait3A_41 = tpu.memref_slice %arg5[%arg0, %add3A_23, %dma_wait3A] : memref<2x10112x128xf32, #tpu.memory_space<hbm>> -> memref<1x128x128xf32, #tpu.memory_space<hbm>>
      %dma_wait3A_42 = tpu.memref_squeeze %dma_wait3A_41 : memref<1x128x128xf32, #tpu.memory_space<hbm>> -> memref<128x128xf32, #tpu.memory_space<hbm>>
      %dma_wait3A_43 = arith.constant 0 : i32
      %dma_wait3A_44 = tpu.memref_slice %arg5[%arg0, %add3A_23, %dma_wait3A_43] : memref<2x10112x128xf32, #tpu.memory_space<hbm>> -> memref<1x128x128xf32, #tpu.memory_space<hbm>>
      %dma_wait3A_45 = tpu.memref_squeeze %dma_wait3A_44 : memref<1x128x128xf32, #tpu.memory_space<hbm>> -> memref<128x128xf32, #tpu.memory_space<hbm>>
      tpu.wait_dma2 semaphore(%run_scoped3A : memref<!tpu.dma_semaphore, #tpu.memory_space<semaphore_mem>>) src(%arg8 : memref<128x128xf32, #tpu.memory_space<vmem>>) dst(%dma_wait3A_45 : memref<128x128xf32, #tpu.memory_space<hbm>>)
      tpu.yield
    }) : () -> ()
    %add3A_24 = arith.constant 256 : i32
    %add3A_25 = arith.addi %mul3A_0, %add3A_24 : i32
    "tpu.region"() ({
      %run_scoped3A = tpu.sem_alloc : memref<!tpu.dma_semaphore, #tpu.memory_space<semaphore_mem>>
      %dma_start3A = arith.constant 0 : i32
      %dma_start3A_36 = tpu.memref_slice %arg9[%add3A_25, %dma_start3A] : memref<10112x128xf32, #tpu.memory_space<vmem_shared>> -> memref<128x128xf32, #tpu.memory_space<vmem_shared>>
      %dma_start3A_37 = arith.constant 0 : i32
      %dma_start3A_38 = tpu.memref_slice %arg9[%add3A_25, %dma_start3A_37] : memref<10112x128xf32, #tpu.memory_space<vmem_shared>> -> memref<128x128xf32, #tpu.memory_space<vmem_shared>>
      tpu.enqueue_dma source(%dma_start3A_38 : memref<128x128xf32, #tpu.memory_space<vmem_shared>>) target(%arg8 : memref<128x128xf32, #tpu.memory_space<vmem>>) target_semaphore(%run_scoped3A : memref<!tpu.dma_semaphore, #tpu.memory_space<semaphore_mem>>)
      %dma_wait3A = arith.constant 0 : i32
      %dma_wait3A_39 = tpu.memref_slice %arg9[%add3A_25, %dma_wait3A] : memref<10112x128xf32, #tpu.memory_space<vmem_shared>> -> memref<128x128xf32, #tpu.memory_space<vmem_shared>>
      %dma_wait3A_40 = arith.constant 0 : i32
      %dma_wait3A_41 = tpu.memref_slice %arg9[%add3A_25, %dma_wait3A_40] : memref<10112x128xf32, #tpu.memory_space<vmem_shared>> -> memref<128x128xf32, #tpu.memory_space<vmem_shared>>
      tpu.wait_dma2 semaphore(%run_scoped3A : memref<!tpu.dma_semaphore, #tpu.memory_space<semaphore_mem>>) src(%dma_wait3A_41 : memref<128x128xf32, #tpu.memory_space<vmem_shared>>) dst(%arg8 : memref<128x128xf32, #tpu.memory_space<vmem>>)
      tpu.yield
    }) : () -> ()
    %add3A_26 = arith.constant 256 : i32
    %add3A_27 = arith.addi %mul3A_0, %add3A_26 : i32
    "tpu.region"() ({
      %run_scoped3A = tpu.sem_alloc : memref<!tpu.dma_semaphore, #tpu.memory_space<semaphore_mem>>
      %dma_start3A = arith.constant 0 : i32
      %dma_start3A_36 = tpu.memref_slice %arg5[%arg0, %add3A_27, %dma_start3A] : memref<2x10112x128xf32, #tpu.memory_space<hbm>> -> memref<1x128x128xf32, #tpu.memory_space<hbm>>
      %dma_start3A_37 = tpu.memref_squeeze %dma_start3A_36 : memref<1x128x128xf32, #tpu.memory_space<hbm>> -> memref<128x128xf32, #tpu.memory_space<hbm>>
      %dma_start3A_38 = arith.constant 0 : i32
      %dma_start3A_39 = tpu.memref_slice %arg5[%arg0, %add3A_27, %dma_start3A_38] : memref<2x10112x128xf32, #tpu.memory_space<hbm>> -> memref<1x128x128xf32, #tpu.memory_space<hbm>>
      %dma_start3A_40 = tpu.memref_squeeze %dma_start3A_39 : memref<1x128x128xf32, #tpu.memory_space<hbm>> -> memref<128x128xf32, #tpu.memory_space<hbm>>
      tpu.enqueue_dma source(%arg8 : memref<128x128xf32, #tpu.memory_space<vmem>>) target(%dma_start3A_40 : memref<128x128xf32, #tpu.memory_space<hbm>>) target_semaphore(%run_scoped3A : memref<!tpu.dma_semaphore, #tpu.memory_space<semaphore_mem>>)
      %dma_wait3A = arith.constant 0 : i32
      %dma_wait3A_41 = tpu.memref_slice %arg5[%arg0, %add3A_27, %dma_wait3A] : memref<2x10112x128xf32, #tpu.memory_space<hbm>> -> memref<1x128x128xf32, #tpu.memory_space<hbm>>
      %dma_wait3A_42 = tpu.memref_squeeze %dma_wait3A_41 : memref<1x128x128xf32, #tpu.memory_space<hbm>> -> memref<128x128xf32, #tpu.memory_space<hbm>>
      %dma_wait3A_43 = arith.constant 0 : i32
      %dma_wait3A_44 = tpu.memref_slice %arg5[%arg0, %add3A_27, %dma_wait3A_43] : memref<2x10112x128xf32, #tpu.memory_space<hbm>> -> memref<1x128x128xf32, #tpu.memory_space<hbm>>
      %dma_wait3A_45 = tpu.memref_squeeze %dma_wait3A_44 : memref<1x128x128xf32, #tpu.memory_space<hbm>> -> memref<128x128xf32, #tpu.memory_space<hbm>>
      tpu.wait_dma2 semaphore(%run_scoped3A : memref<!tpu.dma_semaphore, #tpu.memory_space<semaphore_mem>>) src(%arg8 : memref<128x128xf32, #tpu.memory_space<vmem>>) dst(%dma_wait3A_45 : memref<128x128xf32, #tpu.memory_space<hbm>>)
      tpu.yield
    }) : () -> ()
    %add3A_28 = arith.constant 384 : i32
    %add3A_29 = arith.addi %mul3A_0, %add3A_28 : i32
    "tpu.region"() ({
      %run_scoped3A = tpu.sem_alloc : memref<!tpu.dma_semaphore, #tpu.memory_space<semaphore_mem>>
      %dma_start3A = arith.constant 0 : i32
      %dma_start3A_36 = tpu.memref_slice %arg9[%add3A_29, %dma_start3A] : memref<10112x128xf32, #tpu.memory_space<vmem_shared>> -> memref<128x128xf32, #tpu.memory_space<vmem_shared>>
      %dma_start3A_37 = arith.constant 0 : i32
      %dma_start3A_38 = tpu.memref_slice %arg9[%add3A_29, %dma_start3A_37] : memref<10112x128xf32, #tpu.memory_space<vmem_shared>> -> memref<128x128xf32, #tpu.memory_space<vmem_shared>>
      tpu.enqueue_dma source(%dma_start3A_38 : memref<128x128xf32, #tpu.memory_space<vmem_shared>>) target(%arg8 : memref<128x128xf32, #tpu.memory_space<vmem>>) target_semaphore(%run_scoped3A : memref<!tpu.dma_semaphore, #tpu.memory_space<semaphore_mem>>)
      %dma_wait3A = arith.constant 0 : i32
      %dma_wait3A_39 = tpu.memref_slice %arg9[%add3A_29, %dma_wait3A] : memref<10112x128xf32, #tpu.memory_space<vmem_shared>> -> memref<128x128xf32, #tpu.memory_space<vmem_shared>>
      %dma_wait3A_40 = arith.constant 0 : i32
      %dma_wait3A_41 = tpu.memref_slice %arg9[%add3A_29, %dma_wait3A_40] : memref<10112x128xf32, #tpu.memory_space<vmem_shared>> -> memref<128x128xf32, #tpu.memory_space<vmem_shared>>
      tpu.wait_dma2 semaphore(%run_scoped3A : memref<!tpu.dma_semaphore, #tpu.memory_space<semaphore_mem>>) src(%dma_wait3A_41 : memref<128x128xf32, #tpu.memory_space<vmem_shared>>) dst(%arg8 : memref<128x128xf32, #tpu.memory_space<vmem>>)
      tpu.yield
    }) : () -> ()
    %add3A_30 = arith.constant 384 : i32
    %add3A_31 = arith.addi %mul3A_0, %add3A_30 : i32
    "tpu.region"() ({
      %run_scoped3A = tpu.sem_alloc : memref<!tpu.dma_semaphore, #tpu.memory_space<semaphore_mem>>
      %dma_start3A = arith.constant 0 : i32
      %dma_start3A_36 = tpu.memref_slice %arg5[%arg0, %add3A_31, %dma_start3A] : memref<2x10112x128xf32, #tpu.memory_space<hbm>> -> memref<1x128x128xf32, #tpu.memory_space<hbm>>
      %dma_start3A_37 = tpu.memref_squeeze %dma_start3A_36 : memref<1x128x128xf32, #tpu.memory_space<hbm>> -> memref<128x128xf32, #tpu.memory_space<hbm>>
      %dma_start3A_38 = arith.constant 0 : i32
      %dma_start3A_39 = tpu.memref_slice %arg5[%arg0, %add3A_31, %dma_start3A_38] : memref<2x10112x128xf32, #tpu.memory_space<hbm>> -> memref<1x128x128xf32, #tpu.memory_space<hbm>>
      %dma_start3A_40 = tpu.memref_squeeze %dma_start3A_39 : memref<1x128x128xf32, #tpu.memory_space<hbm>> -> memref<128x128xf32, #tpu.memory_space<hbm>>
      tpu.enqueue_dma source(%arg8 : memref<128x128xf32, #tpu.memory_space<vmem>>) target(%dma_start3A_40 : memref<128x128xf32, #tpu.memory_space<hbm>>) target_semaphore(%run_scoped3A : memref<!tpu.dma_semaphore, #tpu.memory_space<semaphore_mem>>)
      %dma_wait3A = arith.constant 0 : i32
      %dma_wait3A_41 = tpu.memref_slice %arg5[%arg0, %add3A_31, %dma_wait3A] : memref<2x10112x128xf32, #tpu.memory_space<hbm>> -> memref<1x128x128xf32, #tpu.memory_space<hbm>>
      %dma_wait3A_42 = tpu.memref_squeeze %dma_wait3A_41 : memref<1x128x128xf32, #tpu.memory_space<hbm>> -> memref<128x128xf32, #tpu.memory_space<hbm>>
      %dma_wait3A_43 = arith.constant 0 : i32
      %dma_wait3A_44 = tpu.memref_slice %arg5[%arg0, %add3A_31, %dma_wait3A_43] : memref<2x10112x128xf32, #tpu.memory_space<hbm>> -> memref<1x128x128xf32, #tpu.memory_space<hbm>>
      %dma_wait3A_45 = tpu.memref_squeeze %dma_wait3A_44 : memref<1x128x128xf32, #tpu.memory_space<hbm>> -> memref<128x128xf32, #tpu.memory_space<hbm>>
      tpu.wait_dma2 semaphore(%run_scoped3A : memref<!tpu.dma_semaphore, #tpu.memory_space<semaphore_mem>>) src(%arg8 : memref<128x128xf32, #tpu.memory_space<vmem>>) dst(%dma_wait3A_45 : memref<128x128xf32, #tpu.memory_space<hbm>>)
      tpu.yield
    }) : () -> ()
    %add3A_32 = arith.constant 512 : i32
    %add3A_33 = arith.addi %mul3A_0, %add3A_32 : i32
    "tpu.region"() ({
      %run_scoped3A = tpu.sem_alloc : memref<!tpu.dma_semaphore, #tpu.memory_space<semaphore_mem>>
      %dma_start3A = arith.constant 0 : i32
      %dma_start3A_36 = arith.constant 0 : i32
      %dma_start3A_37 = tpu.memref_slice %arg8[%dma_start3A, %dma_start3A_36] : memref<128x128xf32, #tpu.memory_space<vmem>> -> memref<120x128xf32, #tpu.memory_space<vmem>>
      %dma_start3A_38 = arith.constant 0 : i32
      %dma_start3A_39 = tpu.memref_slice %arg9[%add3A_33, %dma_start3A_38] : memref<10112x128xf32, #tpu.memory_space<vmem_shared>> -> memref<120x128xf32, #tpu.memory_space<vmem_shared>>
      %dma_start3A_40 = arith.constant 0 : i32
      %dma_start3A_41 = arith.constant 0 : i32
      %dma_start3A_42 = tpu.memref_slice %arg8[%dma_start3A_40, %dma_start3A_41] : memref<128x128xf32, #tpu.memory_space<vmem>> -> memref<120x128xf32, #tpu.memory_space<vmem>>
      %dma_start3A_43 = arith.constant 0 : i32
      %dma_start3A_44 = tpu.memref_slice %arg9[%add3A_33, %dma_start3A_43] : memref<10112x128xf32, #tpu.memory_space<vmem_shared>> -> memref<120x128xf32, #tpu.memory_space<vmem_shared>>
      tpu.enqueue_dma source(%dma_start3A_44 : memref<120x128xf32, #tpu.memory_space<vmem_shared>>) target(%dma_start3A_42 : memref<120x128xf32, #tpu.memory_space<vmem>>) target_semaphore(%run_scoped3A : memref<!tpu.dma_semaphore, #tpu.memory_space<semaphore_mem>>)
      %dma_wait3A = arith.constant 0 : i32
      %dma_wait3A_45 = arith.constant 0 : i32
      %dma_wait3A_46 = tpu.memref_slice %arg8[%dma_wait3A, %dma_wait3A_45] : memref<128x128xf32, #tpu.memory_space<vmem>> -> memref<120x128xf32, #tpu.memory_space<vmem>>
      %dma_wait3A_47 = arith.constant 0 : i32
      %dma_wait3A_48 = tpu.memref_slice %arg9[%add3A_33, %dma_wait3A_47] : memref<10112x128xf32, #tpu.memory_space<vmem_shared>> -> memref<120x128xf32, #tpu.memory_space<vmem_shared>>
      %dma_wait3A_49 = arith.constant 0 : i32
      %dma_wait3A_50 = arith.constant 0 : i32
      %dma_wait3A_51 = tpu.memref_slice %arg8[%dma_wait3A_49, %dma_wait3A_50] : memref<128x128xf32, #tpu.memory_space<vmem>> -> memref<120x128xf32, #tpu.memory_space<vmem>>
      %dma_wait3A_52 = arith.constant 0 : i32
      %dma_wait3A_53 = tpu.memref_slice %arg9[%add3A_33, %dma_wait3A_52] : memref<10112x128xf32, #tpu.memory_space<vmem_shared>> -> memref<120x128xf32, #tpu.memory_space<vmem_shared>>
      tpu.wait_dma2 semaphore(%run_scoped3A : memref<!tpu.dma_semaphore, #tpu.memory_space<semaphore_mem>>) src(%dma_wait3A_53 : memref<120x128xf32, #tpu.memory_space<vmem_shared>>) dst(%dma_wait3A_51 : memref<120x128xf32, #tpu.memory_space<vmem>>)
      tpu.yield
    }) : () -> ()
    %add3A_34 = arith.constant 512 : i32
    %add3A_35 = arith.addi %mul3A_0, %add3A_34 : i32
    "tpu.region"() ({
      %run_scoped3A = tpu.sem_alloc : memref<!tpu.dma_semaphore, #tpu.memory_space<semaphore_mem>>
      %dma_start3A = arith.constant 0 : i32
      %dma_start3A_36 = arith.constant 0 : i32
      %dma_start3A_37 = tpu.memref_slice %arg8[%dma_start3A, %dma_start3A_36] : memref<128x128xf32, #tpu.memory_space<vmem>> -> memref<120x128xf32, #tpu.memory_space<vmem>>
      %dma_start3A_38 = arith.constant 0 : i32
      %dma_start3A_39 = tpu.memref_slice %arg5[%arg0, %add3A_35, %dma_start3A_38] : memref<2x10112x128xf32, #tpu.memory_space<hbm>> -> memref<1x120x128xf32, #tpu.memory_space<hbm>>
      %dma_start3A_40 = tpu.memref_squeeze %dma_start3A_39 : memref<1x120x128xf32, #tpu.memory_space<hbm>> -> memref<120x128xf32, #tpu.memory_space<hbm>>
      %dma_start3A_41 = arith.constant 0 : i32
      %dma_start3A_42 = tpu.memref_slice %arg5[%arg0, %add3A_35, %dma_start3A_41] : memref<2x10112x128xf32, #tpu.memory_space<hbm>> -> memref<1x120x128xf32, #tpu.memory_space<hbm>>
      %dma_start3A_43 = tpu.memref_squeeze %dma_start3A_42 : memref<1x120x128xf32, #tpu.memory_space<hbm>> -> memref<120x128xf32, #tpu.memory_space<hbm>>
      %dma_start3A_44 = arith.constant 0 : i32
      %dma_start3A_45 = arith.constant 0 : i32
      %dma_start3A_46 = tpu.memref_slice %arg8[%dma_start3A_44, %dma_start3A_45] : memref<128x128xf32, #tpu.memory_space<vmem>> -> memref<120x128xf32, #tpu.memory_space<vmem>>
      tpu.enqueue_dma source(%dma_start3A_46 : memref<120x128xf32, #tpu.memory_space<vmem>>) target(%dma_start3A_43 : memref<120x128xf32, #tpu.memory_space<hbm>>) target_semaphore(%run_scoped3A : memref<!tpu.dma_semaphore, #tpu.memory_space<semaphore_mem>>)
      %dma_wait3A = arith.constant 0 : i32
      %dma_wait3A_47 = arith.constant 0 : i32
      %dma_wait3A_48 = tpu.memref_slice %arg8[%dma_wait3A, %dma_wait3A_47] : memref<128x128xf32, #tpu.memory_space<vmem>> -> memref<120x128xf32, #tpu.memory_space<vmem>>
      %dma_wait3A_49 = arith.constant 0 : i32
      %dma_wait3A_50 = tpu.memref_slice %arg5[%arg0, %add3A_35, %dma_wait3A_49] : memref<2x10112x128xf32, #tpu.memory_space<hbm>> -> memref<1x120x128xf32, #tpu.memory_space<hbm>>
      %dma_wait3A_51 = tpu.memref_squeeze %dma_wait3A_50 : memref<1x120x128xf32, #tpu.memory_space<hbm>> -> memref<120x128xf32, #tpu.memory_space<hbm>>
      %dma_wait3A_52 = arith.constant 0 : i32
      %dma_wait3A_53 = tpu.memref_slice %arg5[%arg0, %add3A_35, %dma_wait3A_52] : memref<2x10112x128xf32, #tpu.memory_space<hbm>> -> memref<1x120x128xf32, #tpu.memory_space<hbm>>
      %dma_wait3A_54 = tpu.memref_squeeze %dma_wait3A_53 : memref<1x120x128xf32, #tpu.memory_space<hbm>> -> memref<120x128xf32, #tpu.memory_space<hbm>>
      %dma_wait3A_55 = arith.constant 0 : i32
      %dma_wait3A_56 = arith.constant 0 : i32
      %dma_wait3A_57 = tpu.memref_slice %arg8[%dma_wait3A_55, %dma_wait3A_56] : memref<128x128xf32, #tpu.memory_space<vmem>> -> memref<120x128xf32, #tpu.memory_space<vmem>>
      tpu.wait_dma2 semaphore(%run_scoped3A : memref<!tpu.dma_semaphore, #tpu.memory_space<semaphore_mem>>) src(%dma_wait3A_57 : memref<120x128xf32, #tpu.memory_space<vmem>>) dst(%dma_wait3A_54 : memref<120x128xf32, #tpu.memory_space<hbm>>)
      tpu.yield
    }) : () -> ()
    return
  }
}

module attributes {stable_mosaic.version = 14 : i64} {
  func.func @_finish_body(%arg0: i32, %arg1: memref<2x1000x128xf32, #tpu.memory_space<vmem>>, %arg2: memref<2x1000x128xf32, #tpu.memory_space<vmem>>, %arg3: memref<2x1000x128xf32, #tpu.memory_space<vmem>>, %arg4: memref<1x256xf32, #tpu.memory_space<vmem>>, %arg5: memref<1000x256xf32, #tpu.memory_space<vmem>>) attributes {dimension_semantics = [#tpu.dimension_semantics<arbitrary>], iteration_bounds = array<i64: 10>, scalar_prefetch = 0 : i64, scratch_operands = 0 : i64, tpu.core_type = #tpu.core_type<tc>, window_params = [{transform_indices = @transform_0, window_bounds = array<i64: 2, 1000, 128>}, {transform_indices = @transform_1, window_bounds = array<i64: 2, 1000, 128>}, {transform_indices = @transform_2, window_bounds = array<i64: 2, 1000, 128>}, {pipeline_mode = #tpu.pipeline_mode<synchronous>, transform_indices = @transform_3, window_bounds = array<i64: 1, 256>}, {transform_indices = @transform_4, window_bounds = array<i64: 1000, 256>}]} {
    %get3A = arith.constant 0 : index
    %get3A_0 = arith.constant 0 : index
    %get3A_1 = arith.constant 0 : index
    %get3A_2 = vector.load %arg3[%get3A, %get3A_0, %get3A_1] : memref<2x1000x128xf32, #tpu.memory_space<vmem>>, vector<1x1000x1xf32>
    %get3A_3 = vector.shape_cast %get3A_2 : vector<1x1000x1xf32> to vector<1000xf32>
    %get3A_4 = arith.constant 1 : index
    %get3A_5 = arith.constant 0 : index
    %get3A_6 = arith.constant 0 : index
    %get3A_7 = vector.load %arg3[%get3A_4, %get3A_5, %get3A_6] : memref<2x1000x128xf32, #tpu.memory_space<vmem>>, vector<1x1000x1xf32>
    %get3A_8 = vector.shape_cast %get3A_7 : vector<1x1000x1xf32> to vector<1000xf32>
    %add3A = arith.addf %get3A_3, %get3A_8 : vector<1000xf32>
    %add3A_9 = arith.constant 1.000000e+00 : f32
    %add3A_10 = vector.broadcast %add3A_9 : f32 to vector<1000xf32>
    %add3A_11 = arith.addf %add3A, %add3A_10 : vector<1000xf32>
    %rsqrt3A = math.rsqrt %add3A_11 : vector<1000xf32>
    %get3A_12 = arith.constant 0 : index
    %get3A_13 = arith.constant 0 : index
    %get3A_14 = arith.constant 0 : index
    %get3A_15 = vector.load %arg1[%get3A_12, %get3A_13, %get3A_14] : memref<2x1000x128xf32, #tpu.memory_space<vmem>>, vector<1x1000x128xf32>
    %get3A_16 = vector.shape_cast %get3A_15 : vector<1x1000x128xf32> to vector<1000x128xf32>
    %get3A_17 = arith.constant 0 : index
    %get3A_18 = arith.constant 0 : index
    %get3A_19 = arith.constant 0 : index
    %get3A_20 = vector.load %arg2[%get3A_17, %get3A_18, %get3A_19] : memref<2x1000x128xf32, #tpu.memory_space<vmem>>, vector<1x1000x128xf32>
    %get3A_21 = vector.shape_cast %get3A_20 : vector<1x1000x128xf32> to vector<1000x128xf32>
    %add3A_22 = arith.addf %get3A_16, %get3A_21 : vector<1000x128xf32>
    %get3A_23 = arith.constant 1 : index
    %get3A_24 = arith.constant 0 : index
    %get3A_25 = arith.constant 0 : index
    %get3A_26 = vector.load %arg1[%get3A_23, %get3A_24, %get3A_25] : memref<2x1000x128xf32, #tpu.memory_space<vmem>>, vector<1x1000x128xf32>
    %get3A_27 = vector.shape_cast %get3A_26 : vector<1x1000x128xf32> to vector<1000x128xf32>
    %get3A_28 = arith.constant 1 : index
    %get3A_29 = arith.constant 0 : index
    %get3A_30 = arith.constant 0 : index
    %get3A_31 = vector.load %arg2[%get3A_28, %get3A_29, %get3A_30] : memref<2x1000x128xf32, #tpu.memory_space<vmem>>, vector<1x1000x128xf32>
    %get3A_32 = vector.shape_cast %get3A_31 : vector<1x1000x128xf32> to vector<1000x128xf32>
    %add3A_33 = arith.addf %get3A_27, %get3A_32 : vector<1000x128xf32>
    %concatenate3A = tpu.concatenate %add3A_22, %add3A_33 in 1 : vector<1000x128xf32>, vector<1000x128xf32> -> vector<1000x256xf32>
    %broadcast_in_dim3A = vector.shape_cast %rsqrt3A : vector<1000xf32> to vector<1000x1xf32>
    %mul3A = vector.broadcast %broadcast_in_dim3A : vector<1000x1xf32> to vector<1000x256xf32>
    %mul3A_34 = arith.mulf %concatenate3A, %mul3A : vector<1000x256xf32>
    %get3A_35 = arith.constant 0 : index
    %get3A_36 = arith.constant 0 : index
    %get3A_37 = vector.load %arg4[%get3A_35, %get3A_36] : memref<1x256xf32, #tpu.memory_space<vmem>>, vector<1x256xf32>
    %add3A_38 = vector.broadcast %get3A_37 : vector<1x256xf32> to vector<1000x256xf32>
    %add3A_39 = arith.addf %mul3A_34, %add3A_38 : vector<1000x256xf32>
    %swap3A = arith.constant 0 : index
    %swap3A_40 = arith.constant 0 : index
    %swap3A_41 = vector.load %arg5[%swap3A, %swap3A_40] : memref<1000x256xf32, #tpu.memory_space<vmem>>, vector<1000x256xf32>
    tpu.vector_store %arg5[%swap3A, %swap3A_40], %add3A_39 {strides = array<i32>} : memref<1000x256xf32, #tpu.memory_space<vmem>>, vector<1000x256xf32>,
    return
  }
  func.func @transform_0(%arg0: i32) -> (i32, i32, i32) {
    %c0_i32 = arith.constant 0 : i32
    %c0_i32_0 = arith.constant 0 : i32
    %c0_i32_1 = arith.constant 0 : i32
    return %c0_i32, %arg0, %c0_i32_0 : i32, i32, i32
  }
  func.func @transform_1(%arg0: i32) -> (i32, i32, i32) {
    %c0_i32 = arith.constant 0 : i32
    %c0_i32_0 = arith.constant 0 : i32
    %c0_i32_1 = arith.constant 0 : i32
    return %c0_i32, %arg0, %c0_i32_0 : i32, i32, i32
  }
  func.func @transform_2(%arg0: i32) -> (i32, i32, i32) {
    %c0_i32 = arith.constant 0 : i32
    %c0_i32_0 = arith.constant 0 : i32
    %c0_i32_1 = arith.constant 0 : i32
    return %c0_i32, %arg0, %c0_i32_0 : i32, i32, i32
  }
  func.func @transform_3(%arg0: i32) -> (i32, i32) {
    %c0_i32 = arith.constant 0 : i32
    %c0_i32_0 = arith.constant 0 : i32
    %c0_i32_1 = arith.constant 0 : i32
    return %c0_i32, %c0_i32_0 : i32, i32
  }
  func.func @transform_4(%arg0: i32) -> (i32, i32) {
    %c0_i32 = arith.constant 0 : i32
    %c0_i32_0 = arith.constant 0 : i32
    return %arg0, %c0_i32 : i32, i32
  }
}

module attributes {stable_mosaic.version = 14 : i64} {
  func.func @_matmul_body(%arg0: i32, %arg1: memref<1000x256xf32, #tpu.memory_space<vmem>>, %arg2: memref<256x256xf32, #tpu.memory_space<vmem>>, %arg3: memref<2x1000x128xf32, #tpu.memory_space<vmem>>, %arg4: memref<2x1000x128xf32, #tpu.memory_space<vmem>>) attributes {dimension_semantics = [#tpu.dimension_semantics<arbitrary>], iteration_bounds = array<i64: 10>, scalar_prefetch = 0 : i64, scratch_operands = 0 : i64, tpu.core_type = #tpu.core_type<tc>, window_params = [{transform_indices = @transform_0, window_bounds = array<i64: 1000, 256>}, {pipeline_mode = #tpu.pipeline_mode<synchronous>, transform_indices = @transform_1, window_bounds = array<i64: 256, 256>}, {transform_indices = @transform_2, window_bounds = array<i64: 2, 1000, 128>}, {transform_indices = @transform_3, window_bounds = array<i64: 2, 1000, 128>}]} {
    %get3A = arith.constant 0 : index
    %get3A_0 = arith.constant 0 : index
    %get3A_1 = arith.constant 0 : index
    %get3A_2 = vector.load %arg3[%get3A, %get3A_0, %get3A_1] : memref<2x1000x128xf32, #tpu.memory_space<vmem>>, vector<1x1000x1xf32>
    %get3A_3 = vector.shape_cast %get3A_2 : vector<1x1000x1xf32> to vector<1000xf32>
    %get3A_4 = arith.constant 1 : index
    %get3A_5 = arith.constant 0 : index
    %get3A_6 = arith.constant 0 : index
    %get3A_7 = vector.load %arg3[%get3A_4, %get3A_5, %get3A_6] : memref<2x1000x128xf32, #tpu.memory_space<vmem>>, vector<1x1000x1xf32>
    %get3A_8 = vector.shape_cast %get3A_7 : vector<1x1000x1xf32> to vector<1000xf32>
    %add3A = arith.addf %get3A_3, %get3A_8 : vector<1000xf32>
    %add3A_9 = arith.constant 1.000000e+00 : f32
    %add3A_10 = vector.broadcast %add3A_9 : f32 to vector<1000xf32>
    %add3A_11 = arith.addf %add3A, %add3A_10 : vector<1000xf32>
    %rsqrt3A = math.rsqrt %add3A_11 : vector<1000xf32>
    %get3A_12 = arith.constant 0 : index
    %get3A_13 = arith.constant 0 : index
    %get3A_14 = vector.load %arg1[%get3A_12, %get3A_13] : memref<1000x256xf32, #tpu.memory_space<vmem>>, vector<1000x256xf32>
    %get3A_15 = arith.constant 0 : index
    %get3A_16 = arith.constant 0 : index
    %get3A_17 = vector.load %arg2[%get3A_15, %get3A_16] : memref<256x256xf32, #tpu.memory_space<vmem>>, vector<256x256xf32>
    %dot_general3A = arith.constant dense<0.000000e+00> : vector<1000x256xf32>
    %dot_general3A_18 = tpu.matmul %get3A_14, %get3A_17, %dot_general3A {dimension_numbers = #tpu.dot_dimension_numbers<[1], [0], [0], [1], [0, 0, 1, 1], [], []>, transpose_lhs_hint = false} : vector<1000x256xf32>, vector<256x256xf32>, vector<1000x256xf32> -> vector<1000x256xf32>
    %broadcast_in_dim3A = vector.shape_cast %rsqrt3A : vector<1000xf32> to vector<1000x1xf32>
    %mul3A = vector.broadcast %broadcast_in_dim3A : vector<1000x1xf32> to vector<1000x256xf32>
    %mul3A_19 = arith.mulf %dot_general3A_18, %mul3A : vector<1000x256xf32>
    %slice3A = vector.extract_strided_slice %mul3A_19 {offsets = [0, 0], sizes = [1000, 128], strides = [1, 1]} : vector<1000x256xf32> to vector<1000x128xf32>
    %swap3A = arith.constant 0 : index
    %swap3A_20 = arith.constant 0 : index
    %swap3A_21 = arith.constant 0 : index
    %swap3A_22 = vector.load %arg4[%swap3A, %swap3A_20, %swap3A_21] : memref<2x1000x128xf32, #tpu.memory_space<vmem>>, vector<1x1000x128xf32>
    %swap3A_23 = vector.shape_cast %swap3A_22 : vector<1x1000x128xf32> to vector<1000x128xf32>
    %swap3A_24 = vector.shape_cast %slice3A : vector<1000x128xf32> to vector<1x1000x128xf32>
    tpu.vector_store %arg4[%swap3A, %swap3A_20, %swap3A_21], %swap3A_24 {strides = array<i32>} : memref<2x1000x128xf32, #tpu.memory_space<vmem>>, vector<1x1000x128xf32>,
    %slice3A_25 = vector.extract_strided_slice %mul3A_19 {offsets = [0, 128], sizes = [1000, 128], strides = [1, 1]} : vector<1000x256xf32> to vector<1000x128xf32>
    %swap3A_26 = arith.constant 1 : index
    %swap3A_27 = arith.constant 0 : index
    %swap3A_28 = arith.constant 0 : index
    %swap3A_29 = vector.load %arg4[%swap3A_26, %swap3A_27, %swap3A_28] : memref<2x1000x128xf32, #tpu.memory_space<vmem>>, vector<1x1000x128xf32>
    %swap3A_30 = vector.shape_cast %swap3A_29 : vector<1x1000x128xf32> to vector<1000x128xf32>
    %swap3A_31 = vector.shape_cast %slice3A_25 : vector<1000x128xf32> to vector<1x1000x128xf32>
    tpu.vector_store %arg4[%swap3A_26, %swap3A_27, %swap3A_28], %swap3A_31 {strides = array<i32>} : memref<2x1000x128xf32, #tpu.memory_space<vmem>>, vector<1x1000x128xf32>,
    return
  }
  func.func @transform_0(%arg0: i32) -> (i32, i32) {
    %c0_i32 = arith.constant 0 : i32
    %c0_i32_0 = arith.constant 0 : i32
    return %arg0, %c0_i32 : i32, i32
  }
  func.func @transform_1(%arg0: i32) -> (i32, i32) {
    %c0_i32 = arith.constant 0 : i32
    %c0_i32_0 = arith.constant 0 : i32
    %c0_i32_1 = arith.constant 0 : i32
    return %c0_i32, %c0_i32_0 : i32, i32
  }
  func.func @transform_2(%arg0: i32) -> (i32, i32, i32) {
    %c0_i32 = arith.constant 0 : i32
    %c0_i32_0 = arith.constant 0 : i32
    %c0_i32_1 = arith.constant 0 : i32
    return %c0_i32, %arg0, %c0_i32_0 : i32, i32, i32
  }
  func.func @transform_3(%arg0: i32) -> (i32, i32, i32) {
    %c0_i32 = arith.constant 0 : i32
    %c0_i32_0 = arith.constant 0 : i32
    %c0_i32_1 = arith.constant 0 : i32
    return %c0_i32, %arg0, %c0_i32_0 : i32, i32, i32
  }
}

</mosaic_0001>

<sc_bundles>
// kernel: kernel.6.cloned.1.call-start
scs
__scs_entry_jumppad:
0x0: {  	(pc) =	sbr.rel $0x88, $3  }
0x1: {  	(tag) =	ssettag $0x0;
	lr =	simm.s32 $0x1  }
0x2: {  	[smem:$0x3F9D] =	sst lr;
	_ =	strace $0xD0000000  }
0x3: {  	_ = 	snop  }
0x4: {  	_ = 	snop  }
0x5: {  	_ = 	snop  }
0x6: {  	_ = 	snop  }
0x7: {  	_ = 	snop  }
__scs_overlays_trampoline_lowered:
0x8: {  	[smem:$0x3FAC] =	sst s0  }
0x9: {  	[smem:$0x3FAD] =	sst s1  }
0xa: {  	[smem:$0x3FAE] =	sst s2  }
0xb: {  	[smem:$0x3FAF] =	sst s3  }
0xc: {  	[smem:$0x3FB0] =	sst s4  }
0xd: {  	[smem:$0x3FB1] =	sst s5  }
0xe: {  	[smem:$0x3FB2] =	sst s6  }
0xf: {  	[smem:$0x3FB3] =	sst s7  }
0x10: {  	[smem:$0x3FB4] =	sst s8  }
0x11: {  	[smem:$0x3FB5] =	sst s9;
	s0 =	simm.s32 @!p0 $0x0  }
0x12: {  	s1 =	sld [smem:$0x3F9B];
	s0 =	simm.s32 @p0 $0x1  }
0x13: {  	[smem:$0x3FB6] =	sst s0;
	s0 =	simm.s32 @!p1 $0x0  }
0x14: {  	s2 =	sld [smem:$0x3F9A];
	s0 =	simm.s32 @p1 $0x1  }
0x15: {  	[smem:$0x3FB7] =	sst s0;
	s0 =	simm.s32 @!p2 $0x0  }
0x16: {  	s3 =	sld [smem:$0x3FDB];
	s0 =	simm.s32 @p2 $0x1  }
0x17: {  	s4 =	simm.s32 $0x1BF5;
	[smem:$0x3FB9] =	sst s0  }
0x18: {  	s0 =	sld [smem:$0x3F9C];
	_ =	swait.ge [sflag:s4], $0x0  }
0x19: {  	s7 =	sld [smem:$0x3F9D]  }
0x1a: {  	s8 =	sadd.s32 $0xFFFFE003, lr  }
0x1b: {  	s9 =	sadd.s32 $0xFFFFFEF7, lr;
	s5 =	simm.s32 $0xFFFFFFFF;
	p2 =	slt.u32 s8, $0xFFFFF086  }
0x1c: {  	p1 =	slt.u32 s9, $0xF7A;
	s5 =	simm.s32 @!p2 $0x0  }
0x1d: {  	s5 =	simm.s32 @p1 $0x1;
	p0 =	seq.s32 s7, s2  }
0x1e: {  	s7 =	smul.u32 @!p0 $0xF7A, s2;
	p2 =	seq.s32 @!p0 s5, $0x0  }
0x1f: {  	s9 =	smul.u32 $0xF7A, s1;
	s8 =	simm.s32 @!p0 $0x1BF5;
	p2 =	por !p2, p0  }
0x20: {  	[sflag:s8] =	ssyncset.s32 @!p0 $0xFFFFF086;
	s6 =	sadd.s32 @!p0 s3, s7;
	s7 =	simm.s32 @!p0 $0x108  }
0x21: {  	s3 =	sadd.s32 s3, s9;
	s6 =	sadd.s32 @!p0 $0x88, s6;
	s7 =	simm.s32 @p2 $0x1082  }
0x22: {  	[simem:s7], [sflag:s8] =	dma.local @!p0 [hbm:s6], $0xF7A  }
0x23: {  	s9 =	sor.u32 $0xD0000000, s2;
	s6 =	simm.s32 $0x108;
	_ =	swait.ge @!p0 [sflag:s8], $0x0  }
0x24: {  	s3 =	sadd.s32 $0x88, s3;
	s6 =	simm.s32 @!p1 $0x1082;
	[sflag:s4] =	ssyncset.s32 $0xFFFFF086  }
0x25: {  	[simem:s6], [sflag:s4] =	dma.local [hbm:s3], $0xF7A  }
0x26: {  	[smem:$0x3F9D] =	sst s1;
	(tag) =	ssettag s2;
	_ =	strace s9  }
0x27: {  	s1 =	sld [smem:$0x3FAD]  }
0x28: {  	s2 =	sld [smem:$0x3FAE]  }
0x29: {  	s4 =	sld [smem:$0x3FB0]  }
0x2a: {  	p0 =	seq.s32 s5, $0x0;
	s5 =	sld [smem:$0x3FB1]  }
0x2b: {  	s6 =	sld [smem:$0x3FB2]  }
0x2c: {  	s7 =	sld [smem:$0x3FB3]  }
0x2d: {  	s3 =	simm.s32 $0x108;
	s8 =	sld [smem:$0x3FB4]  }
0x2e: {  	s3 =	simm.s32 @!p0 $0x1082;
	s9 =	sld [smem:$0x3FB5]  }
0x2f: {  	lr =	sadd.s32 s0, s3;
	s0 =	sld [smem:$0x3FAC]  }
0x30: {  	s3 =	sld [smem:$0x3FAF]  }
0x31: {  	[smem:$0x3FB8] =	sst s10  }
0x32: {  	s10 =	sld [smem:$0x3FB6];
	_ =	sdelay $0x3  }
0x33: {  	p0 =	seq.s32 s10, $0x1;
	s10 =	sld [smem:$0x3FB8];
	_ =	sdelay $0x3  }
0x34: {  	[smem:$0x3FB8] =	sst s10  }
0x35: {  	s10 =	sld [smem:$0x3FB7];
	_ =	sdelay $0x3  }
0x36: {  	p1 =	seq.s32 s10, $0x1;
	s10 =	sld [smem:$0x3FB8];
	_ =	sdelay $0x3  }
0x37: {  	[smem:$0x3FB8] =	sst s10  }
0x38: {  	s10 =	sld [smem:$0x3FB9]  }
0x39: {  	_ = 	snop;
	(pc) =	sbr.ind lr, $3  }
0x3a: {  	_ = 	snop  }
0x3b: {  	_ = 	snop  }
0x3c: {  	p2 =	seq.s32 s10, $0x1;
	s10 =	sld [smem:$0x3FB8]  }
0x3d: {  	_ =	shalt  }
0x3e: {  	_ =	shalt  }
0x3f: {  	_ =	shalt  }
0x40: {  	_ =	shalt  }
0x41: {  	_ =	shalt  }
0x42: {  	_ =	shalt  }
0x43: {  	_ =	shalt  }
0x44: {  	_ =	shalt  }
0x45: {  	_ =	shalt  }
0x46: {  	_ =	shalt  }
0x47: {  	_ =	shalt  }
0x48: {  	_ =	shalt  }
0x49: {  	_ =	shalt  }
0x4a: {  	_ =	shalt  }
0x4b: {  	_ =	shalt  }
0x4c: {  	_ =	shalt  }
0x4d: {  	_ =	shalt  }
0x4e: {  	_ =	shalt  }
0x4f: {  	_ =	shalt  }
0x50: {  	_ =	shalt  }
0x51: {  	_ =	shalt  }
0x52: {  	_ =	shalt  }
0x53: {  	_ =	shalt  }
0x54: {  	_ =	shalt  }
0x55: {  	_ =	shalt  }
0x56: {  	_ =	shalt  }
0x57: {  	_ =	shalt  }
0x58: {  	_ =	shalt  }
0x59: {  	_ =	shalt  }
0x5a: {  	_ =	shalt  }
0x5b: {  	_ =	shalt  }
0x5c: {  	_ =	shalt  }
0x5d: {  	_ =	shalt  }
0x5e: {  	_ =	shalt  }
0x5f: {  	_ =	shalt  }
0x60: {  	_ =	shalt  }
0x61: {  	_ =	shalt  }
0x62: {  	_ =	shalt  }
0x63: {  	_ =	shalt  }
0x64: {  	_ =	shalt  }
0x65: {  	_ =	shalt  }
0x66: {  	_ =	shalt  }
0x67: {  	_ =	shalt  }
0x68: {  	_ =	shalt  }
0x69: {  	_ =	shalt  }
0x6a: {  	_ =	shalt  }
0x6b: {  	_ =	shalt  }
0x6c: {  	_ =	shalt  }
0x6d: {  	_ =	shalt  }
0x6e: {  	_ =	shalt  }
0x6f: {  	_ =	shalt  }
0x70: {  	_ =	shalt  }
0x71: {  	_ =	shalt  }
0x72: {  	_ =	shalt  }
0x73: {  	_ =	shalt  }
0x74: {  	_ =	shalt  }
0x75: {  	_ =	shalt  }
0x76: {  	_ =	shalt  }
0x77: {  	_ =	shalt  }
0x78: {  	_ =	shalt  }
0x79: {  	_ =	shalt  }
0x7a: {  	_ =	shalt  }
0x7b: {  	_ =	shalt  }
0x7c: {  	_ =	shalt  }
0x7d: {  	_ =	shalt  }
0x7e: {  	_ =	shalt  }
0x7f: {  	_ =	shalt  }
0x80: {  	_ =	shalt  }
0x81: {  	_ =	shalt  }
0x82: {  	_ =	shalt  }
0x83: {  	_ =	shalt  }
0x84: {  	_ =	shalt  }
0x85: {  	_ =	shalt  }
0x86: {  	_ =	shalt  }
0x87: {  	_ =	shalt  }
.Lfunc_end0:
.L_simem_size_0:
called_computation_lowered:
.L_overlay_start_0:
0x88: {  	s2 =	sld [smem:$0x3FD9]  }
0x89: {  	s3 =	sld [smem:$0x3FFE];
	_ =	sdelay $0x1  }
0x8a: {  	s1 =	srdreg.scid  }
0x8b: {  	s0 =	sand.u32 $0x1, s1  }
0x8c: {  	s17 =	sshll.u32 s0, $0xA;
	s2 =	sadd.s32 s3, s2  }
0x8d: {  	s2 =	sadd.s32 s2, s17  }
0x8e: {  	[smem:$0x3FC4] =	sst s2  }
0x8f: {  	_ = 	snop  }
0x90: {  	s2 =	sld [smem:$0x3FD0];
	(tm) =	ssettm $0x1  }
0x91: {  	s18 =	sld [smem:$0x3FFB];
	_ =	sdelay $0x3  }
0x92: {  	_ =	strace s18  }
0x93: {  	s3 =	sld [smem:$0x3FFC];
	_ =	sdelay $0x3  }
0x94: {  	_ =	strace s3  }
0x95: {  	s3 =	sld [smem:$0x3FFD];
	_ =	sdelay $0x3  }
0x96: {  	_ =	strace s3  }
0x97: {  	_ =	strace $0x8FFFFFFF  }
0x98: {  	s19 =	sld [smem:$0x3FDB];
	_ =	sdelay $0x1  }
0x99: {  	s4 =	simm.s32 $_scs_section_size  }
0x9a: {  	s5 =	simm.s32 $_size__tile_overlayer_lowered;
	s6 =	simm.s32 $_tile_overlayer_lowered  }
0x9b: {  	s22 =	simm.s32 $0x1BFF;
	s21 =	sshll.u32 s6, $0x1;
	s3 =	sadd.s32 s4, s19  }
0x9c: {  	s7 =	simm.s32 $0x0;
	s20 =	sshll.u32 s5, $0x1;
	s5 =	sadd.s32 s21, s3  }
0x9d: {  	[timem:s7], [sflag:s22] =	dma.local [hbm:s5], s20  }
0x9e: {  	_ =	swait.ge [sflag:s22], s20  }
0x9f: {  	s4 =	ssub.s32 $0x0, s20;
	[sflag:s22] =	ssyncset.done $0x0  }
0xa0: {  	[sflag:s22] =	ssyncadd.s32 s4;
	_ =	sdelay $0x1  }
0xa1: {  	s23 =	simm.s32 $0x1B8B  }
0xa2: {  	_ =	swait.ge [sflag:s23], $0x1  }
0xa3: {  	[sflag:s23] =	ssyncset.done $0x0  }
0xa4: {  	s25 =	simm.s32 $0x1B8E;
	s24 =	sld [smem:$0x3FFE];
	[sflag:s23] =	ssyncadd.s32 $0xFFFFFFFF  }
0xa5: {  	s26 =	simm.s32 $execute0_lowered;
	[smem:$0x3FD2] =	sst s25  }
0xa6: {  	s5 =	sshll.u32 s26, $0x1;
	_ =	strace $0x80000046;
	[dreg:$0x1] =	wrdreg $0xFFFFFFFF  }
0xa7: {  	s28 =	simm.s32 $_size_execute0_lowered;
	s3 =	sadd.s32 s3, s5;
	[dreg:$0x0] =	wrdreg $0x0  }
0xa8: {  	s5 =	sshll.u32 s28, $0x1;
	[dreg:$0x2] =	wrdreg s3  }
0xa9: {  	[dreg:$0x3] =	wrdreg s5  }
0xaa: {  	[dreg:$0x4] =	wrdreg $0xC0  }
0xab: {  	_ =	task [dreg:s7], $0x5FFFF  }
0xac: {  	[dreg:$0x1] =	wrdreg $0xFFFFFFFF  }
0xad: {  	[dreg:$0x0] =	wrdreg $0x60  }
0xae: {  	[dreg:$0x2] =	wrdreg s24  }
0xaf: {  	[dreg:$0x3] =	wrdreg s2  }
0xb0: {  	[dreg:$0x4] =	wrdreg $0x94000  }
0xb1: {  	[dreg:$0x5] =	wrdreg $0x9  }
0xb2: {  	_ =	task.clear_ibuf [dreg:s7], $0x6FFFF;
	_ =	strace $0x90000046  }
0xb3: {  	s29 =	simm.s32 $0x9;
	_ =	strace $0x80000048  }
0xb4: {  	_ =	swait.ge [sflag:s29], $0x1  }
0xb5: {  	[sflag:s29] =	ssyncadd.s32 $0xFFFFFFFF  }
0xb6: {  	_ =	strace $0x90000048  }
0xb7: {  	_ =	sfence  }
0xb8: {  	s30 =	sld [smem:$0x0];
	_ =	sdelay $0x2  }
0xb9: {  	s31 =	sshll.u32 s1, $0xD;
	s1 =	sshrl.u32 s1, $0x2  }
0xba: {  	s3 =	sand.u32 $0x4000, s31;
	s1 =	sadd.s32 s1, s30  }
0xbb: {  	s0 =	sor.u32 s3, s0;
	s1 =	sshll.u32 s1, $0x11  }
0xbc: {  	s0 =	sor.u32 s1, s0  }
0xbd: {  	s0 =	sadd.s32 $0x8F2B, s0  }
0xbe: {  	[sflag:s0] =	ssyncadd.remote.s32 $0x1  }
0xbf: {  	_ =	sfence.sel $0xFFFF  }
0xc0: {  	[dreg:$0x0] =	wrdreg $0xFFFFFFFF;
	(pc) =	sbr.abs _section_cstart, $3  }
0xc1: {  	[dreg:$0x1] =	wrdreg $0xFFFFFFFF  }
0xc2: {  	_ =	task.clear_ibuf [dreg:s7], $0x2FFFF;
	_ =	strace $0x9FFFFFFF  }
0xc3: {  	(tm) =	ssettm $0x7FFFFFFF  }
tec
execute0_lowered:
.L_overlay_start_1:
0x0: {  	(tag) =	ssettag $0x1  }
0x1: {  	s6 =	rddreg [dreg:$0x0]  }
0x2: {  	s0 =	srdreg.scid;
	s2 =	rddreg [dreg:$0x1]  }
0x3: {  	s3 =	rddreg [dreg:$0x2];
	s8 =	sand.u32 $0x1, s0  }
0x4: {  	s0 =	stileid.u32;
	s5 =	smul.u32 $0x14000, s8  }
0x5: {  	s1 =	rddreg [dreg:$0x3];
	s4 =	simm.s32 $0x0;
	s7 =	smul.u32 $0x1400, s0  }
0x6: {  	s21 =	simm.s32 $0x80;
	s22 =	simm.s32 $0x0;
	s9 =	smul.u32 $0x4F000, s0  }
0x7: {  	[smem:$0x7FF] =	sst s4;
	s16 =	sadd.s32 $0x7200, s6;
	s11 =	smul.u32 $0x13C00, s0  }
0x8: {  	_ =	strace $0x80000047;
	s31 =	ssub.s32 $0x2, s8;
	s15 =	smul.u32 $0x13C000, s8  }
0x9: {  	s10 =	sshrl.u32 s31, $0x1;
	s5 =	sadd.s32 s7, s5;
	s9 =	sshrl.u32 s9, $0x2  }
0xa: {  	s17 =	ssub.s32 s31, s10;
	s12 =	sadd.s32 $0x4000, s11;
	s14 =	sadd.s32 $0x8000, s11  }
0xb: {  	s18 =	sadd.s32 $0xC000, s11;
	s13 =	sadd.s32 s11, s15;
	s19 =	sadd.s32 $0x10000, s11  }
0xc: {  	s5 =	sshrl.u32 s5, $0x3;
	s7 =	sadd.s32 s9, s3;
	s8 =	sadd.s32 s12, s3  }
0xd: {  	s9 =	sadd.s32 s14, s3;
	s10 =	sadd.s32 s18, s3;
	s12 =	sadd.s32 s15, s12  }
0xe: {  	s13 =	sshrl.u32 s13, $0x3;
	s11 =	sadd.s32 s19, s3;
	s14 =	sadd.s32 s15, s14  }
0xf: {  	s18 =	sadd.s32 s15, s18;
	s15 =	sadd.s32 s15, s19;
	s17 =	smax.u32 s17, $0x1  }
0x10: {  	s30 =	sadd.s32 s5, s6;
	s5 =	sadd.s32 $0x6A00, s6;
	s20 =	sshrl.u32 s12, $0x3  }
0x11: {  	s12 =	sadd.s32 s16, s13;
	s14 =	sshrl.u32 s14, $0x3;
	s18 =	sshrl.u32 s18, $0x3  }
0x12: {  	s19 =	sshrl.u32 s15, $0x3;
	s6 =	sadd.s32 $0x1A00, s30;
	s13 =	sadd.s32 s16, s20  }
0x13: {  	s14 =	sadd.s32 s16, s14;
	s15 =	sadd.s32 s16, s18;
	s16 =	sadd.s32 s16, s19  }
0x14: {  	s18 =	simm.s32 $0x1;
	s19 =	simm.s32 $0x1400;
	s20 =	simm.s32 $0x5400  }
.LBB2_1:
0x15: {  	[tilespmem:s4], [sflag:$0x1] =	stream.linear.gather [hbm4b:s6+s4], $0x1400, $0x38;
	[tilespmem:$0x1D000] =	vst v63  }
0x16: {  	_ =	swait.ge [sflag:s18], $0x1400  }
0x17: {  	[sflag:s18] =	ssyncset.done $0x0  }
0x18: {  	[sflag:s18] =	ssyncadd.s32 $0xFFFFEC00  }
0x19: {  	[tilespmem:s19], [sflag:$0x1] =	stream.linear.gather [hbm4b:s2+s4], $0x4000, $0x38;
	[tilespmem:$0x1D000] =	vst v63  }
0x1a: {  	_ =	swait.ge [sflag:s18], $0x4000  }
0x1b: {  	[sflag:s18] =	ssyncset.done $0x0  }
0x1c: {  	[sflag:s18] =	ssyncadd.s32 $0xFFFFC000  }
0x1d: {  	[tilespmem:s20], [sflag:$0x1] =	stream.linear.gather [hbm4b:s5+s4], $0x4000, $0x38;
	[tilespmem:$0x1D000] =	vst v63  }
0x1e: {  	_ =	swait.ge [sflag:s18], $0x4000  }
0x1f: {  	[sflag:s18] =	ssyncset.done $0x0  }
0x20: {  	[sflag:s18] =	ssyncadd.s32 $0xFFFFC000  }
0x21: {  	[spmem:s7] =	stream.linear.scatter [tilespmem:s20], [sflag:$0x1], $0x4000, $0x38;
	[tilespmem:$0x1D000] =	vst v63  }
0x22: {  	_ =	swait.ge [sflag:s18], $0x4000  }
0x23: {  	[sflag:s18] =	ssyncset.done $0x0  }
0x24: {  	[sflag:s18] =	ssyncadd.s32 $0xFFFFC000  }
0x25: {  	[spmem:s8] =	stream.linear.scatter [tilespmem:s20], [sflag:$0x1], $0x4000, $0x38;
	[tilespmem:$0x1D000] =	vst v63  }
0x26: {  	_ =	swait.ge [sflag:s18], $0x4000  }
0x27: {  	[sflag:s18] =	ssyncset.done $0x0  }
0x28: {  	[sflag:s18] =	ssyncadd.s32 $0xFFFFC000  }
0x29: {  	[spmem:s9] =	stream.linear.scatter [tilespmem:s20], [sflag:$0x1], $0x4000, $0x38;
	[tilespmem:$0x1D000] =	vst v63  }
0x2a: {  	_ =	swait.ge [sflag:s18], $0x4000  }
0x2b: {  	[sflag:s18] =	ssyncset.done $0x0  }
0x2c: {  	[sflag:s18] =	ssyncadd.s32 $0xFFFFC000  }
0x2d: {  	[spmem:s10] =	stream.linear.scatter [tilespmem:s20], [sflag:$0x1], $0x4000, $0x38;
	[tilespmem:$0x1D000] =	vst v63  }
0x2e: {  	_ =	swait.ge [sflag:s18], $0x4000  }
0x2f: {  	[sflag:s18] =	ssyncset.done $0x0  }
0x30: {  	[sflag:s18] =	ssyncadd.s32 $0xFFFFC000  }
0x31: {  	[spmem:s11] =	stream.linear.scatter [tilespmem:s20], [sflag:$0x1], $0x3C00, $0x38;
	[tilespmem:$0x1D000] =	vst v63  }
0x32: {  	_ =	swait.ge [sflag:s18], $0x3C00  }
0x33: {  	[sflag:s18] =	ssyncset.done $0x0  }
0x34: {  	[sflag:s18] =	ssyncadd.s32 $0xFFFFC400  }
0x35: {  	s23 =	simm.s32 $0x0;
	[bflag:$0x0] =	sbarrier.arrive $0xFFFF  }
0x36: {  	[spmem:s3] =	stream.indirect.scatter.add.f32 [tilespmem:s19], [sflag:$0x1], $0x80, s23, s21, $0xb8;
	[tilespmem:$0x1D000] =	vst v63  }
0x37: {  	_ =	swait.ge [sflag:s18], $0x4000  }
0x38: {  	s23 =	simm.s32 $0x200;
	[sflag:s18] =	ssyncset.done $0x0  }
.LBB2_2:
0x39: {  	s24 =	sshra.s32 s23, $0x2;
	[sflag:s18] =	ssyncadd.s32 $0xFFFFC000;
	p0 =	sne.s32 s23, $0x4E00  }
0x3a: {  	[spmem:s3] =	stream.indirect.scatter.add.f32 [tilespmem:s19], [sflag:$0x1], $0x80, s24, s21, $0xb8;
	[tilespmem:$0x1D000] =	vst v63  }
.Ltmp0:
0x3b: {  	_ = 	snop;
	(pc) =	sbr.rel @p0 .LBB2_2-.Ltmp0, $4  }
0x3c: {  	_ = 	snop  }
0x3d: {  	s23 =	sadd.s32 $0x200, s23  }
0x3e: {  	_ =	swait.ge [sflag:s18], $0x4000  }
0x3f: {  	[sflag:s18] =	ssyncset.done $0x0  }
0x40: {  	[sflag:s18] =	ssyncadd.s32 $0xFFFFC000  }
0x41: {  	[bflag:$0x0] =	sbarrier.arrive $0xFFFF  }
0x42: {  	[tilespmem:s20], [sflag:$0x1] =	stream.linear.gather [spmem:s7], $0x4000, $0x38;
	[tilespmem:$0x1D000] =	vst v63  }
0x43: {  	_ =	swait.ge [sflag:s18], $0x4000  }
0x44: {  	[sflag:s18] =	ssyncset.done $0x0  }
0x45: {  	[sflag:s18] =	ssyncadd.s32 $0xFFFFC000  }
0x46: {  	[hbm4b:s12+s4] =	stream.linear.scatter [tilespmem:s20], [sflag:$0x1], $0x4000, $0x38;
	[tilespmem:$0x1D000] =	vst v63  }
0x47: {  	_ =	swait.ge [sflag:s18], $0x4000  }
0x48: {  	[sflag:s18] =	ssyncset.done $0x0  }
0x49: {  	[sflag:s18] =	ssyncadd.s32 $0xFFFFC000  }
0x4a: {  	[tilespmem:s20], [sflag:$0x1] =	stream.linear.gather [spmem:s8], $0x4000, $0x38;
	[tilespmem:$0x1D000] =	vst v63  }
0x4b: {  	_ =	swait.ge [sflag:s18], $0x4000  }
0x4c: {  	[sflag:s18] =	ssyncset.done $0x0  }
0x4d: {  	[sflag:s18] =	ssyncadd.s32 $0xFFFFC000  }
0x4e: {  	[hbm4b:s13+s4] =	stream.linear.scatter [tilespmem:s20], [sflag:$0x1], $0x4000, $0x38;
	[tilespmem:$0x1D000] =	vst v63  }
0x4f: {  	_ =	swait.ge [sflag:s18], $0x4000  }
0x50: {  	[sflag:s18] =	ssyncset.done $0x0  }
0x51: {  	[sflag:s18] =	ssyncadd.s32 $0xFFFFC000  }
0x52: {  	[tilespmem:s20], [sflag:$0x1] =	stream.linear.gather [spmem:s9], $0x4000, $0x38;
	[tilespmem:$0x1D000] =	vst v63  }
0x53: {  	_ =	swait.ge [sflag:s18], $0x4000  }
0x54: {  	[sflag:s18] =	ssyncset.done $0x0  }
0x55: {  	[sflag:s18] =	ssyncadd.s32 $0xFFFFC000  }
0x56: {  	[hbm4b:s14+s4] =	stream.linear.scatter [tilespmem:s20], [sflag:$0x1], $0x4000, $0x38;
	[tilespmem:$0x1D000] =	vst v63  }
0x57: {  	_ =	swait.ge [sflag:s18], $0x4000  }
0x58: {  	[sflag:s18] =	ssyncset.done $0x0  }
0x59: {  	[sflag:s18] =	ssyncadd.s32 $0xFFFFC000  }
0x5a: {  	[tilespmem:s20], [sflag:$0x1] =	stream.linear.gather [spmem:s10], $0x4000, $0x38;
	[tilespmem:$0x1D000] =	vst v63  }
0x5b: {  	_ =	swait.ge [sflag:s18], $0x4000  }
0x5c: {  	[sflag:s18] =	ssyncset.done $0x0  }
0x5d: {  	[sflag:s18] =	ssyncadd.s32 $0xFFFFC000  }
0x5e: {  	[hbm4b:s15+s4] =	stream.linear.scatter [tilespmem:s20], [sflag:$0x1], $0x4000, $0x38;
	[tilespmem:$0x1D000] =	vst v63  }
0x5f: {  	_ =	swait.ge [sflag:s18], $0x4000  }
0x60: {  	[sflag:s18] =	ssyncset.done $0x0  }
0x61: {  	[sflag:s18] =	ssyncadd.s32 $0xFFFFC000  }
0x62: {  	[tilespmem:s20], [sflag:$0x1] =	stream.linear.gather [spmem:s11], $0x3C00, $0x38;
	[tilespmem:$0x1D000] =	vst v63  }
0x63: {  	s22 =	sadd.s32 $0x1, s22;
	_ =	swait.ge [sflag:s18], $0x3C00  }
0x64: {  	p0 =	sne.s32 s22, s17;
	[sflag:s18] =	ssyncset.done $0x0  }
.Ltmp1:
0x65: {  	[sflag:s18] =	ssyncadd.s32 $0xFFFFC400;
	(pc) =	sbr.rel @p0 .LBB2_1-.Ltmp1, $4  }
0x66: {  	[hbm4b:s16+s4] =	stream.linear.scatter [tilespmem:s20], [sflag:$0x1], $0x3C00, $0x38;
	[tilespmem:$0x1D000] =	vst v63  }
0x67: {  	_ =	swait.ge [sflag:s18], $0x3C00  }
0x68: {  	[sflag:s18] =	ssyncset.done $0x0  }
0x69: {  	[sflag:s18] =	ssyncadd.s32 $0xFFFFC400  }
0x6a: {  	_ =	sfence.sel $0x180000  }
0x6b: {  	[bflag:$0x0] =	sbarrier.arrive $0xFFFF  }
0x6c: {  	p0 =	sne.s32 s0, $0x0;
	_ =	strace $0x90000047  }
0x6d: {  	s0 =	sadd.s32 @!p0 $0x100000, s1;
	[bflag:$0x2] =	sbarrier.arrive $0xFFFF  }
0x6e: {  	[sflag:s0] =	ssyncadd.tile.s32 @!p0 $0x1;
	_ =	shalt  }
.Lfunc_end2:
_tile_overlayer_lowered:
.L_overlay_start_2:
0x6f: {  	(tag) =	ssettag $0x2  }
0x70: {  	s0 =	rddreg [dreg:$0x0];
	s2 =	stileid.u32  }
0x71: {  	s1 =	rddreg [dreg:$0x1];
	p0 =	sne.s32 s2, $0x0  }
0x72: {  	s3 =	rddreg [dreg:$0x2];
	[bflag:$0x3] =	sbarrier.arrive $0xFFFF;
	s2 =	simm.s32 @!p0 $0x1C01  }
0x73: {  	[timem:s3], [sflag:s2] =	dma.local @!p0 [hbm:s0], s1  }
0x74: {  	s0 =	simm.s32 @!p0 $0x1  }
0x75: {  	_ =	swait.ge @!p0 [sflag:s0], s1  }
0x76: {  	s1 =	ssub.s32 @!p0 $0x0, s1;
	[sflag:s0] =	ssyncset.done @!p0 $0x0  }
0x77: {  	[sflag:s0] =	ssyncadd.s32 @!p0 s1  }
0x78: {  	[bflag:$0x3] =	sbarrier.arrive $0xFFFF  }
0x79: {  	_ =	shalt  }

// kernel: kernel.9.cloned.1.call-start
scs
__scs_entry_jumppad:
0x0: {  	(pc) =	sbr.rel $0x88, $3  }
0x1: {  	(tag) =	ssettag $0x0;
	lr =	simm.s32 $0x1  }
0x2: {  	[smem:$0x3F9D] =	sst lr;
	_ =	strace $0xD0000000  }
0x3: {  	_ = 	snop  }
0x4: {  	_ = 	snop  }
0x5: {  	_ = 	snop  }
0x6: {  	_ = 	snop  }
0x7: {  	_ = 	snop  }
__scs_overlays_trampoline_lowered:
0x8: {  	[smem:$0x3FAC] =	sst s0  }
0x9: {  	[smem:$0x3FAD] =	sst s1  }
0xa: {  	[smem:$0x3FAE] =	sst s2  }
0xb: {  	[smem:$0x3FAF] =	sst s3  }
0xc: {  	[smem:$0x3FB0] =	sst s4  }
0xd: {  	[smem:$0x3FB1] =	sst s5  }
0xe: {  	[smem:$0x3FB2] =	sst s6  }
0xf: {  	[smem:$0x3FB3] =	sst s7  }
0x10: {  	[smem:$0x3FB4] =	sst s8  }
0x11: {  	[smem:$0x3FB5] =	sst s9;
	s0 =	simm.s32 @!p0 $0x0  }
0x12: {  	s1 =	sld [smem:$0x3F9B];
	s0 =	simm.s32 @p0 $0x1  }
0x13: {  	[smem:$0x3FB6] =	sst s0;
	s0 =	simm.s32 @!p1 $0x0  }
0x14: {  	s2 =	sld [smem:$0x3F9A];
	s0 =	simm.s32 @p1 $0x1  }
0x15: {  	[smem:$0x3FB7] =	sst s0;
	s0 =	simm.s32 @!p2 $0x0  }
0x16: {  	s3 =	sld [smem:$0x3FDB];
	s0 =	simm.s32 @p2 $0x1  }
0x17: {  	s4 =	simm.s32 $0x1BF5;
	[smem:$0x3FB9] =	sst s0  }
0x18: {  	s0 =	sld [smem:$0x3F9C];
	_ =	swait.ge [sflag:s4], $0x0  }
0x19: {  	s7 =	sld [smem:$0x3F9D]  }
0x1a: {  	s8 =	sadd.s32 $0xFFFFE003, lr  }
0x1b: {  	s9 =	sadd.s32 $0xFFFFFEF7, lr;
	s5 =	simm.s32 $0xFFFFFFFF;
	p2 =	slt.u32 s8, $0xFFFFF086  }
0x1c: {  	p1 =	slt.u32 s9, $0xF7A;
	s5 =	simm.s32 @!p2 $0x0  }
0x1d: {  	s5 =	simm.s32 @p1 $0x1;
	p0 =	seq.s32 s7, s2  }
0x1e: {  	s7 =	smul.u32 @!p0 $0xF7A, s2;
	p2 =	seq.s32 @!p0 s5, $0x0  }
0x1f: {  	s9 =	smul.u32 $0xF7A, s1;
	s8 =	simm.s32 @!p0 $0x1BF5;
	p2 =	por !p2, p0  }
0x20: {  	[sflag:s8] =	ssyncset.s32 @!p0 $0xFFFFF086;
	s6 =	sadd.s32 @!p0 s3, s7;
	s7 =	simm.s32 @!p0 $0x108  }
0x21: {  	s3 =	sadd.s32 s3, s9;
	s6 =	sadd.s32 @!p0 $0x88, s6;
	s7 =	simm.s32 @p2 $0x1082  }
0x22: {  	[simem:s7], [sflag:s8] =	dma.local @!p0 [hbm:s6], $0xF7A  }
0x23: {  	s9 =	sor.u32 $0xD0000000, s2;
	s6 =	simm.s32 $0x108;
	_ =	swait.ge @!p0 [sflag:s8], $0x0  }
0x24: {  	s3 =	sadd.s32 $0x88, s3;
	s6 =	simm.s32 @!p1 $0x1082;
	[sflag:s4] =	ssyncset.s32 $0xFFFFF086  }
0x25: {  	[simem:s6], [sflag:s4] =	dma.local [hbm:s3], $0xF7A  }
0x26: {  	[smem:$0x3F9D] =	sst s1;
	(tag) =	ssettag s2;
	_ =	strace s9  }
0x27: {  	s1 =	sld [smem:$0x3FAD]  }
0x28: {  	s2 =	sld [smem:$0x3FAE]  }
0x29: {  	s4 =	sld [smem:$0x3FB0]  }
0x2a: {  	p0 =	seq.s32 s5, $0x0;
	s5 =	sld [smem:$0x3FB1]  }
0x2b: {  	s6 =	sld [smem:$0x3FB2]  }
0x2c: {  	s7 =	sld [smem:$0x3FB3]  }
0x2d: {  	s3 =	simm.s32 $0x108;
	s8 =	sld [smem:$0x3FB4]  }
0x2e: {  	s3 =	simm.s32 @!p0 $0x1082;
	s9 =	sld [smem:$0x3FB5]  }
0x2f: {  	lr =	sadd.s32 s0, s3;
	s0 =	sld [smem:$0x3FAC]  }
0x30: {  	s3 =	sld [smem:$0x3FAF]  }
0x31: {  	[smem:$0x3FB8] =	sst s10  }
0x32: {  	s10 =	sld [smem:$0x3FB6];
	_ =	sdelay $0x3  }
0x33: {  	p0 =	seq.s32 s10, $0x1;
	s10 =	sld [smem:$0x3FB8];
	_ =	sdelay $0x3  }
0x34: {  	[smem:$0x3FB8] =	sst s10  }
0x35: {  	s10 =	sld [smem:$0x3FB7];
	_ =	sdelay $0x3  }
0x36: {  	p1 =	seq.s32 s10, $0x1;
	s10 =	sld [smem:$0x3FB8];
	_ =	sdelay $0x3  }
0x37: {  	[smem:$0x3FB8] =	sst s10  }
0x38: {  	s10 =	sld [smem:$0x3FB9]  }
0x39: {  	_ = 	snop;
	(pc) =	sbr.ind lr, $3  }
0x3a: {  	_ = 	snop  }
0x3b: {  	_ = 	snop  }
0x3c: {  	p2 =	seq.s32 s10, $0x1;
	s10 =	sld [smem:$0x3FB8]  }
0x3d: {  	_ =	shalt  }
0x3e: {  	_ =	shalt  }
0x3f: {  	_ =	shalt  }
0x40: {  	_ =	shalt  }
0x41: {  	_ =	shalt  }
0x42: {  	_ =	shalt  }
0x43: {  	_ =	shalt  }
0x44: {  	_ =	shalt  }
0x45: {  	_ =	shalt  }
0x46: {  	_ =	shalt  }
0x47: {  	_ =	shalt  }
0x48: {  	_ =	shalt  }
0x49: {  	_ =	shalt  }
0x4a: {  	_ =	shalt  }
0x4b: {  	_ =	shalt  }
0x4c: {  	_ =	shalt  }
0x4d: {  	_ =	shalt  }
0x4e: {  	_ =	shalt  }
0x4f: {  	_ =	shalt  }
0x50: {  	_ =	shalt  }
0x51: {  	_ =	shalt  }
0x52: {  	_ =	shalt  }
0x53: {  	_ =	shalt  }
0x54: {  	_ =	shalt  }
0x55: {  	_ =	shalt  }
0x56: {  	_ =	shalt  }
0x57: {  	_ =	shalt  }
0x58: {  	_ =	shalt  }
0x59: {  	_ =	shalt  }
0x5a: {  	_ =	shalt  }
0x5b: {  	_ =	shalt  }
0x5c: {  	_ =	shalt  }
0x5d: {  	_ =	shalt  }
0x5e: {  	_ =	shalt  }
0x5f: {  	_ =	shalt  }
0x60: {  	_ =	shalt  }
0x61: {  	_ =	shalt  }
0x62: {  	_ =	shalt  }
0x63: {  	_ =	shalt  }
0x64: {  	_ =	shalt  }
0x65: {  	_ =	shalt  }
0x66: {  	_ =	shalt  }
0x67: {  	_ =	shalt  }
0x68: {  	_ =	shalt  }
0x69: {  	_ =	shalt  }
0x6a: {  	_ =	shalt  }
0x6b: {  	_ =	shalt  }
0x6c: {  	_ =	shalt  }
0x6d: {  	_ =	shalt  }
0x6e: {  	_ =	shalt  }
0x6f: {  	_ =	shalt  }
0x70: {  	_ =	shalt  }
0x71: {  	_ =	shalt  }
0x72: {  	_ =	shalt  }
0x73: {  	_ =	shalt  }
0x74: {  	_ =	shalt  }
0x75: {  	_ =	shalt  }
0x76: {  	_ =	shalt  }
0x77: {  	_ =	shalt  }
0x78: {  	_ =	shalt  }
0x79: {  	_ =	shalt  }
0x7a: {  	_ =	shalt  }
0x7b: {  	_ =	shalt  }
0x7c: {  	_ =	shalt  }
0x7d: {  	_ =	shalt  }
0x7e: {  	_ =	shalt  }
0x7f: {  	_ =	shalt  }
0x80: {  	_ =	shalt  }
0x81: {  	_ =	shalt  }
0x82: {  	_ =	shalt  }
0x83: {  	_ =	shalt  }
0x84: {  	_ =	shalt  }
0x85: {  	_ =	shalt  }
0x86: {  	_ =	shalt  }
0x87: {  	_ =	shalt  }
.Lfunc_end0:
.L_simem_size_0:
called_computation.1_lowered:
.L_overlay_start_0:
0x88: {  	s2 =	sld [smem:$0x3FD9]  }
0x89: {  	s3 =	sld [smem:$0x3FFE];
	_ =	sdelay $0x1  }
0x8a: {  	s1 =	srdreg.scid  }
0x8b: {  	s0 =	sand.u32 $0x1, s1  }
0x8c: {  	s17 =	sshll.u32 s0, $0xA;
	s2 =	sadd.s32 s3, s2  }
0x8d: {  	s2 =	sadd.s32 s2, s17  }
0x8e: {  	[smem:$0x3FC4] =	sst s2  }
0x8f: {  	_ = 	snop  }
0x90: {  	s2 =	sld [smem:$0x3FD0];
	(tm) =	ssettm $0x1  }
0x91: {  	s18 =	sld [smem:$0x3FFB];
	_ =	sdelay $0x3  }
0x92: {  	_ =	strace s18  }
0x93: {  	s3 =	sld [smem:$0x3FFC];
	_ =	sdelay $0x3  }
0x94: {  	_ =	strace s3  }
0x95: {  	s3 =	sld [smem:$0x3FFD];
	_ =	sdelay $0x3  }
0x96: {  	_ =	strace s3  }
0x97: {  	_ =	strace $0x8FFFFFFF  }
0x98: {  	s19 =	sld [smem:$0x3FDB];
	_ =	sdelay $0x1  }
0x99: {  	s4 =	simm.s32 $_scs_section_size  }
0x9a: {  	s5 =	simm.s32 $_size__tile_overlayer_lowered;
	s6 =	simm.s32 $_tile_overlayer_lowered  }
0x9b: {  	s22 =	simm.s32 $0x1BFF;
	s21 =	sshll.u32 s6, $0x1;
	s3 =	sadd.s32 s4, s19  }
0x9c: {  	s7 =	simm.s32 $0x0;
	s20 =	sshll.u32 s5, $0x1;
	s5 =	sadd.s32 s21, s3  }
0x9d: {  	[timem:s7], [sflag:s22] =	dma.local [hbm:s5], s20  }
0x9e: {  	_ =	swait.ge [sflag:s22], s20  }
0x9f: {  	s4 =	ssub.s32 $0x0, s20;
	[sflag:s22] =	ssyncset.done $0x0  }
0xa0: {  	[sflag:s22] =	ssyncadd.s32 s4;
	_ =	sdelay $0x1  }
0xa1: {  	s23 =	simm.s32 $0x1B8B  }
0xa2: {  	_ =	swait.ge [sflag:s23], $0x1  }
0xa3: {  	[sflag:s23] =	ssyncset.done $0x0  }
0xa4: {  	s25 =	simm.s32 $0x1B8E;
	s24 =	sld [smem:$0x3FFE];
	[sflag:s23] =	ssyncadd.s32 $0xFFFFFFFF  }
0xa5: {  	s26 =	simm.s32 $execute0_lowered;
	[smem:$0x3FD2] =	sst s25  }
0xa6: {  	s5 =	sshll.u32 s26, $0x1;
	_ =	strace $0x80000049;
	[dreg:$0x1] =	wrdreg $0xFFFFFFFF  }
0xa7: {  	s28 =	simm.s32 $_size_execute0_lowered;
	s3 =	sadd.s32 s3, s5;
	[dreg:$0x0] =	wrdreg $0x0  }
0xa8: {  	s5 =	sshll.u32 s28, $0x1;
	[dreg:$0x2] =	wrdreg s3  }
0xa9: {  	[dreg:$0x3] =	wrdreg s5  }
0xaa: {  	[dreg:$0x4] =	wrdreg $0xC0  }
0xab: {  	_ =	task [dreg:s7], $0x5FFFF  }
0xac: {  	[dreg:$0x1] =	wrdreg $0xFFFFFFFF  }
0xad: {  	[dreg:$0x0] =	wrdreg $0x60  }
0xae: {  	[dreg:$0x2] =	wrdreg s2  }
0xaf: {  	[dreg:$0x3] =	wrdreg s24  }
0xb0: {  	[dreg:$0x4] =	wrdreg $0xB4000  }
0xb1: {  	[dreg:$0x5] =	wrdreg $0x9  }
0xb2: {  	_ =	task.clear_ibuf [dreg:s7], $0x6FFFF;
	_ =	strace $0x90000049  }
0xb3: {  	s29 =	simm.s32 $0x9;
	_ =	strace $0x8000004B  }
0xb4: {  	_ =	swait.ge [sflag:s29], $0x1  }
0xb5: {  	[sflag:s29] =	ssyncadd.s32 $0xFFFFFFFF  }
0xb6: {  	_ =	strace $0x9000004B  }
0xb7: {  	_ =	sfence  }
0xb8: {  	s30 =	sld [smem:$0x0];
	_ =	sdelay $0x2  }
0xb9: {  	s31 =	sshll.u32 s1, $0xD;
	s1 =	sshrl.u32 s1, $0x2  }
0xba: {  	s3 =	sand.u32 $0x4000, s31;
	s1 =	sadd.s32 s1, s30  }
0xbb: {  	s0 =	sor.u32 s3, s0;
	s1 =	sshll.u32 s1, $0x11  }
0xbc: {  	s0 =	sor.u32 s1, s0  }
0xbd: {  	s0 =	sadd.s32 $0x8F2B, s0  }
0xbe: {  	[sflag:s0] =	ssyncadd.remote.s32 $0x1  }
0xbf: {  	_ =	sfence.sel $0xFFFF  }
0xc0: {  	[dreg:$0x0] =	wrdreg $0xFFFFFFFF;
	(pc) =	sbr.abs _section_cstart, $3  }
0xc1: {  	[dreg:$0x1] =	wrdreg $0xFFFFFFFF  }
0xc2: {  	_ =	task.clear_ibuf [dreg:s7], $0x2FFFF;
	_ =	strace $0x9FFFFFFF  }
0xc3: {  	(tm) =	ssettm $0x7FFFFFFF  }
tec
execute0_lowered:
.L_overlay_start_1:
0x0: {  	(tag) =	ssettag $0x1  }
0x1: {  	s3 =	rddreg [dreg:$0x0]  }
0x2: {  	s1 =	rddreg [dreg:$0x1]  }
0x3: {  	s4 =	rddreg [dreg:$0x2];
	s31 =	simm.s32 $0x0  }
0x4: {  	[smem:$0x7FF] =	sst s31;
	s16 =	sadd.s32 $0x6A00, s1  }
0x5: {  	s2 =	simm.s32 $0x100;
	_ =	strace $0x8000004A;
	[dreg:$0x4] =	wrdreg s16  }
0x6: {  	s0 =	srdreg.scid;
	s14 =	simm.s32 $0x380;
	[dreg:$0x10] =	wrdreg s2  }
0x7: {  	s13 =	stileid.u32;
	[dreg:$0x15] =	wrdreg s14;
	s16 =	simm.s32 $0x480  }
0x8: {  	s0 =	sand.u32 $0x1, s0;
	s2 =	simm.s32 $0xB80;
	[dreg:$0x17] =	wrdreg s16  }
0x9: {  	s6 =	smul.u32 $0x2C00, s13;
	s14 =	simm.s32 $0xE00;
	[smem:$0x7BF] =	sst s2  }
0xa: {  	s5 =	smul.u32 $0x2C000, s0;
	[smem:$0x7C4] =	sst s14;
	s16 =	simm.s32 $0xF00  }
0xb: {  	s15 =	smul.u32 $0x2800, s13;
	s2 =	simm.s32 $0x1600;
	[smem:$0x7C6] =	sst s16  }
0xc: {  	s14 =	simm.s32 $0x1880;
	s5 =	sadd.s32 s6, s5;
	[smem:$0x7D4] =	sst s2  }
0xd: {  	s6 =	sshrl.u32 s15, $0x3;
	s15 =	simm.s32 $0x400;
	[smem:$0x7D9] =	sst s14  }
0xe: {  	s16 =	simm.s32 $0x1980;
	[dreg:$0x16] =	wrdreg s15  }
0xf: {  	s2 =	simm.s32 $0x1F00;
	[smem:$0x7DB] =	sst s16  }
0x10: {  	s14 =	simm.s32 $0x2100;
	[smem:$0x7E7] =	sst s2  }
0x11: {  	s15 =	simm.s32 $0xE80;
	[smem:$0x7EF] =	sst s14  }
0x12: {  	s8 =	sadd.s32 s6, s1;
	s16 =	simm.s32 $0x2180;
	[smem:$0x7C5] =	sst s15  }
0x13: {  	s18 =	sadd.s32 $0x1A00, s8;
	[smem:$0x7F0] =	sst s16  }
0x14: {  	s19 =	sadd.s32 $0x1B00, s8;
	[dreg:$0x6] =	wrdreg s18  }
0x15: {  	s7 =	sadd.s32 $0x1C00, s8;
	[dreg:$0x7] =	wrdreg s19  }
0x16: {  	s12 =	sadd.s32 $0x1D00, s8;
	[dreg:$0x8] =	wrdreg s7  }
0x17: {  	s5 =	sshrl.u32 s5, $0x3;
	s8 =	sadd.s32 $0x1E00, s8;
	[dreg:$0x9] =	wrdreg s12  }
0x18: {  	s5 =	sadd.s32 s5, s1;
	s15 =	simm.s32 $0x1900;
	[dreg:$0xa] =	wrdreg s8  }
0x19: {  	s9 =	smul.u32 $0x13C00, s13;
	s17 =	sadd.s32 $0x56200, s5;
	[smem:$0x7DA] =	sst s15  }
0x1a: {  	s10 =	sadd.s32 $0x61200, s1;
	s12 =	simm.s32 $0x300;
	[dreg:$0x5] =	wrdreg s17  }
0x1b: {  	s11 =	smul.u32 $0x13C000, s0;
	s18 =	simm.s32 $0x580;
	[dreg:$0x14] =	wrdreg s12  }
0x1c: {  	s1 =	sadd.s32 $0x8000, s9;
	s19 =	simm.s32 $0x600;
	[dreg:$0x19] =	wrdreg s18  }
0x1d: {  	s24 =	sadd.s32 s11, s1;
	s1 =	sadd.s32 s1, s4;
	[dreg:$0x1a] =	wrdreg s19  }
0x1e: {  	s6 =	sadd.s32 $0xC000, s9;
	s17 =	simm.s32 $0x500;
	[smem:$0x7EA] =	sst s1  }
0x1f: {  	s25 =	sshrl.u32 s24, $0x3;
	s24 =	simm.s32 $0x880;
	[dreg:$0x18] =	wrdreg s17  }
0x20: {  	s5 =	sadd.s32 $0x4000, s9;
	s12 =	simm.s32 $0xD80;
	[dreg:$0x1f] =	wrdreg s24  }
0x21: {  	s7 =	sadd.s32 $0x10000, s9;
	s18 =	simm.s32 $0x1000;
	[smem:$0x7C3] =	sst s12  }
0x22: {  	s9 =	sadd.s32 s9, s11;
	s19 =	simm.s32 $0x1080;
	[smem:$0x7C8] =	sst s18  }
0x23: {  	s20 =	sadd.s32 s11, s5;
	s5 =	sadd.s32 s5, s4;
	[smem:$0x7C9] =	sst s19  }
0x24: {  	s9 =	sshrl.u32 s9, $0x3;
	s15 =	sadd.s32 s7, s4;
	[smem:$0x7E8] =	sst s5  }
0x25: {  	s26 =	sadd.s32 s11, s6;
	s21 =	sadd.s32 s10, s9;
	[smem:$0x7EE] =	sst s15  }
0x26: {  	s11 =	sadd.s32 s11, s7;
	s8 =	sadd.s32 s10, s25;
	[dreg:$0xb] =	wrdreg s21  }
0x27: {  	s29 =	sshrl.u32 s11, $0x3;
	s11 =	simm.s32 $0x280;
	[dreg:$0xd] =	wrdreg s8  }
0x28: {  	s22 =	sshrl.u32 s20, $0x3;
	s20 =	simm.s32 $0x680;
	[dreg:$0x13] =	wrdreg s11  }
0x29: {  	s25 =	simm.s32 $0x900;
	[dreg:$0x1b] =	wrdreg s20  }
0x2a: {  	s9 =	sshrl.u32 s26, $0x3;
	s26 =	simm.s32 $0x980;
	[smem:$0x7BA] =	sst s25  }
0x2b: {  	s17 =	simm.s32 $0xF80;
	[smem:$0x7BB] =	sst s26  }
0x2c: {  	s24 =	simm.s32 $0x1300;
	[smem:$0x7C7] =	sst s17  }
0x2d: {  	s12 =	simm.s32 $0x1800;
	[smem:$0x7CE] =	sst s24  }
0x2e: {  	s18 =	simm.s32 $0x1A80;
	[smem:$0x7D8] =	sst s12  }
0x2f: {  	s19 =	simm.s32 $0x1B00;
	[smem:$0x7DD] =	sst s18  }
0x30: {  	s23 =	sadd.s32 s10, s22;
	[smem:$0x7DE] =	sst s19  }
0x31: {  	s28 =	sadd.s32 s10, s9;
	[dreg:$0xc] =	wrdreg s23  }
0x32: {  	s30 =	sadd.s32 s10, s29;
	[dreg:$0xe] =	wrdreg s28  }
0x33: {  	s9 =	simm.s32 $0x180;
	[dreg:$0xf] =	wrdreg s30  }
0x34: {  	s10 =	simm.s32 $0x200;
	[dreg:$0x11] =	wrdreg s9  }
0x35: {  	s21 =	simm.s32 $0x700;
	[dreg:$0x12] =	wrdreg s10  }
0x36: {  	s22 =	simm.s32 $0x780;
	[dreg:$0x1c] =	wrdreg s21  }
0x37: {  	s29 =	simm.s32 $0xA80;
	[dreg:$0x1d] =	wrdreg s22  }
0x38: {  	s11 =	simm.s32 $0xD00;
	[smem:$0x7BD] =	sst s29  }
0x39: {  	s20 =	simm.s32 $0x1100;
	[smem:$0x7C2] =	sst s11  }
0x3a: {  	s25 =	simm.s32 $0x1380;
	[smem:$0x7CA] =	sst s20  }
0x3b: {  	s26 =	simm.s32 $0x1400;
	[smem:$0x7CF] =	sst s25  }
0x3c: {  	s17 =	simm.s32 $0x1A00;
	[smem:$0x7D0] =	sst s26  }
0x3d: {  	s12 =	simm.s32 $0x2080;
	[smem:$0x7DC] =	sst s17  }
0x3e: {  	s18 =	simm.s32 $0x2280;
	[smem:$0x7ED] =	sst s12  }
0x3f: {  	s19 =	simm.s32 $0x2300;
	[smem:$0x7F2] =	sst s18  }
0x40: {  	s23 =	simm.s32 $0x800;
	[smem:$0x7F3] =	sst s19  }
0x41: {  	s26 =	smul.u32 $0x4F000, s13;
	s13 =	sadd.s32 s6, s4;
	s6 =	rddreg [dreg:$0x5]  }
0x42: {  	s28 =	simm.s32 $0xA00;
	[dreg:$0x1e] =	wrdreg s23  }
0x43: {  	s30 =	simm.s32 $0xB00;
	[smem:$0x7BC] =	sst s28  }
0x44: {  	s9 =	simm.s32 $0xC00;
	[smem:$0x7BE] =	sst s30  }
0x45: {  	s10 =	simm.s32 $0xC80;
	[smem:$0x7C0] =	sst s9  }
0x46: {  	s21 =	simm.s32 $0x1180;
	[smem:$0x7C1] =	sst s10  }
0x47: {  	s22 =	simm.s32 $0x1200;
	[smem:$0x7CB] =	sst s21  }
0x48: {  	s29 =	simm.s32 $0x1500;
	[smem:$0x7CC] =	sst s22  }
0x49: {  	s11 =	simm.s32 $0x1780;
	[smem:$0x7D2] =	sst s29  }
0x4a: {  	s20 =	simm.s32 $0x1B80;
	[smem:$0x7D7] =	sst s11  }
0x4b: {  	s25 =	simm.s32 $0x1D80;
	[smem:$0x7DF] =	sst s20  }
0x4c: {  	s0 =	ssub.s32 $0x2, s0;
	[smem:$0x7E3] =	sst s25  }
0x4d: {  	s24 =	sshrl.u32 s0, $0x1;
	s17 =	simm.s32 $0x2200;
	[smem:$0x7EC] =	sst s13  }
0x4e: {  	s0 =	ssub.s32 s0, s24;
	s24 =	simm.s32 $0x2580;
	[smem:$0x7F1] =	sst s17  }
0x4f: {  	s23 =	simm.s32 $0x1280;
	[smem:$0x7F8] =	sst s24  }
0x50: {  	s28 =	simm.s32 $0x1480;
	[smem:$0x7CD] =	sst s23  }
0x51: {  	s30 =	simm.s32 $0x1580;
	[smem:$0x7D1] =	sst s28  }
0x52: {  	s9 =	simm.s32 $0x1680;
	[smem:$0x7D3] =	sst s30  }
0x53: {  	s10 =	simm.s32 $0x1700;
	[smem:$0x7D5] =	sst s9  }
0x54: {  	s21 =	simm.s32 $0x1C00;
	[smem:$0x7D6] =	sst s10  }
0x55: {  	s22 =	simm.s32 $0x1C80;
	[smem:$0x7E0] =	sst s21  }
0x56: {  	s29 =	simm.s32 $0x1E80;
	[smem:$0x7E1] =	sst s22  }
0x57: {  	s11 =	simm.s32 $0x2000;
	[smem:$0x7E5] =	sst s29  }
0x58: {  	s20 =	simm.s32 $0x2380;
	[smem:$0x7EB] =	sst s11  }
0x59: {  	s25 =	simm.s32 $0x2600;
	[smem:$0x7F4] =	sst s20  }
0x5a: {  	p0 =	por $0x0, $0x0;
	s23 =	simm.s32 $0x1D00;
	[smem:$0x7F9] =	sst s25  }
0x5b: {  	s2 =	simm.s32 $0x2C00;
	s28 =	simm.s32 $0x1E00;
	[smem:$0x7E2] =	sst s23  }
0x5c: {  	s14 =	simm.s32 $0x7400;
	s10 =	simm.s32 $0x1F80;
	[smem:$0x7E4] =	sst s28  }
0x5d: {  	s7 =	simm.s32 $0x3400;
	s21 =	simm.s32 $0x2400;
	[smem:$0x7E9] =	sst s10  }
0x5e: {  	s0 =	smax.u32 s0, $0x1;
	s22 =	simm.s32 $0x2480;
	[smem:$0x7F5] =	sst s21  }
0x5f: {  	s30 =	sshrl.u32 s26, $0x2;
	s26 =	simm.s32 $0x2680;
	[smem:$0x7F6] =	sst s22  }
0x60: {  	s29 =	simm.s32 $0x2780;
	p1 =	sne.s32 s0, $0x1;
	[smem:$0x7FA] =	sst s26  }
.Ltmp0:
0x61: {  	s9 =	sadd.s32 s30, s4;
	[smem:$0x7FC] =	sst s29;
	(pc) =	sbr.rel @!p1 .LBB2_1-.Ltmp0, $4  }
0x62: {  	s5 =	simm.s32 $0x3;
	s23 =	simm.s32 $0x2500;
	[smem:$0x7E6] =	sst s9  }
0x63: {  	s15 =	simm.s32 $0x2;
	s28 =	simm.s32 $0x2700;
	[smem:$0x7F7] =	sst s23  }
0x64: {  	s12 =	simm.s32 $0x80;
	s30 =	simm.s32 $0x2800;
	[smem:$0x7FB] =	sst s28  }
0x65: {  	s13 =	simm.s32 $0x1;
	s0 =	sadd.s32 $0xFFFFFFFF, s0;
	[smem:$0x7FD] =	sst s30  }
0x66: {  	[tilespmem:s31], [sflag:$0x3] =	stream.linear.gather [hbm4b:s6+s31], $0x2880, $0x38;
	[tilespmem:$0x1F000] =	vst v63  }
0x67: {  	_ =	swait.ge [sflag:s5], $0x2880  }
0x68: {  	[sflag:s5] =	ssyncset.done $0x0  }
0x69: {  	s22 =	rddreg [dreg:$0x4];
	[sflag:s5] =	ssyncadd.s32 $0xFFFFD780  }
0x6a: {  	[tilespmem:s7], [sflag:$0x3] =	stream.linear.gather [hbm4b:s22+s31], $0x4000, $0x38;
	[tilespmem:$0x1F000] =	vst v63  }
0x6b: {  	_ =	swait.ge [sflag:s5], $0x4000  }
0x6c: {  	s16 =	sld [smem:$0x7E6]  }
0x6d: {  	[sflag:s5] =	ssyncset.done $0x0  }
0x6e: {  	[sflag:s5] =	ssyncadd.s32 $0xFFFFC000  }
0x6f: {  	[spmem:s16] =	stream.linear.scatter [tilespmem:s7], [sflag:$0x3], $0x4000, $0x38;
	[tilespmem:$0x1F000] =	vst v63  }
0x70: {  	_ =	swait.ge [sflag:s5], $0x4000  }
0x71: {  	s11 =	sld [smem:$0x7E8]  }
0x72: {  	[sflag:s5] =	ssyncset.done $0x0  }
0x73: {  	[sflag:s5] =	ssyncadd.s32 $0xFFFFC000  }
0x74: {  	[spmem:s11] =	stream.linear.scatter [tilespmem:s7], [sflag:$0x3], $0x4000, $0x38;
	[tilespmem:$0x1F000] =	vst v63  }
0x75: {  	_ =	swait.ge [sflag:s5], $0x4000  }
0x76: {  	s10 =	sld [smem:$0x7EA]  }
0x77: {  	[sflag:s5] =	ssyncset.done $0x0  }
0x78: {  	[sflag:s5] =	ssyncadd.s32 $0xFFFFC000  }
0x79: {  	[spmem:s10] =	stream.linear.scatter [tilespmem:s7], [sflag:$0x3], $0x4000, $0x38;
	[tilespmem:$0x1F000] =	vst v63  }
0x7a: {  	_ =	swait.ge [sflag:s5], $0x4000  }
0x7b: {  	s9 =	sld [smem:$0x7EC]  }
0x7c: {  	[sflag:s5] =	ssyncset.done $0x0  }
0x7d: {  	[sflag:s5] =	ssyncadd.s32 $0xFFFFC000  }
0x7e: {  	[spmem:s9] =	stream.linear.scatter [tilespmem:s7], [sflag:$0x3], $0x4000, $0x38;
	[tilespmem:$0x1F000] =	vst v63  }
0x7f: {  	_ =	swait.ge [sflag:s5], $0x4000  }
0x80: {  	[smem:$0x7B9] =	sst s0  }
0x81: {  	s0 =	sld [smem:$0x7EE]  }
0x82: {  	[sflag:s5] =	ssyncset.done $0x0  }
0x83: {  	[sflag:s5] =	ssyncadd.s32 $0xFFFFC000  }
0x84: {  	[spmem:s0] =	stream.linear.scatter [tilespmem:s7], [sflag:$0x3], $0x3C00, $0x38;
	[tilespmem:$0x1F000] =	vst v63  }
0x85: {  	_ =	swait.ge [sflag:s5], $0x3C00  }
0x86: {  	[sflag:s5] =	ssyncset.done $0x0  }
0x87: {  	[sflag:s5] =	ssyncadd.s32 $0xFFFFC400  }
0x88: {  	[bflag:$0x0] =	sbarrier.arrive $0xFFFF  }
0x89: {  	[tilespmem:s7], [sflag:$0x1] =	stream.indirect.gather [hbm4b:s3+s12], $0x80, s31, s12, $0xb8;
	[tilespmem:$0x1F000] =	vst v63  }
0x8a: {  	s23 =	rddreg [dreg:$0x6]  }
0x8b: {  	[tilespmem:s2], [sflag:$0x3] =	stream.linear.gather [hbm4b:s23+s31], $0x800, $0x38;
	[tilespmem:$0x1F000] =	vst v63  }
0x8c: {  	_ =	swait.ge [sflag:s5], $0x800  }
0x8d: {  	[sflag:s5] =	ssyncset.done $0x0  }
0x8e: {  	[sflag:s5] =	ssyncadd.s32 $0xFFFFF800  }
0x8f: {  	[tilespmem:s14], [sflag:$0x2] =	stream.indirect.gather [hbm4b:s3+s12], $0x80, s12, s12, $0xb8;
	[tilespmem:$0x1F000] =	vst v63  }
0x90: {  	_ =	swait.ge [sflag:s13], $0x4000  }
0x91: {  	[sflag:s13] =	ssyncset.done $0x0  }
0x92: {  	[sflag:s13] =	ssyncadd.s32 $0xFFFFC000  }
0x93: {  	[spmem:s4] =	stream.indirect.scatter.add.f32 [tilespmem:s7], [sflag:$0x3], $0x80, s2, s12, $0xb8;
	[tilespmem:$0x1F000] =	vst v63  }
0x94: {  	_ =	swait.ge [sflag:s5], $0x4000  }
0x95: {  	[sflag:s5] =	ssyncset.done $0x0  }
0x96: {  	s24 =	rddreg [dreg:$0x10];
	[sflag:s5] =	ssyncadd.s32 $0xFFFFC000  }
0x97: {  	[tilespmem:s7], [sflag:$0x1] =	stream.indirect.gather [hbm4b:s3+s12], $0x80, s24, s12, $0xb8;
	[tilespmem:$0x1F000] =	vst v63  }
0x98: {  	_ =	swait.ge [sflag:s15], $0x4000  }
0x99: {  	[sflag:s15] =	ssyncset.done $0x0  }
0x9a: {  	s1 =	simm.s32 $0x2C80;
	[sflag:s15] =	ssyncadd.s32 $0xFFFFC000  }
0x9b: {  	[spmem:s4] =	stream.indirect.scatter.add.f32 [tilespmem:s14], [sflag:$0x3], $0x80, s1, s12, $0xb8;
	[tilespmem:$0x1F000] =	vst v63  }
0x9c: {  	_ =	swait.ge [sflag:s5], $0x4000  }
0x9d: {  	[sflag:s5] =	ssyncset.done $0x0  }
0x9e: {  	s25 =	rddreg [dreg:$0x11];
	[sflag:s5] =	ssyncadd.s32 $0xFFFFC000  }
0x9f: {  	[tilespmem:s14], [sflag:$0x2] =	stream.indirect.gather [hbm4b:s3+s12], $0x80, s25, s12, $0xb8;
	[tilespmem:$0x1F000] =	vst v63  }
0xa0: {  	_ =	swait.ge [sflag:s13], $0x4000  }
0xa1: {  	[sflag:s13] =	ssyncset.done $0x0  }
0xa2: {  	s30 =	simm.s32 $0x2D00;
	[sflag:s13] =	ssyncadd.s32 $0xFFFFC000  }
0xa3: {  	[spmem:s4] =	stream.indirect.scatter.add.f32 [tilespmem:s7], [sflag:$0x3], $0x80, s30, s12, $0xb8;
	[tilespmem:$0x1F000] =	vst v63  }
0xa4: {  	_ =	swait.ge [sflag:s5], $0x4000  }
0xa5: {  	[sflag:s5] =	ssyncset.done $0x0  }
0xa6: {  	s26 =	rddreg [dreg:$0x12];
	[sflag:s5] =	ssyncadd.s32 $0xFFFFC000  }
0xa7: {  	[tilespmem:s7], [sflag:$0x1] =	stream.indirect.gather [hbm4b:s3+s12], $0x80, s26, s12, $0xb8;
	[tilespmem:$0x1F000] =	vst v63  }
0xa8: {  	_ =	swait.ge [sflag:s15], $0x4000  }
0xa9: {  	[sflag:s15] =	ssyncset.done $0x0  }
0xaa: {  	s29 =	simm.s32 $0x2D80;
	[sflag:s15] =	ssyncadd.s32 $0xFFFFC000  }
0xab: {  	[spmem:s4] =	stream.indirect.scatter.add.f32 [tilespmem:s14], [sflag:$0x3], $0x80, s29, s12, $0xb8;
	[tilespmem:$0x1F000] =	vst v63  }
0xac: {  	_ =	swait.ge [sflag:s5], $0x4000  }
0xad: {  	[sflag:s5] =	ssyncset.done $0x0  }
0xae: {  	s28 =	rddreg [dreg:$0x13];
	[sflag:s5] =	ssyncadd.s32 $0xFFFFC000  }
0xaf: {  	[tilespmem:s14], [sflag:$0x2] =	stream.indirect.gather [hbm4b:s3+s12], $0x80, s28, s12, $0xb8;
	[tilespmem:$0x1F000] =	vst v63  }
0xb0: {  	_ =	swait.ge [sflag:s13], $0x4000  }
0xb1: {  	[sflag:s13] =	ssyncset.done $0x0  }
0xb2: {  	s28 =	simm.s32 $0x2E00;
	[sflag:s13] =	ssyncadd.s32 $0xFFFFC000  }
0xb3: {  	[spmem:s4] =	stream.indirect.scatter.add.f32 [tilespmem:s7], [sflag:$0x3], $0x80, s28, s12, $0xb8;
	[tilespmem:$0x1F000] =	vst v63  }
0xb4: {  	_ =	swait.ge [sflag:s5], $0x4000  }
0xb5: {  	[sflag:s5] =	ssyncset.done $0x0  }
0xb6: {  	s2 =	rddreg [dreg:$0x14];
	[sflag:s5] =	ssyncadd.s32 $0xFFFFC000  }
0xb7: {  	[tilespmem:s7], [sflag:$0x1] =	stream.indirect.gather [hbm4b:s3+s12], $0x80, s2, s12, $0xb8;
	[tilespmem:$0x1F000] =	vst v63  }
0xb8: {  	_ =	swait.ge [sflag:s15], $0x4000  }
0xb9: {  	[sflag:s15] =	ssyncset.done $0x0  }
0xba: {  	s25 =	simm.s32 $0x2E80;
	[sflag:s15] =	ssyncadd.s32 $0xFFFFC000  }
0xbb: {  	[spmem:s4] =	stream.indirect.scatter.add.f32 [tilespmem:s14], [sflag:$0x3], $0x80, s25, s12, $0xb8;
	[tilespmem:$0x1F000] =	vst v63  }
0xbc: {  	_ =	swait.ge [sflag:s5], $0x4000  }
0xbd: {  	[sflag:s5] =	ssyncset.done $0x0  }
0xbe: {  	s8 =	rddreg [dreg:$0x15];
	[sflag:s5] =	ssyncadd.s32 $0xFFFFC000  }
0xbf: {  	[tilespmem:s14], [sflag:$0x2] =	stream.indirect.gather [hbm4b:s3+s12], $0x80, s8, s12, $0xb8;
	[tilespmem:$0x1F000] =	vst v63  }
0xc0: {  	_ =	swait.ge [sflag:s13], $0x4000  }
0xc1: {  	[sflag:s13] =	ssyncset.done $0x0  }
0xc2: {  	s24 =	simm.s32 $0x2F00;
	[sflag:s13] =	ssyncadd.s32 $0xFFFFC000  }
0xc3: {  	[spmem:s4] =	stream.indirect.scatter.add.f32 [tilespmem:s7], [sflag:$0x3], $0x80, s24, s12, $0xb8;
	[tilespmem:$0x1F000] =	vst v63  }
0xc4: {  	_ =	swait.ge [sflag:s5], $0x4000  }
0xc5: {  	[sflag:s5] =	ssyncset.done $0x0  }
0xc6: {  	s17 =	rddreg [dreg:$0x16];
	[sflag:s5] =	ssyncadd.s32 $0xFFFFC000  }
0xc7: {  	[tilespmem:s7], [sflag:$0x1] =	stream.indirect.gather [hbm4b:s3+s12], $0x80, s17, s12, $0xb8;
	[tilespmem:$0x1F000] =	vst v63  }
0xc8: {  	_ =	swait.ge [sflag:s15], $0x4000  }
0xc9: {  	[sflag:s15] =	ssyncset.done $0x0  }
0xca: {  	s26 =	simm.s32 $0x2F80;
	[sflag:s15] =	ssyncadd.s32 $0xFFFFC000  }
0xcb: {  	[spmem:s4] =	stream.indirect.scatter.add.f32 [tilespmem:s14], [sflag:$0x3], $0x80, s26, s12, $0xb8;
	[tilespmem:$0x1F000] =	vst v63  }
0xcc: {  	_ =	swait.ge [sflag:s5], $0x4000  }
0xcd: {  	[sflag:s5] =	ssyncset.done $0x0  }
0xce: {  	s18 =	rddreg [dreg:$0x17];
	[sflag:s5] =	ssyncadd.s32 $0xFFFFC000  }
0xcf: {  	[tilespmem:s14], [sflag:$0x2] =	stream.indirect.gather [hbm4b:s3+s12], $0x80, s18, s12, $0xb8;
	[tilespmem:$0x1F000] =	vst v63  }
0xd0: {  	_ =	swait.ge [sflag:s13], $0x4000  }
0xd1: {  	[sflag:s13] =	ssyncset.done $0x0  }
0xd2: {  	s17 =	simm.s32 $0x3000;
	[sflag:s13] =	ssyncadd.s32 $0xFFFFC000  }
0xd3: {  	[spmem:s4] =	stream.indirect.scatter.add.f32 [tilespmem:s7], [sflag:$0x3], $0x80, s17, s12, $0xb8;
	[tilespmem:$0x1F000] =	vst v63  }
0xd4: {  	_ =	swait.ge [sflag:s5], $0x4000  }
0xd5: {  	[sflag:s5] =	ssyncset.done $0x0  }
0xd6: {  	s19 =	rddreg [dreg:$0x18];
	[sflag:s5] =	ssyncadd.s32 $0xFFFFC000  }
0xd7: {  	[tilespmem:s7], [sflag:$0x1] =	stream.indirect.gather [hbm4b:s3+s12], $0x80, s19, s12, $0xb8;
	[tilespmem:$0x1F000] =	vst v63  }
0xd8: {  	_ =	swait.ge [sflag:s15], $0x4000  }
0xd9: {  	[sflag:s15] =	ssyncset.done $0x0  }
0xda: {  	s18 =	simm.s32 $0x3080;
	[sflag:s15] =	ssyncadd.s32 $0xFFFFC000  }
0xdb: {  	[spmem:s4] =	stream.indirect.scatter.add.f32 [tilespmem:s14], [sflag:$0x3], $0x80, s18, s12, $0xb8;
	[tilespmem:$0x1F000] =	vst v63  }
0xdc: {  	_ =	swait.ge [sflag:s5], $0x4000  }
0xdd: {  	[sflag:s5] =	ssyncset.done $0x0  }
0xde: {  	s20 =	rddreg [dreg:$0x19];
	[sflag:s5] =	ssyncadd.s32 $0xFFFFC000  }
0xdf: {  	[tilespmem:s14], [sflag:$0x2] =	stream.indirect.gather [hbm4b:s3+s12], $0x80, s20, s12, $0xb8;
	[tilespmem:$0x1F000] =	vst v63  }
0xe0: {  	_ =	swait.ge [sflag:s13], $0x4000  }
0xe1: {  	[sflag:s13] =	ssyncset.done $0x0  }
0xe2: {  	s31 =	simm.s32 $0x3100;
	[sflag:s13] =	ssyncadd.s32 $0xFFFFC000  }
0xe3: {  	[spmem:s4] =	stream.indirect.scatter.add.f32 [tilespmem:s7], [sflag:$0x3], $0x80, s31, s12, $0xb8;
	[tilespmem:$0x1F000] =	vst v63  }
0xe4: {  	_ =	swait.ge [sflag:s5], $0x4000  }
0xe5: {  	[sflag:s5] =	ssyncset.done $0x0  }
0xe6: {  	s21 =	rddreg [dreg:$0x1a];
	[sflag:s5] =	ssyncadd.s32 $0xFFFFC000  }
0xe7: {  	[tilespmem:s7], [sflag:$0x1] =	stream.indirect.gather [hbm4b:s3+s12], $0x80, s21, s12, $0xb8;
	[tilespmem:$0x1F000] =	vst v63  }
0xe8: {  	_ =	swait.ge [sflag:s15], $0x4000  }
0xe9: {  	[sflag:s15] =	ssyncset.done $0x0  }
0xea: {  	s23 =	simm.s32 $0x3180;
	[sflag:s15] =	ssyncadd.s32 $0xFFFFC000  }
0xeb: {  	[spmem:s4] =	stream.indirect.scatter.add.f32 [tilespmem:s14], [sflag:$0x3], $0x80, s23, s12, $0xb8;
	[tilespmem:$0x1F000] =	vst v63  }
0xec: {  	_ =	swait.ge [sflag:s5], $0x4000  }
0xed: {  	[sflag:s5] =	ssyncset.done $0x0  }
0xee: {  	s22 =	rddreg [dreg:$0x1b];
	[sflag:s5] =	ssyncadd.s32 $0xFFFFC000  }
0xef: {  	[tilespmem:s14], [sflag:$0x2] =	stream.indirect.gather [hbm4b:s3+s12], $0x80, s22, s12, $0xb8;
	[tilespmem:$0x1F000] =	vst v63  }
0xf0: {  	_ =	swait.ge [sflag:s13], $0x4000  }
0xf1: {  	[sflag:s13] =	ssyncset.done $0x0  }
0xf2: {  	s22 =	simm.s32 $0x3200;
	[sflag:s13] =	ssyncadd.s32 $0xFFFFC000  }
0xf3: {  	[spmem:s4] =	stream.indirect.scatter.add.f32 [tilespmem:s7], [sflag:$0x3], $0x80, s22, s12, $0xb8;
	[tilespmem:$0x1F000] =	vst v63  }
0xf4: {  	_ =	swait.ge [sflag:s5], $0x4000  }
0xf5: {  	[sflag:s5] =	ssyncset.done $0x0  }
0xf6: {  	s19 =	rddreg [dreg:$0x1c];
	[sflag:s5] =	ssyncadd.s32 $0xFFFFC000  }
0xf7: {  	[tilespmem:s7], [sflag:$0x1] =	stream.indirect.gather [hbm4b:s3+s12], $0x80, s19, s12, $0xb8;
	[tilespmem:$0x1F000] =	vst v63  }
0xf8: {  	_ =	swait.ge [sflag:s15], $0x4000  }
0xf9: {  	[sflag:s15] =	ssyncset.done $0x0  }
0xfa: {  	s21 =	simm.s32 $0x3280;
	[sflag:s15] =	ssyncadd.s32 $0xFFFFC000  }
0xfb: {  	[spmem:s4] =	stream.indirect.scatter.add.f32 [tilespmem:s14], [sflag:$0x3], $0x80, s21, s12, $0xb8;
	[tilespmem:$0x1F000] =	vst v63  }
0xfc: {  	_ =	swait.ge [sflag:s5], $0x4000  }
0xfd: {  	[sflag:s5] =	ssyncset.done $0x0  }
0xfe: {  	s20 =	rddreg [dreg:$0x1d];
	[sflag:s5] =	ssyncadd.s32 $0xFFFFC000  }
0xff: {  	[tilespmem:s14], [sflag:$0x2] =	stream.indirect.gather [hbm4b:s3+s12], $0x80, s20, s12, $0xb8;
	[tilespmem:$0x1F000] =	vst v63  }
0x100: {  	_ =	swait.ge [sflag:s13], $0x4000  }
0x101: {  	[sflag:s13] =	ssyncset.done $0x0  }
0x102: {  	s20 =	simm.s32 $0x3300;
	[sflag:s13] =	ssyncadd.s32 $0xFFFFC000  }
0x103: {  	[spmem:s4] =	stream.indirect.scatter.add.f32 [tilespmem:s7], [sflag:$0x3], $0x80, s20, s12, $0xb8;
	[tilespmem:$0x1F000] =	vst v63  }
0x104: {  	_ =	swait.ge [sflag:s5], $0x4000  }
0x105: {  	[sflag:s5] =	ssyncset.done $0x0  }
0x106: {  	s19 =	rddreg [dreg:$0x1e];
	[sflag:s5] =	ssyncadd.s32 $0xFFFFC000  }
0x107: {  	[tilespmem:s7], [sflag:$0x1] =	stream.indirect.gather [hbm4b:s3+s12], $0x80, s19, s12, $0xb8;
	[tilespmem:$0x1F000] =	vst v63  }
0x108: {  	_ =	swait.ge [sflag:s15], $0x4000  }
0x109: {  	[sflag:s15] =	ssyncset.done $0x0  }
0x10a: {  	s19 =	simm.s32 $0x3380;
	[sflag:s15] =	ssyncadd.s32 $0xFFFFC000  }
0x10b: {  	[spmem:s4] =	stream.indirect.scatter.add.f32 [tilespmem:s14], [sflag:$0x3], $0x80, s19, s12, $0xb8;
	[tilespmem:$0x1F000] =	vst v63  }
0x10c: {  	_ =	swait.ge [sflag:s5], $0x4000  }
0x10d: {  	s2 =	simm.s32 $0x0;
	[sflag:s5] =	ssyncset.done $0x0  }
0x10e: {  	s8 =	simm.s32 $0x2C00;
	s6 =	rddreg [dreg:$0x7];
	[sflag:s5] =	ssyncadd.s32 $0xFFFFC000  }
0x10f: {  	[tilespmem:s8], [sflag:$0x3] =	stream.linear.gather [hbm4b:s6+s2], $0x800, $0x38;
	[tilespmem:$0x1F000] =	vst v63  }
0x110: {  	_ =	swait.ge [sflag:s5], $0x800  }
0x111: {  	s6 =	rddreg [dreg:$0x1f];
	[sflag:s5] =	ssyncset.done $0x0  }
0x112: {  	[sflag:s5] =	ssyncadd.s32 $0xFFFFF800  }
0x113: {  	[tilespmem:s14], [sflag:$0x2] =	stream.indirect.gather [hbm4b:s3+s12], $0x80, s6, s12, $0xb8;
	[tilespmem:$0x1F000] =	vst v63  }
0x114: {  	_ =	swait.ge [sflag:s13], $0x4000  }
0x115: {  	[sflag:s13] =	ssyncset.done $0x0  }
0x116: {  	[sflag:s13] =	ssyncadd.s32 $0xFFFFC000  }
0x117: {  	[spmem:s4] =	stream.indirect.scatter.add.f32 [tilespmem:s7], [sflag:$0x3], $0x80, s8, s12, $0xb8;
	[tilespmem:$0x1F000] =	vst v63  }
0x118: {  	_ =	swait.ge [sflag:s5], $0x4000  }
0x119: {  	s6 =	sld [smem:$0x7BA]  }
0x11a: {  	[sflag:s5] =	ssyncset.done $0x0  }
0x11b: {  	[sflag:s5] =	ssyncadd.s32 $0xFFFFC000  }
0x11c: {  	[tilespmem:s7], [sflag:$0x1] =	stream.indirect.gather [hbm4b:s3+s12], $0x80, s6, s12, $0xb8;
	[tilespmem:$0x1F000] =	vst v63  }
0x11d: {  	_ =	swait.ge [sflag:s15], $0x4000  }
0x11e: {  	[sflag:s15] =	ssyncset.done $0x0  }
0x11f: {  	[sflag:s15] =	ssyncadd.s32 $0xFFFFC000  }
0x120: {  	[spmem:s4] =	stream.indirect.scatter.add.f32 [tilespmem:s14], [sflag:$0x3], $0x80, s1, s12, $0xb8;
	[tilespmem:$0x1F000] =	vst v63  }
0x121: {  	_ =	swait.ge [sflag:s5], $0x4000  }
0x122: {  	s6 =	sld [smem:$0x7BB]  }
0x123: {  	[sflag:s5] =	ssyncset.done $0x0  }
0x124: {  	[sflag:s5] =	ssyncadd.s32 $0xFFFFC000  }
0x125: {  	[tilespmem:s14], [sflag:$0x2] =	stream.indirect.gather [hbm4b:s3+s12], $0x80, s6, s12, $0xb8;
	[tilespmem:$0x1F000] =	vst v63  }
0x126: {  	_ =	swait.ge [sflag:s13], $0x4000  }
0x127: {  	[sflag:s13] =	ssyncset.done $0x0  }
0x128: {  	[sflag:s13] =	ssyncadd.s32 $0xFFFFC000  }
0x129: {  	[spmem:s4] =	stream.indirect.scatter.add.f32 [tilespmem:s7], [sflag:$0x3], $0x80, s30, s12, $0xb8;
	[tilespmem:$0x1F000] =	vst v63  }
0x12a: {  	_ =	swait.ge [sflag:s5], $0x4000  }
0x12b: {  	s6 =	sld [smem:$0x7BC]  }
0x12c: {  	[sflag:s5] =	ssyncset.done $0x0  }
0x12d: {  	[sflag:s5] =	ssyncadd.s32 $0xFFFFC000  }
0x12e: {  	[tilespmem:s7], [sflag:$0x1] =	stream.indirect.gather [hbm4b:s3+s12], $0x80, s6, s12, $0xb8;
	[tilespmem:$0x1F000] =	vst v63  }
0x12f: {  	_ =	swait.ge [sflag:s15], $0x4000  }
0x130: {  	[sflag:s15] =	ssyncset.done $0x0  }
0x131: {  	[sflag:s15] =	ssyncadd.s32 $0xFFFFC000  }
0x132: {  	[spmem:s4] =	stream.indirect.scatter.add.f32 [tilespmem:s14], [sflag:$0x3], $0x80, s29, s12, $0xb8;
	[tilespmem:$0x1F000] =	vst v63  }
0x133: {  	_ =	swait.ge [sflag:s5], $0x4000  }
0x134: {  	s6 =	sld [smem:$0x7BD]  }
0x135: {  	[sflag:s5] =	ssyncset.done $0x0  }
0x136: {  	[sflag:s5] =	ssyncadd.s32 $0xFFFFC000  }
0x137: {  	[tilespmem:s14], [sflag:$0x2] =	stream.indirect.gather [hbm4b:s3+s12], $0x80, s6, s12, $0xb8;
	[tilespmem:$0x1F000] =	vst v63  }
0x138: {  	_ =	swait.ge [sflag:s13], $0x4000  }
0x139: {  	[sflag:s13] =	ssyncset.done $0x0  }
0x13a: {  	[sflag:s13] =	ssyncadd.s32 $0xFFFFC000  }
0x13b: {  	[spmem:s4] =	stream.indirect.scatter.add.f32 [tilespmem:s7], [sflag:$0x3], $0x80, s28, s12, $0xb8;
	[tilespmem:$0x1F000] =	vst v63  }
0x13c: {  	_ =	swait.ge [sflag:s5], $0x4000  }
0x13d: {  	s6 =	sld [smem:$0x7BE]  }
0x13e: {  	[sflag:s5] =	ssyncset.done $0x0  }
0x13f: {  	[sflag:s5] =	ssyncadd.s32 $0xFFFFC000  }
0x140: {  	[tilespmem:s7], [sflag:$0x1] =	stream.indirect.gather [hbm4b:s3+s12], $0x80, s6, s12, $0xb8;
	[tilespmem:$0x1F000] =	vst v63  }
0x141: {  	_ =	swait.ge [sflag:s15], $0x4000  }
0x142: {  	[sflag:s15] =	ssyncset.done $0x0  }
0x143: {  	[sflag:s15] =	ssyncadd.s32 $0xFFFFC000  }
0x144: {  	[spmem:s4] =	stream.indirect.scatter.add.f32 [tilespmem:s14], [sflag:$0x3], $0x80, s25, s12, $0xb8;
	[tilespmem:$0x1F000] =	vst v63  }
0x145: {  	_ =	swait.ge [sflag:s5], $0x4000  }
0x146: {  	s6 =	sld [smem:$0x7BF]  }
0x147: {  	[sflag:s5] =	ssyncset.done $0x0  }
0x148: {  	[sflag:s5] =	ssyncadd.s32 $0xFFFFC000  }
0x149: {  	[tilespmem:s14], [sflag:$0x2] =	stream.indirect.gather [hbm4b:s3+s12], $0x80, s6, s12, $0xb8;
	[tilespmem:$0x1F000] =	vst v63  }
0x14a: {  	_ =	swait.ge [sflag:s13], $0x4000  }
0x14b: {  	[sflag:s13] =	ssyncset.done $0x0  }
0x14c: {  	[sflag:s13] =	ssyncadd.s32 $0xFFFFC000  }
0x14d: {  	[spmem:s4] =	stream.indirect.scatter.add.f32 [tilespmem:s7], [sflag:$0x3], $0x80, s24, s12, $0xb8;
	[tilespmem:$0x1F000] =	vst v63  }
0x14e: {  	_ =	swait.ge [sflag:s5], $0x4000  }
0x14f: {  	s6 =	sld [smem:$0x7C0]  }
0x150: {  	[sflag:s5] =	ssyncset.done $0x0  }
0x151: {  	[sflag:s5] =	ssyncadd.s32 $0xFFFFC000  }
0x152: {  	[tilespmem:s7], [sflag:$0x1] =	stream.indirect.gather [hbm4b:s3+s12], $0x80, s6, s12, $0xb8;
	[tilespmem:$0x1F000] =	vst v63  }
0x153: {  	_ =	swait.ge [sflag:s15], $0x4000  }
0x154: {  	[sflag:s15] =	ssyncset.done $0x0  }
0x155: {  	[sflag:s15] =	ssyncadd.s32 $0xFFFFC000  }
0x156: {  	[spmem:s4] =	stream.indirect.scatter.add.f32 [tilespmem:s14], [sflag:$0x3], $0x80, s26, s12, $0xb8;
	[tilespmem:$0x1F000] =	vst v63  }
0x157: {  	_ =	swait.ge [sflag:s5], $0x4000  }
0x158: {  	s6 =	sld [smem:$0x7C1]  }
0x159: {  	[sflag:s5] =	ssyncset.done $0x0  }
0x15a: {  	[sflag:s5] =	ssyncadd.s32 $0xFFFFC000  }
0x15b: {  	[tilespmem:s14], [sflag:$0x2] =	stream.indirect.gather [hbm4b:s3+s12], $0x80, s6, s12, $0xb8;
	[tilespmem:$0x1F000] =	vst v63  }
0x15c: {  	_ =	swait.ge [sflag:s13], $0x4000  }
0x15d: {  	[sflag:s13] =	ssyncset.done $0x0  }
0x15e: {  	[sflag:s13] =	ssyncadd.s32 $0xFFFFC000  }
0x15f: {  	[spmem:s4] =	stream.indirect.scatter.add.f32 [tilespmem:s7], [sflag:$0x3], $0x80, s17, s12, $0xb8;
	[tilespmem:$0x1F000] =	vst v63  }
0x160: {  	_ =	swait.ge [sflag:s5], $0x4000  }
0x161: {  	s6 =	sld [smem:$0x7C2]  }
0x162: {  	[sflag:s5] =	ssyncset.done $0x0  }
0x163: {  	[sflag:s5] =	ssyncadd.s32 $0xFFFFC000  }
0x164: {  	[tilespmem:s7], [sflag:$0x1] =	stream.indirect.gather [hbm4b:s3+s12], $0x80, s6, s12, $0xb8;
	[tilespmem:$0x1F000] =	vst v63  }
0x165: {  	_ =	swait.ge [sflag:s15], $0x4000  }
0x166: {  	[sflag:s15] =	ssyncset.done $0x0  }
0x167: {  	[sflag:s15] =	ssyncadd.s32 $0xFFFFC000  }
0x168: {  	[spmem:s4] =	stream.indirect.scatter.add.f32 [tilespmem:s14], [sflag:$0x3], $0x80, s18, s12, $0xb8;
	[tilespmem:$0x1F000] =	vst v63  }
0x169: {  	_ =	swait.ge [sflag:s5], $0x4000  }
0x16a: {  	s6 =	sld [smem:$0x7C3]  }
0x16b: {  	[sflag:s5] =	ssyncset.done $0x0  }
0x16c: {  	[sflag:s5] =	ssyncadd.s32 $0xFFFFC000  }
0x16d: {  	[tilespmem:s14], [sflag:$0x2] =	stream.indirect.gather [hbm4b:s3+s12], $0x80, s6, s12, $0xb8;
	[tilespmem:$0x1F000] =	vst v63  }
0x16e: {  	_ =	swait.ge [sflag:s13], $0x4000  }
0x16f: {  	[sflag:s13] =	ssyncset.done $0x0  }
0x170: {  	[sflag:s13] =	ssyncadd.s32 $0xFFFFC000  }
0x171: {  	[spmem:s4] =	stream.indirect.scatter.add.f32 [tilespmem:s7], [sflag:$0x3], $0x80, s31, s12, $0xb8;
	[tilespmem:$0x1F000] =	vst v63  }
0x172: {  	_ =	swait.ge [sflag:s5], $0x4000  }
0x173: {  	s6 =	sld [smem:$0x7C4]  }
0x174: {  	[sflag:s5] =	ssyncset.done $0x0  }
0x175: {  	[sflag:s5] =	ssyncadd.s32 $0xFFFFC000  }
0x176: {  	[tilespmem:s7], [sflag:$0x1] =	stream.indirect.gather [hbm4b:s3+s12], $0x80, s6, s12, $0xb8;
	[tilespmem:$0x1F000] =	vst v63  }
0x177: {  	_ =	swait.ge [sflag:s15], $0x4000  }
0x178: {  	[sflag:s15] =	ssyncset.done $0x0  }
0x179: {  	[sflag:s15] =	ssyncadd.s32 $0xFFFFC000  }
0x17a: {  	[spmem:s4] =	stream.indirect.scatter.add.f32 [tilespmem:s14], [sflag:$0x3], $0x80, s23, s12, $0xb8;
	[tilespmem:$0x1F000] =	vst v63  }
0x17b: {  	_ =	swait.ge [sflag:s5], $0x4000  }
0x17c: {  	s6 =	sld [smem:$0x7C5]  }
0x17d: {  	[sflag:s5] =	ssyncset.done $0x0  }
0x17e: {  	[sflag:s5] =	ssyncadd.s32 $0xFFFFC000  }
0x17f: {  	[tilespmem:s14], [sflag:$0x2] =	stream.indirect.gather [hbm4b:s3+s12], $0x80, s6, s12, $0xb8;
	[tilespmem:$0x1F000] =	vst v63  }
0x180: {  	_ =	swait.ge [sflag:s13], $0x4000  }
0x181: {  	[sflag:s13] =	ssyncset.done $0x0  }
0x182: {  	[sflag:s13] =	ssyncadd.s32 $0xFFFFC000  }
0x183: {  	[spmem:s4] =	stream.indirect.scatter.add.f32 [tilespmem:s7], [sflag:$0x3], $0x80, s22, s12, $0xb8;
	[tilespmem:$0x1F000] =	vst v63  }
0x184: {  	_ =	swait.ge [sflag:s5], $0x4000  }
0x185: {  	s6 =	sld [smem:$0x7C6]  }
0x186: {  	[sflag:s5] =	ssyncset.done $0x0  }
0x187: {  	[sflag:s5] =	ssyncadd.s32 $0xFFFFC000  }
0x188: {  	[tilespmem:s7], [sflag:$0x1] =	stream.indirect.gather [hbm4b:s3+s12], $0x80, s6, s12, $0xb8;
	[tilespmem:$0x1F000] =	vst v63  }
0x189: {  	_ =	swait.ge [sflag:s15], $0x4000  }
0x18a: {  	[sflag:s15] =	ssyncset.done $0x0  }
0x18b: {  	[sflag:s15] =	ssyncadd.s32 $0xFFFFC000  }
0x18c: {  	[spmem:s4] =	stream.indirect.scatter.add.f32 [tilespmem:s14], [sflag:$0x3], $0x80, s21, s12, $0xb8;
	[tilespmem:$0x1F000] =	vst v63  }
0x18d: {  	_ =	swait.ge [sflag:s5], $0x4000  }
0x18e: {  	s6 =	sld [smem:$0x7C7]  }
0x18f: {  	[sflag:s5] =	ssyncset.done $0x0  }
0x190: {  	[sflag:s5] =	ssyncadd.s32 $0xFFFFC000  }
0x191: {  	[tilespmem:s14], [sflag:$0x2] =	stream.indirect.gather [hbm4b:s3+s12], $0x80, s6, s12, $0xb8;
	[tilespmem:$0x1F000] =	vst v63  }
0x192: {  	_ =	swait.ge [sflag:s13], $0x4000  }
0x193: {  	[sflag:s13] =	ssyncset.done $0x0  }
0x194: {  	[sflag:s13] =	ssyncadd.s32 $0xFFFFC000  }
0x195: {  	[spmem:s4] =	stream.indirect.scatter.add.f32 [tilespmem:s7], [sflag:$0x3], $0x80, s20, s12, $0xb8;
	[tilespmem:$0x1F000] =	vst v63  }
0x196: {  	_ =	swait.ge [sflag:s5], $0x4000  }
0x197: {  	s6 =	sld [smem:$0x7C8]  }
0x198: {  	[sflag:s5] =	ssyncset.done $0x0  }
0x199: {  	[sflag:s5] =	ssyncadd.s32 $0xFFFFC000  }
0x19a: {  	[tilespmem:s7], [sflag:$0x1] =	stream.indirect.gather [hbm4b:s3+s12], $0x80, s6, s12, $0xb8;
	[tilespmem:$0x1F000] =	vst v63  }
0x19b: {  	_ =	swait.ge [sflag:s15], $0x4000  }
0x19c: {  	[sflag:s15] =	ssyncset.done $0x0  }
0x19d: {  	[sflag:s15] =	ssyncadd.s32 $0xFFFFC000  }
0x19e: {  	[spmem:s4] =	stream.indirect.scatter.add.f32 [tilespmem:s14], [sflag:$0x3], $0x80, s19, s12, $0xb8;
	[tilespmem:$0x1F000] =	vst v63  }
0x19f: {  	_ =	swait.ge [sflag:s5], $0x4000  }
0x1a0: {  	[sflag:s5] =	ssyncset.done $0x0  }
0x1a1: {  	s6 =	rddreg [dreg:$0x8];
	[sflag:s5] =	ssyncadd.s32 $0xFFFFC000  }
0x1a2: {  	[tilespmem:s8], [sflag:$0x3] =	stream.linear.gather [hbm4b:s6+s2], $0x800, $0x38;
	[tilespmem:$0x1F000] =	vst v63  }
0x1a3: {  	_ =	swait.ge [sflag:s5], $0x800  }
0x1a4: {  	s6 =	sld [smem:$0x7C9]  }
0x1a5: {  	[sflag:s5] =	ssyncset.done $0x0  }
0x1a6: {  	[sflag:s5] =	ssyncadd.s32 $0xFFFFF800  }
0x1a7: {  	[tilespmem:s14], [sflag:$0x2] =	stream.indirect.gather [hbm4b:s3+s12], $0x80, s6, s12, $0xb8;
	[tilespmem:$0x1F000] =	vst v63  }
0x1a8: {  	_ =	swait.ge [sflag:s13], $0x4000  }
0x1a9: {  	[sflag:s13] =	ssyncset.done $0x0  }
0x1aa: {  	[sflag:s13] =	ssyncadd.s32 $0xFFFFC000  }
0x1ab: {  	[spmem:s4] =	stream.indirect.scatter.add.f32 [tilespmem:s7], [sflag:$0x3], $0x80, s8, s12, $0xb8;
	[tilespmem:$0x1F000] =	vst v63  }
0x1ac: {  	_ =	swait.ge [sflag:s5], $0x4000  }
0x1ad: {  	s6 =	sld [smem:$0x7CA]  }
0x1ae: {  	[sflag:s5] =	ssyncset.done $0x0  }
0x1af: {  	[sflag:s5] =	ssyncadd.s32 $0xFFFFC000  }
0x1b0: {  	[tilespmem:s7], [sflag:$0x1] =	stream.indirect.gather [hbm4b:s3+s12], $0x80, s6, s12, $0xb8;
	[tilespmem:$0x1F000] =	vst v63  }
0x1b1: {  	_ =	swait.ge [sflag:s15], $0x4000  }
0x1b2: {  	[sflag:s15] =	ssyncset.done $0x0  }
0x1b3: {  	[sflag:s15] =	ssyncadd.s32 $0xFFFFC000  }
0x1b4: {  	[spmem:s4] =	stream.indirect.scatter.add.f32 [tilespmem:s14], [sflag:$0x3], $0x80, s1, s12, $0xb8;
	[tilespmem:$0x1F000] =	vst v63  }
0x1b5: {  	_ =	swait.ge [sflag:s5], $0x4000  }
0x1b6: {  	s6 =	sld [smem:$0x7CB]  }
0x1b7: {  	[sflag:s5] =	ssyncset.done $0x0  }
0x1b8: {  	[sflag:s5] =	ssyncadd.s32 $0xFFFFC000  }
0x1b9: {  	[tilespmem:s14], [sflag:$0x2] =	stream.indirect.gather [hbm4b:s3+s12], $0x80, s6, s12, $0xb8;
	[tilespmem:$0x1F000] =	vst v63  }
0x1ba: {  	_ =	swait.ge [sflag:s13], $0x4000  }
0x1bb: {  	[sflag:s13] =	ssyncset.done $0x0  }
0x1bc: {  	[sflag:s13] =	ssyncadd.s32 $0xFFFFC000  }
0x1bd: {  	[spmem:s4] =	stream.indirect.scatter.add.f32 [tilespmem:s7], [sflag:$0x3], $0x80, s30, s12, $0xb8;
	[tilespmem:$0x1F000] =	vst v63  }
0x1be: {  	_ =	swait.ge [sflag:s5], $0x4000  }
0x1bf: {  	s6 =	sld [smem:$0x7CC]  }
0x1c0: {  	[sflag:s5] =	ssyncset.done $0x0  }
0x1c1: {  	[sflag:s5] =	ssyncadd.s32 $0xFFFFC000  }
0x1c2: {  	[tilespmem:s7], [sflag:$0x1] =	stream.indirect.gather [hbm4b:s3+s12], $0x80, s6, s12, $0xb8;
	[tilespmem:$0x1F000] =	vst v63  }
0x1c3: {  	_ =	swait.ge [sflag:s15], $0x4000  }
0x1c4: {  	[sflag:s15] =	ssyncset.done $0x0  }
0x1c5: {  	[sflag:s15] =	ssyncadd.s32 $0xFFFFC000  }
0x1c6: {  	[spmem:s4] =	stream.indirect.scatter.add.f32 [tilespmem:s14], [sflag:$0x3], $0x80, s29, s12, $0xb8;
	[tilespmem:$0x1F000] =	vst v63  }
0x1c7: {  	_ =	swait.ge [sflag:s5], $0x4000  }
0x1c8: {  	s6 =	sld [smem:$0x7CD]  }
0x1c9: {  	[sflag:s5] =	ssyncset.done $0x0  }
0x1ca: {  	[sflag:s5] =	ssyncadd.s32 $0xFFFFC000  }
0x1cb: {  	[tilespmem:s14], [sflag:$0x2] =	stream.indirect.gather [hbm4b:s3+s12], $0x80, s6, s12, $0xb8;
	[tilespmem:$0x1F000] =	vst v63  }
0x1cc: {  	_ =	swait.ge [sflag:s13], $0x4000  }
0x1cd: {  	[sflag:s13] =	ssyncset.done $0x0  }
0x1ce: {  	[sflag:s13] =	ssyncadd.s32 $0xFFFFC000  }
0x1cf: {  	[spmem:s4] =	stream.indirect.scatter.add.f32 [tilespmem:s7], [sflag:$0x3], $0x80, s28, s12, $0xb8;
	[tilespmem:$0x1F000] =	vst v63  }
0x1d0: {  	_ =	swait.ge [sflag:s5], $0x4000  }
0x1d1: {  	s6 =	sld [smem:$0x7CE]  }
0x1d2: {  	[sflag:s5] =	ssyncset.done $0x0  }
0x1d3: {  	[sflag:s5] =	ssyncadd.s32 $0xFFFFC000  }
0x1d4: {  	[tilespmem:s7], [sflag:$0x1] =	stream.indirect.gather [hbm4b:s3+s12], $0x80, s6, s12, $0xb8;
	[tilespmem:$0x1F000] =	vst v63  }
0x1d5: {  	_ =	swait.ge [sflag:s15], $0x4000  }
0x1d6: {  	[sflag:s15] =	ssyncset.done $0x0  }
0x1d7: {  	[sflag:s15] =	ssyncadd.s32 $0xFFFFC000  }
0x1d8: {  	[spmem:s4] =	stream.indirect.scatter.add.f32 [tilespmem:s14], [sflag:$0x3], $0x80, s25, s12, $0xb8;
	[tilespmem:$0x1F000] =	vst v63  }
0x1d9: {  	_ =	swait.ge [sflag:s5], $0x4000  }
0x1da: {  	s6 =	sld [smem:$0x7CF]  }
0x1db: {  	[sflag:s5] =	ssyncset.done $0x0  }
0x1dc: {  	[sflag:s5] =	ssyncadd.s32 $0xFFFFC000  }
0x1dd: {  	[tilespmem:s14], [sflag:$0x2] =	stream.indirect.gather [hbm4b:s3+s12], $0x80, s6, s12, $0xb8;
	[tilespmem:$0x1F000] =	vst v63  }
0x1de: {  	_ =	swait.ge [sflag:s13], $0x4000  }
0x1df: {  	[sflag:s13] =	ssyncset.done $0x0  }
0x1e0: {  	[sflag:s13] =	ssyncadd.s32 $0xFFFFC000  }
0x1e1: {  	[spmem:s4] =	stream.indirect.scatter.add.f32 [tilespmem:s7], [sflag:$0x3], $0x80, s24, s12, $0xb8;
	[tilespmem:$0x1F000] =	vst v63  }
0x1e2: {  	_ =	swait.ge [sflag:s5], $0x4000  }
0x1e3: {  	s6 =	sld [smem:$0x7D0]  }
0x1e4: {  	[sflag:s5] =	ssyncset.done $0x0  }
0x1e5: {  	[sflag:s5] =	ssyncadd.s32 $0xFFFFC000  }
0x1e6: {  	[tilespmem:s7], [sflag:$0x1] =	stream.indirect.gather [hbm4b:s3+s12], $0x80, s6, s12, $0xb8;
	[tilespmem:$0x1F000] =	vst v63  }
0x1e7: {  	_ =	swait.ge [sflag:s15], $0x4000  }
0x1e8: {  	[sflag:s15] =	ssyncset.done $0x0  }
0x1e9: {  	[sflag:s15] =	ssyncadd.s32 $0xFFFFC000  }
0x1ea: {  	[spmem:s4] =	stream.indirect.scatter.add.f32 [tilespmem:s14], [sflag:$0x3], $0x80, s26, s12, $0xb8;
	[tilespmem:$0x1F000] =	vst v63  }
0x1eb: {  	_ =	swait.ge [sflag:s5], $0x4000  }
0x1ec: {  	s6 =	sld [smem:$0x7D1]  }
0x1ed: {  	[sflag:s5] =	ssyncset.done $0x0  }
0x1ee: {  	[sflag:s5] =	ssyncadd.s32 $0xFFFFC000  }
0x1ef: {  	[tilespmem:s14], [sflag:$0x2] =	stream.indirect.gather [hbm4b:s3+s12], $0x80, s6, s12, $0xb8;
	[tilespmem:$0x1F000] =	vst v63  }
0x1f0: {  	_ =	swait.ge [sflag:s13], $0x4000  }
0x1f1: {  	[sflag:s13] =	ssyncset.done $0x0  }
0x1f2: {  	[sflag:s13] =	ssyncadd.s32 $0xFFFFC000  }
0x1f3: {  	[spmem:s4] =	stream.indirect.scatter.add.f32 [tilespmem:s7], [sflag:$0x3], $0x80, s17, s12, $0xb8;
	[tilespmem:$0x1F000] =	vst v63  }
0x1f4: {  	_ =	swait.ge [sflag:s5], $0x4000  }
0x1f5: {  	s6 =	sld [smem:$0x7D2]  }
0x1f6: {  	[sflag:s5] =	ssyncset.done $0x0  }
0x1f7: {  	[sflag:s5] =	ssyncadd.s32 $0xFFFFC000  }
0x1f8: {  	[tilespmem:s7], [sflag:$0x1] =	stream.indirect.gather [hbm4b:s3+s12], $0x80, s6, s12, $0xb8;
	[tilespmem:$0x1F000] =	vst v63  }
0x1f9: {  	_ =	swait.ge [sflag:s15], $0x4000  }
0x1fa: {  	[sflag:s15] =	ssyncset.done $0x0  }
0x1fb: {  	[sflag:s15] =	ssyncadd.s32 $0xFFFFC000  }
0x1fc: {  	[spmem:s4] =	stream.indirect.scatter.add.f32 [tilespmem:s14], [sflag:$0x3], $0x80, s18, s12, $0xb8;
	[tilespmem:$0x1F000] =	vst v63  }
0x1fd: {  	_ =	swait.ge [sflag:s5], $0x4000  }
0x1fe: {  	s6 =	sld [smem:$0x7D3]  }
0x1ff: {  	[sflag:s5] =	ssyncset.done $0x0  }
0x200: {  	[sflag:s5] =	ssyncadd.s32 $0xFFFFC000  }
0x201: {  	[tilespmem:s14], [sflag:$0x2] =	stream.indirect.gather [hbm4b:s3+s12], $0x80, s6, s12, $0xb8;
	[tilespmem:$0x1F000] =	vst v63  }
0x202: {  	_ =	swait.ge [sflag:s13], $0x4000  }
0x203: {  	[sflag:s13] =	ssyncset.done $0x0  }
0x204: {  	[sflag:s13] =	ssyncadd.s32 $0xFFFFC000  }
0x205: {  	[spmem:s4] =	stream.indirect.scatter.add.f32 [tilespmem:s7], [sflag:$0x3], $0x80, s31, s12, $0xb8;
	[tilespmem:$0x1F000] =	vst v63  }
0x206: {  	_ =	swait.ge [sflag:s5], $0x4000  }
0x207: {  	s6 =	sld [smem:$0x7D4]  }
0x208: {  	[sflag:s5] =	ssyncset.done $0x0  }
0x209: {  	[sflag:s5] =	ssyncadd.s32 $0xFFFFC000  }
0x20a: {  	[tilespmem:s7], [sflag:$0x1] =	stream.indirect.gather [hbm4b:s3+s12], $0x80, s6, s12, $0xb8;
	[tilespmem:$0x1F000] =	vst v63  }
0x20b: {  	_ =	swait.ge [sflag:s15], $0x4000  }
0x20c: {  	[sflag:s15] =	ssyncset.done $0x0  }
0x20d: {  	[sflag:s15] =	ssyncadd.s32 $0xFFFFC000  }
0x20e: {  	[spmem:s4] =	stream.indirect.scatter.add.f32 [tilespmem:s14], [sflag:$0x3], $0x80, s23, s12, $0xb8;
	[tilespmem:$0x1F000] =	vst v63  }
0x20f: {  	_ =	swait.ge [sflag:s5], $0x4000  }
0x210: {  	s6 =	sld [smem:$0x7D5]  }
0x211: {  	[sflag:s5] =	ssyncset.done $0x0  }
0x212: {  	[sflag:s5] =	ssyncadd.s32 $0xFFFFC000  }
0x213: {  	[tilespmem:s14], [sflag:$0x2] =	stream.indirect.gather [hbm4b:s3+s12], $0x80, s6, s12, $0xb8;
	[tilespmem:$0x1F000] =	vst v63  }
0x214: {  	_ =	swait.ge [sflag:s13], $0x4000  }
0x215: {  	[sflag:s13] =	ssyncset.done $0x0  }
0x216: {  	[sflag:s13] =	ssyncadd.s32 $0xFFFFC000  }
0x217: {  	[spmem:s4] =	stream.indirect.scatter.add.f32 [tilespmem:s7], [sflag:$0x3], $0x80, s22, s12, $0xb8;
	[tilespmem:$0x1F000] =	vst v63  }
0x218: {  	_ =	swait.ge [sflag:s5], $0x4000  }
0x219: {  	s6 =	sld [smem:$0x7D6]  }
0x21a: {  	[sflag:s5] =	ssyncset.done $0x0  }
0x21b: {  	[sflag:s5] =	ssyncadd.s32 $0xFFFFC000  }
0x21c: {  	[tilespmem:s7], [sflag:$0x1] =	stream.indirect.gather [hbm4b:s3+s12], $0x80, s6, s12, $0xb8;
	[tilespmem:$0x1F000] =	vst v63  }
0x21d: {  	_ =	swait.ge [sflag:s15], $0x4000  }
0x21e: {  	[sflag:s15] =	ssyncset.done $0x0  }
0x21f: {  	[sflag:s15] =	ssyncadd.s32 $0xFFFFC000  }
0x220: {  	[spmem:s4] =	stream.indirect.scatter.add.f32 [tilespmem:s14], [sflag:$0x3], $0x80, s21, s12, $0xb8;
	[tilespmem:$0x1F000] =	vst v63  }
0x221: {  	_ =	swait.ge [sflag:s5], $0x4000  }
0x222: {  	s6 =	sld [smem:$0x7D7]  }
0x223: {  	[sflag:s5] =	ssyncset.done $0x0  }
0x224: {  	[sflag:s5] =	ssyncadd.s32 $0xFFFFC000  }
0x225: {  	[tilespmem:s14], [sflag:$0x2] =	stream.indirect.gather [hbm4b:s3+s12], $0x80, s6, s12, $0xb8;
	[tilespmem:$0x1F000] =	vst v63  }
0x226: {  	_ =	swait.ge [sflag:s13], $0x4000  }
0x227: {  	[sflag:s13] =	ssyncset.done $0x0  }
0x228: {  	[sflag:s13] =	ssyncadd.s32 $0xFFFFC000  }
0x229: {  	[spmem:s4] =	stream.indirect.scatter.add.f32 [tilespmem:s7], [sflag:$0x3], $0x80, s20, s12, $0xb8;
	[tilespmem:$0x1F000] =	vst v63  }
0x22a: {  	_ =	swait.ge [sflag:s5], $0x4000  }
0x22b: {  	s6 =	sld [smem:$0x7D8]  }
0x22c: {  	[sflag:s5] =	ssyncset.done $0x0  }
0x22d: {  	[sflag:s5] =	ssyncadd.s32 $0xFFFFC000  }
0x22e: {  	[tilespmem:s7], [sflag:$0x1] =	stream.indirect.gather [hbm4b:s3+s12], $0x80, s6, s12, $0xb8;
	[tilespmem:$0x1F000] =	vst v63  }
0x22f: {  	_ =	swait.ge [sflag:s15], $0x4000  }
0x230: {  	[sflag:s15] =	ssyncset.done $0x0  }
0x231: {  	[sflag:s15] =	ssyncadd.s32 $0xFFFFC000  }
0x232: {  	[spmem:s4] =	stream.indirect.scatter.add.f32 [tilespmem:s14], [sflag:$0x3], $0x80, s19, s12, $0xb8;
	[tilespmem:$0x1F000] =	vst v63  }
0x233: {  	_ =	swait.ge [sflag:s5], $0x4000  }
0x234: {  	[sflag:s5] =	ssyncset.done $0x0  }
0x235: {  	s6 =	rddreg [dreg:$0x9];
	[sflag:s5] =	ssyncadd.s32 $0xFFFFC000  }
0x236: {  	[tilespmem:s8], [sflag:$0x3] =	stream.linear.gather [hbm4b:s6+s2], $0x800, $0x38;
	[tilespmem:$0x1F000] =	vst v63  }
0x237: {  	_ =	swait.ge [sflag:s5], $0x800  }
0x238: {  	s6 =	sld [smem:$0x7D9]  }
0x239: {  	[sflag:s5] =	ssyncset.done $0x0  }
0x23a: {  	[sflag:s5] =	ssyncadd.s32 $0xFFFFF800  }
0x23b: {  	[tilespmem:s14], [sflag:$0x2] =	stream.indirect.gather [hbm4b:s3+s12], $0x80, s6, s12, $0xb8;
	[tilespmem:$0x1F000] =	vst v63  }
0x23c: {  	_ =	swait.ge [sflag:s13], $0x4000  }
0x23d: {  	[sflag:s13] =	ssyncset.done $0x0  }
0x23e: {  	[sflag:s13] =	ssyncadd.s32 $0xFFFFC000  }
0x23f: {  	[spmem:s4] =	stream.indirect.scatter.add.f32 [tilespmem:s7], [sflag:$0x3], $0x80, s8, s12, $0xb8;
	[tilespmem:$0x1F000] =	vst v63  }
0x240: {  	_ =	swait.ge [sflag:s5], $0x4000  }
0x241: {  	s6 =	sld [smem:$0x7DA]  }
0x242: {  	[sflag:s5] =	ssyncset.done $0x0  }
0x243: {  	[sflag:s5] =	ssyncadd.s32 $0xFFFFC000  }
0x244: {  	[tilespmem:s7], [sflag:$0x1] =	stream.indirect.gather [hbm4b:s3+s12], $0x80, s6, s12, $0xb8;
	[tilespmem:$0x1F000] =	vst v63  }
0x245: {  	_ =	swait.ge [sflag:s15], $0x4000  }
0x246: {  	[sflag:s15] =	ssyncset.done $0x0  }
0x247: {  	[sflag:s15] =	ssyncadd.s32 $0xFFFFC000  }
0x248: {  	[spmem:s4] =	stream.indirect.scatter.add.f32 [tilespmem:s14], [sflag:$0x3], $0x80, s1, s12, $0xb8;
	[tilespmem:$0x1F000] =	vst v63  }
0x249: {  	_ =	swait.ge [sflag:s5], $0x4000  }
0x24a: {  	s6 =	sld [smem:$0x7DB]  }
0x24b: {  	[sflag:s5] =	ssyncset.done $0x0  }
0x24c: {  	[sflag:s5] =	ssyncadd.s32 $0xFFFFC000  }
0x24d: {  	[tilespmem:s14], [sflag:$0x2] =	stream.indirect.gather [hbm4b:s3+s12], $0x80, s6, s12, $0xb8;
	[tilespmem:$0x1F000] =	vst v63  }
0x24e: {  	_ =	swait.ge [sflag:s13], $0x4000  }
0x24f: {  	[sflag:s13] =	ssyncset.done $0x0  }
0x250: {  	[sflag:s13] =	ssyncadd.s32 $0xFFFFC000  }
0x251: {  	[spmem:s4] =	stream.indirect.scatter.add.f32 [tilespmem:s7], [sflag:$0x3], $0x80, s30, s12, $0xb8;
	[tilespmem:$0x1F000] =	vst v63  }
0x252: {  	_ =	swait.ge [sflag:s5], $0x4000  }
0x253: {  	s6 =	sld [smem:$0x7DC]  }
0x254: {  	[sflag:s5] =	ssyncset.done $0x0  }
0x255: {  	[sflag:s5] =	ssyncadd.s32 $0xFFFFC000  }
0x256: {  	[tilespmem:s7], [sflag:$0x1] =	stream.indirect.gather [hbm4b:s3+s12], $0x80, s6, s12, $0xb8;
	[tilespmem:$0x1F000] =	vst v63  }
0x257: {  	_ =	swait.ge [sflag:s15], $0x4000  }
0x258: {  	[sflag:s15] =	ssyncset.done $0x0  }
0x259: {  	[sflag:s15] =	ssyncadd.s32 $0xFFFFC000  }
0x25a: {  	[spmem:s4] =	stream.indirect.scatter.add.f32 [tilespmem:s14], [sflag:$0x3], $0x80, s29, s12, $0xb8;
	[tilespmem:$0x1F000] =	vst v63  }
0x25b: {  	_ =	swait.ge [sflag:s5], $0x4000  }
0x25c: {  	s6 =	sld [smem:$0x7DD]  }
0x25d: {  	[sflag:s5] =	ssyncset.done $0x0  }
0x25e: {  	[sflag:s5] =	ssyncadd.s32 $0xFFFFC000  }
0x25f: {  	[tilespmem:s14], [sflag:$0x2] =	stream.indirect.gather [hbm4b:s3+s12], $0x80, s6, s12, $0xb8;
	[tilespmem:$0x1F000] =	vst v63  }
0x260: {  	_ =	swait.ge [sflag:s13], $0x4000  }
0x261: {  	[sflag:s13] =	ssyncset.done $0x0  }
0x262: {  	[sflag:s13] =	ssyncadd.s32 $0xFFFFC000  }
0x263: {  	[spmem:s4] =	stream.indirect.scatter.add.f32 [tilespmem:s7], [sflag:$0x3], $0x80, s28, s12, $0xb8;
	[tilespmem:$0x1F000] =	vst v63  }
0x264: {  	_ =	swait.ge [sflag:s5], $0x4000  }
0x265: {  	s6 =	sld [smem:$0x7DE]  }
0x266: {  	[sflag:s5] =	ssyncset.done $0x0  }
0x267: {  	[sflag:s5] =	ssyncadd.s32 $0xFFFFC000  }
0x268: {  	[tilespmem:s7], [sflag:$0x1] =	stream.indirect.gather [hbm4b:s3+s12], $0x80, s6, s12, $0xb8;
	[tilespmem:$0x1F000] =	vst v63  }
0x269: {  	_ =	swait.ge [sflag:s15], $0x4000  }
0x26a: {  	[sflag:s15] =	ssyncset.done $0x0  }
0x26b: {  	[sflag:s15] =	ssyncadd.s32 $0xFFFFC000  }
0x26c: {  	[spmem:s4] =	stream.indirect.scatter.add.f32 [tilespmem:s14], [sflag:$0x3], $0x80, s25, s12, $0xb8;
	[tilespmem:$0x1F000] =	vst v63  }
0x26d: {  	_ =	swait.ge [sflag:s5], $0x4000  }
0x26e: {  	s6 =	sld [smem:$0x7DF]  }
0x26f: {  	[sflag:s5] =	ssyncset.done $0x0  }
0x270: {  	[sflag:s5] =	ssyncadd.s32 $0xFFFFC000  }
0x271: {  	[tilespmem:s14], [sflag:$0x2] =	stream.indirect.gather [hbm4b:s3+s12], $0x80, s6, s12, $0xb8;
	[tilespmem:$0x1F000] =	vst v63  }
0x272: {  	_ =	swait.ge [sflag:s13], $0x4000  }
0x273: {  	[sflag:s13] =	ssyncset.done $0x0  }
0x274: {  	[sflag:s13] =	ssyncadd.s32 $0xFFFFC000  }
0x275: {  	[spmem:s4] =	stream.indirect.scatter.add.f32 [tilespmem:s7], [sflag:$0x3], $0x80, s24, s12, $0xb8;
	[tilespmem:$0x1F000] =	vst v63  }
0x276: {  	_ =	swait.ge [sflag:s5], $0x4000  }
0x277: {  	s6 =	sld [smem:$0x7E0]  }
0x278: {  	[sflag:s5] =	ssyncset.done $0x0  }
0x279: {  	[sflag:s5] =	ssyncadd.s32 $0xFFFFC000  }
0x27a: {  	[tilespmem:s7], [sflag:$0x1] =	stream.indirect.gather [hbm4b:s3+s12], $0x80, s6, s12, $0xb8;
	[tilespmem:$0x1F000] =	vst v63  }
0x27b: {  	_ =	swait.ge [sflag:s15], $0x4000  }
0x27c: {  	[sflag:s15] =	ssyncset.done $0x0  }
0x27d: {  	[sflag:s15] =	ssyncadd.s32 $0xFFFFC000  }
0x27e: {  	[spmem:s4] =	stream.indirect.scatter.add.f32 [tilespmem:s14], [sflag:$0x3], $0x80, s26, s12, $0xb8;
	[tilespmem:$0x1F000] =	vst v63  }
0x27f: {  	_ =	swait.ge [sflag:s5], $0x4000  }
0x280: {  	s6 =	sld [smem:$0x7E1]  }
0x281: {  	[sflag:s5] =	ssyncset.done $0x0  }
0x282: {  	[sflag:s5] =	ssyncadd.s32 $0xFFFFC000  }
0x283: {  	[tilespmem:s14], [sflag:$0x2] =	stream.indirect.gather [hbm4b:s3+s12], $0x80, s6, s12, $0xb8;
	[tilespmem:$0x1F000] =	vst v63  }
0x284: {  	_ =	swait.ge [sflag:s13], $0x4000  }
0x285: {  	[sflag:s13] =	ssyncset.done $0x0  }
0x286: {  	[sflag:s13] =	ssyncadd.s32 $0xFFFFC000  }
0x287: {  	[spmem:s4] =	stream.indirect.scatter.add.f32 [tilespmem:s7], [sflag:$0x3], $0x80, s17, s12, $0xb8;
	[tilespmem:$0x1F000] =	vst v63  }
0x288: {  	_ =	swait.ge [sflag:s5], $0x4000  }
0x289: {  	s6 =	sld [smem:$0x7E2]  }
0x28a: {  	[sflag:s5] =	ssyncset.done $0x0  }
0x28b: {  	[sflag:s5] =	ssyncadd.s32 $0xFFFFC000  }
0x28c: {  	[tilespmem:s7], [sflag:$0x1] =	stream.indirect.gather [hbm4b:s3+s12], $0x80, s6, s12, $0xb8;
	[tilespmem:$0x1F000] =	vst v63  }
0x28d: {  	_ =	swait.ge [sflag:s15], $0x4000  }
0x28e: {  	[sflag:s15] =	ssyncset.done $0x0  }
0x28f: {  	[sflag:s15] =	ssyncadd.s32 $0xFFFFC000  }
0x290: {  	[spmem:s4] =	stream.indirect.scatter.add.f32 [tilespmem:s14], [sflag:$0x3], $0x80, s18, s12, $0xb8;
	[tilespmem:$0x1F000] =	vst v63  }
0x291: {  	_ =	swait.ge [sflag:s5], $0x4000  }
0x292: {  	s6 =	sld [smem:$0x7E3]  }
0x293: {  	[sflag:s5] =	ssyncset.done $0x0  }
0x294: {  	[sflag:s5] =	ssyncadd.s32 $0xFFFFC000  }
0x295: {  	[tilespmem:s14], [sflag:$0x2] =	stream.indirect.gather [hbm4b:s3+s12], $0x80, s6, s12, $0xb8;
	[tilespmem:$0x1F000] =	vst v63  }
0x296: {  	_ =	swait.ge [sflag:s13], $0x4000  }
0x297: {  	[sflag:s13] =	ssyncset.done $0x0  }
0x298: {  	[sflag:s13] =	ssyncadd.s32 $0xFFFFC000  }
0x299: {  	[spmem:s4] =	stream.indirect.scatter.add.f32 [tilespmem:s7], [sflag:$0x3], $0x80, s31, s12, $0xb8;
	[tilespmem:$0x1F000] =	vst v63  }
0x29a: {  	_ =	swait.ge [sflag:s5], $0x4000  }
0x29b: {  	s6 =	sld [smem:$0x7E4]  }
0x29c: {  	[sflag:s5] =	ssyncset.done $0x0  }
0x29d: {  	[sflag:s5] =	ssyncadd.s32 $0xFFFFC000  }
0x29e: {  	[tilespmem:s7], [sflag:$0x1] =	stream.indirect.gather [hbm4b:s3+s12], $0x80, s6, s12, $0xb8;
	[tilespmem:$0x1F000] =	vst v63  }
0x29f: {  	_ =	swait.ge [sflag:s15], $0x4000  }
0x2a0: {  	[sflag:s15] =	ssyncset.done $0x0  }
0x2a1: {  	[sflag:s15] =	ssyncadd.s32 $0xFFFFC000  }
0x2a2: {  	[spmem:s4] =	stream.indirect.scatter.add.f32 [tilespmem:s14], [sflag:$0x3], $0x80, s23, s12, $0xb8;
	[tilespmem:$0x1F000] =	vst v63  }
0x2a3: {  	_ =	swait.ge [sflag:s5], $0x4000  }
0x2a4: {  	s6 =	sld [smem:$0x7E5]  }
0x2a5: {  	[sflag:s5] =	ssyncset.done $0x0  }
0x2a6: {  	[sflag:s5] =	ssyncadd.s32 $0xFFFFC000  }
0x2a7: {  	[tilespmem:s14], [sflag:$0x2] =	stream.indirect.gather [hbm4b:s3+s12], $0x80, s6, s12, $0xb8;
	[tilespmem:$0x1F000] =	vst v63  }
0x2a8: {  	_ =	swait.ge [sflag:s13], $0x4000  }
0x2a9: {  	[sflag:s13] =	ssyncset.done $0x0  }
0x2aa: {  	[sflag:s13] =	ssyncadd.s32 $0xFFFFC000  }
0x2ab: {  	[spmem:s4] =	stream.indirect.scatter.add.f32 [tilespmem:s7], [sflag:$0x3], $0x80, s22, s12, $0xb8;
	[tilespmem:$0x1F000] =	vst v63  }
0x2ac: {  	_ =	swait.ge [sflag:s5], $0x4000  }
0x2ad: {  	s6 =	sld [smem:$0x7E7]  }
0x2ae: {  	[sflag:s5] =	ssyncset.done $0x0  }
0x2af: {  	[sflag:s5] =	ssyncadd.s32 $0xFFFFC000  }
0x2b0: {  	[tilespmem:s7], [sflag:$0x1] =	stream.indirect.gather [hbm4b:s3+s12], $0x80, s6, s12, $0xb8;
	[tilespmem:$0x1F000] =	vst v63  }
0x2b1: {  	_ =	swait.ge [sflag:s15], $0x4000  }
0x2b2: {  	[sflag:s15] =	ssyncset.done $0x0  }
0x2b3: {  	[sflag:s15] =	ssyncadd.s32 $0xFFFFC000  }
0x2b4: {  	[spmem:s4] =	stream.indirect.scatter.add.f32 [tilespmem:s14], [sflag:$0x3], $0x80, s21, s12, $0xb8;
	[tilespmem:$0x1F000] =	vst v63  }
0x2b5: {  	_ =	swait.ge [sflag:s5], $0x4000  }
0x2b6: {  	s6 =	sld [smem:$0x7E9]  }
0x2b7: {  	[sflag:s5] =	ssyncset.done $0x0  }
0x2b8: {  	[sflag:s5] =	ssyncadd.s32 $0xFFFFC000  }
0x2b9: {  	[tilespmem:s14], [sflag:$0x2] =	stream.indirect.gather [hbm4b:s3+s12], $0x80, s6, s12, $0xb8;
	[tilespmem:$0x1F000] =	vst v63  }
0x2ba: {  	_ =	swait.ge [sflag:s13], $0x4000  }
0x2bb: {  	[sflag:s13] =	ssyncset.done $0x0  }
0x2bc: {  	[sflag:s13] =	ssyncadd.s32 $0xFFFFC000  }
0x2bd: {  	[spmem:s4] =	stream.indirect.scatter.add.f32 [tilespmem:s7], [sflag:$0x3], $0x80, s20, s12, $0xb8;
	[tilespmem:$0x1F000] =	vst v63  }
0x2be: {  	_ =	swait.ge [sflag:s5], $0x4000  }
0x2bf: {  	s6 =	sld [smem:$0x7EB]  }
0x2c0: {  	[sflag:s5] =	ssyncset.done $0x0  }
0x2c1: {  	[sflag:s5] =	ssyncadd.s32 $0xFFFFC000  }
0x2c2: {  	[tilespmem:s7], [sflag:$0x1] =	stream.indirect.gather [hbm4b:s3+s12], $0x80, s6, s12, $0xb8;
	[tilespmem:$0x1F000] =	vst v63  }
0x2c3: {  	_ =	swait.ge [sflag:s15], $0x4000  }
0x2c4: {  	[sflag:s15] =	ssyncset.done $0x0  }
0x2c5: {  	[sflag:s15] =	ssyncadd.s32 $0xFFFFC000  }
0x2c6: {  	[spmem:s4] =	stream.indirect.scatter.add.f32 [tilespmem:s14], [sflag:$0x3], $0x80, s19, s12, $0xb8;
	[tilespmem:$0x1F000] =	vst v63  }
0x2c7: {  	_ =	swait.ge [sflag:s5], $0x4000  }
0x2c8: {  	[sflag:s5] =	ssyncset.done $0x0  }
0x2c9: {  	s6 =	rddreg [dreg:$0xa];
	[sflag:s5] =	ssyncadd.s32 $0xFFFFC000  }
0x2ca: {  	[tilespmem:s8], [sflag:$0x3] =	stream.linear.gather [hbm4b:s6+s2], $0x800, $0x38;
	[tilespmem:$0x1F000] =	vst v63  }
0x2cb: {  	_ =	swait.ge [sflag:s5], $0x800  }
0x2cc: {  	s2 =	sld [smem:$0x7ED]  }
0x2cd: {  	[sflag:s5] =	ssyncset.done $0x0  }
0x2ce: {  	[sflag:s5] =	ssyncadd.s32 $0xFFFFF800  }
0x2cf: {  	[tilespmem:s14], [sflag:$0x2] =	stream.indirect.gather [hbm4b:s3+s12], $0x80, s2, s12, $0xb8;
	[tilespmem:$0x1F000] =	vst v63  }
0x2d0: {  	_ =	swait.ge [sflag:s13], $0x4000  }
0x2d1: {  	[sflag:s13] =	ssyncset.done $0x0  }
0x2d2: {  	[sflag:s13] =	ssyncadd.s32 $0xFFFFC000  }
0x2d3: {  	[spmem:s4] =	stream.indirect.scatter.add.f32 [tilespmem:s7], [sflag:$0x3], $0x80, s8, s12, $0xb8;
	[tilespmem:$0x1F000] =	vst v63  }
0x2d4: {  	_ =	swait.ge [sflag:s5], $0x4000  }
0x2d5: {  	s2 =	sld [smem:$0x7EF]  }
0x2d6: {  	[sflag:s5] =	ssyncset.done $0x0  }
0x2d7: {  	[sflag:s5] =	ssyncadd.s32 $0xFFFFC000  }
0x2d8: {  	[tilespmem:s7], [sflag:$0x1] =	stream.indirect.gather [hbm4b:s3+s12], $0x80, s2, s12, $0xb8;
	[tilespmem:$0x1F000] =	vst v63  }
0x2d9: {  	_ =	swait.ge [sflag:s15], $0x4000  }
0x2da: {  	[sflag:s15] =	ssyncset.done $0x0  }
0x2db: {  	[sflag:s15] =	ssyncadd.s32 $0xFFFFC000  }
0x2dc: {  	[spmem:s4] =	stream.indirect.scatter.add.f32 [tilespmem:s14], [sflag:$0x3], $0x80, s1, s12, $0xb8;
	[tilespmem:$0x1F000] =	vst v63  }
0x2dd: {  	_ =	swait.ge [sflag:s5], $0x4000  }
0x2de: {  	s2 =	sld [smem:$0x7F0]  }
0x2df: {  	[sflag:s5] =	ssyncset.done $0x0  }
0x2e0: {  	[sflag:s5] =	ssyncadd.s32 $0xFFFFC000  }
0x2e1: {  	[tilespmem:s14], [sflag:$0x2] =	stream.indirect.gather [hbm4b:s3+s12], $0x80, s2, s12, $0xb8;
	[tilespmem:$0x1F000] =	vst v63  }
0x2e2: {  	_ =	swait.ge [sflag:s13], $0x4000  }
0x2e3: {  	[sflag:s13] =	ssyncset.done $0x0  }
0x2e4: {  	[sflag:s13] =	ssyncadd.s32 $0xFFFFC000  }
0x2e5: {  	[spmem:s4] =	stream.indirect.scatter.add.f32 [tilespmem:s7], [sflag:$0x3], $0x80, s30, s12, $0xb8;
	[tilespmem:$0x1F000] =	vst v63  }
0x2e6: {  	_ =	swait.ge [sflag:s5], $0x4000  }
0x2e7: {  	s30 =	sld [smem:$0x7F1]  }
0x2e8: {  	[sflag:s5] =	ssyncset.done $0x0  }
0x2e9: {  	[sflag:s5] =	ssyncadd.s32 $0xFFFFC000  }
0x2ea: {  	[tilespmem:s7], [sflag:$0x1] =	stream.indirect.gather [hbm4b:s3+s12], $0x80, s30, s12, $0xb8;
	[tilespmem:$0x1F000] =	vst v63  }
0x2eb: {  	_ =	swait.ge [sflag:s15], $0x4000  }
0x2ec: {  	[sflag:s15] =	ssyncset.done $0x0  }
0x2ed: {  	[sflag:s15] =	ssyncadd.s32 $0xFFFFC000  }
0x2ee: {  	[spmem:s4] =	stream.indirect.scatter.add.f32 [tilespmem:s14], [sflag:$0x3], $0x80, s29, s12, $0xb8;
	[tilespmem:$0x1F000] =	vst v63  }
0x2ef: {  	_ =	swait.ge [sflag:s5], $0x4000  }
0x2f0: {  	s1 =	sld [smem:$0x7F2]  }
0x2f1: {  	[sflag:s5] =	ssyncset.done $0x0  }
0x2f2: {  	[sflag:s5] =	ssyncadd.s32 $0xFFFFC000  }
0x2f3: {  	[tilespmem:s14], [sflag:$0x2] =	stream.indirect.gather [hbm4b:s3+s12], $0x80, s1, s12, $0xb8;
	[tilespmem:$0x1F000] =	vst v63  }
0x2f4: {  	_ =	swait.ge [sflag:s13], $0x4000  }
0x2f5: {  	[sflag:s13] =	ssyncset.done $0x0  }
0x2f6: {  	[sflag:s13] =	ssyncadd.s32 $0xFFFFC000  }
0x2f7: {  	[spmem:s4] =	stream.indirect.scatter.add.f32 [tilespmem:s7], [sflag:$0x3], $0x80, s28, s12, $0xb8;
	[tilespmem:$0x1F000] =	vst v63  }
0x2f8: {  	_ =	swait.ge [sflag:s5], $0x4000  }
0x2f9: {  	s2 =	sld [smem:$0x7F3]  }
0x2fa: {  	[sflag:s5] =	ssyncset.done $0x0  }
0x2fb: {  	[sflag:s5] =	ssyncadd.s32 $0xFFFFC000  }
0x2fc: {  	[tilespmem:s7], [sflag:$0x1] =	stream.indirect.gather [hbm4b:s3+s12], $0x80, s2, s12, $0xb8;
	[tilespmem:$0x1F000] =	vst v63  }
0x2fd: {  	_ =	swait.ge [sflag:s15], $0x4000  }
0x2fe: {  	[sflag:s15] =	ssyncset.done $0x0  }
0x2ff: {  	[sflag:s15] =	ssyncadd.s32 $0xFFFFC000  }
0x300: {  	[spmem:s4] =	stream.indirect.scatter.add.f32 [tilespmem:s14], [sflag:$0x3], $0x80, s25, s12, $0xb8;
	[tilespmem:$0x1F000] =	vst v63  }
0x301: {  	_ =	swait.ge [sflag:s5], $0x4000  }
0x302: {  	s25 =	sld [smem:$0x7F4]  }
0x303: {  	[sflag:s5] =	ssyncset.done $0x0  }
0x304: {  	[sflag:s5] =	ssyncadd.s32 $0xFFFFC000  }
0x305: {  	[tilespmem:s14], [sflag:$0x2] =	stream.indirect.gather [hbm4b:s3+s12], $0x80, s25, s12, $0xb8;
	[tilespmem:$0x1F000] =	vst v63  }
0x306: {  	_ =	swait.ge [sflag:s13], $0x4000  }
0x307: {  	[sflag:s13] =	ssyncset.done $0x0  }
0x308: {  	[sflag:s13] =	ssyncadd.s32 $0xFFFFC000  }
0x309: {  	[spmem:s4] =	stream.indirect.scatter.add.f32 [tilespmem:s7], [sflag:$0x3], $0x80, s24, s12, $0xb8;
	[tilespmem:$0x1F000] =	vst v63  }
0x30a: {  	_ =	swait.ge [sflag:s5], $0x4000  }
0x30b: {  	s28 =	sld [smem:$0x7F5]  }
0x30c: {  	[sflag:s5] =	ssyncset.done $0x0  }
0x30d: {  	[sflag:s5] =	ssyncadd.s32 $0xFFFFC000  }
0x30e: {  	[tilespmem:s7], [sflag:$0x1] =	stream.indirect.gather [hbm4b:s3+s12], $0x80, s28, s12, $0xb8;
	[tilespmem:$0x1F000] =	vst v63  }
0x30f: {  	_ =	swait.ge [sflag:s15], $0x4000  }
0x310: {  	[sflag:s15] =	ssyncset.done $0x0  }
0x311: {  	[sflag:s15] =	ssyncadd.s32 $0xFFFFC000  }
0x312: {  	[spmem:s4] =	stream.indirect.scatter.add.f32 [tilespmem:s14], [sflag:$0x3], $0x80, s26, s12, $0xb8;
	[tilespmem:$0x1F000] =	vst v63  }
0x313: {  	_ =	swait.ge [sflag:s5], $0x4000  }
0x314: {  	s29 =	sld [smem:$0x7F6]  }
0x315: {  	[sflag:s5] =	ssyncset.done $0x0  }
0x316: {  	[sflag:s5] =	ssyncadd.s32 $0xFFFFC000  }
0x317: {  	[tilespmem:s14], [sflag:$0x2] =	stream.indirect.gather [hbm4b:s3+s12], $0x80, s29, s12, $0xb8;
	[tilespmem:$0x1F000] =	vst v63  }
0x318: {  	_ =	swait.ge [sflag:s13], $0x4000  }
0x319: {  	[sflag:s13] =	ssyncset.done $0x0  }
0x31a: {  	[sflag:s13] =	ssyncadd.s32 $0xFFFFC000  }
0x31b: {  	[spmem:s4] =	stream.indirect.scatter.add.f32 [tilespmem:s7], [sflag:$0x3], $0x80, s17, s12, $0xb8;
	[tilespmem:$0x1F000] =	vst v63  }
0x31c: {  	_ =	swait.ge [sflag:s5], $0x4000  }
0x31d: {  	s30 =	sld [smem:$0x7F7]  }
0x31e: {  	[sflag:s5] =	ssyncset.done $0x0  }
0x31f: {  	[sflag:s5] =	ssyncadd.s32 $0xFFFFC000  }
0x320: {  	[tilespmem:s7], [sflag:$0x1] =	stream.indirect.gather [hbm4b:s3+s12], $0x80, s30, s12, $0xb8;
	[tilespmem:$0x1F000] =	vst v63  }
0x321: {  	_ =	swait.ge [sflag:s15], $0x4000  }
0x322: {  	[sflag:s15] =	ssyncset.done $0x0  }
0x323: {  	[sflag:s15] =	ssyncadd.s32 $0xFFFFC000  }
0x324: {  	[spmem:s4] =	stream.indirect.scatter.add.f32 [tilespmem:s14], [sflag:$0x3], $0x80, s18, s12, $0xb8;
	[tilespmem:$0x1F000] =	vst v63  }
0x325: {  	_ =	swait.ge [sflag:s5], $0x4000  }
0x326: {  	s1 =	sld [smem:$0x7F8]  }
0x327: {  	[sflag:s5] =	ssyncset.done $0x0  }
0x328: {  	[sflag:s5] =	ssyncadd.s32 $0xFFFFC000  }
0x329: {  	[tilespmem:s14], [sflag:$0x2] =	stream.indirect.gather [hbm4b:s3+s12], $0x80, s1, s12, $0xb8;
	[tilespmem:$0x1F000] =	vst v63  }
0x32a: {  	_ =	swait.ge [sflag:s13], $0x4000  }
0x32b: {  	[sflag:s13] =	ssyncset.done $0x0  }
0x32c: {  	[sflag:s13] =	ssyncadd.s32 $0xFFFFC000  }
0x32d: {  	[spmem:s4] =	stream.indirect.scatter.add.f32 [tilespmem:s7], [sflag:$0x3], $0x80, s31, s12, $0xb8;
	[tilespmem:$0x1F000] =	vst v63  }
0x32e: {  	_ =	swait.ge [sflag:s5], $0x4000  }
0x32f: {  	s2 =	sld [smem:$0x7F9]  }
0x330: {  	[sflag:s5] =	ssyncset.done $0x0  }
0x331: {  	[sflag:s5] =	ssyncadd.s32 $0xFFFFC000  }
0x332: {  	[tilespmem:s7], [sflag:$0x1] =	stream.indirect.gather [hbm4b:s3+s12], $0x80, s2, s12, $0xb8;
	[tilespmem:$0x1F000] =	vst v63  }
0x333: {  	_ =	swait.ge [sflag:s15], $0x4000  }
0x334: {  	[sflag:s15] =	ssyncset.done $0x0  }
0x335: {  	[sflag:s15] =	ssyncadd.s32 $0xFFFFC000  }
0x336: {  	[spmem:s4] =	stream.indirect.scatter.add.f32 [tilespmem:s14], [sflag:$0x3], $0x80, s23, s12, $0xb8;
	[tilespmem:$0x1F000] =	vst v63  }
0x337: {  	_ =	swait.ge [sflag:s5], $0x4000  }
0x338: {  	s17 =	sld [smem:$0x7FA]  }
0x339: {  	[sflag:s5] =	ssyncset.done $0x0  }
0x33a: {  	[sflag:s5] =	ssyncadd.s32 $0xFFFFC000  }
0x33b: {  	[tilespmem:s14], [sflag:$0x2] =	stream.indirect.gather [hbm4b:s3+s12], $0x80, s17, s12, $0xb8;
	[tilespmem:$0x1F000] =	vst v63  }
0x33c: {  	_ =	swait.ge [sflag:s13], $0x4000  }
0x33d: {  	[sflag:s13] =	ssyncset.done $0x0  }
0x33e: {  	[sflag:s13] =	ssyncadd.s32 $0xFFFFC000  }
0x33f: {  	[spmem:s4] =	stream.indirect.scatter.add.f32 [tilespmem:s7], [sflag:$0x3], $0x80, s22, s12, $0xb8;
	[tilespmem:$0x1F000] =	vst v63  }
0x340: {  	_ =	swait.ge [sflag:s5], $0x4000  }
0x341: {  	s18 =	sld [smem:$0x7FB]  }
0x342: {  	[sflag:s5] =	ssyncset.done $0x0  }
0x343: {  	[sflag:s5] =	ssyncadd.s32 $0xFFFFC000  }
0x344: {  	[tilespmem:s7], [sflag:$0x1] =	stream.indirect.gather [hbm4b:s3+s12], $0x80, s18, s12, $0xb8;
	[tilespmem:$0x1F000] =	vst v63  }
0x345: {  	_ =	swait.ge [sflag:s15], $0x4000  }
0x346: {  	[sflag:s15] =	ssyncset.done $0x0  }
0x347: {  	[sflag:s15] =	ssyncadd.s32 $0xFFFFC000  }
0x348: {  	[spmem:s4] =	stream.indirect.scatter.add.f32 [tilespmem:s14], [sflag:$0x3], $0x80, s21, s12, $0xb8;
	[tilespmem:$0x1F000] =	vst v63  }
0x349: {  	_ =	swait.ge [sflag:s5], $0x4000  }
0x34a: {  	s22 =	sld [smem:$0x7FC]  }
0x34b: {  	[sflag:s5] =	ssyncset.done $0x0  }
0x34c: {  	[sflag:s5] =	ssyncadd.s32 $0xFFFFC000  }
0x34d: {  	[tilespmem:s14], [sflag:$0x2] =	stream.indirect.gather [hbm4b:s3+s12], $0x80, s22, s12, $0xb8;
	[tilespmem:$0x1F000] =	vst v63  }
0x34e: {  	_ =	swait.ge [sflag:s13], $0x4000  }
0x34f: {  	[sflag:s13] =	ssyncset.done $0x0  }
0x350: {  	[sflag:s13] =	ssyncadd.s32 $0xFFFFC000  }
0x351: {  	[spmem:s4] =	stream.indirect.scatter.add.f32 [tilespmem:s7], [sflag:$0x3], $0x80, s20, s12, $0xb8;
	[tilespmem:$0x1F000] =	vst v63  }
0x352: {  	_ =	swait.ge [sflag:s5], $0x4000  }
0x353: {  	s23 =	sld [smem:$0x7FD]  }
0x354: {  	[sflag:s5] =	ssyncset.done $0x0  }
0x355: {  	[sflag:s5] =	ssyncadd.s32 $0xFFFFC000  }
0x356: {  	[tilespmem:s7], [sflag:$0x1] =	stream.indirect.gather [hbm4b:s3+s12], $0x80, s23, s12, $0xb8;
	[tilespmem:$0x1F000] =	vst v63  }
0x357: {  	_ =	swait.ge [sflag:s15], $0x4000  }
0x358: {  	[sflag:s15] =	ssyncset.done $0x0  }
0x359: {  	[sflag:s15] =	ssyncadd.s32 $0xFFFFC000  }
0x35a: {  	[spmem:s4] =	stream.indirect.scatter.add.f32 [tilespmem:s14], [sflag:$0x3], $0x80, s19, s12, $0xb8;
	[tilespmem:$0x1F000] =	vst v63  }
0x35b: {  	_ =	swait.ge [sflag:s5], $0x4000  }
0x35c: {  	[sflag:s5] =	ssyncset.done $0x0  }
0x35d: {  	[sflag:s5] =	ssyncadd.s32 $0xFFFFC000  }
0x35e: {  	_ =	swait.ge [sflag:s13], $0x4000  }
0x35f: {  	[sflag:s13] =	ssyncset.done $0x0  }
0x360: {  	[sflag:s13] =	ssyncadd.s32 $0xFFFFC000  }
0x361: {  	[bflag:$0x0] =	sbarrier.arrive $0xFFFF  }
0x362: {  	[tilespmem:s7], [sflag:$0x3] =	stream.linear.gather [spmem:s16], $0x4000, $0x38;
	[tilespmem:$0x1F000] =	vst v63  }
0x363: {  	_ =	swait.ge [sflag:s5], $0x4000  }
0x364: {  	[sflag:s5] =	ssyncset.done $0x0  }
0x365: {  	s31 =	simm.s32 $0x0;
	s24 =	rddreg [dreg:$0xb];
	[sflag:s5] =	ssyncadd.s32 $0xFFFFC000  }
0x366: {  	[hbm4b:s24+s31] =	stream.linear.scatter [tilespmem:s7], [sflag:$0x3], $0x4000, $0x38;
	[tilespmem:$0x1F000] =	vst v63  }
0x367: {  	_ =	swait.ge [sflag:s5], $0x4000  }
0x368: {  	[sflag:s5] =	ssyncset.done $0x0  }
0x369: {  	[sflag:s5] =	ssyncadd.s32 $0xFFFFC000  }
0x36a: {  	[tilespmem:s7], [sflag:$0x3] =	stream.linear.gather [spmem:s11], $0x4000, $0x38;
	[tilespmem:$0x1F000] =	vst v63  }
0x36b: {  	_ =	swait.ge [sflag:s5], $0x4000  }
0x36c: {  	[sflag:s5] =	ssyncset.done $0x0  }
0x36d: {  	s25 =	rddreg [dreg:$0xc];
	[sflag:s5] =	ssyncadd.s32 $0xFFFFC000  }
0x36e: {  	[hbm4b:s25+s31] =	stream.linear.scatter [tilespmem:s7], [sflag:$0x3], $0x4000, $0x38;
	[tilespmem:$0x1F000] =	vst v63  }
0x36f: {  	_ =	swait.ge [sflag:s5], $0x4000  }
0x370: {  	[sflag:s5] =	ssyncset.done $0x0  }
0x371: {  	[sflag:s5] =	ssyncadd.s32 $0xFFFFC000  }
0x372: {  	[tilespmem:s7], [sflag:$0x3] =	stream.linear.gather [spmem:s10], $0x4000, $0x38;
	[tilespmem:$0x1F000] =	vst v63  }
0x373: {  	_ =	swait.ge [sflag:s5], $0x4000  }
0x374: {  	[sflag:s5] =	ssyncset.done $0x0  }
0x375: {  	s26 =	rddreg [dreg:$0xd];
	[sflag:s5] =	ssyncadd.s32 $0xFFFFC000  }
0x376: {  	[hbm4b:s26+s31] =	stream.linear.scatter [tilespmem:s7], [sflag:$0x3], $0x4000, $0x38;
	[tilespmem:$0x1F000] =	vst v63  }
0x377: {  	_ =	swait.ge [sflag:s5], $0x4000  }
0x378: {  	[sflag:s5] =	ssyncset.done $0x0  }
0x379: {  	[sflag:s5] =	ssyncadd.s32 $0xFFFFC000  }
0x37a: {  	[tilespmem:s7], [sflag:$0x3] =	stream.linear.gather [spmem:s9], $0x4000, $0x38;
	[tilespmem:$0x1F000] =	vst v63  }
0x37b: {  	_ =	swait.ge [sflag:s5], $0x4000  }
0x37c: {  	[sflag:s5] =	ssyncset.done $0x0  }
0x37d: {  	s28 =	rddreg [dreg:$0xe];
	[sflag:s5] =	ssyncadd.s32 $0xFFFFC000  }
0x37e: {  	[hbm4b:s28+s31] =	stream.linear.scatter [tilespmem:s7], [sflag:$0x3], $0x4000, $0x38;
	[tilespmem:$0x1F000] =	vst v63  }
0x37f: {  	_ =	swait.ge [sflag:s5], $0x4000  }
0x380: {  	[sflag:s5] =	ssyncset.done $0x0  }
0x381: {  	[sflag:s5] =	ssyncadd.s32 $0xFFFFC000  }
0x382: {  	[tilespmem:s7], [sflag:$0x3] =	stream.linear.gather [spmem:s0], $0x3C00, $0x38;
	[tilespmem:$0x1F000] =	vst v63  }
0x383: {  	_ =	swait.ge [sflag:s5], $0x3C00  }
0x384: {  	s30 =	sld [smem:$0x7B9];
	_ =	sdelay $0x2  }
0x385: {  	p1 =	sne.s32 s30, $0x1  }
.Ltmp1:
0x386: {  	[sflag:s5] =	ssyncset.done $0x0;
	(pc) =	sbr.rel @!p1 .LBB2_7-.Ltmp1, $4  }
0x387: {  	s29 =	rddreg [dreg:$0xf];
	[sflag:s5] =	ssyncadd.s32 $0xFFFFC400  }
0x388: {  	[hbm4b:s29+s31] =	stream.linear.scatter [tilespmem:s7], [sflag:$0x3], $0x3C00, $0x38;
	[tilespmem:$0x1F000] =	vst v63  }
0x389: {  	p0 =	por $0x1, $0x1;
	_ =	swait.ge [sflag:s5], $0x3C00  }
0x38a: {  	s0 =	sadd.s32 $0xFFFFFFFF, s30;
	s6 =	rddreg [dreg:$0x5];
	[sflag:s5] =	ssyncset.done $0x0  }
0x38b: {  	s30 =	simm.s32 $0x2D00;
	s29 =	simm.s32 $0x2D80  }
0x38c: {  	s28 =	simm.s32 $0x2E00;
	s25 =	simm.s32 $0x2E80;
	s24 =	simm.s32 $0x2F00  }
0x38d: {  	s26 =	simm.s32 $0x2F80;
	s17 =	simm.s32 $0x3000;
	s18 =	simm.s32 $0x3080  }
0x38e: {  	s2 =	simm.s32 $0x0;
	s23 =	simm.s32 $0x3180;
	s22 =	simm.s32 $0x3200  }
0x38f: {  	s21 =	simm.s32 $0x3280;
	s20 =	simm.s32 $0x3300;
	s19 =	simm.s32 $0x3380  }
.LBB2_4:
0x390: {  	[sflag:s5] =	ssyncadd.s32 $0xFFFFC400  }
0x391: {  	[tilespmem:s31], [sflag:$0x3] =	stream.linear.gather [hbm4b:s6+s31], $0x2880, $0x38;
	[tilespmem:$0x1F000] =	vst v63  }
0x392: {  	_ =	swait.ge [sflag:s5], $0x2880  }
0x393: {  	[sflag:s5] =	ssyncset.done $0x0  }
0x394: {  	s16 =	rddreg [dreg:$0x4];
	[sflag:s5] =	ssyncadd.s32 $0xFFFFD780  }
0x395: {  	[tilespmem:s7], [sflag:$0x3] =	stream.linear.gather [hbm4b:s16+s31], $0x4000, $0x38;
	[tilespmem:$0x1F000] =	vst v63  }
0x396: {  	_ =	swait.ge [sflag:s5], $0x4000  }
0x397: {  	s16 =	sld [smem:$0x7E6]  }
0x398: {  	[sflag:s5] =	ssyncset.done $0x0  }
0x399: {  	[sflag:s5] =	ssyncadd.s32 $0xFFFFC000  }
0x39a: {  	[spmem:s16] =	stream.linear.scatter [tilespmem:s7], [sflag:$0x3], $0x4000, $0x38;
	[tilespmem:$0x1F000] =	vst v63  }
0x39b: {  	_ =	swait.ge [sflag:s5], $0x4000  }
0x39c: {  	s11 =	sld [smem:$0x7E8]  }
0x39d: {  	[sflag:s5] =	ssyncset.done $0x0  }
0x39e: {  	[sflag:s5] =	ssyncadd.s32 $0xFFFFC000  }
0x39f: {  	[spmem:s11] =	stream.linear.scatter [tilespmem:s7], [sflag:$0x3], $0x4000, $0x38;
	[tilespmem:$0x1F000] =	vst v63  }
0x3a0: {  	_ =	swait.ge [sflag:s5], $0x4000  }
0x3a1: {  	s10 =	sld [smem:$0x7EA]  }
0x3a2: {  	[sflag:s5] =	ssyncset.done $0x0  }
0x3a3: {  	[sflag:s5] =	ssyncadd.s32 $0xFFFFC000  }
0x3a4: {  	[spmem:s10] =	stream.linear.scatter [tilespmem:s7], [sflag:$0x3], $0x4000, $0x38;
	[tilespmem:$0x1F000] =	vst v63  }
0x3a5: {  	_ =	swait.ge [sflag:s5], $0x4000  }
0x3a6: {  	s9 =	sld [smem:$0x7EC]  }
0x3a7: {  	[sflag:s5] =	ssyncset.done $0x0  }
0x3a8: {  	[sflag:s5] =	ssyncadd.s32 $0xFFFFC000  }
0x3a9: {  	[spmem:s9] =	stream.linear.scatter [tilespmem:s7], [sflag:$0x3], $0x4000, $0x38;
	[tilespmem:$0x1F000] =	vst v63  }
0x3aa: {  	_ =	swait.ge [sflag:s5], $0x4000  }
0x3ab: {  	s1 =	sld [smem:$0x7EE]  }
0x3ac: {  	[sflag:s5] =	ssyncset.done $0x0  }
0x3ad: {  	[sflag:s5] =	ssyncadd.s32 $0xFFFFC000  }
0x3ae: {  	[spmem:s1] =	stream.linear.scatter [tilespmem:s7], [sflag:$0x3], $0x3C00, $0x38;
	[tilespmem:$0x1F000] =	vst v63  }
0x3af: {  	_ =	swait.ge [sflag:s5], $0x3C00  }
0x3b0: {  	[sflag:s5] =	ssyncset.done $0x0  }
0x3b1: {  	[sflag:s5] =	ssyncadd.s32 $0xFFFFC400  }
0x3b2: {  	[bflag:$0x0] =	sbarrier.arrive $0xFFFF  }
0x3b3: {  	[tilespmem:s7], [sflag:$0x1] =	stream.indirect.gather [hbm4b:s3+s12], $0x80, s31, s12, $0xb8;
	[tilespmem:$0x1F000] =	vst v63  }
0x3b4: {  	s1 =	rddreg [dreg:$0x6]  }
0x3b5: {  	[tilespmem:s8], [sflag:$0x3] =	stream.linear.gather [hbm4b:s1+s31], $0x800, $0x38;
	[tilespmem:$0x1F000] =	vst v63  }
0x3b6: {  	_ =	swait.ge [sflag:s5], $0x800  }
0x3b7: {  	[sflag:s5] =	ssyncset.done $0x0  }
0x3b8: {  	[sflag:s5] =	ssyncadd.s32 $0xFFFFF800  }
0x3b9: {  	[tilespmem:s14], [sflag:$0x2] =	stream.indirect.gather [hbm4b:s3+s12], $0x80, s12, s12, $0xb8;
	[tilespmem:$0x1F000] =	vst v63  }
0x3ba: {  	_ =	swait.ge [sflag:s13], $0x4000  }
0x3bb: {  	[sflag:s13] =	ssyncset.done $0x0  }
0x3bc: {  	[sflag:s13] =	ssyncadd.s32 $0xFFFFC000  }
0x3bd: {  	[spmem:s4] =	stream.indirect.scatter.add.f32 [tilespmem:s7], [sflag:$0x3], $0x80, s8, s12, $0xb8;
	[tilespmem:$0x1F000] =	vst v63  }
0x3be: {  	_ =	swait.ge [sflag:s5], $0x4000  }
0x3bf: {  	[sflag:s5] =	ssyncset.done $0x0  }
0x3c0: {  	s1 =	rddreg [dreg:$0x10];
	[sflag:s5] =	ssyncadd.s32 $0xFFFFC000  }
0x3c1: {  	[tilespmem:s7], [sflag:$0x1] =	stream.indirect.gather [hbm4b:s3+s12], $0x80, s1, s12, $0xb8;
	[tilespmem:$0x1F000] =	vst v63  }
0x3c2: {  	_ =	swait.ge [sflag:s15], $0x4000  }
0x3c3: {  	[sflag:s15] =	ssyncset.done $0x0  }
0x3c4: {  	s1 =	simm.s32 $0x2C80;
	[sflag:s15] =	ssyncadd.s32 $0xFFFFC000  }
0x3c5: {  	[spmem:s4] =	stream.indirect.scatter.add.f32 [tilespmem:s14], [sflag:$0x3], $0x80, s1, s12, $0xb8;
	[tilespmem:$0x1F000] =	vst v63  }
0x3c6: {  	_ =	swait.ge [sflag:s5], $0x4000  }
0x3c7: {  	[sflag:s5] =	ssyncset.done $0x0  }
0x3c8: {  	s6 =	rddreg [dreg:$0x11];
	[sflag:s5] =	ssyncadd.s32 $0xFFFFC000  }
0x3c9: {  	[tilespmem:s14], [sflag:$0x2] =	stream.indirect.gather [hbm4b:s3+s12], $0x80, s6, s12, $0xb8;
	[tilespmem:$0x1F000] =	vst v63  }
0x3ca: {  	_ =	swait.ge [sflag:s13], $0x4000  }
0x3cb: {  	[sflag:s13] =	ssyncset.done $0x0  }
0x3cc: {  	[sflag:s13] =	ssyncadd.s32 $0xFFFFC000  }
0x3cd: {  	[spmem:s4] =	stream.indirect.scatter.add.f32 [tilespmem:s7], [sflag:$0x3], $0x80, s30, s12, $0xb8;
	[tilespmem:$0x1F000] =	vst v63  }
0x3ce: {  	_ =	swait.ge [sflag:s5], $0x4000  }
0x3cf: {  	[sflag:s5] =	ssyncset.done $0x0  }
0x3d0: {  	s6 =	rddreg [dreg:$0x12];
	[sflag:s5] =	ssyncadd.s32 $0xFFFFC000  }
0x3d1: {  	[tilespmem:s7], [sflag:$0x1] =	stream.indirect.gather [hbm4b:s3+s12], $0x80, s6, s12, $0xb8;
	[tilespmem:$0x1F000] =	vst v63  }
0x3d2: {  	_ =	swait.ge [sflag:s15], $0x4000  }
0x3d3: {  	[sflag:s15] =	ssyncset.done $0x0  }
0x3d4: {  	[sflag:s15] =	ssyncadd.s32 $0xFFFFC000  }
0x3d5: {  	[spmem:s4] =	stream.indirect.scatter.add.f32 [tilespmem:s14], [sflag:$0x3], $0x80, s29, s12, $0xb8;
	[tilespmem:$0x1F000] =	vst v63  }
0x3d6: {  	_ =	swait.ge [sflag:s5], $0x4000  }
0x3d7: {  	[sflag:s5] =	ssyncset.done $0x0  }
0x3d8: {  	s6 =	rddreg [dreg:$0x13];
	[sflag:s5] =	ssyncadd.s32 $0xFFFFC000  }
0x3d9: {  	[tilespmem:s14], [sflag:$0x2] =	stream.indirect.gather [hbm4b:s3+s12], $0x80, s6, s12, $0xb8;
	[tilespmem:$0x1F000] =	vst v63  }
0x3da: {  	_ =	swait.ge [sflag:s13], $0x4000  }
0x3db: {  	[sflag:s13] =	ssyncset.done $0x0  }
0x3dc: {  	[sflag:s13] =	ssyncadd.s32 $0xFFFFC000  }
0x3dd: {  	[spmem:s4] =	stream.indirect.scatter.add.f32 [tilespmem:s7], [sflag:$0x3], $0x80, s28, s12, $0xb8;
	[tilespmem:$0x1F000] =	vst v63  }
0x3de: {  	_ =	swait.ge [sflag:s5], $0x4000  }
0x3df: {  	[sflag:s5] =	ssyncset.done $0x0  }
0x3e0: {  	s6 =	rddreg [dreg:$0x14];
	[sflag:s5] =	ssyncadd.s32 $0xFFFFC000  }
0x3e1: {  	[tilespmem:s7], [sflag:$0x1] =	stream.indirect.gather [hbm4b:s3+s12], $0x80, s6, s12, $0xb8;
	[tilespmem:$0x1F000] =	vst v63  }
0x3e2: {  	_ =	swait.ge [sflag:s15], $0x4000  }
0x3e3: {  	[sflag:s15] =	ssyncset.done $0x0  }
0x3e4: {  	[sflag:s15] =	ssyncadd.s32 $0xFFFFC000  }
0x3e5: {  	[spmem:s4] =	stream.indirect.scatter.add.f32 [tilespmem:s14], [sflag:$0x3], $0x80, s25, s12, $0xb8;
	[tilespmem:$0x1F000] =	vst v63  }
0x3e6: {  	_ =	swait.ge [sflag:s5], $0x4000  }
0x3e7: {  	[sflag:s5] =	ssyncset.done $0x0  }
0x3e8: {  	s6 =	rddreg [dreg:$0x15];
	[sflag:s5] =	ssyncadd.s32 $0xFFFFC000  }
0x3e9: {  	[tilespmem:s14], [sflag:$0x2] =	stream.indirect.gather [hbm4b:s3+s12], $0x80, s6, s12, $0xb8;
	[tilespmem:$0x1F000] =	vst v63  }
0x3ea: {  	_ =	swait.ge [sflag:s13], $0x4000  }
0x3eb: {  	[sflag:s13] =	ssyncset.done $0x0  }
0x3ec: {  	[sflag:s13] =	ssyncadd.s32 $0xFFFFC000  }
0x3ed: {  	[spmem:s4] =	stream.indirect.scatter.add.f32 [tilespmem:s7], [sflag:$0x3], $0x80, s24, s12, $0xb8;
	[tilespmem:$0x1F000] =	vst v63  }
0x3ee: {  	_ =	swait.ge [sflag:s5], $0x4000  }
0x3ef: {  	[sflag:s5] =	ssyncset.done $0x0  }
0x3f0: {  	s6 =	rddreg [dreg:$0x16];
	[sflag:s5] =	ssyncadd.s32 $0xFFFFC000  }
0x3f1: {  	[tilespmem:s7], [sflag:$0x1] =	stream.indirect.gather [hbm4b:s3+s12], $0x80, s6, s12, $0xb8;
	[tilespmem:$0x1F000] =	vst v63  }
0x3f2: {  	_ =	swait.ge [sflag:s15], $0x4000  }
0x3f3: {  	[sflag:s15] =	ssyncset.done $0x0  }
0x3f4: {  	[sflag:s15] =	ssyncadd.s32 $0xFFFFC000  }
0x3f5: {  	[spmem:s4] =	stream.indirect.scatter.add.f32 [tilespmem:s14], [sflag:$0x3], $0x80, s26, s12, $0xb8;
	[tilespmem:$0x1F000] =	vst v63  }
0x3f6: {  	_ =	swait.ge [sflag:s5], $0x4000  }
0x3f7: {  	[sflag:s5] =	ssyncset.done $0x0  }
0x3f8: {  	s6 =	rddreg [dreg:$0x17];
	[sflag:s5] =	ssyncadd.s32 $0xFFFFC000  }
0x3f9: {  	[tilespmem:s14], [sflag:$0x2] =	stream.indirect.gather [hbm4b:s3+s12], $0x80, s6, s12, $0xb8;
	[tilespmem:$0x1F000] =	vst v63  }
0x3fa: {  	_ =	swait.ge [sflag:s13], $0x4000  }
0x3fb: {  	[sflag:s13] =	ssyncset.done $0x0  }
0x3fc: {  	[sflag:s13] =	ssyncadd.s32 $0xFFFFC000  }
0x3fd: {  	[spmem:s4] =	stream.indirect.scatter.add.f32 [tilespmem:s7], [sflag:$0x3], $0x80, s17, s12, $0xb8;
	[tilespmem:$0x1F000] =	vst v63  }
0x3fe: {  	_ =	swait.ge [sflag:s5], $0x4000  }
0x3ff: {  	[sflag:s5] =	ssyncset.done $0x0  }
0x400: {  	s6 =	rddreg [dreg:$0x18];
	[sflag:s5] =	ssyncadd.s32 $0xFFFFC000  }
0x401: {  	[tilespmem:s7], [sflag:$0x1] =	stream.indirect.gather [hbm4b:s3+s12], $0x80, s6, s12, $0xb8;
	[tilespmem:$0x1F000] =	vst v63  }
0x402: {  	_ =	swait.ge [sflag:s15], $0x4000  }
0x403: {  	[sflag:s15] =	ssyncset.done $0x0  }
0x404: {  	[sflag:s15] =	ssyncadd.s32 $0xFFFFC000  }
0x405: {  	[spmem:s4] =	stream.indirect.scatter.add.f32 [tilespmem:s14], [sflag:$0x3], $0x80, s18, s12, $0xb8;
	[tilespmem:$0x1F000] =	vst v63  }
0x406: {  	_ =	swait.ge [sflag:s5], $0x4000  }
0x407: {  	[sflag:s5] =	ssyncset.done $0x0  }
0x408: {  	s6 =	rddreg [dreg:$0x19];
	[sflag:s5] =	ssyncadd.s32 $0xFFFFC000  }
0x409: {  	[tilespmem:s14], [sflag:$0x2] =	stream.indirect.gather [hbm4b:s3+s12], $0x80, s6, s12, $0xb8;
	[tilespmem:$0x1F000] =	vst v63  }
0x40a: {  	_ =	swait.ge [sflag:s13], $0x4000  }
0x40b: {  	[sflag:s13] =	ssyncset.done $0x0  }
0x40c: {  	s31 =	simm.s32 $0x3100;
	[sflag:s13] =	ssyncadd.s32 $0xFFFFC000  }
0x40d: {  	[spmem:s4] =	stream.indirect.scatter.add.f32 [tilespmem:s7], [sflag:$0x3], $0x80, s31, s12, $0xb8;
	[tilespmem:$0x1F000] =	vst v63  }
0x40e: {  	_ =	swait.ge [sflag:s5], $0x4000  }
0x40f: {  	[sflag:s5] =	ssyncset.done $0x0  }
0x410: {  	s6 =	rddreg [dreg:$0x1a];
	[sflag:s5] =	ssyncadd.s32 $0xFFFFC000  }
0x411: {  	[tilespmem:s7], [sflag:$0x1] =	stream.indirect.gather [hbm4b:s3+s12], $0x80, s6, s12, $0xb8;
	[tilespmem:$0x1F000] =	vst v63  }
0x412: {  	_ =	swait.ge [sflag:s15], $0x4000  }
0x413: {  	[sflag:s15] =	ssyncset.done $0x0  }
0x414: {  	[sflag:s15] =	ssyncadd.s32 $0xFFFFC000  }
0x415: {  	[spmem:s4] =	stream.indirect.scatter.add.f32 [tilespmem:s14], [sflag:$0x3], $0x80, s23, s12, $0xb8;
	[tilespmem:$0x1F000] =	vst v63  }
0x416: {  	_ =	swait.ge [sflag:s5], $0x4000  }
0x417: {  	[sflag:s5] =	ssyncset.done $0x0  }
0x418: {  	s6 =	rddreg [dreg:$0x1b];
	[sflag:s5] =	ssyncadd.s32 $0xFFFFC000  }
0x419: {  	[tilespmem:s14], [sflag:$0x2] =	stream.indirect.gather [hbm4b:s3+s12], $0x80, s6, s12, $0xb8;
	[tilespmem:$0x1F000] =	vst v63  }
0x41a: {  	_ =	swait.ge [sflag:s13], $0x4000  }
0x41b: {  	[sflag:s13] =	ssyncset.done $0x0  }
0x41c: {  	[sflag:s13] =	ssyncadd.s32 $0xFFFFC000  }
0x41d: {  	[spmem:s4] =	stream.indirect.scatter.add.f32 [tilespmem:s7], [sflag:$0x3], $0x80, s22, s12, $0xb8;
	[tilespmem:$0x1F000] =	vst v63  }
0x41e: {  	_ =	swait.ge [sflag:s5], $0x4000  }
0x41f: {  	[sflag:s5] =	ssyncset.done $0x0  }
0x420: {  	s6 =	rddreg [dreg:$0x1c];
	[sflag:s5] =	ssyncadd.s32 $0xFFFFC000  }
0x421: {  	[tilespmem:s7], [sflag:$0x1] =	stream.indirect.gather [hbm4b:s3+s12], $0x80, s6, s12, $0xb8;
	[tilespmem:$0x1F000] =	vst v63  }
0x422: {  	_ =	swait.ge [sflag:s15], $0x4000  }
0x423: {  	[sflag:s15] =	ssyncset.done $0x0  }
0x424: {  	[sflag:s15] =	ssyncadd.s32 $0xFFFFC000  }
0x425: {  	[spmem:s4] =	stream.indirect.scatter.add.f32 [tilespmem:s14], [sflag:$0x3], $0x80, s21, s12, $0xb8;
	[tilespmem:$0x1F000] =	vst v63  }
0x426: {  	_ =	swait.ge [sflag:s5], $0x4000  }
0x427: {  	[sflag:s5] =	ssyncset.done $0x0  }
0x428: {  	s6 =	rddreg [dreg:$0x1d];
	[sflag:s5] =	ssyncadd.s32 $0xFFFFC000  }
0x429: {  	[tilespmem:s14], [sflag:$0x2] =	stream.indirect.gather [hbm4b:s3+s12], $0x80, s6, s12, $0xb8;
	[tilespmem:$0x1F000] =	vst v63  }
0x42a: {  	_ =	swait.ge [sflag:s13], $0x4000  }
0x42b: {  	[sflag:s13] =	ssyncset.done $0x0  }
0x42c: {  	[sflag:s13] =	ssyncadd.s32 $0xFFFFC000  }
0x42d: {  	[spmem:s4] =	stream.indirect.scatter.add.f32 [tilespmem:s7], [sflag:$0x3], $0x80, s20, s12, $0xb8;
	[tilespmem:$0x1F000] =	vst v63  }
0x42e: {  	_ =	swait.ge [sflag:s5], $0x4000  }
0x42f: {  	[sflag:s5] =	ssyncset.done $0x0  }
0x430: {  	s6 =	rddreg [dreg:$0x1e];
	[sflag:s5] =	ssyncadd.s32 $0xFFFFC000  }
0x431: {  	[tilespmem:s7], [sflag:$0x1] =	stream.indirect.gather [hbm4b:s3+s12], $0x80, s6, s12, $0xb8;
	[tilespmem:$0x1F000] =	vst v63  }
0x432: {  	_ =	swait.ge [sflag:s15], $0x4000  }
0x433: {  	[sflag:s15] =	ssyncset.done $0x0  }
0x434: {  	[sflag:s15] =	ssyncadd.s32 $0xFFFFC000  }
0x435: {  	[spmem:s4] =	stream.indirect.scatter.add.f32 [tilespmem:s14], [sflag:$0x3], $0x80, s19, s12, $0xb8;
	[tilespmem:$0x1F000] =	vst v63  }
0x436: {  	_ =	swait.ge [sflag:s5], $0x4000  }
0x437: {  	[sflag:s5] =	ssyncset.done $0x0  }
0x438: {  	s6 =	rddreg [dreg:$0x7];
	[sflag:s5] =	ssyncadd.s32 $0xFFFFC000  }
0x439: {  	[tilespmem:s8], [sflag:$0x3] =	stream.linear.gather [hbm4b:s6+s2], $0x800, $0x38;
	[tilespmem:$0x1F000] =	vst v63  }
0x43a: {  	_ =	swait.ge [sflag:s5], $0x800  }
0x43b: {  	s6 =	rddreg [dreg:$0x1f];
	[sflag:s5] =	ssyncset.done $0x0  }
0x43c: {  	[sflag:s5] =	ssyncadd.s32 $0xFFFFF800  }
0x43d: {  	[tilespmem:s14], [sflag:$0x2] =	stream.indirect.gather [hbm4b:s3+s12], $0x80, s6, s12, $0xb8;
	[tilespmem:$0x1F000] =	vst v63  }
0x43e: {  	_ =	swait.ge [sflag:s13], $0x4000  }
0x43f: {  	[sflag:s13] =	ssyncset.done $0x0  }
0x440: {  	[sflag:s13] =	ssyncadd.s32 $0xFFFFC000  }
0x441: {  	[spmem:s4] =	stream.indirect.scatter.add.f32 [tilespmem:s7], [sflag:$0x3], $0x80, s8, s12, $0xb8;
	[tilespmem:$0x1F000] =	vst v63  }
0x442: {  	_ =	swait.ge [sflag:s5], $0x4000  }
0x443: {  	s6 =	sld [smem:$0x7BA]  }
0x444: {  	[sflag:s5] =	ssyncset.done $0x0  }
0x445: {  	[sflag:s5] =	ssyncadd.s32 $0xFFFFC000  }
0x446: {  	[tilespmem:s7], [sflag:$0x1] =	stream.indirect.gather [hbm4b:s3+s12], $0x80, s6, s12, $0xb8;
	[tilespmem:$0x1F000] =	vst v63  }
0x447: {  	_ =	swait.ge [sflag:s15], $0x4000  }
0x448: {  	[sflag:s15] =	ssyncset.done $0x0  }
0x449: {  	[sflag:s15] =	ssyncadd.s32 $0xFFFFC000  }
0x44a: {  	[spmem:s4] =	stream.indirect.scatter.add.f32 [tilespmem:s14], [sflag:$0x3], $0x80, s1, s12, $0xb8;
	[tilespmem:$0x1F000] =	vst v63  }
0x44b: {  	_ =	swait.ge [sflag:s5], $0x4000  }
0x44c: {  	s6 =	sld [smem:$0x7BB]  }
0x44d: {  	[sflag:s5] =	ssyncset.done $0x0  }
0x44e: {  	[sflag:s5] =	ssyncadd.s32 $0xFFFFC000  }
0x44f: {  	[tilespmem:s14], [sflag:$0x2] =	stream.indirect.gather [hbm4b:s3+s12], $0x80, s6, s12, $0xb8;
	[tilespmem:$0x1F000] =	vst v63  }
0x450: {  	_ =	swait.ge [sflag:s13], $0x4000  }
0x451: {  	[sflag:s13] =	ssyncset.done $0x0  }
0x452: {  	[sflag:s13] =	ssyncadd.s32 $0xFFFFC000  }
0x453: {  	[spmem:s4] =	stream.indirect.scatter.add.f32 [tilespmem:s7], [sflag:$0x3], $0x80, s30, s12, $0xb8;
	[tilespmem:$0x1F000] =	vst v63  }
0x454: {  	_ =	swait.ge [sflag:s5], $0x4000  }
0x455: {  	s6 =	sld [smem:$0x7BC]  }
0x456: {  	[sflag:s5] =	ssyncset.done $0x0  }
0x457: {  	[sflag:s5] =	ssyncadd.s32 $0xFFFFC000  }
0x458: {  	[tilespmem:s7], [sflag:$0x1] =	stream.indirect.gather [hbm4b:s3+s12], $0x80, s6, s12, $0xb8;
	[tilespmem:$0x1F000] =	vst v63  }
0x459: {  	_ =	swait.ge [sflag:s15], $0x4000  }
0x45a: {  	[sflag:s15] =	ssyncset.done $0x0  }
0x45b: {  	[sflag:s15] =	ssyncadd.s32 $0xFFFFC000  }
0x45c: {  	[spmem:s4] =	stream.indirect.scatter.add.f32 [tilespmem:s14], [sflag:$0x3], $0x80, s29, s12, $0xb8;
	[tilespmem:$0x1F000] =	vst v63  }
0x45d: {  	_ =	swait.ge [sflag:s5], $0x4000  }
0x45e: {  	s6 =	sld [smem:$0x7BD]  }
0x45f: {  	[sflag:s5] =	ssyncset.done $0x0  }
0x460: {  	[sflag:s5] =	ssyncadd.s32 $0xFFFFC000  }
0x461: {  	[tilespmem:s14], [sflag:$0x2] =	stream.indirect.gather [hbm4b:s3+s12], $0x80, s6, s12, $0xb8;
	[tilespmem:$0x1F000] =	vst v63  }
0x462: {  	_ =	swait.ge [sflag:s13], $0x4000  }
0x463: {  	[sflag:s13] =	ssyncset.done $0x0  }
0x464: {  	[sflag:s13] =	ssyncadd.s32 $0xFFFFC000  }
0x465: {  	[spmem:s4] =	stream.indirect.scatter.add.f32 [tilespmem:s7], [sflag:$0x3], $0x80, s28, s12, $0xb8;
	[tilespmem:$0x1F000] =	vst v63  }
0x466: {  	_ =	swait.ge [sflag:s5], $0x4000  }
0x467: {  	s6 =	sld [smem:$0x7BE]  }
0x468: {  	[sflag:s5] =	ssyncset.done $0x0  }
0x469: {  	[sflag:s5] =	ssyncadd.s32 $0xFFFFC000  }
0x46a: {  	[tilespmem:s7], [sflag:$0x1] =	stream.indirect.gather [hbm4b:s3+s12], $0x80, s6, s12, $0xb8;
	[tilespmem:$0x1F000] =	vst v63  }
0x46b: {  	_ =	swait.ge [sflag:s15], $0x4000  }
0x46c: {  	[sflag:s15] =	ssyncset.done $0x0  }
0x46d: {  	[sflag:s15] =	ssyncadd.s32 $0xFFFFC000  }
0x46e: {  	[spmem:s4] =	stream.indirect.scatter.add.f32 [tilespmem:s14], [sflag:$0x3], $0x80, s25, s12, $0xb8;
	[tilespmem:$0x1F000] =	vst v63  }
0x46f: {  	_ =	swait.ge [sflag:s5], $0x4000  }
0x470: {  	s6 =	sld [smem:$0x7BF]  }
0x471: {  	[sflag:s5] =	ssyncset.done $0x0  }
0x472: {  	[sflag:s5] =	ssyncadd.s32 $0xFFFFC000  }
0x473: {  	[tilespmem:s14], [sflag:$0x2] =	stream.indirect.gather [hbm4b:s3+s12], $0x80, s6, s12, $0xb8;
	[tilespmem:$0x1F000] =	vst v63  }
0x474: {  	_ =	swait.ge [sflag:s13], $0x4000  }
0x475: {  	[sflag:s13] =	ssyncset.done $0x0  }
0x476: {  	[sflag:s13] =	ssyncadd.s32 $0xFFFFC000  }
0x477: {  	[spmem:s4] =	stream.indirect.scatter.add.f32 [tilespmem:s7], [sflag:$0x3], $0x80, s24, s12, $0xb8;
	[tilespmem:$0x1F000] =	vst v63  }
0x478: {  	_ =	swait.ge [sflag:s5], $0x4000  }
0x479: {  	s6 =	sld [smem:$0x7C0]  }
0x47a: {  	[sflag:s5] =	ssyncset.done $0x0  }
0x47b: {  	[sflag:s5] =	ssyncadd.s32 $0xFFFFC000  }
0x47c: {  	[tilespmem:s7], [sflag:$0x1] =	stream.indirect.gather [hbm4b:s3+s12], $0x80, s6, s12, $0xb8;
	[tilespmem:$0x1F000] =	vst v63  }
0x47d: {  	_ =	swait.ge [sflag:s15], $0x4000  }
0x47e: {  	[sflag:s15] =	ssyncset.done $0x0  }
0x47f: {  	[sflag:s15] =	ssyncadd.s32 $0xFFFFC000  }
0x480: {  	[spmem:s4] =	stream.indirect.scatter.add.f32 [tilespmem:s14], [sflag:$0x3], $0x80, s26, s12, $0xb8;
	[tilespmem:$0x1F000] =	vst v63  }
0x481: {  	_ =	swait.ge [sflag:s5], $0x4000  }
0x482: {  	s6 =	sld [smem:$0x7C1]  }
0x483: {  	[sflag:s5] =	ssyncset.done $0x0  }
0x484: {  	[sflag:s5] =	ssyncadd.s32 $0xFFFFC000  }
0x485: {  	[tilespmem:s14], [sflag:$0x2] =	stream.indirect.gather [hbm4b:s3+s12], $0x80, s6, s12, $0xb8;
	[tilespmem:$0x1F000] =	vst v63  }
0x486: {  	_ =	swait.ge [sflag:s13], $0x4000  }
0x487: {  	[sflag:s13] =	ssyncset.done $0x0  }
0x488: {  	[sflag:s13] =	ssyncadd.s32 $0xFFFFC000  }
0x489: {  	[spmem:s4] =	stream.indirect.scatter.add.f32 [tilespmem:s7], [sflag:$0x3], $0x80, s17, s12, $0xb8;
	[tilespmem:$0x1F000] =	vst v63  }
0x48a: {  	_ =	swait.ge [sflag:s5], $0x4000  }
0x48b: {  	s6 =	sld [smem:$0x7C2]  }
0x48c: {  	[sflag:s5] =	ssyncset.done $0x0  }
0x48d: {  	[sflag:s5] =	ssyncadd.s32 $0xFFFFC000  }
0x48e: {  	[tilespmem:s7], [sflag:$0x1] =	stream.indirect.gather [hbm4b:s3+s12], $0x80, s6, s12, $0xb8;
	[tilespmem:$0x1F000] =	vst v63  }
0x48f: {  	_ =	swait.ge [sflag:s15], $0x4000  }
0x490: {  	[sflag:s15] =	ssyncset.done $0x0  }
0x491: {  	[sflag:s15] =	ssyncadd.s32 $0xFFFFC000  }
0x492: {  	[spmem:s4] =	stream.indirect.scatter.add.f32 [tilespmem:s14], [sflag:$0x3], $0x80, s18, s12, $0xb8;
	[tilespmem:$0x1F000] =	vst v63  }
0x493: {  	_ =	swait.ge [sflag:s5], $0x4000  }
0x494: {  	s6 =	sld [smem:$0x7C3]  }
0x495: {  	[sflag:s5] =	ssyncset.done $0x0  }
0x496: {  	[sflag:s5] =	ssyncadd.s32 $0xFFFFC000  }
0x497: {  	[tilespmem:s14], [sflag:$0x2] =	stream.indirect.gather [hbm4b:s3+s12], $0x80, s6, s12, $0xb8;
	[tilespmem:$0x1F000] =	vst v63  }
0x498: {  	_ =	swait.ge [sflag:s13], $0x4000  }
0x499: {  	[sflag:s13] =	ssyncset.done $0x0  }
0x49a: {  	[sflag:s13] =	ssyncadd.s32 $0xFFFFC000  }
0x49b: {  	[spmem:s4] =	stream.indirect.scatter.add.f32 [tilespmem:s7], [sflag:$0x3], $0x80, s31, s12, $0xb8;
	[tilespmem:$0x1F000] =	vst v63  }
0x49c: {  	_ =	swait.ge [sflag:s5], $0x4000  }
0x49d: {  	s6 =	sld [smem:$0x7C4]  }
0x49e: {  	[sflag:s5] =	ssyncset.done $0x0  }
0x49f: {  	[sflag:s5] =	ssyncadd.s32 $0xFFFFC000  }
0x4a0: {  	[tilespmem:s7], [sflag:$0x1] =	stream.indirect.gather [hbm4b:s3+s12], $0x80, s6, s12, $0xb8;
	[tilespmem:$0x1F000] =	vst v63  }
0x4a1: {  	_ =	swait.ge [sflag:s15], $0x4000  }
0x4a2: {  	[sflag:s15] =	ssyncset.done $0x0  }
0x4a3: {  	[sflag:s15] =	ssyncadd.s32 $0xFFFFC000  }
0x4a4: {  	[spmem:s4] =	stream.indirect.scatter.add.f32 [tilespmem:s14], [sflag:$0x3], $0x80, s23, s12, $0xb8;
	[tilespmem:$0x1F000] =	vst v63  }
0x4a5: {  	_ =	swait.ge [sflag:s5], $0x4000  }
0x4a6: {  	s6 =	sld [smem:$0x7C5]  }
0x4a7: {  	[sflag:s5] =	ssyncset.done $0x0  }
0x4a8: {  	[sflag:s5] =	ssyncadd.s32 $0xFFFFC000  }
0x4a9: {  	[tilespmem:s14], [sflag:$0x2] =	stream.indirect.gather [hbm4b:s3+s12], $0x80, s6, s12, $0xb8;
	[tilespmem:$0x1F000] =	vst v63  }
0x4aa: {  	_ =	swait.ge [sflag:s13], $0x4000  }
0x4ab: {  	[sflag:s13] =	ssyncset.done $0x0  }
0x4ac: {  	[sflag:s13] =	ssyncadd.s32 $0xFFFFC000  }
0x4ad: {  	[spmem:s4] =	stream.indirect.scatter.add.f32 [tilespmem:s7], [sflag:$0x3], $0x80, s22, s12, $0xb8;
	[tilespmem:$0x1F000] =	vst v63  }
0x4ae: {  	_ =	swait.ge [sflag:s5], $0x4000  }
0x4af: {  	s6 =	sld [smem:$0x7C6]  }
0x4b0: {  	[sflag:s5] =	ssyncset.done $0x0  }
0x4b1: {  	[sflag:s5] =	ssyncadd.s32 $0xFFFFC000  }
0x4b2: {  	[tilespmem:s7], [sflag:$0x1] =	stream.indirect.gather [hbm4b:s3+s12], $0x80, s6, s12, $0xb8;
	[tilespmem:$0x1F000] =	vst v63  }
0x4b3: {  	_ =	swait.ge [sflag:s15], $0x4000  }
0x4b4: {  	[sflag:s15] =	ssyncset.done $0x0  }
0x4b5: {  	[sflag:s15] =	ssyncadd.s32 $0xFFFFC000  }
0x4b6: {  	[spmem:s4] =	stream.indirect.scatter.add.f32 [tilespmem:s14], [sflag:$0x3], $0x80, s21, s12, $0xb8;
	[tilespmem:$0x1F000] =	vst v63  }
0x4b7: {  	_ =	swait.ge [sflag:s5], $0x4000  }
0x4b8: {  	s6 =	sld [smem:$0x7C7]  }
0x4b9: {  	[sflag:s5] =	ssyncset.done $0x0  }
0x4ba: {  	[sflag:s5] =	ssyncadd.s32 $0xFFFFC000  }
0x4bb: {  	[tilespmem:s14], [sflag:$0x2] =	stream.indirect.gather [hbm4b:s3+s12], $0x80, s6, s12, $0xb8;
	[tilespmem:$0x1F000] =	vst v63  }
0x4bc: {  	_ =	swait.ge [sflag:s13], $0x4000  }
0x4bd: {  	[sflag:s13] =	ssyncset.done $0x0  }
0x4be: {  	[sflag:s13] =	ssyncadd.s32 $0xFFFFC000  }
0x4bf: {  	[spmem:s4] =	stream.indirect.scatter.add.f32 [tilespmem:s7], [sflag:$0x3], $0x80, s20, s12, $0xb8;
	[tilespmem:$0x1F000] =	vst v63  }
0x4c0: {  	_ =	swait.ge [sflag:s5], $0x4000  }
0x4c1: {  	s6 =	sld [smem:$0x7C8]  }
0x4c2: {  	[sflag:s5] =	ssyncset.done $0x0  }
0x4c3: {  	[sflag:s5] =	ssyncadd.s32 $0xFFFFC000  }
0x4c4: {  	[tilespmem:s7], [sflag:$0x1] =	stream.indirect.gather [hbm4b:s3+s12], $0x80, s6, s12, $0xb8;
	[tilespmem:$0x1F000] =	vst v63  }
0x4c5: {  	_ =	swait.ge [sflag:s15], $0x4000  }
0x4c6: {  	[sflag:s15] =	ssyncset.done $0x0  }
0x4c7: {  	[sflag:s15] =	ssyncadd.s32 $0xFFFFC000  }
0x4c8: {  	[spmem:s4] =	stream.indirect.scatter.add.f32 [tilespmem:s14], [sflag:$0x3], $0x80, s19, s12, $0xb8;
	[tilespmem:$0x1F000] =	vst v63  }
0x4c9: {  	_ =	swait.ge [sflag:s5], $0x4000  }
0x4ca: {  	[sflag:s5] =	ssyncset.done $0x0  }
0x4cb: {  	s6 =	rddreg [dreg:$0x8];
	[sflag:s5] =	ssyncadd.s32 $0xFFFFC000  }
0x4cc: {  	[tilespmem:s8], [sflag:$0x3] =	stream.linear.gather [hbm4b:s6+s2], $0x800, $0x38;
	[tilespmem:$0x1F000] =	vst v63  }
0x4cd: {  	_ =	swait.ge [sflag:s5], $0x800  }
0x4ce: {  	s6 =	sld [smem:$0x7C9]  }
0x4cf: {  	[sflag:s5] =	ssyncset.done $0x0  }
0x4d0: {  	[sflag:s5] =	ssyncadd.s32 $0xFFFFF800  }
0x4d1: {  	[tilespmem:s14], [sflag:$0x2] =	stream.indirect.gather [hbm4b:s3+s12], $0x80, s6, s12, $0xb8;
	[tilespmem:$0x1F000] =	vst v63  }
0x4d2: {  	_ =	swait.ge [sflag:s13], $0x4000  }
0x4d3: {  	[sflag:s13] =	ssyncset.done $0x0  }
0x4d4: {  	[sflag:s13] =	ssyncadd.s32 $0xFFFFC000  }
0x4d5: {  	[spmem:s4] =	stream.indirect.scatter.add.f32 [tilespmem:s7], [sflag:$0x3], $0x80, s8, s12, $0xb8;
	[tilespmem:$0x1F000] =	vst v63  }
0x4d6: {  	_ =	swait.ge [sflag:s5], $0x4000  }
0x4d7: {  	s6 =	sld [smem:$0x7CA]  }
0x4d8: {  	[sflag:s5] =	ssyncset.done $0x0  }
0x4d9: {  	[sflag:s5] =	ssyncadd.s32 $0xFFFFC000  }
0x4da: {  	[tilespmem:s7], [sflag:$0x1] =	stream.indirect.gather [hbm4b:s3+s12], $0x80, s6, s12, $0xb8;
	[tilespmem:$0x1F000] =	vst v63  }
0x4db: {  	_ =	swait.ge [sflag:s15], $0x4000  }
0x4dc: {  	[sflag:s15] =	ssyncset.done $0x0  }
0x4dd: {  	[sflag:s15] =	ssyncadd.s32 $0xFFFFC000  }
0x4de: {  	[spmem:s4] =	stream.indirect.scatter.add.f32 [tilespmem:s14], [sflag:$0x3], $0x80, s1, s12, $0xb8;
	[tilespmem:$0x1F000] =	vst v63  }
0x4df: {  	_ =	swait.ge [sflag:s5], $0x4000  }
0x4e0: {  	s6 =	sld [smem:$0x7CB]  }
0x4e1: {  	[sflag:s5] =	ssyncset.done $0x0  }
0x4e2: {  	[sflag:s5] =	ssyncadd.s32 $0xFFFFC000  }
0x4e3: {  	[tilespmem:s14], [sflag:$0x2] =	stream.indirect.gather [hbm4b:s3+s12], $0x80, s6, s12, $0xb8;
	[tilespmem:$0x1F000] =	vst v63  }
0x4e4: {  	_ =	swait.ge [sflag:s13], $0x4000  }
0x4e5: {  	[sflag:s13] =	ssyncset.done $0x0  }
0x4e6: {  	[sflag:s13] =	ssyncadd.s32 $0xFFFFC000  }
0x4e7: {  	[spmem:s4] =	stream.indirect.scatter.add.f32 [tilespmem:s7], [sflag:$0x3], $0x80, s30, s12, $0xb8;
	[tilespmem:$0x1F000] =	vst v63  }
0x4e8: {  	_ =	swait.ge [sflag:s5], $0x4000  }
0x4e9: {  	s6 =	sld [smem:$0x7CC]  }
0x4ea: {  	[sflag:s5] =	ssyncset.done $0x0  }
0x4eb: {  	[sflag:s5] =	ssyncadd.s32 $0xFFFFC000  }
0x4ec: {  	[tilespmem:s7], [sflag:$0x1] =	stream.indirect.gather [hbm4b:s3+s12], $0x80, s6, s12, $0xb8;
	[tilespmem:$0x1F000] =	vst v63  }
0x4ed: {  	_ =	swait.ge [sflag:s15], $0x4000  }
0x4ee: {  	[sflag:s15] =	ssyncset.done $0x0  }
0x4ef: {  	[sflag:s15] =	ssyncadd.s32 $0xFFFFC000  }
0x4f0: {  	[spmem:s4] =	stream.indirect.scatter.add.f32 [tilespmem:s14], [sflag:$0x3], $0x80, s29, s12, $0xb8;
	[tilespmem:$0x1F000] =	vst v63  }
0x4f1: {  	_ =	swait.ge [sflag:s5], $0x4000  }
0x4f2: {  	s6 =	sld [smem:$0x7CD]  }
0x4f3: {  	[sflag:s5] =	ssyncset.done $0x0  }
0x4f4: {  	[sflag:s5] =	ssyncadd.s32 $0xFFFFC000  }
0x4f5: {  	[tilespmem:s14], [sflag:$0x2] =	stream.indirect.gather [hbm4b:s3+s12], $0x80, s6, s12, $0xb8;
	[tilespmem:$0x1F000] =	vst v63  }
0x4f6: {  	_ =	swait.ge [sflag:s13], $0x4000  }
0x4f7: {  	[sflag:s13] =	ssyncset.done $0x0  }
0x4f8: {  	[sflag:s13] =	ssyncadd.s32 $0xFFFFC000  }
0x4f9: {  	[spmem:s4] =	stream.indirect.scatter.add.f32 [tilespmem:s7], [sflag:$0x3], $0x80, s28, s12, $0xb8;
	[tilespmem:$0x1F000] =	vst v63  }
0x4fa: {  	_ =	swait.ge [sflag:s5], $0x4000  }
0x4fb: {  	s6 =	sld [smem:$0x7CE]  }
0x4fc: {  	[sflag:s5] =	ssyncset.done $0x0  }
0x4fd: {  	[sflag:s5] =	ssyncadd.s32 $0xFFFFC000  }
0x4fe: {  	[tilespmem:s7], [sflag:$0x1] =	stream.indirect.gather [hbm4b:s3+s12], $0x80, s6, s12, $0xb8;
	[tilespmem:$0x1F000] =	vst v63  }
0x4ff: {  	_ =	swait.ge [sflag:s15], $0x4000  }
0x500: {  	[sflag:s15] =	ssyncset.done $0x0  }
0x501: {  	[sflag:s15] =	ssyncadd.s32 $0xFFFFC000  }
0x502: {  	[spmem:s4] =	stream.indirect.scatter.add.f32 [tilespmem:s14], [sflag:$0x3], $0x80, s25, s12, $0xb8;
	[tilespmem:$0x1F000] =	vst v63  }
0x503: {  	_ =	swait.ge [sflag:s5], $0x4000  }
0x504: {  	s6 =	sld [smem:$0x7CF]  }
0x505: {  	[sflag:s5] =	ssyncset.done $0x0  }
0x506: {  	[sflag:s5] =	ssyncadd.s32 $0xFFFFC000  }
0x507: {  	[tilespmem:s14], [sflag:$0x2] =	stream.indirect.gather [hbm4b:s3+s12], $0x80, s6, s12, $0xb8;
	[tilespmem:$0x1F000] =	vst v63  }
0x508: {  	_ =	swait.ge [sflag:s13], $0x4000  }
0x509: {  	[sflag:s13] =	ssyncset.done $0x0  }
0x50a: {  	[sflag:s13] =	ssyncadd.s32 $0xFFFFC000  }
0x50b: {  	[spmem:s4] =	stream.indirect.scatter.add.f32 [tilespmem:s7], [sflag:$0x3], $0x80, s24, s12, $0xb8;
	[tilespmem:$0x1F000] =	vst v63  }
0x50c: {  	_ =	swait.ge [sflag:s5], $0x4000  }
0x50d: {  	s6 =	sld [smem:$0x7D0]  }
0x50e: {  	[sflag:s5] =	ssyncset.done $0x0  }
0x50f: {  	[sflag:s5] =	ssyncadd.s32 $0xFFFFC000  }
0x510: {  	[tilespmem:s7], [sflag:$0x1] =	stream.indirect.gather [hbm4b:s3+s12], $0x80, s6, s12, $0xb8;
	[tilespmem:$0x1F000] =	vst v63  }
0x511: {  	_ =	swait.ge [sflag:s15], $0x4000  }
0x512: {  	[sflag:s15] =	ssyncset.done $0x0  }
0x513: {  	[sflag:s15] =	ssyncadd.s32 $0xFFFFC000  }
0x514: {  	[spmem:s4] =	stream.indirect.scatter.add.f32 [tilespmem:s14], [sflag:$0x3], $0x80, s26, s12, $0xb8;
	[tilespmem:$0x1F000] =	vst v63  }
0x515: {  	_ =	swait.ge [sflag:s5], $0x4000  }
0x516: {  	s6 =	sld [smem:$0x7D1]  }
0x517: {  	[sflag:s5] =	ssyncset.done $0x0  }
0x518: {  	[sflag:s5] =	ssyncadd.s32 $0xFFFFC000  }
0x519: {  	[tilespmem:s14], [sflag:$0x2] =	stream.indirect.gather [hbm4b:s3+s12], $0x80, s6, s12, $0xb8;
	[tilespmem:$0x1F000] =	vst v63  }
0x51a: {  	_ =	swait.ge [sflag:s13], $0x4000  }
0x51b: {  	[sflag:s13] =	ssyncset.done $0x0  }
0x51c: {  	[sflag:s13] =	ssyncadd.s32 $0xFFFFC000  }
0x51d: {  	[spmem:s4] =	stream.indirect.scatter.add.f32 [tilespmem:s7], [sflag:$0x3], $0x80, s17, s12, $0xb8;
	[tilespmem:$0x1F000] =	vst v63  }
0x51e: {  	_ =	swait.ge [sflag:s5], $0x4000  }
0x51f: {  	s6 =	sld [smem:$0x7D2]  }
0x520: {  	[sflag:s5] =	ssyncset.done $0x0  }
0x521: {  	[sflag:s5] =	ssyncadd.s32 $0xFFFFC000  }
0x522: {  	[tilespmem:s7], [sflag:$0x1] =	stream.indirect.gather [hbm4b:s3+s12], $0x80, s6, s12, $0xb8;
	[tilespmem:$0x1F000] =	vst v63  }
0x523: {  	_ =	swait.ge [sflag:s15], $0x4000  }
0x524: {  	[sflag:s15] =	ssyncset.done $0x0  }
0x525: {  	[sflag:s15] =	ssyncadd.s32 $0xFFFFC000  }
0x526: {  	[spmem:s4] =	stream.indirect.scatter.add.f32 [tilespmem:s14], [sflag:$0x3], $0x80, s18, s12, $0xb8;
	[tilespmem:$0x1F000] =	vst v63  }
0x527: {  	_ =	swait.ge [sflag:s5], $0x4000  }
0x528: {  	s6 =	sld [smem:$0x7D3]  }
0x529: {  	[sflag:s5] =	ssyncset.done $0x0  }
0x52a: {  	[sflag:s5] =	ssyncadd.s32 $0xFFFFC000  }
0x52b: {  	[tilespmem:s14], [sflag:$0x2] =	stream.indirect.gather [hbm4b:s3+s12], $0x80, s6, s12, $0xb8;
	[tilespmem:$0x1F000] =	vst v63  }
0x52c: {  	_ =	swait.ge [sflag:s13], $0x4000  }
0x52d: {  	[sflag:s13] =	ssyncset.done $0x0  }
0x52e: {  	[sflag:s13] =	ssyncadd.s32 $0xFFFFC000  }
0x52f: {  	[spmem:s4] =	stream.indirect.scatter.add.f32 [tilespmem:s7], [sflag:$0x3], $0x80, s31, s12, $0xb8;
	[tilespmem:$0x1F000] =	vst v63  }
0x530: {  	_ =	swait.ge [sflag:s5], $0x4000  }
0x531: {  	s6 =	sld [smem:$0x7D4]  }
0x532: {  	[sflag:s5] =	ssyncset.done $0x0  }
0x533: {  	[sflag:s5] =	ssyncadd.s32 $0xFFFFC000  }
0x534: {  	[tilespmem:s7], [sflag:$0x1] =	stream.indirect.gather [hbm4b:s3+s12], $0x80, s6, s12, $0xb8;
	[tilespmem:$0x1F000] =	vst v63  }
0x535: {  	_ =	swait.ge [sflag:s15], $0x4000  }
0x536: {  	[sflag:s15] =	ssyncset.done $0x0  }
0x537: {  	[sflag:s15] =	ssyncadd.s32 $0xFFFFC000  }
0x538: {  	[spmem:s4] =	stream.indirect.scatter.add.f32 [tilespmem:s14], [sflag:$0x3], $0x80, s23, s12, $0xb8;
	[tilespmem:$0x1F000] =	vst v63  }
0x539: {  	_ =	swait.ge [sflag:s5], $0x4000  }
0x53a: {  	s6 =	sld [smem:$0x7D5]  }
0x53b: {  	[sflag:s5] =	ssyncset.done $0x0  }
0x53c: {  	[sflag:s5] =	ssyncadd.s32 $0xFFFFC000  }
0x53d: {  	[tilespmem:s14], [sflag:$0x2] =	stream.indirect.gather [hbm4b:s3+s12], $0x80, s6, s12, $0xb8;
	[tilespmem:$0x1F000] =	vst v63  }
0x53e: {  	_ =	swait.ge [sflag:s13], $0x4000  }
0x53f: {  	[sflag:s13] =	ssyncset.done $0x0  }
0x540: {  	[sflag:s13] =	ssyncadd.s32 $0xFFFFC000  }
0x541: {  	[spmem:s4] =	stream.indirect.scatter.add.f32 [tilespmem:s7], [sflag:$0x3], $0x80, s22, s12, $0xb8;
	[tilespmem:$0x1F000] =	vst v63  }
0x542: {  	_ =	swait.ge [sflag:s5], $0x4000  }
0x543: {  	s6 =	sld [smem:$0x7D6]  }
0x544: {  	[sflag:s5] =	ssyncset.done $0x0  }
0x545: {  	[sflag:s5] =	ssyncadd.s32 $0xFFFFC000  }
0x546: {  	[tilespmem:s7], [sflag:$0x1] =	stream.indirect.gather [hbm4b:s3+s12], $0x80, s6, s12, $0xb8;
	[tilespmem:$0x1F000] =	vst v63  }
0x547: {  	_ =	swait.ge [sflag:s15], $0x4000  }
0x548: {  	[sflag:s15] =	ssyncset.done $0x0  }
0x549: {  	[sflag:s15] =	ssyncadd.s32 $0xFFFFC000  }
0x54a: {  	[spmem:s4] =	stream.indirect.scatter.add.f32 [tilespmem:s14], [sflag:$0x3], $0x80, s21, s12, $0xb8;
	[tilespmem:$0x1F000] =	vst v63  }
0x54b: {  	_ =	swait.ge [sflag:s5], $0x4000  }
0x54c: {  	s6 =	sld [smem:$0x7D7]  }
0x54d: {  	[sflag:s5] =	ssyncset.done $0x0  }
0x54e: {  	[sflag:s5] =	ssyncadd.s32 $0xFFFFC000  }
0x54f: {  	[tilespmem:s14], [sflag:$0x2] =	stream.indirect.gather [hbm4b:s3+s12], $0x80, s6, s12, $0xb8;
	[tilespmem:$0x1F000] =	vst v63  }
0x550: {  	_ =	swait.ge [sflag:s13], $0x4000  }
0x551: {  	[sflag:s13] =	ssyncset.done $0x0  }
0x552: {  	[sflag:s13] =	ssyncadd.s32 $0xFFFFC000  }
0x553: {  	[spmem:s4] =	stream.indirect.scatter.add.f32 [tilespmem:s7], [sflag:$0x3], $0x80, s20, s12, $0xb8;
	[tilespmem:$0x1F000] =	vst v63  }
0x554: {  	_ =	swait.ge [sflag:s5], $0x4000  }
0x555: {  	s6 =	sld [smem:$0x7D8]  }
0x556: {  	[sflag:s5] =	ssyncset.done $0x0  }
0x557: {  	[sflag:s5] =	ssyncadd.s32 $0xFFFFC000  }
0x558: {  	[tilespmem:s7], [sflag:$0x1] =	stream.indirect.gather [hbm4b:s3+s12], $0x80, s6, s12, $0xb8;
	[tilespmem:$0x1F000] =	vst v63  }
0x559: {  	_ =	swait.ge [sflag:s15], $0x4000  }
0x55a: {  	[sflag:s15] =	ssyncset.done $0x0  }
0x55b: {  	[sflag:s15] =	ssyncadd.s32 $0xFFFFC000  }
0x55c: {  	[spmem:s4] =	stream.indirect.scatter.add.f32 [tilespmem:s14], [sflag:$0x3], $0x80, s19, s12, $0xb8;
	[tilespmem:$0x1F000] =	vst v63  }
0x55d: {  	_ =	swait.ge [sflag:s5], $0x4000  }
0x55e: {  	[sflag:s5] =	ssyncset.done $0x0  }
0x55f: {  	s6 =	rddreg [dreg:$0x9];
	[sflag:s5] =	ssyncadd.s32 $0xFFFFC000  }
0x560: {  	[tilespmem:s8], [sflag:$0x3] =	stream.linear.gather [hbm4b:s6+s2], $0x800, $0x38;
	[tilespmem:$0x1F000] =	vst v63  }
0x561: {  	_ =	swait.ge [sflag:s5], $0x800  }
0x562: {  	s6 =	sld [smem:$0x7D9]  }
0x563: {  	[sflag:s5] =	ssyncset.done $0x0  }
0x564: {  	[sflag:s5] =	ssyncadd.s32 $0xFFFFF800  }
0x565: {  	[tilespmem:s14], [sflag:$0x2] =	stream.indirect.gather [hbm4b:s3+s12], $0x80, s6, s12, $0xb8;
	[tilespmem:$0x1F000] =	vst v63  }
0x566: {  	_ =	swait.ge [sflag:s13], $0x4000  }
0x567: {  	[sflag:s13] =	ssyncset.done $0x0  }
0x568: {  	[sflag:s13] =	ssyncadd.s32 $0xFFFFC000  }
0x569: {  	[spmem:s4] =	stream.indirect.scatter.add.f32 [tilespmem:s7], [sflag:$0x3], $0x80, s8, s12, $0xb8;
	[tilespmem:$0x1F000] =	vst v63  }
0x56a: {  	_ =	swait.ge [sflag:s5], $0x4000  }
0x56b: {  	s6 =	sld [smem:$0x7DA]  }
0x56c: {  	[sflag:s5] =	ssyncset.done $0x0  }
0x56d: {  	[sflag:s5] =	ssyncadd.s32 $0xFFFFC000  }
0x56e: {  	[tilespmem:s7], [sflag:$0x1] =	stream.indirect.gather [hbm4b:s3+s12], $0x80, s6, s12, $0xb8;
	[tilespmem:$0x1F000] =	vst v63  }
0x56f: {  	_ =	swait.ge [sflag:s15], $0x4000  }
0x570: {  	[sflag:s15] =	ssyncset.done $0x0  }
0x571: {  	[sflag:s15] =	ssyncadd.s32 $0xFFFFC000  }
0x572: {  	[spmem:s4] =	stream.indirect.scatter.add.f32 [tilespmem:s14], [sflag:$0x3], $0x80, s1, s12, $0xb8;
	[tilespmem:$0x1F000] =	vst v63  }
0x573: {  	_ =	swait.ge [sflag:s5], $0x4000  }
0x574: {  	s6 =	sld [smem:$0x7DB]  }
0x575: {  	[sflag:s5] =	ssyncset.done $0x0  }
0x576: {  	[sflag:s5] =	ssyncadd.s32 $0xFFFFC000  }
0x577: {  	[tilespmem:s14], [sflag:$0x2] =	stream.indirect.gather [hbm4b:s3+s12], $0x80, s6, s12, $0xb8;
	[tilespmem:$0x1F000] =	vst v63  }
0x578: {  	_ =	swait.ge [sflag:s13], $0x4000  }
0x579: {  	[sflag:s13] =	ssyncset.done $0x0  }
0x57a: {  	[sflag:s13] =	ssyncadd.s32 $0xFFFFC000  }
0x57b: {  	[spmem:s4] =	stream.indirect.scatter.add.f32 [tilespmem:s7], [sflag:$0x3], $0x80, s30, s12, $0xb8;
	[tilespmem:$0x1F000] =	vst v63  }
0x57c: {  	_ =	swait.ge [sflag:s5], $0x4000  }
0x57d: {  	s6 =	sld [smem:$0x7DC]  }
0x57e: {  	[sflag:s5] =	ssyncset.done $0x0  }
0x57f: {  	[sflag:s5] =	ssyncadd.s32 $0xFFFFC000  }
0x580: {  	[tilespmem:s7], [sflag:$0x1] =	stream.indirect.gather [hbm4b:s3+s12], $0x80, s6, s12, $0xb8;
	[tilespmem:$0x1F000] =	vst v63  }
0x581: {  	_ =	swait.ge [sflag:s15], $0x4000  }
0x582: {  	[sflag:s15] =	ssyncset.done $0x0  }
0x583: {  	[sflag:s15] =	ssyncadd.s32 $0xFFFFC000  }
0x584: {  	[spmem:s4] =	stream.indirect.scatter.add.f32 [tilespmem:s14], [sflag:$0x3], $0x80, s29, s12, $0xb8;
	[tilespmem:$0x1F000] =	vst v63  }
0x585: {  	_ =	swait.ge [sflag:s5], $0x4000  }
0x586: {  	s6 =	sld [smem:$0x7DD]  }
0x587: {  	[sflag:s5] =	ssyncset.done $0x0  }
0x588: {  	[sflag:s5] =	ssyncadd.s32 $0xFFFFC000  }
0x589: {  	[tilespmem:s14], [sflag:$0x2] =	stream.indirect.gather [hbm4b:s3+s12], $0x80, s6, s12, $0xb8;
	[tilespmem:$0x1F000] =	vst v63  }
0x58a: {  	_ =	swait.ge [sflag:s13], $0x4000  }
0x58b: {  	[sflag:s13] =	ssyncset.done $0x0  }
0x58c: {  	[sflag:s13] =	ssyncadd.s32 $0xFFFFC000  }
0x58d: {  	[spmem:s4] =	stream.indirect.scatter.add.f32 [tilespmem:s7], [sflag:$0x3], $0x80, s28, s12, $0xb8;
	[tilespmem:$0x1F000] =	vst v63  }
0x58e: {  	_ =	swait.ge [sflag:s5], $0x4000  }
0x58f: {  	s6 =	sld [smem:$0x7DE]  }
0x590: {  	[sflag:s5] =	ssyncset.done $0x0  }
0x591: {  	[sflag:s5] =	ssyncadd.s32 $0xFFFFC000  }
0x592: {  	[tilespmem:s7], [sflag:$0x1] =	stream.indirect.gather [hbm4b:s3+s12], $0x80, s6, s12, $0xb8;
	[tilespmem:$0x1F000] =	vst v63  }
0x593: {  	_ =	swait.ge [sflag:s15], $0x4000  }
0x594: {  	[sflag:s15] =	ssyncset.done $0x0  }
0x595: {  	[sflag:s15] =	ssyncadd.s32 $0xFFFFC000  }
0x596: {  	[spmem:s4] =	stream.indirect.scatter.add.f32 [tilespmem:s14], [sflag:$0x3], $0x80, s25, s12, $0xb8;
	[tilespmem:$0x1F000] =	vst v63  }
0x597: {  	_ =	swait.ge [sflag:s5], $0x4000  }
0x598: {  	s6 =	sld [smem:$0x7DF]  }
0x599: {  	[sflag:s5] =	ssyncset.done $0x0  }
0x59a: {  	[sflag:s5] =	ssyncadd.s32 $0xFFFFC000  }
0x59b: {  	[tilespmem:s14], [sflag:$0x2] =	stream.indirect.gather [hbm4b:s3+s12], $0x80, s6, s12, $0xb8;
	[tilespmem:$0x1F000] =	vst v63  }
0x59c: {  	_ =	swait.ge [sflag:s13], $0x4000  }
0x59d: {  	[sflag:s13] =	ssyncset.done $0x0  }
0x59e: {  	[sflag:s13] =	ssyncadd.s32 $0xFFFFC000  }
0x59f: {  	[spmem:s4] =	stream.indirect.scatter.add.f32 [tilespmem:s7], [sflag:$0x3], $0x80, s24, s12, $0xb8;
	[tilespmem:$0x1F000] =	vst v63  }
0x5a0: {  	_ =	swait.ge [sflag:s5], $0x4000  }
0x5a1: {  	s6 =	sld [smem:$0x7E0]  }
0x5a2: {  	[sflag:s5] =	ssyncset.done $0x0  }
0x5a3: {  	[sflag:s5] =	ssyncadd.s32 $0xFFFFC000  }
0x5a4: {  	[tilespmem:s7], [sflag:$0x1] =	stream.indirect.gather [hbm4b:s3+s12], $0x80, s6, s12, $0xb8;
	[tilespmem:$0x1F000] =	vst v63  }
0x5a5: {  	_ =	swait.ge [sflag:s15], $0x4000  }
0x5a6: {  	[sflag:s15] =	ssyncset.done $0x0  }
0x5a7: {  	[sflag:s15] =	ssyncadd.s32 $0xFFFFC000  }
0x5a8: {  	[spmem:s4] =	stream.indirect.scatter.add.f32 [tilespmem:s14], [sflag:$0x3], $0x80, s26, s12, $0xb8;
	[tilespmem:$0x1F000] =	vst v63  }
0x5a9: {  	_ =	swait.ge [sflag:s5], $0x4000  }
0x5aa: {  	s6 =	sld [smem:$0x7E1]  }
0x5ab: {  	[sflag:s5] =	ssyncset.done $0x0  }
0x5ac: {  	[sflag:s5] =	ssyncadd.s32 $0xFFFFC000  }
0x5ad: {  	[tilespmem:s14], [sflag:$0x2] =	stream.indirect.gather [hbm4b:s3+s12], $0x80, s6, s12, $0xb8;
	[tilespmem:$0x1F000] =	vst v63  }
0x5ae: {  	_ =	swait.ge [sflag:s13], $0x4000  }
0x5af: {  	[sflag:s13] =	ssyncset.done $0x0  }
0x5b0: {  	[sflag:s13] =	ssyncadd.s32 $0xFFFFC000  }
0x5b1: {  	[spmem:s4] =	stream.indirect.scatter.add.f32 [tilespmem:s7], [sflag:$0x3], $0x80, s17, s12, $0xb8;
	[tilespmem:$0x1F000] =	vst v63  }
0x5b2: {  	_ =	swait.ge [sflag:s5], $0x4000  }
0x5b3: {  	s6 =	sld [smem:$0x7E2]  }
0x5b4: {  	[sflag:s5] =	ssyncset.done $0x0  }
0x5b5: {  	[sflag:s5] =	ssyncadd.s32 $0xFFFFC000  }
0x5b6: {  	[tilespmem:s7], [sflag:$0x1] =	stream.indirect.gather [hbm4b:s3+s12], $0x80, s6, s12, $0xb8;
	[tilespmem:$0x1F000] =	vst v63  }
0x5b7: {  	_ =	swait.ge [sflag:s15], $0x4000  }
0x5b8: {  	[sflag:s15] =	ssyncset.done $0x0  }
0x5b9: {  	[sflag:s15] =	ssyncadd.s32 $0xFFFFC000  }
0x5ba: {  	[spmem:s4] =	stream.indirect.scatter.add.f32 [tilespmem:s14], [sflag:$0x3], $0x80, s18, s12, $0xb8;
	[tilespmem:$0x1F000] =	vst v63  }
0x5bb: {  	_ =	swait.ge [sflag:s5], $0x4000  }
0x5bc: {  	s6 =	sld [smem:$0x7E3]  }
0x5bd: {  	[sflag:s5] =	ssyncset.done $0x0  }
0x5be: {  	[sflag:s5] =	ssyncadd.s32 $0xFFFFC000  }
0x5bf: {  	[tilespmem:s14], [sflag:$0x2] =	stream.indirect.gather [hbm4b:s3+s12], $0x80, s6, s12, $0xb8;
	[tilespmem:$0x1F000] =	vst v63  }
0x5c0: {  	_ =	swait.ge [sflag:s13], $0x4000  }
0x5c1: {  	[sflag:s13] =	ssyncset.done $0x0  }
0x5c2: {  	[sflag:s13] =	ssyncadd.s32 $0xFFFFC000  }
0x5c3: {  	[spmem:s4] =	stream.indirect.scatter.add.f32 [tilespmem:s7], [sflag:$0x3], $0x80, s31, s12, $0xb8;
	[tilespmem:$0x1F000] =	vst v63  }
0x5c4: {  	_ =	swait.ge [sflag:s5], $0x4000  }
0x5c5: {  	s6 =	sld [smem:$0x7E4]  }
0x5c6: {  	[sflag:s5] =	ssyncset.done $0x0  }
0x5c7: {  	[sflag:s5] =	ssyncadd.s32 $0xFFFFC000  }
0x5c8: {  	[tilespmem:s7], [sflag:$0x1] =	stream.indirect.gather [hbm4b:s3+s12], $0x80, s6, s12, $0xb8;
	[tilespmem:$0x1F000] =	vst v63  }
0x5c9: {  	_ =	swait.ge [sflag:s15], $0x4000  }
0x5ca: {  	[sflag:s15] =	ssyncset.done $0x0  }
0x5cb: {  	[sflag:s15] =	ssyncadd.s32 $0xFFFFC000  }
0x5cc: {  	[spmem:s4] =	stream.indirect.scatter.add.f32 [tilespmem:s14], [sflag:$0x3], $0x80, s23, s12, $0xb8;
	[tilespmem:$0x1F000] =	vst v63  }
0x5cd: {  	_ =	swait.ge [sflag:s5], $0x4000  }
0x5ce: {  	s6 =	sld [smem:$0x7E5]  }
0x5cf: {  	[sflag:s5] =	ssyncset.done $0x0  }
0x5d0: {  	[sflag:s5] =	ssyncadd.s32 $0xFFFFC000  }
0x5d1: {  	[tilespmem:s14], [sflag:$0x2] =	stream.indirect.gather [hbm4b:s3+s12], $0x80, s6, s12, $0xb8;
	[tilespmem:$0x1F000] =	vst v63  }
0x5d2: {  	_ =	swait.ge [sflag:s13], $0x4000  }
0x5d3: {  	[sflag:s13] =	ssyncset.done $0x0  }
0x5d4: {  	[sflag:s13] =	ssyncadd.s32 $0xFFFFC000  }
0x5d5: {  	[spmem:s4] =	stream.indirect.scatter.add.f32 [tilespmem:s7], [sflag:$0x3], $0x80, s22, s12, $0xb8;
	[tilespmem:$0x1F000] =	vst v63  }
0x5d6: {  	_ =	swait.ge [sflag:s5], $0x4000  }
0x5d7: {  	s6 =	sld [smem:$0x7E7]  }
0x5d8: {  	[sflag:s5] =	ssyncset.done $0x0  }
0x5d9: {  	[sflag:s5] =	ssyncadd.s32 $0xFFFFC000  }
0x5da: {  	[tilespmem:s7], [sflag:$0x1] =	stream.indirect.gather [hbm4b:s3+s12], $0x80, s6, s12, $0xb8;
	[tilespmem:$0x1F000] =	vst v63  }
0x5db: {  	_ =	swait.ge [sflag:s15], $0x4000  }
0x5dc: {  	[sflag:s15] =	ssyncset.done $0x0  }
0x5dd: {  	[sflag:s15] =	ssyncadd.s32 $0xFFFFC000  }
0x5de: {  	[spmem:s4] =	stream.indirect.scatter.add.f32 [tilespmem:s14], [sflag:$0x3], $0x80, s21, s12, $0xb8;
	[tilespmem:$0x1F000] =	vst v63  }
0x5df: {  	_ =	swait.ge [sflag:s5], $0x4000  }
0x5e0: {  	s6 =	sld [smem:$0x7E9]  }
0x5e1: {  	[sflag:s5] =	ssyncset.done $0x0  }
0x5e2: {  	[sflag:s5] =	ssyncadd.s32 $0xFFFFC000  }
0x5e3: {  	[tilespmem:s14], [sflag:$0x2] =	stream.indirect.gather [hbm4b:s3+s12], $0x80, s6, s12, $0xb8;
	[tilespmem:$0x1F000] =	vst v63  }
0x5e4: {  	_ =	swait.ge [sflag:s13], $0x4000  }
0x5e5: {  	[sflag:s13] =	ssyncset.done $0x0  }
0x5e6: {  	[sflag:s13] =	ssyncadd.s32 $0xFFFFC000  }
0x5e7: {  	[spmem:s4] =	stream.indirect.scatter.add.f32 [tilespmem:s7], [sflag:$0x3], $0x80, s20, s12, $0xb8;
	[tilespmem:$0x1F000] =	vst v63  }
0x5e8: {  	_ =	swait.ge [sflag:s5], $0x4000  }
0x5e9: {  	s6 =	sld [smem:$0x7EB]  }
0x5ea: {  	[sflag:s5] =	ssyncset.done $0x0  }
0x5eb: {  	[sflag:s5] =	ssyncadd.s32 $0xFFFFC000  }
0x5ec: {  	[tilespmem:s7], [sflag:$0x1] =	stream.indirect.gather [hbm4b:s3+s12], $0x80, s6, s12, $0xb8;
	[tilespmem:$0x1F000] =	vst v63  }
0x5ed: {  	_ =	swait.ge [sflag:s15], $0x4000  }
0x5ee: {  	[sflag:s15] =	ssyncset.done $0x0  }
0x5ef: {  	[sflag:s15] =	ssyncadd.s32 $0xFFFFC000  }
0x5f0: {  	[spmem:s4] =	stream.indirect.scatter.add.f32 [tilespmem:s14], [sflag:$0x3], $0x80, s19, s12, $0xb8;
	[tilespmem:$0x1F000] =	vst v63  }
0x5f1: {  	_ =	swait.ge [sflag:s5], $0x4000  }
0x5f2: {  	[sflag:s5] =	ssyncset.done $0x0  }
0x5f3: {  	s6 =	rddreg [dreg:$0xa];
	[sflag:s5] =	ssyncadd.s32 $0xFFFFC000  }
0x5f4: {  	[tilespmem:s8], [sflag:$0x3] =	stream.linear.gather [hbm4b:s6+s2], $0x800, $0x38;
	[tilespmem:$0x1F000] =	vst v63  }
0x5f5: {  	_ =	swait.ge [sflag:s5], $0x800  }
0x5f6: {  	s6 =	sld [smem:$0x7ED]  }
0x5f7: {  	[sflag:s5] =	ssyncset.done $0x0  }
0x5f8: {  	[sflag:s5] =	ssyncadd.s32 $0xFFFFF800  }
0x5f9: {  	[tilespmem:s14], [sflag:$0x2] =	stream.indirect.gather [hbm4b:s3+s12], $0x80, s6, s12, $0xb8;
	[tilespmem:$0x1F000] =	vst v63  }
0x5fa: {  	_ =	swait.ge [sflag:s13], $0x4000  }
0x5fb: {  	[sflag:s13] =	ssyncset.done $0x0  }
0x5fc: {  	[sflag:s13] =	ssyncadd.s32 $0xFFFFC000  }
0x5fd: {  	[spmem:s4] =	stream.indirect.scatter.add.f32 [tilespmem:s7], [sflag:$0x3], $0x80, s8, s12, $0xb8;
	[tilespmem:$0x1F000] =	vst v63  }
0x5fe: {  	_ =	swait.ge [sflag:s5], $0x4000  }
0x5ff: {  	s6 =	sld [smem:$0x7EF]  }
0x600: {  	[sflag:s5] =	ssyncset.done $0x0  }
0x601: {  	[sflag:s5] =	ssyncadd.s32 $0xFFFFC000  }
0x602: {  	[tilespmem:s7], [sflag:$0x1] =	stream.indirect.gather [hbm4b:s3+s12], $0x80, s6, s12, $0xb8;
	[tilespmem:$0x1F000] =	vst v63  }
0x603: {  	_ =	swait.ge [sflag:s15], $0x4000  }
0x604: {  	[sflag:s15] =	ssyncset.done $0x0  }
0x605: {  	[sflag:s15] =	ssyncadd.s32 $0xFFFFC000  }
0x606: {  	[spmem:s4] =	stream.indirect.scatter.add.f32 [tilespmem:s14], [sflag:$0x3], $0x80, s1, s12, $0xb8;
	[tilespmem:$0x1F000] =	vst v63  }
0x607: {  	_ =	swait.ge [sflag:s5], $0x4000  }
0x608: {  	s1 =	sld [smem:$0x7F0]  }
0x609: {  	[sflag:s5] =	ssyncset.done $0x0  }
0x60a: {  	[sflag:s5] =	ssyncadd.s32 $0xFFFFC000  }
0x60b: {  	[tilespmem:s14], [sflag:$0x2] =	stream.indirect.gather [hbm4b:s3+s12], $0x80, s1, s12, $0xb8;
	[tilespmem:$0x1F000] =	vst v63  }
0x60c: {  	_ =	swait.ge [sflag:s13], $0x4000  }
0x60d: {  	[sflag:s13] =	ssyncset.done $0x0  }
0x60e: {  	[sflag:s13] =	ssyncadd.s32 $0xFFFFC000  }
0x60f: {  	[spmem:s4] =	stream.indirect.scatter.add.f32 [tilespmem:s7], [sflag:$0x3], $0x80, s30, s12, $0xb8;
	[tilespmem:$0x1F000] =	vst v63  }
0x610: {  	_ =	swait.ge [sflag:s5], $0x4000  }
0x611: {  	s1 =	sld [smem:$0x7F1]  }
0x612: {  	[sflag:s5] =	ssyncset.done $0x0  }
0x613: {  	[sflag:s5] =	ssyncadd.s32 $0xFFFFC000  }
0x614: {  	[tilespmem:s7], [sflag:$0x1] =	stream.indirect.gather [hbm4b:s3+s12], $0x80, s1, s12, $0xb8;
	[tilespmem:$0x1F000] =	vst v63  }
0x615: {  	_ =	swait.ge [sflag:s15], $0x4000  }
0x616: {  	[sflag:s15] =	ssyncset.done $0x0  }
0x617: {  	[sflag:s15] =	ssyncadd.s32 $0xFFFFC000  }
0x618: {  	[spmem:s4] =	stream.indirect.scatter.add.f32 [tilespmem:s14], [sflag:$0x3], $0x80, s29, s12, $0xb8;
	[tilespmem:$0x1F000] =	vst v63  }
0x619: {  	_ =	swait.ge [sflag:s5], $0x4000  }
0x61a: {  	s1 =	sld [smem:$0x7F2]  }
0x61b: {  	[sflag:s5] =	ssyncset.done $0x0  }
0x61c: {  	[sflag:s5] =	ssyncadd.s32 $0xFFFFC000  }
0x61d: {  	[tilespmem:s14], [sflag:$0x2] =	stream.indirect.gather [hbm4b:s3+s12], $0x80, s1, s12, $0xb8;
	[tilespmem:$0x1F000] =	vst v63  }
0x61e: {  	_ =	swait.ge [sflag:s13], $0x4000  }
0x61f: {  	[sflag:s13] =	ssyncset.done $0x0  }
0x620: {  	[sflag:s13] =	ssyncadd.s32 $0xFFFFC000  }
0x621: {  	[spmem:s4] =	stream.indirect.scatter.add.f32 [tilespmem:s7], [sflag:$0x3], $0x80, s28, s12, $0xb8;
	[tilespmem:$0x1F000] =	vst v63  }
0x622: {  	_ =	swait.ge [sflag:s5], $0x4000  }
0x623: {  	s1 =	sld [smem:$0x7F3]  }
0x624: {  	[sflag:s5] =	ssyncset.done $0x0  }
0x625: {  	[sflag:s5] =	ssyncadd.s32 $0xFFFFC000  }
0x626: {  	[tilespmem:s7], [sflag:$0x1] =	stream.indirect.gather [hbm4b:s3+s12], $0x80, s1, s12, $0xb8;
	[tilespmem:$0x1F000] =	vst v63  }
0x627: {  	_ =	swait.ge [sflag:s15], $0x4000  }
0x628: {  	[sflag:s15] =	ssyncset.done $0x0  }
0x629: {  	[sflag:s15] =	ssyncadd.s32 $0xFFFFC000  }
0x62a: {  	[spmem:s4] =	stream.indirect.scatter.add.f32 [tilespmem:s14], [sflag:$0x3], $0x80, s25, s12, $0xb8;
	[tilespmem:$0x1F000] =	vst v63  }
0x62b: {  	_ =	swait.ge [sflag:s5], $0x4000  }
0x62c: {  	s1 =	sld [smem:$0x7F4]  }
0x62d: {  	[sflag:s5] =	ssyncset.done $0x0  }
0x62e: {  	[sflag:s5] =	ssyncadd.s32 $0xFFFFC000  }
0x62f: {  	[tilespmem:s14], [sflag:$0x2] =	stream.indirect.gather [hbm4b:s3+s12], $0x80, s1, s12, $0xb8;
	[tilespmem:$0x1F000] =	vst v63  }
0x630: {  	_ =	swait.ge [sflag:s13], $0x4000  }
0x631: {  	[sflag:s13] =	ssyncset.done $0x0  }
0x632: {  	[sflag:s13] =	ssyncadd.s32 $0xFFFFC000  }
0x633: {  	[spmem:s4] =	stream.indirect.scatter.add.f32 [tilespmem:s7], [sflag:$0x3], $0x80, s24, s12, $0xb8;
	[tilespmem:$0x1F000] =	vst v63  }
0x634: {  	_ =	swait.ge [sflag:s5], $0x4000  }
0x635: {  	s1 =	sld [smem:$0x7F5]  }
0x636: {  	[sflag:s5] =	ssyncset.done $0x0  }
0x637: {  	[sflag:s5] =	ssyncadd.s32 $0xFFFFC000  }
0x638: {  	[tilespmem:s7], [sflag:$0x1] =	stream.indirect.gather [hbm4b:s3+s12], $0x80, s1, s12, $0xb8;
	[tilespmem:$0x1F000] =	vst v63  }
0x639: {  	_ =	swait.ge [sflag:s15], $0x4000  }
0x63a: {  	[sflag:s15] =	ssyncset.done $0x0  }
0x63b: {  	[sflag:s15] =	ssyncadd.s32 $0xFFFFC000  }
0x63c: {  	[spmem:s4] =	stream.indirect.scatter.add.f32 [tilespmem:s14], [sflag:$0x3], $0x80, s26, s12, $0xb8;
	[tilespmem:$0x1F000] =	vst v63  }
0x63d: {  	_ =	swait.ge [sflag:s5], $0x4000  }
0x63e: {  	s1 =	sld [smem:$0x7F6]  }
0x63f: {  	[sflag:s5] =	ssyncset.done $0x0  }
0x640: {  	[sflag:s5] =	ssyncadd.s32 $0xFFFFC000  }
0x641: {  	[tilespmem:s14], [sflag:$0x2] =	stream.indirect.gather [hbm4b:s3+s12], $0x80, s1, s12, $0xb8;
	[tilespmem:$0x1F000] =	vst v63  }
0x642: {  	_ =	swait.ge [sflag:s13], $0x4000  }
0x643: {  	[sflag:s13] =	ssyncset.done $0x0  }
0x644: {  	[sflag:s13] =	ssyncadd.s32 $0xFFFFC000  }
0x645: {  	[spmem:s4] =	stream.indirect.scatter.add.f32 [tilespmem:s7], [sflag:$0x3], $0x80, s17, s12, $0xb8;
	[tilespmem:$0x1F000] =	vst v63  }
0x646: {  	_ =	swait.ge [sflag:s5], $0x4000  }
0x647: {  	s1 =	sld [smem:$0x7F7]  }
0x648: {  	[sflag:s5] =	ssyncset.done $0x0  }
0x649: {  	[sflag:s5] =	ssyncadd.s32 $0xFFFFC000  }
0x64a: {  	[tilespmem:s7], [sflag:$0x1] =	stream.indirect.gather [hbm4b:s3+s12], $0x80, s1, s12, $0xb8;
	[tilespmem:$0x1F000] =	vst v63  }
0x64b: {  	_ =	swait.ge [sflag:s15], $0x4000  }
0x64c: {  	[sflag:s15] =	ssyncset.done $0x0  }
0x64d: {  	[sflag:s15] =	ssyncadd.s32 $0xFFFFC000  }
0x64e: {  	[spmem:s4] =	stream.indirect.scatter.add.f32 [tilespmem:s14], [sflag:$0x3], $0x80, s18, s12, $0xb8;
	[tilespmem:$0x1F000] =	vst v63  }
0x64f: {  	_ =	swait.ge [sflag:s5], $0x4000  }
0x650: {  	s1 =	sld [smem:$0x7F8]  }
0x651: {  	[sflag:s5] =	ssyncset.done $0x0  }
0x652: {  	[sflag:s5] =	ssyncadd.s32 $0xFFFFC000  }
0x653: {  	[tilespmem:s14], [sflag:$0x2] =	stream.indirect.gather [hbm4b:s3+s12], $0x80, s1, s12, $0xb8;
	[tilespmem:$0x1F000] =	vst v63  }
0x654: {  	_ =	swait.ge [sflag:s13], $0x4000  }
0x655: {  	[sflag:s13] =	ssyncset.done $0x0  }
0x656: {  	[sflag:s13] =	ssyncadd.s32 $0xFFFFC000  }
0x657: {  	[spmem:s4] =	stream.indirect.scatter.add.f32 [tilespmem:s7], [sflag:$0x3], $0x80, s31, s12, $0xb8;
	[tilespmem:$0x1F000] =	vst v63  }
0x658: {  	_ =	swait.ge [sflag:s5], $0x4000  }
0x659: {  	s1 =	sld [smem:$0x7F9]  }
0x65a: {  	[sflag:s5] =	ssyncset.done $0x0  }
0x65b: {  	[sflag:s5] =	ssyncadd.s32 $0xFFFFC000  }
0x65c: {  	[tilespmem:s7], [sflag:$0x1] =	stream.indirect.gather [hbm4b:s3+s12], $0x80, s1, s12, $0xb8;
	[tilespmem:$0x1F000] =	vst v63  }
0x65d: {  	_ =	swait.ge [sflag:s15], $0x4000  }
0x65e: {  	[sflag:s15] =	ssyncset.done $0x0  }
0x65f: {  	[sflag:s15] =	ssyncadd.s32 $0xFFFFC000  }
0x660: {  	[spmem:s4] =	stream.indirect.scatter.add.f32 [tilespmem:s14], [sflag:$0x3], $0x80, s23, s12, $0xb8;
	[tilespmem:$0x1F000] =	vst v63  }
0x661: {  	_ =	swait.ge [sflag:s5], $0x4000  }
0x662: {  	s1 =	sld [smem:$0x7FA]  }
0x663: {  	[sflag:s5] =	ssyncset.done $0x0  }
0x664: {  	[sflag:s5] =	ssyncadd.s32 $0xFFFFC000  }
0x665: {  	[tilespmem:s14], [sflag:$0x2] =	stream.indirect.gather [hbm4b:s3+s12], $0x80, s1, s12, $0xb8;
	[tilespmem:$0x1F000] =	vst v63  }
0x666: {  	_ =	swait.ge [sflag:s13], $0x4000  }
0x667: {  	[sflag:s13] =	ssyncset.done $0x0  }
0x668: {  	[sflag:s13] =	ssyncadd.s32 $0xFFFFC000  }
0x669: {  	[spmem:s4] =	stream.indirect.scatter.add.f32 [tilespmem:s7], [sflag:$0x3], $0x80, s22, s12, $0xb8;
	[tilespmem:$0x1F000] =	vst v63  }
0x66a: {  	_ =	swait.ge [sflag:s5], $0x4000  }
0x66b: {  	s1 =	sld [smem:$0x7FB]  }
0x66c: {  	[sflag:s5] =	ssyncset.done $0x0  }
0x66d: {  	[sflag:s5] =	ssyncadd.s32 $0xFFFFC000  }
0x66e: {  	[tilespmem:s7], [sflag:$0x1] =	stream.indirect.gather [hbm4b:s3+s12], $0x80, s1, s12, $0xb8;
	[tilespmem:$0x1F000] =	vst v63  }
0x66f: {  	_ =	swait.ge [sflag:s15], $0x4000  }
0x670: {  	[sflag:s15] =	ssyncset.done $0x0  }
0x671: {  	[sflag:s15] =	ssyncadd.s32 $0xFFFFC000  }
0x672: {  	[spmem:s4] =	stream.indirect.scatter.add.f32 [tilespmem:s14], [sflag:$0x3], $0x80, s21, s12, $0xb8;
	[tilespmem:$0x1F000] =	vst v63  }
0x673: {  	_ =	swait.ge [sflag:s5], $0x4000  }
0x674: {  	s1 =	sld [smem:$0x7FC]  }
0x675: {  	[sflag:s5] =	ssyncset.done $0x0  }
0x676: {  	[sflag:s5] =	ssyncadd.s32 $0xFFFFC000  }
0x677: {  	[tilespmem:s14], [sflag:$0x2] =	stream.indirect.gather [hbm4b:s3+s12], $0x80, s1, s12, $0xb8;
	[tilespmem:$0x1F000] =	vst v63  }
0x678: {  	_ =	swait.ge [sflag:s13], $0x4000  }
0x679: {  	[sflag:s13] =	ssyncset.done $0x0  }
0x67a: {  	[sflag:s13] =	ssyncadd.s32 $0xFFFFC000  }
0x67b: {  	[spmem:s4] =	stream.indirect.scatter.add.f32 [tilespmem:s7], [sflag:$0x3], $0x80, s20, s12, $0xb8;
	[tilespmem:$0x1F000] =	vst v63  }
0x67c: {  	_ =	swait.ge [sflag:s5], $0x4000  }
0x67d: {  	s1 =	sld [smem:$0x7FD]  }
0x67e: {  	[sflag:s5] =	ssyncset.done $0x0  }
0x67f: {  	[sflag:s5] =	ssyncadd.s32 $0xFFFFC000  }
0x680: {  	[tilespmem:s7], [sflag:$0x1] =	stream.indirect.gather [hbm4b:s3+s12], $0x80, s1, s12, $0xb8;
	[tilespmem:$0x1F000] =	vst v63  }
0x681: {  	_ =	swait.ge [sflag:s15], $0x4000  }
0x682: {  	[sflag:s15] =	ssyncset.done $0x0  }
0x683: {  	[sflag:s15] =	ssyncadd.s32 $0xFFFFC000  }
0x684: {  	[spmem:s4] =	stream.indirect.scatter.add.f32 [tilespmem:s14], [sflag:$0x3], $0x80, s19, s12, $0xb8;
	[tilespmem:$0x1F000] =	vst v63  }
0x685: {  	_ =	swait.ge [sflag:s5], $0x4000  }
0x686: {  	[sflag:s5] =	ssyncset.done $0x0  }
0x687: {  	[sflag:s5] =	ssyncadd.s32 $0xFFFFC000  }
0x688: {  	_ =	swait.ge [sflag:s13], $0x4000  }
0x689: {  	[sflag:s13] =	ssyncset.done $0x0  }
0x68a: {  	[sflag:s13] =	ssyncadd.s32 $0xFFFFC000  }
0x68b: {  	[bflag:$0x0] =	sbarrier.arrive $0xFFFF  }
0x68c: {  	[tilespmem:s7], [sflag:$0x3] =	stream.linear.gather [spmem:s16], $0x4000, $0x38;
	[tilespmem:$0x1F000] =	vst v63  }
0x68d: {  	_ =	swait.ge [sflag:s5], $0x4000  }
0x68e: {  	[sflag:s5] =	ssyncset.done $0x0  }
0x68f: {  	s31 =	simm.s32 $0x0;
	s1 =	rddreg [dreg:$0xb];
	[sflag:s5] =	ssyncadd.s32 $0xFFFFC000  }
0x690: {  	[hbm4b:s1+s31] =	stream.linear.scatter [tilespmem:s7], [sflag:$0x3], $0x4000, $0x38;
	[tilespmem:$0x1F000] =	vst v63  }
0x691: {  	_ =	swait.ge [sflag:s5], $0x4000  }
0x692: {  	[sflag:s5] =	ssyncset.done $0x0  }
0x693: {  	[sflag:s5] =	ssyncadd.s32 $0xFFFFC000  }
0x694: {  	[tilespmem:s7], [sflag:$0x3] =	stream.linear.gather [spmem:s11], $0x4000, $0x38;
	[tilespmem:$0x1F000] =	vst v63  }
0x695: {  	_ =	swait.ge [sflag:s5], $0x4000  }
0x696: {  	[sflag:s5] =	ssyncset.done $0x0  }
0x697: {  	s16 =	rddreg [dreg:$0xc];
	[sflag:s5] =	ssyncadd.s32 $0xFFFFC000  }
0x698: {  	[hbm4b:s16+s31] =	stream.linear.scatter [tilespmem:s7], [sflag:$0x3], $0x4000, $0x38;
	[tilespmem:$0x1F000] =	vst v63  }
0x699: {  	_ =	swait.ge [sflag:s5], $0x4000  }
0x69a: {  	[sflag:s5] =	ssyncset.done $0x0  }
0x69b: {  	[sflag:s5] =	ssyncadd.s32 $0xFFFFC000  }
0x69c: {  	[tilespmem:s7], [sflag:$0x3] =	stream.linear.gather [spmem:s10], $0x4000, $0x38;
	[tilespmem:$0x1F000] =	vst v63  }
0x69d: {  	_ =	swait.ge [sflag:s5], $0x4000  }
0x69e: {  	[sflag:s5] =	ssyncset.done $0x0  }
0x69f: {  	s1 =	rddreg [dreg:$0xd];
	[sflag:s5] =	ssyncadd.s32 $0xFFFFC000  }
0x6a0: {  	[hbm4b:s1+s31] =	stream.linear.scatter [tilespmem:s7], [sflag:$0x3], $0x4000, $0x38;
	[tilespmem:$0x1F000] =	vst v63  }
0x6a1: {  	_ =	swait.ge [sflag:s5], $0x4000  }
0x6a2: {  	[sflag:s5] =	ssyncset.done $0x0  }
0x6a3: {  	[sflag:s5] =	ssyncadd.s32 $0xFFFFC000  }
0x6a4: {  	[tilespmem:s7], [sflag:$0x3] =	stream.linear.gather [spmem:s9], $0x4000, $0x38;
	[tilespmem:$0x1F000] =	vst v63  }
0x6a5: {  	_ =	swait.ge [sflag:s5], $0x4000  }
0x6a6: {  	[sflag:s5] =	ssyncset.done $0x0  }
0x6a7: {  	s10 =	rddreg [dreg:$0xe];
	[sflag:s5] =	ssyncadd.s32 $0xFFFFC000  }
0x6a8: {  	[hbm4b:s10+s31] =	stream.linear.scatter [tilespmem:s7], [sflag:$0x3], $0x4000, $0x38;
	[tilespmem:$0x1F000] =	vst v63  }
0x6a9: {  	_ =	swait.ge [sflag:s5], $0x4000  }
0x6aa: {  	s11 =	sld [smem:$0x7EE]  }
0x6ab: {  	[sflag:s5] =	ssyncset.done $0x0  }
0x6ac: {  	[sflag:s5] =	ssyncadd.s32 $0xFFFFC000  }
0x6ad: {  	[tilespmem:s7], [sflag:$0x3] =	stream.linear.gather [spmem:s11], $0x3C00, $0x38;
	[tilespmem:$0x1F000] =	vst v63  }
0x6ae: {  	p1 =	sne.s32 s0, $0x1;
	_ =	swait.ge [sflag:s5], $0x3C00  }
.Ltmp2:
0x6af: {  	[sflag:s5] =	ssyncset.done $0x0;
	(pc) =	sbr.rel @p1 .LBB2_4-.Ltmp2, $4  }
0x6b0: {  	s16 =	rddreg [dreg:$0xf];
	[sflag:s5] =	ssyncadd.s32 $0xFFFFC400  }
0x6b1: {  	[hbm4b:s16+s31] =	stream.linear.scatter [tilespmem:s7], [sflag:$0x3], $0x3C00, $0x38;
	[tilespmem:$0x1F000] =	vst v63  }
0x6b2: {  	_ =	swait.ge [sflag:s5], $0x3C00  }
0x6b3: {  	s0 =	sadd.s32 $0xFFFFFFFF, s0;
	s6 =	rddreg [dreg:$0x5];
	[sflag:s5] =	ssyncset.done $0x0  }
0x6b4: {  	s16 =	sld [smem:$0x7E6]  }
0x6b5: {  	s11 =	sld [smem:$0x7E8]  }
0x6b6: {  	s10 =	sld [smem:$0x7EA]  }
0x6b7: {  	s9 =	sld [smem:$0x7EC]  }
0x6b8: {  	s8 =	sld [smem:$0x7EE];
	s2 =	simm.s32 $0x2C00  }
.LBB2_6:
0x6b9: {  	[sflag:s5] =	ssyncadd.s32 @p0 $0xFFFFC400  }
0x6ba: {  	[tilespmem:s31], [sflag:$0x3] =	stream.linear.gather [hbm4b:s6+s31], $0x2880, $0x38;
	[tilespmem:$0x1F000] =	vst v63  }
0x6bb: {  	_ =	swait.ge [sflag:s5], $0x2880  }
0x6bc: {  	[sflag:s5] =	ssyncset.done $0x0  }
0x6bd: {  	s0 =	rddreg [dreg:$0x4];
	[sflag:s5] =	ssyncadd.s32 $0xFFFFD780  }
0x6be: {  	[tilespmem:s7], [sflag:$0x3] =	stream.linear.gather [hbm4b:s0+s31], $0x4000, $0x38;
	[tilespmem:$0x1F000] =	vst v63  }
0x6bf: {  	_ =	swait.ge [sflag:s5], $0x4000  }
0x6c0: {  	[sflag:s5] =	ssyncset.done $0x0  }
0x6c1: {  	[sflag:s5] =	ssyncadd.s32 $0xFFFFC000  }
0x6c2: {  	[spmem:s16] =	stream.linear.scatter [tilespmem:s7], [sflag:$0x3], $0x4000, $0x38;
	[tilespmem:$0x1F000] =	vst v63  }
0x6c3: {  	_ =	swait.ge [sflag:s5], $0x4000  }
0x6c4: {  	[sflag:s5] =	ssyncset.done $0x0  }
0x6c5: {  	[sflag:s5] =	ssyncadd.s32 $0xFFFFC000  }
0x6c6: {  	[spmem:s11] =	stream.linear.scatter [tilespmem:s7], [sflag:$0x3], $0x4000, $0x38;
	[tilespmem:$0x1F000] =	vst v63  }
0x6c7: {  	_ =	swait.ge [sflag:s5], $0x4000  }
0x6c8: {  	[sflag:s5] =	ssyncset.done $0x0  }
0x6c9: {  	[sflag:s5] =	ssyncadd.s32 $0xFFFFC000  }
0x6ca: {  	[spmem:s10] =	stream.linear.scatter [tilespmem:s7], [sflag:$0x3], $0x4000, $0x38;
	[tilespmem:$0x1F000] =	vst v63  }
0x6cb: {  	_ =	swait.ge [sflag:s5], $0x4000  }
0x6cc: {  	[sflag:s5] =	ssyncset.done $0x0  }
0x6cd: {  	[sflag:s5] =	ssyncadd.s32 $0xFFFFC000  }
0x6ce: {  	[spmem:s9] =	stream.linear.scatter [tilespmem:s7], [sflag:$0x3], $0x4000, $0x38;
	[tilespmem:$0x1F000] =	vst v63  }
0x6cf: {  	_ =	swait.ge [sflag:s5], $0x4000  }
0x6d0: {  	[sflag:s5] =	ssyncset.done $0x0  }
0x6d1: {  	[sflag:s5] =	ssyncadd.s32 $0xFFFFC000  }
0x6d2: {  	[spmem:s8] =	stream.linear.scatter [tilespmem:s7], [sflag:$0x3], $0x3C00, $0x38;
	[tilespmem:$0x1F000] =	vst v63  }
0x6d3: {  	_ =	swait.ge [sflag:s5], $0x3C00  }
0x6d4: {  	[sflag:s5] =	ssyncset.done $0x0  }
0x6d5: {  	[sflag:s5] =	ssyncadd.s32 $0xFFFFC400  }
0x6d6: {  	[bflag:$0x0] =	sbarrier.arrive $0xFFFF  }
0x6d7: {  	[tilespmem:s7], [sflag:$0x1] =	stream.indirect.gather [hbm4b:s3+s12], $0x80, s31, s12, $0xb8;
	[tilespmem:$0x1F000] =	vst v63  }
0x6d8: {  	s1 =	rddreg [dreg:$0x6]  }
0x6d9: {  	[tilespmem:s2], [sflag:$0x3] =	stream.linear.gather [hbm4b:s1+s31], $0x800, $0x38;
	[tilespmem:$0x1F000] =	vst v63  }
0x6da: {  	_ =	swait.ge [sflag:s5], $0x800  }
0x6db: {  	[sflag:s5] =	ssyncset.done $0x0  }
0x6dc: {  	[sflag:s5] =	ssyncadd.s32 $0xFFFFF800  }
0x6dd: {  	[tilespmem:s14], [sflag:$0x2] =	stream.indirect.gather [hbm4b:s3+s12], $0x80, s12, s12, $0xb8;
	[tilespmem:$0x1F000] =	vst v63  }
0x6de: {  	_ =	swait.ge [sflag:s13], $0x4000  }
0x6df: {  	[sflag:s13] =	ssyncset.done $0x0  }
0x6e0: {  	[sflag:s13] =	ssyncadd.s32 $0xFFFFC000  }
0x6e1: {  	[spmem:s4] =	stream.indirect.scatter.add.f32 [tilespmem:s7], [sflag:$0x3], $0x80, s2, s12, $0xb8;
	[tilespmem:$0x1F000] =	vst v63  }
0x6e2: {  	_ =	swait.ge [sflag:s5], $0x4000  }
0x6e3: {  	[sflag:s5] =	ssyncset.done $0x0  }
0x6e4: {  	s6 =	smov.u32 s8;
	s8 =	rddreg [dreg:$0x10];
	[sflag:s5] =	ssyncadd.s32 $0xFFFFC000  }
0x6e5: {  	[tilespmem:s7], [sflag:$0x1] =	stream.indirect.gather [hbm4b:s3+s12], $0x80, s8, s12, $0xb8;
	[tilespmem:$0x1F000] =	vst v63  }
0x6e6: {  	_ =	swait.ge [sflag:s15], $0x4000  }
0x6e7: {  	[sflag:s15] =	ssyncset.done $0x0  }
0x6e8: {  	s30 =	simm.s32 $0x2C80;
	[sflag:s15] =	ssyncadd.s32 $0xFFFFC000  }
0x6e9: {  	[spmem:s4] =	stream.indirect.scatter.add.f32 [tilespmem:s14], [sflag:$0x3], $0x80, s30, s12, $0xb8;
	[tilespmem:$0x1F000] =	vst v63  }
0x6ea: {  	_ =	swait.ge [sflag:s5], $0x4000  }
0x6eb: {  	[sflag:s5] =	ssyncset.done $0x0  }
0x6ec: {  	s17 =	rddreg [dreg:$0x11];
	[sflag:s5] =	ssyncadd.s32 $0xFFFFC000  }
0x6ed: {  	[tilespmem:s14], [sflag:$0x2] =	stream.indirect.gather [hbm4b:s3+s12], $0x80, s17, s12, $0xb8;
	[tilespmem:$0x1F000] =	vst v63  }
0x6ee: {  	_ =	swait.ge [sflag:s13], $0x4000  }
0x6ef: {  	[sflag:s13] =	ssyncset.done $0x0  }
0x6f0: {  	s1 =	simm.s32 $0x2D00;
	[sflag:s13] =	ssyncadd.s32 $0xFFFFC000  }
0x6f1: {  	[spmem:s4] =	stream.indirect.scatter.add.f32 [tilespmem:s7], [sflag:$0x3], $0x80, s1, s12, $0xb8;
	[tilespmem:$0x1F000] =	vst v63  }
0x6f2: {  	_ =	swait.ge [sflag:s5], $0x4000  }
0x6f3: {  	[sflag:s5] =	ssyncset.done $0x0  }
0x6f4: {  	s18 =	rddreg [dreg:$0x12];
	[sflag:s5] =	ssyncadd.s32 $0xFFFFC000  }
0x6f5: {  	[tilespmem:s7], [sflag:$0x1] =	stream.indirect.gather [hbm4b:s3+s12], $0x80, s18, s12, $0xb8;
	[tilespmem:$0x1F000] =	vst v63  }
0x6f6: {  	_ =	swait.ge [sflag:s15], $0x4000  }
0x6f7: {  	[sflag:s15] =	ssyncset.done $0x0  }
0x6f8: {  	s29 =	simm.s32 $0x2D80;
	[sflag:s15] =	ssyncadd.s32 $0xFFFFC000  }
0x6f9: {  	[spmem:s4] =	stream.indirect.scatter.add.f32 [tilespmem:s14], [sflag:$0x3], $0x80, s29, s12, $0xb8;
	[tilespmem:$0x1F000] =	vst v63  }
0x6fa: {  	_ =	swait.ge [sflag:s5], $0x4000  }
0x6fb: {  	[sflag:s5] =	ssyncset.done $0x0  }
0x6fc: {  	s19 =	rddreg [dreg:$0x13];
	[sflag:s5] =	ssyncadd.s32 $0xFFFFC000  }
0x6fd: {  	[tilespmem:s14], [sflag:$0x2] =	stream.indirect.gather [hbm4b:s3+s12], $0x80, s19, s12, $0xb8;
	[tilespmem:$0x1F000] =	vst v63  }
0x6fe: {  	_ =	swait.ge [sflag:s13], $0x4000  }
0x6ff: {  	[sflag:s13] =	ssyncset.done $0x0  }
0x700: {  	s28 =	simm.s32 $0x2E00;
	[sflag:s13] =	ssyncadd.s32 $0xFFFFC000  }
0x701: {  	[spmem:s4] =	stream.indirect.scatter.add.f32 [tilespmem:s7], [sflag:$0x3], $0x80, s28, s12, $0xb8;
	[tilespmem:$0x1F000] =	vst v63  }
0x702: {  	_ =	swait.ge [sflag:s5], $0x4000  }
0x703: {  	[sflag:s5] =	ssyncset.done $0x0  }
0x704: {  	s20 =	rddreg [dreg:$0x14];
	[sflag:s5] =	ssyncadd.s32 $0xFFFFC000  }
0x705: {  	[tilespmem:s7], [sflag:$0x1] =	stream.indirect.gather [hbm4b:s3+s12], $0x80, s20, s12, $0xb8;
	[tilespmem:$0x1F000] =	vst v63  }
0x706: {  	_ =	swait.ge [sflag:s15], $0x4000  }
0x707: {  	[sflag:s15] =	ssyncset.done $0x0  }
0x708: {  	s26 =	simm.s32 $0x2E80;
	[sflag:s15] =	ssyncadd.s32 $0xFFFFC000  }
0x709: {  	[spmem:s4] =	stream.indirect.scatter.add.f32 [tilespmem:s14], [sflag:$0x3], $0x80, s26, s12, $0xb8;
	[tilespmem:$0x1F000] =	vst v63  }
0x70a: {  	_ =	swait.ge [sflag:s5], $0x4000  }
0x70b: {  	[sflag:s5] =	ssyncset.done $0x0  }
0x70c: {  	s21 =	rddreg [dreg:$0x15];
	[sflag:s5] =	ssyncadd.s32 $0xFFFFC000  }
0x70d: {  	[tilespmem:s14], [sflag:$0x2] =	stream.indirect.gather [hbm4b:s3+s12], $0x80, s21, s12, $0xb8;
	[tilespmem:$0x1F000] =	vst v63  }
0x70e: {  	_ =	swait.ge [sflag:s13], $0x4000  }
0x70f: {  	[sflag:s13] =	ssyncset.done $0x0  }
0x710: {  	s25 =	simm.s32 $0x2F00;
	[sflag:s13] =	ssyncadd.s32 $0xFFFFC000  }
0x711: {  	[spmem:s4] =	stream.indirect.scatter.add.f32 [tilespmem:s7], [sflag:$0x3], $0x80, s25, s12, $0xb8;
	[tilespmem:$0x1F000] =	vst v63  }
0x712: {  	_ =	swait.ge [sflag:s5], $0x4000  }
0x713: {  	[sflag:s5] =	ssyncset.done $0x0  }
0x714: {  	s22 =	rddreg [dreg:$0x16];
	[sflag:s5] =	ssyncadd.s32 $0xFFFFC000  }
0x715: {  	[tilespmem:s7], [sflag:$0x1] =	stream.indirect.gather [hbm4b:s3+s12], $0x80, s22, s12, $0xb8;
	[tilespmem:$0x1F000] =	vst v63  }
0x716: {  	_ =	swait.ge [sflag:s15], $0x4000  }
0x717: {  	[sflag:s15] =	ssyncset.done $0x0  }
0x718: {  	s24 =	simm.s32 $0x2F80;
	[sflag:s15] =	ssyncadd.s32 $0xFFFFC000  }
0x719: {  	[spmem:s4] =	stream.indirect.scatter.add.f32 [tilespmem:s14], [sflag:$0x3], $0x80, s24, s12, $0xb8;
	[tilespmem:$0x1F000] =	vst v63  }
0x71a: {  	_ =	swait.ge [sflag:s5], $0x4000  }
0x71b: {  	[sflag:s5] =	ssyncset.done $0x0  }
0x71c: {  	s23 =	rddreg [dreg:$0x17];
	[sflag:s5] =	ssyncadd.s32 $0xFFFFC000  }
0x71d: {  	[tilespmem:s14], [sflag:$0x2] =	stream.indirect.gather [hbm4b:s3+s12], $0x80, s23, s12, $0xb8;
	[tilespmem:$0x1F000] =	vst v63  }
0x71e: {  	_ =	swait.ge [sflag:s13], $0x4000  }
0x71f: {  	[sflag:s13] =	ssyncset.done $0x0  }
0x720: {  	s23 =	simm.s32 $0x3000;
	[sflag:s13] =	ssyncadd.s32 $0xFFFFC000  }
0x721: {  	[spmem:s4] =	stream.indirect.scatter.add.f32 [tilespmem:s7], [sflag:$0x3], $0x80, s23, s12, $0xb8;
	[tilespmem:$0x1F000] =	vst v63  }
0x722: {  	_ =	swait.ge [sflag:s5], $0x4000  }
0x723: {  	[sflag:s5] =	ssyncset.done $0x0  }
0x724: {  	s8 =	rddreg [dreg:$0x18];
	[sflag:s5] =	ssyncadd.s32 $0xFFFFC000  }
0x725: {  	[tilespmem:s7], [sflag:$0x1] =	stream.indirect.gather [hbm4b:s3+s12], $0x80, s8, s12, $0xb8;
	[tilespmem:$0x1F000] =	vst v63  }
0x726: {  	_ =	swait.ge [sflag:s15], $0x4000  }
0x727: {  	[sflag:s15] =	ssyncset.done $0x0  }
0x728: {  	s22 =	simm.s32 $0x3080;
	[sflag:s15] =	ssyncadd.s32 $0xFFFFC000  }
0x729: {  	[spmem:s4] =	stream.indirect.scatter.add.f32 [tilespmem:s14], [sflag:$0x3], $0x80, s22, s12, $0xb8;
	[tilespmem:$0x1F000] =	vst v63  }
0x72a: {  	_ =	swait.ge [sflag:s5], $0x4000  }
0x72b: {  	[sflag:s5] =	ssyncset.done $0x0  }
0x72c: {  	s17 =	rddreg [dreg:$0x19];
	[sflag:s5] =	ssyncadd.s32 $0xFFFFC000  }
0x72d: {  	[tilespmem:s14], [sflag:$0x2] =	stream.indirect.gather [hbm4b:s3+s12], $0x80, s17, s12, $0xb8;
	[tilespmem:$0x1F000] =	vst v63  }
0x72e: {  	_ =	swait.ge [sflag:s13], $0x4000  }
0x72f: {  	[sflag:s13] =	ssyncset.done $0x0  }
0x730: {  	s21 =	simm.s32 $0x3100;
	[sflag:s13] =	ssyncadd.s32 $0xFFFFC000  }
0x731: {  	[spmem:s4] =	stream.indirect.scatter.add.f32 [tilespmem:s7], [sflag:$0x3], $0x80, s21, s12, $0xb8;
	[tilespmem:$0x1F000] =	vst v63  }
0x732: {  	_ =	swait.ge [sflag:s5], $0x4000  }
0x733: {  	[sflag:s5] =	ssyncset.done $0x0  }
0x734: {  	s18 =	rddreg [dreg:$0x1a];
	[sflag:s5] =	ssyncadd.s32 $0xFFFFC000  }
0x735: {  	[tilespmem:s7], [sflag:$0x1] =	stream.indirect.gather [hbm4b:s3+s12], $0x80, s18, s12, $0xb8;
	[tilespmem:$0x1F000] =	vst v63  }
0x736: {  	_ =	swait.ge [sflag:s15], $0x4000  }
0x737: {  	[sflag:s15] =	ssyncset.done $0x0  }
0x738: {  	s20 =	simm.s32 $0x3180;
	[sflag:s15] =	ssyncadd.s32 $0xFFFFC000  }
0x739: {  	[spmem:s4] =	stream.indirect.scatter.add.f32 [tilespmem:s14], [sflag:$0x3], $0x80, s20, s12, $0xb8;
	[tilespmem:$0x1F000] =	vst v63  }
0x73a: {  	_ =	swait.ge [sflag:s5], $0x4000  }
0x73b: {  	[sflag:s5] =	ssyncset.done $0x0  }
0x73c: {  	s19 =	rddreg [dreg:$0x1b];
	[sflag:s5] =	ssyncadd.s32 $0xFFFFC000  }
0x73d: {  	[tilespmem:s14], [sflag:$0x2] =	stream.indirect.gather [hbm4b:s3+s12], $0x80, s19, s12, $0xb8;
	[tilespmem:$0x1F000] =	vst v63  }
0x73e: {  	_ =	swait.ge [sflag:s13], $0x4000  }
0x73f: {  	[sflag:s13] =	ssyncset.done $0x0  }
0x740: {  	s19 =	simm.s32 $0x3200;
	[sflag:s13] =	ssyncadd.s32 $0xFFFFC000  }
0x741: {  	[spmem:s4] =	stream.indirect.scatter.add.f32 [tilespmem:s7], [sflag:$0x3], $0x80, s19, s12, $0xb8;
	[tilespmem:$0x1F000] =	vst v63  }
0x742: {  	_ =	swait.ge [sflag:s5], $0x4000  }
0x743: {  	[sflag:s5] =	ssyncset.done $0x0  }
0x744: {  	s8 =	rddreg [dreg:$0x1c];
	[sflag:s5] =	ssyncadd.s32 $0xFFFFC000  }
0x745: {  	[tilespmem:s7], [sflag:$0x1] =	stream.indirect.gather [hbm4b:s3+s12], $0x80, s8, s12, $0xb8;
	[tilespmem:$0x1F000] =	vst v63  }
0x746: {  	_ =	swait.ge [sflag:s15], $0x4000  }
0x747: {  	[sflag:s15] =	ssyncset.done $0x0  }
0x748: {  	s18 =	simm.s32 $0x3280;
	[sflag:s15] =	ssyncadd.s32 $0xFFFFC000  }
0x749: {  	[spmem:s4] =	stream.indirect.scatter.add.f32 [tilespmem:s14], [sflag:$0x3], $0x80, s18, s12, $0xb8;
	[tilespmem:$0x1F000] =	vst v63  }
0x74a: {  	_ =	swait.ge [sflag:s5], $0x4000  }
0x74b: {  	[sflag:s5] =	ssyncset.done $0x0  }
0x74c: {  	s17 =	rddreg [dreg:$0x1d];
	[sflag:s5] =	ssyncadd.s32 $0xFFFFC000  }
0x74d: {  	[tilespmem:s14], [sflag:$0x2] =	stream.indirect.gather [hbm4b:s3+s12], $0x80, s17, s12, $0xb8;
	[tilespmem:$0x1F000] =	vst v63  }
0x74e: {  	_ =	swait.ge [sflag:s13], $0x4000  }
0x74f: {  	[sflag:s13] =	ssyncset.done $0x0  }
0x750: {  	s17 =	simm.s32 $0x3300;
	[sflag:s13] =	ssyncadd.s32 $0xFFFFC000  }
0x751: {  	[spmem:s4] =	stream.indirect.scatter.add.f32 [tilespmem:s7], [sflag:$0x3], $0x80, s17, s12, $0xb8;
	[tilespmem:$0x1F000] =	vst v63  }
0x752: {  	_ =	swait.ge [sflag:s5], $0x4000  }
0x753: {  	[sflag:s5] =	ssyncset.done $0x0  }
0x754: {  	s8 =	rddreg [dreg:$0x1e];
	[sflag:s5] =	ssyncadd.s32 $0xFFFFC000  }
0x755: {  	[tilespmem:s7], [sflag:$0x1] =	stream.indirect.gather [hbm4b:s3+s12], $0x80, s8, s12, $0xb8;
	[tilespmem:$0x1F000] =	vst v63  }
0x756: {  	_ =	swait.ge [sflag:s15], $0x4000  }
0x757: {  	[sflag:s15] =	ssyncset.done $0x0  }
0x758: {  	s8 =	simm.s32 $0x3380;
	[sflag:s15] =	ssyncadd.s32 $0xFFFFC000  }
0x759: {  	[spmem:s4] =	stream.indirect.scatter.add.f32 [tilespmem:s14], [sflag:$0x3], $0x80, s8, s12, $0xb8;
	[tilespmem:$0x1F000] =	vst v63  }
0x75a: {  	_ =	swait.ge [sflag:s5], $0x4000  }
0x75b: {  	[sflag:s5] =	ssyncset.done $0x0  }
0x75c: {  	s0 =	rddreg [dreg:$0x7];
	[sflag:s5] =	ssyncadd.s32 $0xFFFFC000  }
0x75d: {  	[tilespmem:s2], [sflag:$0x3] =	stream.linear.gather [hbm4b:s0+s31], $0x800, $0x38;
	[tilespmem:$0x1F000] =	vst v63  }
0x75e: {  	_ =	swait.ge [sflag:s5], $0x800  }
0x75f: {  	s0 =	rddreg [dreg:$0x1f];
	[sflag:s5] =	ssyncset.done $0x0  }
0x760: {  	[sflag:s5] =	ssyncadd.s32 $0xFFFFF800  }
0x761: {  	[tilespmem:s14], [sflag:$0x2] =	stream.indirect.gather [hbm4b:s3+s12], $0x80, s0, s12, $0xb8;
	[tilespmem:$0x1F000] =	vst v63  }
0x762: {  	_ =	swait.ge [sflag:s13], $0x4000  }
0x763: {  	[sflag:s13] =	ssyncset.done $0x0  }
0x764: {  	[sflag:s13] =	ssyncadd.s32 $0xFFFFC000  }
0x765: {  	[spmem:s4] =	stream.indirect.scatter.add.f32 [tilespmem:s7], [sflag:$0x3], $0x80, s2, s12, $0xb8;
	[tilespmem:$0x1F000] =	vst v63  }
0x766: {  	_ =	swait.ge [sflag:s5], $0x4000  }
0x767: {  	s0 =	sld [smem:$0x7BA]  }
0x768: {  	[sflag:s5] =	ssyncset.done $0x0  }
0x769: {  	[sflag:s5] =	ssyncadd.s32 $0xFFFFC000  }
0x76a: {  	[tilespmem:s7], [sflag:$0x1] =	stream.indirect.gather [hbm4b:s3+s12], $0x80, s0, s12, $0xb8;
	[tilespmem:$0x1F000] =	vst v63  }
0x76b: {  	_ =	swait.ge [sflag:s15], $0x4000  }
0x76c: {  	[sflag:s15] =	ssyncset.done $0x0  }
0x76d: {  	[sflag:s15] =	ssyncadd.s32 $0xFFFFC000  }
0x76e: {  	[spmem:s4] =	stream.indirect.scatter.add.f32 [tilespmem:s14], [sflag:$0x3], $0x80, s30, s12, $0xb8;
	[tilespmem:$0x1F000] =	vst v63  }
0x76f: {  	_ =	swait.ge [sflag:s5], $0x4000  }
0x770: {  	s0 =	sld [smem:$0x7BB]  }
0x771: {  	[sflag:s5] =	ssyncset.done $0x0  }
0x772: {  	[sflag:s5] =	ssyncadd.s32 $0xFFFFC000  }
0x773: {  	[tilespmem:s14], [sflag:$0x2] =	stream.indirect.gather [hbm4b:s3+s12], $0x80, s0, s12, $0xb8;
	[tilespmem:$0x1F000] =	vst v63  }
0x774: {  	_ =	swait.ge [sflag:s13], $0x4000  }
0x775: {  	[sflag:s13] =	ssyncset.done $0x0  }
0x776: {  	[sflag:s13] =	ssyncadd.s32 $0xFFFFC000  }
0x777: {  	[spmem:s4] =	stream.indirect.scatter.add.f32 [tilespmem:s7], [sflag:$0x3], $0x80, s1, s12, $0xb8;
	[tilespmem:$0x1F000] =	vst v63  }
0x778: {  	_ =	swait.ge [sflag:s5], $0x4000  }
0x779: {  	s0 =	sld [smem:$0x7BC]  }
0x77a: {  	[sflag:s5] =	ssyncset.done $0x0  }
0x77b: {  	[sflag:s5] =	ssyncadd.s32 $0xFFFFC000  }
0x77c: {  	[tilespmem:s7], [sflag:$0x1] =	stream.indirect.gather [hbm4b:s3+s12], $0x80, s0, s12, $0xb8;
	[tilespmem:$0x1F000] =	vst v63  }
0x77d: {  	_ =	swait.ge [sflag:s15], $0x4000  }
0x77e: {  	[sflag:s15] =	ssyncset.done $0x0  }
0x77f: {  	[sflag:s15] =	ssyncadd.s32 $0xFFFFC000  }
0x780: {  	[spmem:s4] =	stream.indirect.scatter.add.f32 [tilespmem:s14], [sflag:$0x3], $0x80, s29, s12, $0xb8;
	[tilespmem:$0x1F000] =	vst v63  }
0x781: {  	_ =	swait.ge [sflag:s5], $0x4000  }
0x782: {  	s0 =	sld [smem:$0x7BD]  }
0x783: {  	[sflag:s5] =	ssyncset.done $0x0  }
0x784: {  	[sflag:s5] =	ssyncadd.s32 $0xFFFFC000  }
0x785: {  	[tilespmem:s14], [sflag:$0x2] =	stream.indirect.gather [hbm4b:s3+s12], $0x80, s0, s12, $0xb8;
	[tilespmem:$0x1F000] =	vst v63  }
0x786: {  	_ =	swait.ge [sflag:s13], $0x4000  }
0x787: {  	[sflag:s13] =	ssyncset.done $0x0  }
0x788: {  	[sflag:s13] =	ssyncadd.s32 $0xFFFFC000  }
0x789: {  	[spmem:s4] =	stream.indirect.scatter.add.f32 [tilespmem:s7], [sflag:$0x3], $0x80, s28, s12, $0xb8;
	[tilespmem:$0x1F000] =	vst v63  }
0x78a: {  	_ =	swait.ge [sflag:s5], $0x4000  }
0x78b: {  	s0 =	sld [smem:$0x7BE]  }
0x78c: {  	[sflag:s5] =	ssyncset.done $0x0  }
0x78d: {  	[sflag:s5] =	ssyncadd.s32 $0xFFFFC000  }
0x78e: {  	[tilespmem:s7], [sflag:$0x1] =	stream.indirect.gather [hbm4b:s3+s12], $0x80, s0, s12, $0xb8;
	[tilespmem:$0x1F000] =	vst v63  }
0x78f: {  	_ =	swait.ge [sflag:s15], $0x4000  }
0x790: {  	[sflag:s15] =	ssyncset.done $0x0  }
0x791: {  	[sflag:s15] =	ssyncadd.s32 $0xFFFFC000  }
0x792: {  	[spmem:s4] =	stream.indirect.scatter.add.f32 [tilespmem:s14], [sflag:$0x3], $0x80, s26, s12, $0xb8;
	[tilespmem:$0x1F000] =	vst v63  }
0x793: {  	_ =	swait.ge [sflag:s5], $0x4000  }
0x794: {  	s0 =	sld [smem:$0x7BF]  }
0x795: {  	[sflag:s5] =	ssyncset.done $0x0  }
0x796: {  	[sflag:s5] =	ssyncadd.s32 $0xFFFFC000  }
0x797: {  	[tilespmem:s14], [sflag:$0x2] =	stream.indirect.gather [hbm4b:s3+s12], $0x80, s0, s12, $0xb8;
	[tilespmem:$0x1F000] =	vst v63  }
0x798: {  	_ =	swait.ge [sflag:s13], $0x4000  }
0x799: {  	[sflag:s13] =	ssyncset.done $0x0  }
0x79a: {  	[sflag:s13] =	ssyncadd.s32 $0xFFFFC000  }
0x79b: {  	[spmem:s4] =	stream.indirect.scatter.add.f32 [tilespmem:s7], [sflag:$0x3], $0x80, s25, s12, $0xb8;
	[tilespmem:$0x1F000] =	vst v63  }
0x79c: {  	_ =	swait.ge [sflag:s5], $0x4000  }
0x79d: {  	s0 =	sld [smem:$0x7C0]  }
0x79e: {  	[sflag:s5] =	ssyncset.done $0x0  }
0x79f: {  	[sflag:s5] =	ssyncadd.s32 $0xFFFFC000  }
0x7a0: {  	[tilespmem:s7], [sflag:$0x1] =	stream.indirect.gather [hbm4b:s3+s12], $0x80, s0, s12, $0xb8;
	[tilespmem:$0x1F000] =	vst v63  }
0x7a1: {  	_ =	swait.ge [sflag:s15], $0x4000  }
0x7a2: {  	[sflag:s15] =	ssyncset.done $0x0  }
0x7a3: {  	[sflag:s15] =	ssyncadd.s32 $0xFFFFC000  }
0x7a4: {  	[spmem:s4] =	stream.indirect.scatter.add.f32 [tilespmem:s14], [sflag:$0x3], $0x80, s24, s12, $0xb8;
	[tilespmem:$0x1F000] =	vst v63  }
0x7a5: {  	_ =	swait.ge [sflag:s5], $0x4000  }
0x7a6: {  	s0 =	sld [smem:$0x7C1]  }
0x7a7: {  	[sflag:s5] =	ssyncset.done $0x0  }
0x7a8: {  	[sflag:s5] =	ssyncadd.s32 $0xFFFFC000  }
0x7a9: {  	[tilespmem:s14], [sflag:$0x2] =	stream.indirect.gather [hbm4b:s3+s12], $0x80, s0, s12, $0xb8;
	[tilespmem:$0x1F000] =	vst v63  }
0x7aa: {  	_ =	swait.ge [sflag:s13], $0x4000  }
0x7ab: {  	[sflag:s13] =	ssyncset.done $0x0  }
0x7ac: {  	[sflag:s13] =	ssyncadd.s32 $0xFFFFC000  }
0x7ad: {  	[spmem:s4] =	stream.indirect.scatter.add.f32 [tilespmem:s7], [sflag:$0x3], $0x80, s23, s12, $0xb8;
	[tilespmem:$0x1F000] =	vst v63  }
0x7ae: {  	_ =	swait.ge [sflag:s5], $0x4000  }
0x7af: {  	s0 =	sld [smem:$0x7C2]  }
0x7b0: {  	[sflag:s5] =	ssyncset.done $0x0  }
0x7b1: {  	[sflag:s5] =	ssyncadd.s32 $0xFFFFC000  }
0x7b2: {  	[tilespmem:s7], [sflag:$0x1] =	stream.indirect.gather [hbm4b:s3+s12], $0x80, s0, s12, $0xb8;
	[tilespmem:$0x1F000] =	vst v63  }
0x7b3: {  	_ =	swait.ge [sflag:s15], $0x4000  }
0x7b4: {  	[sflag:s15] =	ssyncset.done $0x0  }
0x7b5: {  	[sflag:s15] =	ssyncadd.s32 $0xFFFFC000  }
0x7b6: {  	[spmem:s4] =	stream.indirect.scatter.add.f32 [tilespmem:s14], [sflag:$0x3], $0x80, s22, s12, $0xb8;
	[tilespmem:$0x1F000] =	vst v63  }
0x7b7: {  	_ =	swait.ge [sflag:s5], $0x4000  }
0x7b8: {  	s0 =	sld [smem:$0x7C3]  }
0x7b9: {  	[sflag:s5] =	ssyncset.done $0x0  }
0x7ba: {  	[sflag:s5] =	ssyncadd.s32 $0xFFFFC000  }
0x7bb: {  	[tilespmem:s14], [sflag:$0x2] =	stream.indirect.gather [hbm4b:s3+s12], $0x80, s0, s12, $0xb8;
	[tilespmem:$0x1F000] =	vst v63  }
0x7bc: {  	_ =	swait.ge [sflag:s13], $0x4000  }
0x7bd: {  	[sflag:s13] =	ssyncset.done $0x0  }
0x7be: {  	[sflag:s13] =	ssyncadd.s32 $0xFFFFC000  }
0x7bf: {  	[spmem:s4] =	stream.indirect.scatter.add.f32 [tilespmem:s7], [sflag:$0x3], $0x80, s21, s12, $0xb8;
	[tilespmem:$0x1F000] =	vst v63  }
0x7c0: {  	_ =	swait.ge [sflag:s5], $0x4000  }
0x7c1: {  	s0 =	sld [smem:$0x7C4]  }
0x7c2: {  	[sflag:s5] =	ssyncset.done $0x0  }
0x7c3: {  	[sflag:s5] =	ssyncadd.s32 $0xFFFFC000  }
0x7c4: {  	[tilespmem:s7], [sflag:$0x1] =	stream.indirect.gather [hbm4b:s3+s12], $0x80, s0, s12, $0xb8;
	[tilespmem:$0x1F000] =	vst v63  }
0x7c5: {  	_ =	swait.ge [sflag:s15], $0x4000  }
0x7c6: {  	[sflag:s15] =	ssyncset.done $0x0  }
0x7c7: {  	[sflag:s15] =	ssyncadd.s32 $0xFFFFC000  }
0x7c8: {  	[spmem:s4] =	stream.indirect.scatter.add.f32 [tilespmem:s14], [sflag:$0x3], $0x80, s20, s12, $0xb8;
	[tilespmem:$0x1F000] =	vst v63  }
0x7c9: {  	_ =	swait.ge [sflag:s5], $0x4000  }
0x7ca: {  	s0 =	sld [smem:$0x7C5]  }
0x7cb: {  	[sflag:s5] =	ssyncset.done $0x0  }
0x7cc: {  	[sflag:s5] =	ssyncadd.s32 $0xFFFFC000  }
0x7cd: {  	[tilespmem:s14], [sflag:$0x2] =	stream.indirect.gather [hbm4b:s3+s12], $0x80, s0, s12, $0xb8;
	[tilespmem:$0x1F000] =	vst v63  }
0x7ce: {  	_ =	swait.ge [sflag:s13], $0x4000  }
0x7cf: {  	[sflag:s13] =	ssyncset.done $0x0  }
0x7d0: {  	[sflag:s13] =	ssyncadd.s32 $0xFFFFC000  }
0x7d1: {  	[spmem:s4] =	stream.indirect.scatter.add.f32 [tilespmem:s7], [sflag:$0x3], $0x80, s19, s12, $0xb8;
	[tilespmem:$0x1F000] =	vst v63  }
0x7d2: {  	_ =	swait.ge [sflag:s5], $0x4000  }
0x7d3: {  	s0 =	sld [smem:$0x7C6]  }
0x7d4: {  	[sflag:s5] =	ssyncset.done $0x0  }
0x7d5: {  	[sflag:s5] =	ssyncadd.s32 $0xFFFFC000  }
0x7d6: {  	[tilespmem:s7], [sflag:$0x1] =	stream.indirect.gather [hbm4b:s3+s12], $0x80, s0, s12, $0xb8;
	[tilespmem:$0x1F000] =	vst v63  }
0x7d7: {  	_ =	swait.ge [sflag:s15], $0x4000  }
0x7d8: {  	[sflag:s15] =	ssyncset.done $0x0  }
0x7d9: {  	[sflag:s15] =	ssyncadd.s32 $0xFFFFC000  }
0x7da: {  	[spmem:s4] =	stream.indirect.scatter.add.f32 [tilespmem:s14], [sflag:$0x3], $0x80, s18, s12, $0xb8;
	[tilespmem:$0x1F000] =	vst v63  }
0x7db: {  	_ =	swait.ge [sflag:s5], $0x4000  }
0x7dc: {  	s0 =	sld [smem:$0x7C7]  }
0x7dd: {  	[sflag:s5] =	ssyncset.done $0x0  }
0x7de: {  	[sflag:s5] =	ssyncadd.s32 $0xFFFFC000  }
0x7df: {  	[tilespmem:s14], [sflag:$0x2] =	stream.indirect.gather [hbm4b:s3+s12], $0x80, s0, s12, $0xb8;
	[tilespmem:$0x1F000] =	vst v63  }
0x7e0: {  	_ =	swait.ge [sflag:s13], $0x4000  }
0x7e1: {  	[sflag:s13] =	ssyncset.done $0x0  }
0x7e2: {  	[sflag:s13] =	ssyncadd.s32 $0xFFFFC000  }
0x7e3: {  	[spmem:s4] =	stream.indirect.scatter.add.f32 [tilespmem:s7], [sflag:$0x3], $0x80, s17, s12, $0xb8;
	[tilespmem:$0x1F000] =	vst v63  }
0x7e4: {  	_ =	swait.ge [sflag:s5], $0x4000  }
0x7e5: {  	s0 =	sld [smem:$0x7C8]  }
0x7e6: {  	[sflag:s5] =	ssyncset.done $0x0  }
0x7e7: {  	[sflag:s5] =	ssyncadd.s32 $0xFFFFC000  }
0x7e8: {  	[tilespmem:s7], [sflag:$0x1] =	stream.indirect.gather [hbm4b:s3+s12], $0x80, s0, s12, $0xb8;
	[tilespmem:$0x1F000] =	vst v63  }
0x7e9: {  	_ =	swait.ge [sflag:s15], $0x4000  }
0x7ea: {  	[sflag:s15] =	ssyncset.done $0x0  }
0x7eb: {  	[sflag:s15] =	ssyncadd.s32 $0xFFFFC000  }
0x7ec: {  	[spmem:s4] =	stream.indirect.scatter.add.f32 [tilespmem:s14], [sflag:$0x3], $0x80, s8, s12, $0xb8;
	[tilespmem:$0x1F000] =	vst v63  }
0x7ed: {  	_ =	swait.ge [sflag:s5], $0x4000  }
0x7ee: {  	[sflag:s5] =	ssyncset.done $0x0  }
0x7ef: {  	s0 =	rddreg [dreg:$0x8];
	[sflag:s5] =	ssyncadd.s32 $0xFFFFC000  }
0x7f0: {  	[tilespmem:s2], [sflag:$0x3] =	stream.linear.gather [hbm4b:s0+s31], $0x800, $0x38;
	[tilespmem:$0x1F000] =	vst v63  }
0x7f1: {  	_ =	swait.ge [sflag:s5], $0x800  }
0x7f2: {  	s0 =	sld [smem:$0x7C9]  }
0x7f3: {  	[sflag:s5] =	ssyncset.done $0x0  }
0x7f4: {  	[sflag:s5] =	ssyncadd.s32 $0xFFFFF800  }
0x7f5: {  	[tilespmem:s14], [sflag:$0x2] =	stream.indirect.gather [hbm4b:s3+s12], $0x80, s0, s12, $0xb8;
	[tilespmem:$0x1F000] =	vst v63  }
0x7f6: {  	_ =	swait.ge [sflag:s13], $0x4000  }
0x7f7: {  	[sflag:s13] =	ssyncset.done $0x0  }
0x7f8: {  	[sflag:s13] =	ssyncadd.s32 $0xFFFFC000  }
0x7f9: {  	[spmem:s4] =	stream.indirect.scatter.add.f32 [tilespmem:s7], [sflag:$0x3], $0x80, s2, s12, $0xb8;
	[tilespmem:$0x1F000] =	vst v63  }
0x7fa: {  	_ =	swait.ge [sflag:s5], $0x4000  }
0x7fb: {  	s0 =	sld [smem:$0x7CA]  }
0x7fc: {  	[sflag:s5] =	ssyncset.done $0x0  }
0x7fd: {  	[sflag:s5] =	ssyncadd.s32 $0xFFFFC000  }
0x7fe: {  	[tilespmem:s7], [sflag:$0x1] =	stream.indirect.gather [hbm4b:s3+s12], $0x80, s0, s12, $0xb8;
	[tilespmem:$0x1F000] =	vst v63  }
0x7ff: {  	_ =	swait.ge [sflag:s15], $0x4000  }
0x800: {  	[sflag:s15] =	ssyncset.done $0x0  }
0x801: {  	[sflag:s15] =	ssyncadd.s32 $0xFFFFC000  }
0x802: {  	[spmem:s4] =	stream.indirect.scatter.add.f32 [tilespmem:s14], [sflag:$0x3], $0x80, s30, s12, $0xb8;
	[tilespmem:$0x1F000] =	vst v63  }
0x803: {  	_ =	swait.ge [sflag:s5], $0x4000  }
0x804: {  	s0 =	sld [smem:$0x7CB]  }
0x805: {  	[sflag:s5] =	ssyncset.done $0x0  }
0x806: {  	[sflag:s5] =	ssyncadd.s32 $0xFFFFC000  }
0x807: {  	[tilespmem:s14], [sflag:$0x2] =	stream.indirect.gather [hbm4b:s3+s12], $0x80, s0, s12, $0xb8;
	[tilespmem:$0x1F000] =	vst v63  }
0x808: {  	_ =	swait.ge [sflag:s13], $0x4000  }
0x809: {  	[sflag:s13] =	ssyncset.done $0x0  }
0x80a: {  	[sflag:s13] =	ssyncadd.s32 $0xFFFFC000  }
0x80b: {  	[spmem:s4] =	stream.indirect.scatter.add.f32 [tilespmem:s7], [sflag:$0x3], $0x80, s1, s12, $0xb8;
	[tilespmem:$0x1F000] =	vst v63  }
0x80c: {  	_ =	swait.ge [sflag:s5], $0x4000  }
0x80d: {  	s0 =	sld [smem:$0x7CC]  }
0x80e: {  	[sflag:s5] =	ssyncset.done $0x0  }
0x80f: {  	[sflag:s5] =	ssyncadd.s32 $0xFFFFC000  }
0x810: {  	[tilespmem:s7], [sflag:$0x1] =	stream.indirect.gather [hbm4b:s3+s12], $0x80, s0, s12, $0xb8;
	[tilespmem:$0x1F000] =	vst v63  }
0x811: {  	_ =	swait.ge [sflag:s15], $0x4000  }
0x812: {  	[sflag:s15] =	ssyncset.done $0x0  }
0x813: {  	[sflag:s15] =	ssyncadd.s32 $0xFFFFC000  }
0x814: {  	[spmem:s4] =	stream.indirect.scatter.add.f32 [tilespmem:s14], [sflag:$0x3], $0x80, s29, s12, $0xb8;
	[tilespmem:$0x1F000] =	vst v63  }
0x815: {  	_ =	swait.ge [sflag:s5], $0x4000  }
0x816: {  	s0 =	sld [smem:$0x7CD]  }
0x817: {  	[sflag:s5] =	ssyncset.done $0x0  }
0x818: {  	[sflag:s5] =	ssyncadd.s32 $0xFFFFC000  }
0x819: {  	[tilespmem:s14], [sflag:$0x2] =	stream.indirect.gather [hbm4b:s3+s12], $0x80, s0, s12, $0xb8;
	[tilespmem:$0x1F000] =	vst v63  }
0x81a: {  	_ =	swait.ge [sflag:s13], $0x4000  }
0x81b: {  	[sflag:s13] =	ssyncset.done $0x0  }
0x81c: {  	[sflag:s13] =	ssyncadd.s32 $0xFFFFC000  }
0x81d: {  	[spmem:s4] =	stream.indirect.scatter.add.f32 [tilespmem:s7], [sflag:$0x3], $0x80, s28, s12, $0xb8;
	[tilespmem:$0x1F000] =	vst v63  }
0x81e: {  	_ =	swait.ge [sflag:s5], $0x4000  }
0x81f: {  	s0 =	sld [smem:$0x7CE]  }
0x820: {  	[sflag:s5] =	ssyncset.done $0x0  }
0x821: {  	[sflag:s5] =	ssyncadd.s32 $0xFFFFC000  }
0x822: {  	[tilespmem:s7], [sflag:$0x1] =	stream.indirect.gather [hbm4b:s3+s12], $0x80, s0, s12, $0xb8;
	[tilespmem:$0x1F000] =	vst v63  }
0x823: {  	_ =	swait.ge [sflag:s15], $0x4000  }
0x824: {  	[sflag:s15] =	ssyncset.done $0x0  }
0x825: {  	[sflag:s15] =	ssyncadd.s32 $0xFFFFC000  }
0x826: {  	[spmem:s4] =	stream.indirect.scatter.add.f32 [tilespmem:s14], [sflag:$0x3], $0x80, s26, s12, $0xb8;
	[tilespmem:$0x1F000] =	vst v63  }
0x827: {  	_ =	swait.ge [sflag:s5], $0x4000  }
0x828: {  	s0 =	sld [smem:$0x7CF]  }
0x829: {  	[sflag:s5] =	ssyncset.done $0x0  }
0x82a: {  	[sflag:s5] =	ssyncadd.s32 $0xFFFFC000  }
0x82b: {  	[tilespmem:s14], [sflag:$0x2] =	stream.indirect.gather [hbm4b:s3+s12], $0x80, s0, s12, $0xb8;
	[tilespmem:$0x1F000] =	vst v63  }
0x82c: {  	_ =	swait.ge [sflag:s13], $0x4000  }
0x82d: {  	[sflag:s13] =	ssyncset.done $0x0  }
0x82e: {  	[sflag:s13] =	ssyncadd.s32 $0xFFFFC000  }
0x82f: {  	[spmem:s4] =	stream.indirect.scatter.add.f32 [tilespmem:s7], [sflag:$0x3], $0x80, s25, s12, $0xb8;
	[tilespmem:$0x1F000] =	vst v63  }
0x830: {  	_ =	swait.ge [sflag:s5], $0x4000  }
0x831: {  	s0 =	sld [smem:$0x7D0]  }
0x832: {  	[sflag:s5] =	ssyncset.done $0x0  }
0x833: {  	[sflag:s5] =	ssyncadd.s32 $0xFFFFC000  }
0x834: {  	[tilespmem:s7], [sflag:$0x1] =	stream.indirect.gather [hbm4b:s3+s12], $0x80, s0, s12, $0xb8;
	[tilespmem:$0x1F000] =	vst v63  }
0x835: {  	_ =	swait.ge [sflag:s15], $0x4000  }
0x836: {  	[sflag:s15] =	ssyncset.done $0x0  }
0x837: {  	[sflag:s15] =	ssyncadd.s32 $0xFFFFC000  }
0x838: {  	[spmem:s4] =	stream.indirect.scatter.add.f32 [tilespmem:s14], [sflag:$0x3], $0x80, s24, s12, $0xb8;
	[tilespmem:$0x1F000] =	vst v63  }
0x839: {  	_ =	swait.ge [sflag:s5], $0x4000  }
0x83a: {  	s0 =	sld [smem:$0x7D1]  }
0x83b: {  	[sflag:s5] =	ssyncset.done $0x0  }
0x83c: {  	[sflag:s5] =	ssyncadd.s32 $0xFFFFC000  }
0x83d: {  	[tilespmem:s14], [sflag:$0x2] =	stream.indirect.gather [hbm4b:s3+s12], $0x80, s0, s12, $0xb8;
	[tilespmem:$0x1F000] =	vst v63  }
0x83e: {  	_ =	swait.ge [sflag:s13], $0x4000  }
0x83f: {  	[sflag:s13] =	ssyncset.done $0x0  }
0x840: {  	[sflag:s13] =	ssyncadd.s32 $0xFFFFC000  }
0x841: {  	[spmem:s4] =	stream.indirect.scatter.add.f32 [tilespmem:s7], [sflag:$0x3], $0x80, s23, s12, $0xb8;
	[tilespmem:$0x1F000] =	vst v63  }
0x842: {  	_ =	swait.ge [sflag:s5], $0x4000  }
0x843: {  	s0 =	sld [smem:$0x7D2]  }
0x844: {  	[sflag:s5] =	ssyncset.done $0x0  }
0x845: {  	[sflag:s5] =	ssyncadd.s32 $0xFFFFC000  }
0x846: {  	[tilespmem:s7], [sflag:$0x1] =	stream.indirect.gather [hbm4b:s3+s12], $0x80, s0, s12, $0xb8;
	[tilespmem:$0x1F000] =	vst v63  }
0x847: {  	_ =	swait.ge [sflag:s15], $0x4000  }
0x848: {  	[sflag:s15] =	ssyncset.done $0x0  }
0x849: {  	[sflag:s15] =	ssyncadd.s32 $0xFFFFC000  }
0x84a: {  	[spmem:s4] =	stream.indirect.scatter.add.f32 [tilespmem:s14], [sflag:$0x3], $0x80, s22, s12, $0xb8;
	[tilespmem:$0x1F000] =	vst v63  }
0x84b: {  	_ =	swait.ge [sflag:s5], $0x4000  }
0x84c: {  	s0 =	sld [smem:$0x7D3]  }
0x84d: {  	[sflag:s5] =	ssyncset.done $0x0  }
0x84e: {  	[sflag:s5] =	ssyncadd.s32 $0xFFFFC000  }
0x84f: {  	[tilespmem:s14], [sflag:$0x2] =	stream.indirect.gather [hbm4b:s3+s12], $0x80, s0, s12, $0xb8;
	[tilespmem:$0x1F000] =	vst v63  }
0x850: {  	_ =	swait.ge [sflag:s13], $0x4000  }
0x851: {  	[sflag:s13] =	ssyncset.done $0x0  }
0x852: {  	[sflag:s13] =	ssyncadd.s32 $0xFFFFC000  }
0x853: {  	[spmem:s4] =	stream.indirect.scatter.add.f32 [tilespmem:s7], [sflag:$0x3], $0x80, s21, s12, $0xb8;
	[tilespmem:$0x1F000] =	vst v63  }
0x854: {  	_ =	swait.ge [sflag:s5], $0x4000  }
0x855: {  	s0 =	sld [smem:$0x7D4]  }
0x856: {  	[sflag:s5] =	ssyncset.done $0x0  }
0x857: {  	[sflag:s5] =	ssyncadd.s32 $0xFFFFC000  }
0x858: {  	[tilespmem:s7], [sflag:$0x1] =	stream.indirect.gather [hbm4b:s3+s12], $0x80, s0, s12, $0xb8;
	[tilespmem:$0x1F000] =	vst v63  }
0x859: {  	_ =	swait.ge [sflag:s15], $0x4000  }
0x85a: {  	[sflag:s15] =	ssyncset.done $0x0  }
0x85b: {  	[sflag:s15] =	ssyncadd.s32 $0xFFFFC000  }
0x85c: {  	[spmem:s4] =	stream.indirect.scatter.add.f32 [tilespmem:s14], [sflag:$0x3], $0x80, s20, s12, $0xb8;
	[tilespmem:$0x1F000] =	vst v63  }
0x85d: {  	_ =	swait.ge [sflag:s5], $0x4000  }
0x85e: {  	s0 =	sld [smem:$0x7D5]  }
0x85f: {  	[sflag:s5] =	ssyncset.done $0x0  }
0x860: {  	[sflag:s5] =	ssyncadd.s32 $0xFFFFC000  }
0x861: {  	[tilespmem:s14], [sflag:$0x2] =	stream.indirect.gather [hbm4b:s3+s12], $0x80, s0, s12, $0xb8;
	[tilespmem:$0x1F000] =	vst v63  }
0x862: {  	_ =	swait.ge [sflag:s13], $0x4000  }
0x863: {  	[sflag:s13] =	ssyncset.done $0x0  }
0x864: {  	[sflag:s13] =	ssyncadd.s32 $0xFFFFC000  }
0x865: {  	[spmem:s4] =	stream.indirect.scatter.add.f32 [tilespmem:s7], [sflag:$0x3], $0x80, s19, s12, $0xb8;
	[tilespmem:$0x1F000] =	vst v63  }
0x866: {  	_ =	swait.ge [sflag:s5], $0x4000  }
0x867: {  	s0 =	sld [smem:$0x7D6]  }
0x868: {  	[sflag:s5] =	ssyncset.done $0x0  }
0x869: {  	[sflag:s5] =	ssyncadd.s32 $0xFFFFC000  }
0x86a: {  	[tilespmem:s7], [sflag:$0x1] =	stream.indirect.gather [hbm4b:s3+s12], $0x80, s0, s12, $0xb8;
	[tilespmem:$0x1F000] =	vst v63  }
0x86b: {  	_ =	swait.ge [sflag:s15], $0x4000  }
0x86c: {  	[sflag:s15] =	ssyncset.done $0x0  }
0x86d: {  	[sflag:s15] =	ssyncadd.s32 $0xFFFFC000  }
0x86e: {  	[spmem:s4] =	stream.indirect.scatter.add.f32 [tilespmem:s14], [sflag:$0x3], $0x80, s18, s12, $0xb8;
	[tilespmem:$0x1F000] =	vst v63  }
0x86f: {  	_ =	swait.ge [sflag:s5], $0x4000  }
0x870: {  	s0 =	sld [smem:$0x7D7]  }
0x871: {  	[sflag:s5] =	ssyncset.done $0x0  }
0x872: {  	[sflag:s5] =	ssyncadd.s32 $0xFFFFC000  }
0x873: {  	[tilespmem:s14], [sflag:$0x2] =	stream.indirect.gather [hbm4b:s3+s12], $0x80, s0, s12, $0xb8;
	[tilespmem:$0x1F000] =	vst v63  }
0x874: {  	_ =	swait.ge [sflag:s13], $0x4000  }
0x875: {  	[sflag:s13] =	ssyncset.done $0x0  }
0x876: {  	[sflag:s13] =	ssyncadd.s32 $0xFFFFC000  }
0x877: {  	[spmem:s4] =	stream.indirect.scatter.add.f32 [tilespmem:s7], [sflag:$0x3], $0x80, s17, s12, $0xb8;
	[tilespmem:$0x1F000] =	vst v63  }
0x878: {  	_ =	swait.ge [sflag:s5], $0x4000  }
0x879: {  	s0 =	sld [smem:$0x7D8]  }
0x87a: {  	[sflag:s5] =	ssyncset.done $0x0  }
0x87b: {  	[sflag:s5] =	ssyncadd.s32 $0xFFFFC000  }
0x87c: {  	[tilespmem:s7], [sflag:$0x1] =	stream.indirect.gather [hbm4b:s3+s12], $0x80, s0, s12, $0xb8;
	[tilespmem:$0x1F000] =	vst v63  }
0x87d: {  	_ =	swait.ge [sflag:s15], $0x4000  }
0x87e: {  	[sflag:s15] =	ssyncset.done $0x0  }
0x87f: {  	[sflag:s15] =	ssyncadd.s32 $0xFFFFC000  }
0x880: {  	[spmem:s4] =	stream.indirect.scatter.add.f32 [tilespmem:s14], [sflag:$0x3], $0x80, s8, s12, $0xb8;
	[tilespmem:$0x1F000] =	vst v63  }
0x881: {  	_ =	swait.ge [sflag:s5], $0x4000  }
0x882: {  	[sflag:s5] =	ssyncset.done $0x0  }
0x883: {  	s0 =	rddreg [dreg:$0x9];
	[sflag:s5] =	ssyncadd.s32 $0xFFFFC000  }
0x884: {  	[tilespmem:s2], [sflag:$0x3] =	stream.linear.gather [hbm4b:s0+s31], $0x800, $0x38;
	[tilespmem:$0x1F000] =	vst v63  }
0x885: {  	_ =	swait.ge [sflag:s5], $0x800  }
0x886: {  	s0 =	sld [smem:$0x7D9]  }
0x887: {  	[sflag:s5] =	ssyncset.done $0x0  }
0x888: {  	[sflag:s5] =	ssyncadd.s32 $0xFFFFF800  }
0x889: {  	[tilespmem:s14], [sflag:$0x2] =	stream.indirect.gather [hbm4b:s3+s12], $0x80, s0, s12, $0xb8;
	[tilespmem:$0x1F000] =	vst v63  }
0x88a: {  	_ =	swait.ge [sflag:s13], $0x4000  }
0x88b: {  	[sflag:s13] =	ssyncset.done $0x0  }
0x88c: {  	[sflag:s13] =	ssyncadd.s32 $0xFFFFC000  }
0x88d: {  	[spmem:s4] =	stream.indirect.scatter.add.f32 [tilespmem:s7], [sflag:$0x3], $0x80, s2, s12, $0xb8;
	[tilespmem:$0x1F000] =	vst v63  }
0x88e: {  	_ =	swait.ge [sflag:s5], $0x4000  }
0x88f: {  	s0 =	sld [smem:$0x7DA]  }
0x890: {  	[sflag:s5] =	ssyncset.done $0x0  }
0x891: {  	[sflag:s5] =	ssyncadd.s32 $0xFFFFC000  }
0x892: {  	[tilespmem:s7], [sflag:$0x1] =	stream.indirect.gather [hbm4b:s3+s12], $0x80, s0, s12, $0xb8;
	[tilespmem:$0x1F000] =	vst v63  }
0x893: {  	_ =	swait.ge [sflag:s15], $0x4000  }
0x894: {  	[sflag:s15] =	ssyncset.done $0x0  }
0x895: {  	[sflag:s15] =	ssyncadd.s32 $0xFFFFC000  }
0x896: {  	[spmem:s4] =	stream.indirect.scatter.add.f32 [tilespmem:s14], [sflag:$0x3], $0x80, s30, s12, $0xb8;
	[tilespmem:$0x1F000] =	vst v63  }
0x897: {  	_ =	swait.ge [sflag:s5], $0x4000  }
0x898: {  	s0 =	sld [smem:$0x7DB]  }
0x899: {  	[sflag:s5] =	ssyncset.done $0x0  }
0x89a: {  	[sflag:s5] =	ssyncadd.s32 $0xFFFFC000  }
0x89b: {  	[tilespmem:s14], [sflag:$0x2] =	stream.indirect.gather [hbm4b:s3+s12], $0x80, s0, s12, $0xb8;
	[tilespmem:$0x1F000] =	vst v63  }
0x89c: {  	_ =	swait.ge [sflag:s13], $0x4000  }
0x89d: {  	[sflag:s13] =	ssyncset.done $0x0  }
0x89e: {  	[sflag:s13] =	ssyncadd.s32 $0xFFFFC000  }
0x89f: {  	[spmem:s4] =	stream.indirect.scatter.add.f32 [tilespmem:s7], [sflag:$0x3], $0x80, s1, s12, $0xb8;
	[tilespmem:$0x1F000] =	vst v63  }
0x8a0: {  	_ =	swait.ge [sflag:s5], $0x4000  }
0x8a1: {  	s0 =	sld [smem:$0x7DC]  }
0x8a2: {  	[sflag:s5] =	ssyncset.done $0x0  }
0x8a3: {  	[sflag:s5] =	ssyncadd.s32 $0xFFFFC000  }
0x8a4: {  	[tilespmem:s7], [sflag:$0x1] =	stream.indirect.gather [hbm4b:s3+s12], $0x80, s0, s12, $0xb8;
	[tilespmem:$0x1F000] =	vst v63  }
0x8a5: {  	_ =	swait.ge [sflag:s15], $0x4000  }
0x8a6: {  	[sflag:s15] =	ssyncset.done $0x0  }
0x8a7: {  	[sflag:s15] =	ssyncadd.s32 $0xFFFFC000  }
0x8a8: {  	[spmem:s4] =	stream.indirect.scatter.add.f32 [tilespmem:s14], [sflag:$0x3], $0x80, s29, s12, $0xb8;
	[tilespmem:$0x1F000] =	vst v63  }
0x8a9: {  	_ =	swait.ge [sflag:s5], $0x4000  }
0x8aa: {  	s0 =	sld [smem:$0x7DD]  }
0x8ab: {  	[sflag:s5] =	ssyncset.done $0x0  }
0x8ac: {  	[sflag:s5] =	ssyncadd.s32 $0xFFFFC000  }
0x8ad: {  	[tilespmem:s14], [sflag:$0x2] =	stream.indirect.gather [hbm4b:s3+s12], $0x80, s0, s12, $0xb8;
	[tilespmem:$0x1F000] =	vst v63  }
0x8ae: {  	_ =	swait.ge [sflag:s13], $0x4000  }
0x8af: {  	[sflag:s13] =	ssyncset.done $0x0  }
0x8b0: {  	[sflag:s13] =	ssyncadd.s32 $0xFFFFC000  }
0x8b1: {  	[spmem:s4] =	stream.indirect.scatter.add.f32 [tilespmem:s7], [sflag:$0x3], $0x80, s28, s12, $0xb8;
	[tilespmem:$0x1F000] =	vst v63  }
0x8b2: {  	_ =	swait.ge [sflag:s5], $0x4000  }
0x8b3: {  	s0 =	sld [smem:$0x7DE]  }
0x8b4: {  	[sflag:s5] =	ssyncset.done $0x0  }
0x8b5: {  	[sflag:s5] =	ssyncadd.s32 $0xFFFFC000  }
0x8b6: {  	[tilespmem:s7], [sflag:$0x1] =	stream.indirect.gather [hbm4b:s3+s12], $0x80, s0, s12, $0xb8;
	[tilespmem:$0x1F000] =	vst v63  }
0x8b7: {  	_ =	swait.ge [sflag:s15], $0x4000  }
0x8b8: {  	[sflag:s15] =	ssyncset.done $0x0  }
0x8b9: {  	[sflag:s15] =	ssyncadd.s32 $0xFFFFC000  }
0x8ba: {  	[spmem:s4] =	stream.indirect.scatter.add.f32 [tilespmem:s14], [sflag:$0x3], $0x80, s26, s12, $0xb8;
	[tilespmem:$0x1F000] =	vst v63  }
0x8bb: {  	_ =	swait.ge [sflag:s5], $0x4000  }
0x8bc: {  	s0 =	sld [smem:$0x7DF]  }
0x8bd: {  	[sflag:s5] =	ssyncset.done $0x0  }
0x8be: {  	[sflag:s5] =	ssyncadd.s32 $0xFFFFC000  }
0x8bf: {  	[tilespmem:s14], [sflag:$0x2] =	stream.indirect.gather [hbm4b:s3+s12], $0x80, s0, s12, $0xb8;
	[tilespmem:$0x1F000] =	vst v63  }
0x8c0: {  	_ =	swait.ge [sflag:s13], $0x4000  }
0x8c1: {  	[sflag:s13] =	ssyncset.done $0x0  }
0x8c2: {  	[sflag:s13] =	ssyncadd.s32 $0xFFFFC000  }
0x8c3: {  	[spmem:s4] =	stream.indirect.scatter.add.f32 [tilespmem:s7], [sflag:$0x3], $0x80, s25, s12, $0xb8;
	[tilespmem:$0x1F000] =	vst v63  }
0x8c4: {  	_ =	swait.ge [sflag:s5], $0x4000  }
0x8c5: {  	s0 =	sld [smem:$0x7E0]  }
0x8c6: {  	[sflag:s5] =	ssyncset.done $0x0  }
0x8c7: {  	[sflag:s5] =	ssyncadd.s32 $0xFFFFC000  }
0x8c8: {  	[tilespmem:s7], [sflag:$0x1] =	stream.indirect.gather [hbm4b:s3+s12], $0x80, s0, s12, $0xb8;
	[tilespmem:$0x1F000] =	vst v63  }
0x8c9: {  	_ =	swait.ge [sflag:s15], $0x4000  }
0x8ca: {  	[sflag:s15] =	ssyncset.done $0x0  }
0x8cb: {  	[sflag:s15] =	ssyncadd.s32 $0xFFFFC000  }
0x8cc: {  	[spmem:s4] =	stream.indirect.scatter.add.f32 [tilespmem:s14], [sflag:$0x3], $0x80, s24, s12, $0xb8;
	[tilespmem:$0x1F000] =	vst v63  }
0x8cd: {  	_ =	swait.ge [sflag:s5], $0x4000  }
0x8ce: {  	s0 =	sld [smem:$0x7E1]  }
0x8cf: {  	[sflag:s5] =	ssyncset.done $0x0  }
0x8d0: {  	[sflag:s5] =	ssyncadd.s32 $0xFFFFC000  }
0x8d1: {  	[tilespmem:s14], [sflag:$0x2] =	stream.indirect.gather [hbm4b:s3+s12], $0x80, s0, s12, $0xb8;
	[tilespmem:$0x1F000] =	vst v63  }
0x8d2: {  	_ =	swait.ge [sflag:s13], $0x4000  }
0x8d3: {  	[sflag:s13] =	ssyncset.done $0x0  }
0x8d4: {  	[sflag:s13] =	ssyncadd.s32 $0xFFFFC000  }
0x8d5: {  	[spmem:s4] =	stream.indirect.scatter.add.f32 [tilespmem:s7], [sflag:$0x3], $0x80, s23, s12, $0xb8;
	[tilespmem:$0x1F000] =	vst v63  }
0x8d6: {  	_ =	swait.ge [sflag:s5], $0x4000  }
0x8d7: {  	s0 =	sld [smem:$0x7E2]  }
0x8d8: {  	[sflag:s5] =	ssyncset.done $0x0  }
0x8d9: {  	[sflag:s5] =	ssyncadd.s32 $0xFFFFC000  }
0x8da: {  	[tilespmem:s7], [sflag:$0x1] =	stream.indirect.gather [hbm4b:s3+s12], $0x80, s0, s12, $0xb8;
	[tilespmem:$0x1F000] =	vst v63  }
0x8db: {  	_ =	swait.ge [sflag:s15], $0x4000  }
0x8dc: {  	[sflag:s15] =	ssyncset.done $0x0  }
0x8dd: {  	[sflag:s15] =	ssyncadd.s32 $0xFFFFC000  }
0x8de: {  	[spmem:s4] =	stream.indirect.scatter.add.f32 [tilespmem:s14], [sflag:$0x3], $0x80, s22, s12, $0xb8;
	[tilespmem:$0x1F000] =	vst v63  }
0x8df: {  	_ =	swait.ge [sflag:s5], $0x4000  }
0x8e0: {  	s0 =	sld [smem:$0x7E3]  }
0x8e1: {  	[sflag:s5] =	ssyncset.done $0x0  }
0x8e2: {  	[sflag:s5] =	ssyncadd.s32 $0xFFFFC000  }
0x8e3: {  	[tilespmem:s14], [sflag:$0x2] =	stream.indirect.gather [hbm4b:s3+s12], $0x80, s0, s12, $0xb8;
	[tilespmem:$0x1F000] =	vst v63  }
0x8e4: {  	_ =	swait.ge [sflag:s13], $0x4000  }
0x8e5: {  	[sflag:s13] =	ssyncset.done $0x0  }
0x8e6: {  	[sflag:s13] =	ssyncadd.s32 $0xFFFFC000  }
0x8e7: {  	[spmem:s4] =	stream.indirect.scatter.add.f32 [tilespmem:s7], [sflag:$0x3], $0x80, s21, s12, $0xb8;
	[tilespmem:$0x1F000] =	vst v63  }
0x8e8: {  	_ =	swait.ge [sflag:s5], $0x4000  }
0x8e9: {  	s0 =	sld [smem:$0x7E4]  }
0x8ea: {  	[sflag:s5] =	ssyncset.done $0x0  }
0x8eb: {  	[sflag:s5] =	ssyncadd.s32 $0xFFFFC000  }
0x8ec: {  	[tilespmem:s7], [sflag:$0x1] =	stream.indirect.gather [hbm4b:s3+s12], $0x80, s0, s12, $0xb8;
	[tilespmem:$0x1F000] =	vst v63  }
0x8ed: {  	_ =	swait.ge [sflag:s15], $0x4000  }
0x8ee: {  	[sflag:s15] =	ssyncset.done $0x0  }
0x8ef: {  	[sflag:s15] =	ssyncadd.s32 $0xFFFFC000  }
0x8f0: {  	[spmem:s4] =	stream.indirect.scatter.add.f32 [tilespmem:s14], [sflag:$0x3], $0x80, s20, s12, $0xb8;
	[tilespmem:$0x1F000] =	vst v63  }
0x8f1: {  	_ =	swait.ge [sflag:s5], $0x4000  }
0x8f2: {  	s0 =	sld [smem:$0x7E5]  }
0x8f3: {  	[sflag:s5] =	ssyncset.done $0x0  }
0x8f4: {  	[sflag:s5] =	ssyncadd.s32 $0xFFFFC000  }
0x8f5: {  	[tilespmem:s14], [sflag:$0x2] =	stream.indirect.gather [hbm4b:s3+s12], $0x80, s0, s12, $0xb8;
	[tilespmem:$0x1F000] =	vst v63  }
0x8f6: {  	_ =	swait.ge [sflag:s13], $0x4000  }
0x8f7: {  	[sflag:s13] =	ssyncset.done $0x0  }
0x8f8: {  	[sflag:s13] =	ssyncadd.s32 $0xFFFFC000  }
0x8f9: {  	[spmem:s4] =	stream.indirect.scatter.add.f32 [tilespmem:s7], [sflag:$0x3], $0x80, s19, s12, $0xb8;
	[tilespmem:$0x1F000] =	vst v63  }
0x8fa: {  	_ =	swait.ge [sflag:s5], $0x4000  }
0x8fb: {  	s0 =	sld [smem:$0x7E7]  }
0x8fc: {  	[sflag:s5] =	ssyncset.done $0x0  }
0x8fd: {  	[sflag:s5] =	ssyncadd.s32 $0xFFFFC000  }
0x8fe: {  	[tilespmem:s7], [sflag:$0x1] =	stream.indirect.gather [hbm4b:s3+s12], $0x80, s0, s12, $0xb8;
	[tilespmem:$0x1F000] =	vst v63  }
0x8ff: {  	_ =	swait.ge [sflag:s15], $0x4000  }
0x900: {  	[sflag:s15] =	ssyncset.done $0x0  }
0x901: {  	[sflag:s15] =	ssyncadd.s32 $0xFFFFC000  }
0x902: {  	[spmem:s4] =	stream.indirect.scatter.add.f32 [tilespmem:s14], [sflag:$0x3], $0x80, s18, s12, $0xb8;
	[tilespmem:$0x1F000] =	vst v63  }
0x903: {  	_ =	swait.ge [sflag:s5], $0x4000  }
0x904: {  	s0 =	sld [smem:$0x7E9]  }
0x905: {  	[sflag:s5] =	ssyncset.done $0x0  }
0x906: {  	[sflag:s5] =	ssyncadd.s32 $0xFFFFC000  }
0x907: {  	[tilespmem:s14], [sflag:$0x2] =	stream.indirect.gather [hbm4b:s3+s12], $0x80, s0, s12, $0xb8;
	[tilespmem:$0x1F000] =	vst v63  }
0x908: {  	_ =	swait.ge [sflag:s13], $0x4000  }
0x909: {  	[sflag:s13] =	ssyncset.done $0x0  }
0x90a: {  	[sflag:s13] =	ssyncadd.s32 $0xFFFFC000  }
0x90b: {  	[spmem:s4] =	stream.indirect.scatter.add.f32 [tilespmem:s7], [sflag:$0x3], $0x80, s17, s12, $0xb8;
	[tilespmem:$0x1F000] =	vst v63  }
0x90c: {  	_ =	swait.ge [sflag:s5], $0x4000  }
0x90d: {  	s0 =	sld [smem:$0x7EB]  }
0x90e: {  	[sflag:s5] =	ssyncset.done $0x0  }
0x90f: {  	[sflag:s5] =	ssyncadd.s32 $0xFFFFC000  }
0x910: {  	[tilespmem:s7], [sflag:$0x1] =	stream.indirect.gather [hbm4b:s3+s12], $0x80, s0, s12, $0xb8;
	[tilespmem:$0x1F000] =	vst v63  }
0x911: {  	_ =	swait.ge [sflag:s15], $0x4000  }
0x912: {  	[sflag:s15] =	ssyncset.done $0x0  }
0x913: {  	[sflag:s15] =	ssyncadd.s32 $0xFFFFC000  }
0x914: {  	[spmem:s4] =	stream.indirect.scatter.add.f32 [tilespmem:s14], [sflag:$0x3], $0x80, s8, s12, $0xb8;
	[tilespmem:$0x1F000] =	vst v63  }
0x915: {  	_ =	swait.ge [sflag:s5], $0x4000  }
0x916: {  	[sflag:s5] =	ssyncset.done $0x0  }
0x917: {  	s0 =	rddreg [dreg:$0xa];
	[sflag:s5] =	ssyncadd.s32 $0xFFFFC000  }
0x918: {  	[tilespmem:s2], [sflag:$0x3] =	stream.linear.gather [hbm4b:s0+s31], $0x800, $0x38;
	[tilespmem:$0x1F000] =	vst v63  }
0x919: {  	_ =	swait.ge [sflag:s5], $0x800  }
0x91a: {  	s0 =	sld [smem:$0x7ED]  }
0x91b: {  	[sflag:s5] =	ssyncset.done $0x0  }
0x91c: {  	[sflag:s5] =	ssyncadd.s32 $0xFFFFF800  }
0x91d: {  	[tilespmem:s14], [sflag:$0x2] =	stream.indirect.gather [hbm4b:s3+s12], $0x80, s0, s12, $0xb8;
	[tilespmem:$0x1F000] =	vst v63  }
0x91e: {  	_ =	swait.ge [sflag:s13], $0x4000  }
0x91f: {  	[sflag:s13] =	ssyncset.done $0x0  }
0x920: {  	[sflag:s13] =	ssyncadd.s32 $0xFFFFC000  }
0x921: {  	[spmem:s4] =	stream.indirect.scatter.add.f32 [tilespmem:s7], [sflag:$0x3], $0x80, s2, s12, $0xb8;
	[tilespmem:$0x1F000] =	vst v63  }
0x922: {  	_ =	swait.ge [sflag:s5], $0x4000  }
0x923: {  	s2 =	sld [smem:$0x7EF]  }
0x924: {  	[sflag:s5] =	ssyncset.done $0x0  }
0x925: {  	[sflag:s5] =	ssyncadd.s32 $0xFFFFC000  }
0x926: {  	[tilespmem:s7], [sflag:$0x1] =	stream.indirect.gather [hbm4b:s3+s12], $0x80, s2, s12, $0xb8;
	[tilespmem:$0x1F000] =	vst v63  }
0x927: {  	_ =	swait.ge [sflag:s15], $0x4000  }
0x928: {  	[sflag:s15] =	ssyncset.done $0x0  }
0x929: {  	[sflag:s15] =	ssyncadd.s32 $0xFFFFC000  }
0x92a: {  	[spmem:s4] =	stream.indirect.scatter.add.f32 [tilespmem:s14], [sflag:$0x3], $0x80, s30, s12, $0xb8;
	[tilespmem:$0x1F000] =	vst v63  }
0x92b: {  	_ =	swait.ge [sflag:s5], $0x4000  }
0x92c: {  	s2 =	sld [smem:$0x7F0]  }
0x92d: {  	[sflag:s5] =	ssyncset.done $0x0  }
0x92e: {  	[sflag:s5] =	ssyncadd.s32 $0xFFFFC000  }
0x92f: {  	[tilespmem:s14], [sflag:$0x2] =	stream.indirect.gather [hbm4b:s3+s12], $0x80, s2, s12, $0xb8;
	[tilespmem:$0x1F000] =	vst v63  }
0x930: {  	_ =	swait.ge [sflag:s13], $0x4000  }
0x931: {  	[sflag:s13] =	ssyncset.done $0x0  }
0x932: {  	[sflag:s13] =	ssyncadd.s32 $0xFFFFC000  }
0x933: {  	[spmem:s4] =	stream.indirect.scatter.add.f32 [tilespmem:s7], [sflag:$0x3], $0x80, s1, s12, $0xb8;
	[tilespmem:$0x1F000] =	vst v63  }
0x934: {  	_ =	swait.ge [sflag:s5], $0x4000  }
0x935: {  	s30 =	sld [smem:$0x7F1]  }
0x936: {  	[sflag:s5] =	ssyncset.done $0x0  }
0x937: {  	[sflag:s5] =	ssyncadd.s32 $0xFFFFC000  }
0x938: {  	[tilespmem:s7], [sflag:$0x1] =	stream.indirect.gather [hbm4b:s3+s12], $0x80, s30, s12, $0xb8;
	[tilespmem:$0x1F000] =	vst v63  }
0x939: {  	_ =	swait.ge [sflag:s15], $0x4000  }
0x93a: {  	[sflag:s15] =	ssyncset.done $0x0  }
0x93b: {  	[sflag:s15] =	ssyncadd.s32 $0xFFFFC000  }
0x93c: {  	[spmem:s4] =	stream.indirect.scatter.add.f32 [tilespmem:s14], [sflag:$0x3], $0x80, s29, s12, $0xb8;
	[tilespmem:$0x1F000] =	vst v63  }
0x93d: {  	_ =	swait.ge [sflag:s5], $0x4000  }
0x93e: {  	s1 =	sld [smem:$0x7F2]  }
0x93f: {  	[sflag:s5] =	ssyncset.done $0x0  }
0x940: {  	[sflag:s5] =	ssyncadd.s32 $0xFFFFC000  }
0x941: {  	[tilespmem:s14], [sflag:$0x2] =	stream.indirect.gather [hbm4b:s3+s12], $0x80, s1, s12, $0xb8;
	[tilespmem:$0x1F000] =	vst v63  }
0x942: {  	_ =	swait.ge [sflag:s13], $0x4000  }
0x943: {  	[sflag:s13] =	ssyncset.done $0x0  }
0x944: {  	[sflag:s13] =	ssyncadd.s32 $0xFFFFC000  }
0x945: {  	[spmem:s4] =	stream.indirect.scatter.add.f32 [tilespmem:s7], [sflag:$0x3], $0x80, s28, s12, $0xb8;
	[tilespmem:$0x1F000] =	vst v63  }
0x946: {  	_ =	swait.ge [sflag:s5], $0x4000  }
0x947: {  	s2 =	sld [smem:$0x7F3]  }
0x948: {  	[sflag:s5] =	ssyncset.done $0x0  }
0x949: {  	[sflag:s5] =	ssyncadd.s32 $0xFFFFC000  }
0x94a: {  	[tilespmem:s7], [sflag:$0x1] =	stream.indirect.gather [hbm4b:s3+s12], $0x80, s2, s12, $0xb8;
	[tilespmem:$0x1F000] =	vst v63  }
0x94b: {  	_ =	swait.ge [sflag:s15], $0x4000  }
0x94c: {  	[sflag:s15] =	ssyncset.done $0x0  }
0x94d: {  	[sflag:s15] =	ssyncadd.s32 $0xFFFFC000  }
0x94e: {  	[spmem:s4] =	stream.indirect.scatter.add.f32 [tilespmem:s14], [sflag:$0x3], $0x80, s26, s12, $0xb8;
	[tilespmem:$0x1F000] =	vst v63  }
0x94f: {  	_ =	swait.ge [sflag:s5], $0x4000  }
0x950: {  	s26 =	sld [smem:$0x7F4]  }
0x951: {  	[sflag:s5] =	ssyncset.done $0x0  }
0x952: {  	[sflag:s5] =	ssyncadd.s32 $0xFFFFC000  }
0x953: {  	[tilespmem:s14], [sflag:$0x2] =	stream.indirect.gather [hbm4b:s3+s12], $0x80, s26, s12, $0xb8;
	[tilespmem:$0x1F000] =	vst v63  }
0x954: {  	_ =	swait.ge [sflag:s13], $0x4000  }
0x955: {  	[sflag:s13] =	ssyncset.done $0x0  }
0x956: {  	[sflag:s13] =	ssyncadd.s32 $0xFFFFC000  }
0x957: {  	[spmem:s4] =	stream.indirect.scatter.add.f32 [tilespmem:s7], [sflag:$0x3], $0x80, s25, s12, $0xb8;
	[tilespmem:$0x1F000] =	vst v63  }
0x958: {  	_ =	swait.ge [sflag:s5], $0x4000  }
0x959: {  	s28 =	sld [smem:$0x7F5]  }
0x95a: {  	[sflag:s5] =	ssyncset.done $0x0  }
0x95b: {  	[sflag:s5] =	ssyncadd.s32 $0xFFFFC000  }
0x95c: {  	[tilespmem:s7], [sflag:$0x1] =	stream.indirect.gather [hbm4b:s3+s12], $0x80, s28, s12, $0xb8;
	[tilespmem:$0x1F000] =	vst v63  }
0x95d: {  	_ =	swait.ge [sflag:s15], $0x4000  }
0x95e: {  	[sflag:s15] =	ssyncset.done $0x0  }
0x95f: {  	[sflag:s15] =	ssyncadd.s32 $0xFFFFC000  }
0x960: {  	[spmem:s4] =	stream.indirect.scatter.add.f32 [tilespmem:s14], [sflag:$0x3], $0x80, s24, s12, $0xb8;
	[tilespmem:$0x1F000] =	vst v63  }
0x961: {  	_ =	swait.ge [sflag:s5], $0x4000  }
0x962: {  	s29 =	sld [smem:$0x7F6]  }
0x963: {  	[sflag:s5] =	ssyncset.done $0x0  }
0x964: {  	[sflag:s5] =	ssyncadd.s32 $0xFFFFC000  }
0x965: {  	[tilespmem:s14], [sflag:$0x2] =	stream.indirect.gather [hbm4b:s3+s12], $0x80, s29, s12, $0xb8;
	[tilespmem:$0x1F000] =	vst v63  }
0x966: {  	_ =	swait.ge [sflag:s13], $0x4000  }
0x967: {  	[sflag:s13] =	ssyncset.done $0x0  }
0x968: {  	[sflag:s13] =	ssyncadd.s32 $0xFFFFC000  }
0x969: {  	[spmem:s4] =	stream.indirect.scatter.add.f32 [tilespmem:s7], [sflag:$0x3], $0x80, s23, s12, $0xb8;
	[tilespmem:$0x1F000] =	vst v63  }
0x96a: {  	_ =	swait.ge [sflag:s5], $0x4000  }
0x96b: {  	s30 =	sld [smem:$0x7F7]  }
0x96c: {  	[sflag:s5] =	ssyncset.done $0x0  }
0x96d: {  	[sflag:s5] =	ssyncadd.s32 $0xFFFFC000  }
0x96e: {  	[tilespmem:s7], [sflag:$0x1] =	stream.indirect.gather [hbm4b:s3+s12], $0x80, s30, s12, $0xb8;
	[tilespmem:$0x1F000] =	vst v63  }
0x96f: {  	_ =	swait.ge [sflag:s15], $0x4000  }
0x970: {  	[sflag:s15] =	ssyncset.done $0x0  }
0x971: {  	[sflag:s15] =	ssyncadd.s32 $0xFFFFC000  }
0x972: {  	[spmem:s4] =	stream.indirect.scatter.add.f32 [tilespmem:s14], [sflag:$0x3], $0x80, s22, s12, $0xb8;
	[tilespmem:$0x1F000] =	vst v63  }
0x973: {  	_ =	swait.ge [sflag:s5], $0x4000  }
0x974: {  	s1 =	sld [smem:$0x7F8]  }
0x975: {  	[sflag:s5] =	ssyncset.done $0x0  }
0x976: {  	[sflag:s5] =	ssyncadd.s32 $0xFFFFC000  }
0x977: {  	[tilespmem:s14], [sflag:$0x2] =	stream.indirect.gather [hbm4b:s3+s12], $0x80, s1, s12, $0xb8;
	[tilespmem:$0x1F000] =	vst v63  }
0x978: {  	_ =	swait.ge [sflag:s13], $0x4000  }
0x979: {  	[sflag:s13] =	ssyncset.done $0x0  }
0x97a: {  	[sflag:s13] =	ssyncadd.s32 $0xFFFFC000  }
0x97b: {  	[spmem:s4] =	stream.indirect.scatter.add.f32 [tilespmem:s7], [sflag:$0x3], $0x80, s21, s12, $0xb8;
	[tilespmem:$0x1F000] =	vst v63  }
0x97c: {  	_ =	swait.ge [sflag:s5], $0x4000  }
0x97d: {  	s2 =	sld [smem:$0x7F9]  }
0x97e: {  	[sflag:s5] =	ssyncset.done $0x0  }
0x97f: {  	[sflag:s5] =	ssyncadd.s32 $0xFFFFC000  }
0x980: {  	[tilespmem:s7], [sflag:$0x1] =	stream.indirect.gather [hbm4b:s3+s12], $0x80, s2, s12, $0xb8;
	[tilespmem:$0x1F000] =	vst v63  }
0x981: {  	_ =	swait.ge [sflag:s15], $0x4000  }
0x982: {  	[sflag:s15] =	ssyncset.done $0x0  }
0x983: {  	[sflag:s15] =	ssyncadd.s32 $0xFFFFC000  }
0x984: {  	[spmem:s4] =	stream.indirect.scatter.add.f32 [tilespmem:s14], [sflag:$0x3], $0x80, s20, s12, $0xb8;
	[tilespmem:$0x1F000] =	vst v63  }
0x985: {  	_ =	swait.ge [sflag:s5], $0x4000  }
0x986: {  	s21 =	sld [smem:$0x7FA]  }
0x987: {  	[sflag:s5] =	ssyncset.done $0x0  }
0x988: {  	[sflag:s5] =	ssyncadd.s32 $0xFFFFC000  }
0x989: {  	[tilespmem:s14], [sflag:$0x2] =	stream.indirect.gather [hbm4b:s3+s12], $0x80, s21, s12, $0xb8;
	[tilespmem:$0x1F000] =	vst v63  }
0x98a: {  	_ =	swait.ge [sflag:s13], $0x4000  }
0x98b: {  	[sflag:s13] =	ssyncset.done $0x0  }
0x98c: {  	[sflag:s13] =	ssyncadd.s32 $0xFFFFC000  }
0x98d: {  	[spmem:s4] =	stream.indirect.scatter.add.f32 [tilespmem:s7], [sflag:$0x3], $0x80, s19, s12, $0xb8;
	[tilespmem:$0x1F000] =	vst v63  }
0x98e: {  	_ =	swait.ge [sflag:s5], $0x4000  }
0x98f: {  	s22 =	sld [smem:$0x7FB]  }
0x990: {  	[sflag:s5] =	ssyncset.done $0x0  }
0x991: {  	[sflag:s5] =	ssyncadd.s32 $0xFFFFC000  }
0x992: {  	[tilespmem:s7], [sflag:$0x1] =	stream.indirect.gather [hbm4b:s3+s12], $0x80, s22, s12, $0xb8;
	[tilespmem:$0x1F000] =	vst v63  }
0x993: {  	_ =	swait.ge [sflag:s15], $0x4000  }
0x994: {  	[sflag:s15] =	ssyncset.done $0x0  }
0x995: {  	[sflag:s15] =	ssyncadd.s32 $0xFFFFC000  }
0x996: {  	[spmem:s4] =	stream.indirect.scatter.add.f32 [tilespmem:s14], [sflag:$0x3], $0x80, s18, s12, $0xb8;
	[tilespmem:$0x1F000] =	vst v63  }
0x997: {  	_ =	swait.ge [sflag:s5], $0x4000  }
0x998: {  	s23 =	sld [smem:$0x7FC]  }
0x999: {  	[sflag:s5] =	ssyncset.done $0x0  }
0x99a: {  	[sflag:s5] =	ssyncadd.s32 $0xFFFFC000  }
0x99b: {  	[tilespmem:s14], [sflag:$0x2] =	stream.indirect.gather [hbm4b:s3+s12], $0x80, s23, s12, $0xb8;
	[tilespmem:$0x1F000] =	vst v63  }
0x99c: {  	_ =	swait.ge [sflag:s13], $0x4000  }
0x99d: {  	[sflag:s13] =	ssyncset.done $0x0  }
0x99e: {  	[sflag:s13] =	ssyncadd.s32 $0xFFFFC000  }
0x99f: {  	[spmem:s4] =	stream.indirect.scatter.add.f32 [tilespmem:s7], [sflag:$0x3], $0x80, s17, s12, $0xb8;
	[tilespmem:$0x1F000] =	vst v63  }
0x9a0: {  	_ =	swait.ge [sflag:s5], $0x4000  }
0x9a1: {  	s24 =	sld [smem:$0x7FD]  }
0x9a2: {  	[sflag:s5] =	ssyncset.done $0x0  }
0x9a3: {  	[sflag:s5] =	ssyncadd.s32 $0xFFFFC000  }
0x9a4: {  	[tilespmem:s7], [sflag:$0x1] =	stream.indirect.gather [hbm4b:s3+s12], $0x80, s24, s12, $0xb8;
	[tilespmem:$0x1F000] =	vst v63  }
0x9a5: {  	_ =	swait.ge [sflag:s15], $0x4000  }
0x9a6: {  	[sflag:s15] =	ssyncset.done $0x0  }
0x9a7: {  	[sflag:s15] =	ssyncadd.s32 $0xFFFFC000  }
0x9a8: {  	[spmem:s4] =	stream.indirect.scatter.add.f32 [tilespmem:s14], [sflag:$0x3], $0x80, s8, s12, $0xb8;
	[tilespmem:$0x1F000] =	vst v63  }
0x9a9: {  	_ =	swait.ge [sflag:s5], $0x4000  }
0x9aa: {  	[sflag:s5] =	ssyncset.done $0x0  }
0x9ab: {  	[sflag:s5] =	ssyncadd.s32 $0xFFFFC000  }
0x9ac: {  	_ =	swait.ge [sflag:s13], $0x4000  }
0x9ad: {  	[sflag:s13] =	ssyncset.done $0x0  }
0x9ae: {  	[sflag:s13] =	ssyncadd.s32 $0xFFFFC000  }
0x9af: {  	[bflag:$0x0] =	sbarrier.arrive $0xFFFF  }
0x9b0: {  	[tilespmem:s7], [sflag:$0x3] =	stream.linear.gather [spmem:s16], $0x4000, $0x38;
	[tilespmem:$0x1F000] =	vst v63  }
0x9b1: {  	_ =	swait.ge [sflag:s5], $0x4000  }
0x9b2: {  	[sflag:s5] =	ssyncset.done $0x0  }
0x9b3: {  	s25 =	rddreg [dreg:$0xb];
	[sflag:s5] =	ssyncadd.s32 $0xFFFFC000  }
0x9b4: {  	[hbm4b:s25+s31] =	stream.linear.scatter [tilespmem:s7], [sflag:$0x3], $0x4000, $0x38;
	[tilespmem:$0x1F000] =	vst v63  }
0x9b5: {  	_ =	swait.ge [sflag:s5], $0x4000  }
0x9b6: {  	[sflag:s5] =	ssyncset.done $0x0  }
0x9b7: {  	[sflag:s5] =	ssyncadd.s32 $0xFFFFC000  }
0x9b8: {  	[tilespmem:s7], [sflag:$0x3] =	stream.linear.gather [spmem:s11], $0x4000, $0x38;
	[tilespmem:$0x1F000] =	vst v63  }
0x9b9: {  	_ =	swait.ge [sflag:s5], $0x4000  }
0x9ba: {  	[sflag:s5] =	ssyncset.done $0x0  }
0x9bb: {  	s26 =	rddreg [dreg:$0xc];
	[sflag:s5] =	ssyncadd.s32 $0xFFFFC000  }
0x9bc: {  	[hbm4b:s26+s31] =	stream.linear.scatter [tilespmem:s7], [sflag:$0x3], $0x4000, $0x38;
	[tilespmem:$0x1F000] =	vst v63  }
0x9bd: {  	_ =	swait.ge [sflag:s5], $0x4000  }
0x9be: {  	[sflag:s5] =	ssyncset.done $0x0  }
0x9bf: {  	[sflag:s5] =	ssyncadd.s32 $0xFFFFC000  }
0x9c0: {  	[tilespmem:s7], [sflag:$0x3] =	stream.linear.gather [spmem:s10], $0x4000, $0x38;
	[tilespmem:$0x1F000] =	vst v63  }
0x9c1: {  	_ =	swait.ge [sflag:s5], $0x4000  }
0x9c2: {  	[sflag:s5] =	ssyncset.done $0x0  }
0x9c3: {  	s28 =	rddreg [dreg:$0xd];
	[sflag:s5] =	ssyncadd.s32 $0xFFFFC000  }
0x9c4: {  	[hbm4b:s28+s31] =	stream.linear.scatter [tilespmem:s7], [sflag:$0x3], $0x4000, $0x38;
	[tilespmem:$0x1F000] =	vst v63  }
0x9c5: {  	_ =	swait.ge [sflag:s5], $0x4000  }
0x9c6: {  	[sflag:s5] =	ssyncset.done $0x0  }
0x9c7: {  	[sflag:s5] =	ssyncadd.s32 $0xFFFFC000  }
0x9c8: {  	[tilespmem:s7], [sflag:$0x3] =	stream.linear.gather [spmem:s9], $0x4000, $0x38;
	[tilespmem:$0x1F000] =	vst v63  }
0x9c9: {  	_ =	swait.ge [sflag:s5], $0x4000  }
0x9ca: {  	[sflag:s5] =	ssyncset.done $0x0  }
0x9cb: {  	s29 =	rddreg [dreg:$0xe];
	[sflag:s5] =	ssyncadd.s32 $0xFFFFC000  }
0x9cc: {  	[hbm4b:s29+s31] =	stream.linear.scatter [tilespmem:s7], [sflag:$0x3], $0x4000, $0x38;
	[tilespmem:$0x1F000] =	vst v63  }
0x9cd: {  	_ =	swait.ge [sflag:s5], $0x4000  }
0x9ce: {  	[sflag:s5] =	ssyncset.done $0x0  }
0x9cf: {  	[sflag:s5] =	ssyncadd.s32 $0xFFFFC000  }
0x9d0: {  	[tilespmem:s7], [sflag:$0x3] =	stream.linear.gather [spmem:s6], $0x3C00, $0x38;
	[tilespmem:$0x1F000] =	vst v63  }
0x9d1: {  	_ =	swait.ge [sflag:s5], $0x3C00  }
0x9d2: {  	[sflag:s5] =	ssyncset.done $0x0  }
0x9d3: {  	s30 =	rddreg [dreg:$0xf];
	[sflag:s5] =	ssyncadd.s32 $0xFFFFC400  }
0x9d4: {  	[hbm4b:s30+s31] =	stream.linear.scatter [tilespmem:s7], [sflag:$0x3], $0x3C00, $0x38;
	[tilespmem:$0x1F000] =	vst v63  }
0x9d5: {  	_ =	swait.ge [sflag:s5], $0x3C00  }
0x9d6: {  	[sflag:s5] =	ssyncset.done $0x0  }
0x9d7: {  	[sflag:s5] =	ssyncadd.s32 $0xFFFFC400  }
0x9d8: {  	_ =	sfence.sel $0x180000  }
0x9d9: {  	[bflag:$0x0] =	sbarrier.arrive $0xFFFF  }
0x9da: {  	_ =	strace $0x9000004A  }
0x9db: {  	s31 =	stileid.u32;
	[bflag:$0x2] =	sbarrier.arrive $0xFFFF  }
0x9dc: {  	p0 =	sne.s32 s31, $0x0;
	s0 =	rddreg [dreg:$0x3]  }
0x9dd: {  	s0 =	sadd.s32 @!p0 $0x100000, s0  }
0x9de: {  	[sflag:s0] =	ssyncadd.tile.s32 @!p0 $0x1;
	_ =	shalt  }
.LBB2_1:
.Ltmp3:
0x9df: {  	s16 =	sld [smem:$0x7E6];
	(pc) =	sbr.rel .LBB2_6-.Ltmp3, $4  }
0x9e0: {  	s11 =	sld [smem:$0x7E8]  }
0x9e1: {  	s10 =	sld [smem:$0x7EA]  }
0x9e2: {  	s9 =	sld [smem:$0x7EC]  }
0x9e3: {  	s8 =	sld [smem:$0x7EE]  }
.LBB2_7:
.Ltmp4:
0x9e4: {  	s16 =	sld [smem:$0x7E6];
	(pc) =	sbr.rel .LBB2_6-.Ltmp4, $4  }
0x9e5: {  	s11 =	sld [smem:$0x7E8]  }
0x9e6: {  	s10 =	sld [smem:$0x7EA]  }
0x9e7: {  	s9 =	sld [smem:$0x7EC]  }
0x9e8: {  	s8 =	sld [smem:$0x7EE];
	s2 =	simm.s32 $0x2C00  }
.Lfunc_end2:
_tile_overlayer_lowered:
.L_overlay_start_2:
0x9e9: {  	(tag) =	ssettag $0x2  }
0x9ea: {  	s0 =	rddreg [dreg:$0x0];
	s2 =	stileid.u32  }
0x9eb: {  	s1 =	rddreg [dreg:$0x1];
	p0 =	sne.s32 s2, $0x0  }
0x9ec: {  	s3 =	rddreg [dreg:$0x2];
	[bflag:$0x3] =	sbarrier.arrive $0xFFFF;
	s2 =	simm.s32 @!p0 $0x1C03  }
0x9ed: {  	[timem:s3], [sflag:s2] =	dma.local @!p0 [hbm:s0], s1  }
0x9ee: {  	s0 =	simm.s32 @!p0 $0x3  }
0x9ef: {  	_ =	swait.ge @!p0 [sflag:s0], s1  }
0x9f0: {  	s1 =	ssub.s32 @!p0 $0x0, s1;
	[sflag:s0] =	ssyncset.done @!p0 $0x0  }
0x9f1: {  	[sflag:s0] =	ssyncadd.s32 @!p0 s1  }
0x9f2: {  	[bflag:$0x3] =	sbarrier.arrive $0xFFFF  }
0x9f3: {  	_ =	shalt  }

</sc_bundles>
